<compile_context>
chip_gen: v7x
topology: tpu7x:2x2x1
jax: 0.10.2.dev20260603
libtpu: 0.0.44.dev20260713+nightly
codegen_flags: <defaults>
</compile_context>

<pallas_src>
import functools

import jax
import jax.numpy as jnp
from jax import lax
from jax.experimental import pallas as pl
from jax.experimental.pallas import tpu as pltpu
from jax.experimental.pallas import tpu_sc as plsc

_TEMPERATURE = 0.07
_R = 512
_C = 768
_PAD_TOKEN = 1 << 30


def _lower_bound(tok_sm, target, npad):
    def body(_, lo_hi):
        lo, hi = lo_hi
        mid = (lo + hi) // 2
        go_right = (lo < hi) & (tok_sm[mid] < target)
        shrink = (lo < hi) & jnp.logical_not(go_right)
        return (jnp.where(go_right, mid + 1, lo),
                jnp.where(shrink, mid, hi))
    lo, _ = jax.lax.fori_loop(0, 14, body, (jnp.int32(0), jnp.int32(npad)))
    return lo


def _banded_kernel(tok_sm, emb_ref, tok_ref, loss_ref, pairs_ref, nemb_ref):
    npad = emb_ref.shape[0]
    n = npad - _C
    n_tiles = n // _R
    scale = jnp.float32(1.0 / _TEMPERATURE) ** 0.5

    def norm_body(k, _):
        x = emb_ref[pl.ds(k * _R, _R), :]
        sq = jnp.sum(x * x, axis=1, keepdims=True)
        nemb_ref[pl.ds(k * _R, _R), :] = x * (
            jax.lax.rsqrt(jnp.maximum(sq, 1e-24)) * scale)
        return 0
    jax.lax.fori_loop(0, npad // _R, norm_body, 0)

    tall = tok_ref
    ones_c = jnp.ones((_C, 128), jnp.float32)

    loss_acc = jnp.zeros((_R, 1), jnp.float32)
    pairs_acc = jnp.zeros((_R, 1), jnp.float32)

    for i in range(n_tiles):
        rows = nemb_ref[pl.ds(i * _R, _R), :]
        trow = tall[:, pl.ds(i * _R, _R)]

        t_first = tok_sm[i * _R]
        t_last = tok_sm[i * _R + _R - 1]
        jstart = _lower_bound(tok_sm, t_first, npad)
        jend = _lower_bound(tok_sm, t_last + 1, npad)
        j0 = (jstart // 128) * 128
        n_iter = (jend - j0 + _C - 1) // _C

        def window(c, rows=rows, trow=trow):
            cols = nemb_ref[pl.ds(c, _C), :]
            tcol = tall[:, pl.ds(c, _C)]
            simt = jax.lax.dot_general(
                rows, cols, (((1,), (1,)), ((), ())),
                preferred_element_type=jnp.float32)
            same = trow.T == tcol
            e = jnp.where(same, jnp.exp(-simt), 0.0)
            samef = jnp.where(same, 1.0, 0.0)
            s_part = jax.lax.dot_general(
                e, ones_c, (((1,), (0,)), ((), ())),
                preferred_element_type=jnp.float32)[:, :1]
            c_part = jax.lax.dot_general(
                samef, ones_c, (((1,), (0,)), ((), ())),
                preferred_element_type=jnp.float32)[:, :1]
            return s_part, c_part

        s, cntf = window(j0)

        def extra(k, acc):
            s_acc, cnt_acc = acc
            s_part, c_part = window(j0 + k * _C)
            return s_acc + s_part, cnt_acc + c_part

        s, cntf = jax.lax.fori_loop(1, n_iter, extra, (s, cntf))

        ssq = jnp.sum(rows * rows, axis=1, keepdims=True)
        s = s - jnp.exp(-ssq)

        in_group = cntf >= 2.0
        loss_acc = loss_acc + jnp.where(in_group, -jnp.log(s), 0.0)
        pairs_acc = pairs_acc + jnp.where(in_group, cntf - 1.0, 0.0)

    loss_ref[...] = jnp.sum(loss_acc).reshape(1, 1)
    pairs_ref[...] = jnp.sum(pairs_acc.astype(jnp.int32)).reshape(1, 1)


def _make_sc_gather(n, d):
    info = plsc.get_sparse_core_info()
    nc, ns = info.num_cores, info.num_subcores
    nw = nc * ns
    assert n % (8 * nw) == 0
    b_per_w = n // nw
    mesh = plsc.VectorSubcoreMesh(core_axis_name="c", subcore_axis_name="s")

    @functools.partial(
        pl.kernel, mesh=mesh,
        out_type=jax.ShapeDtypeStruct((n, d), jnp.float32),
        compiler_params=pltpu.CompilerParams(use_tc_tiling_on_sc=False),
        scratch_types=[
            pltpu.VMEM((b_per_w,), jnp.int32),
            pltpu.VMEM((b_per_w, d), jnp.float32),
            pltpu.SemaphoreType.DMA,
        ],
    )
    def gather_rows(table_hbm, idx_hbm, out_hbm, idx_v, rows_v, sem):
        wid = lax.axis_index("s") * nc + lax.axis_index("c")
        base = wid * b_per_w
        pltpu.sync_copy(idx_hbm.at[pl.ds(base, b_per_w)], idx_v)
        pltpu.async_copy(table_hbm.at[idx_v], rows_v, sem).wait()
        pltpu.sync_copy(rows_v, out_hbm.at[pl.ds(base, b_per_w)])

    return gather_rows


def kernel(semantic_state, token_ids):
    b, t, d = semantic_state.shape
    n = b * t
    emb = semantic_state.reshape(n, d)
    toks = token_ids.reshape(n).astype(jnp.int32)

    toks_s, order = jax.lax.sort(
        (toks, jax.lax.iota(jnp.int32, n)), num_keys=1)
    emb_s = _make_sc_gather(n, d)(emb, order)
    toks_p = jnp.concatenate([toks_s, jnp.full((_C,), _PAD_TOKEN, jnp.int32)])
    emb_p = jnp.concatenate([emb_s, jnp.ones((_C, d), jnp.float32)])
    toks_row = toks_p.reshape(1, n + _C)

    grid_spec = pltpu.PrefetchScalarGridSpec(
        num_scalar_prefetch=1,
        grid=(1,),
        in_specs=[
            pl.BlockSpec((n + _C, d), lambda i, sm: (0, 0)),
            pl.BlockSpec((1, n + _C), lambda i, sm: (0, 0)),
        ],
        out_specs=[
            pl.BlockSpec((1, 1), lambda i, sm: (0, 0)),
            pl.BlockSpec((1, 1), lambda i, sm: (0, 0)),
        ],
        scratch_shapes=[pltpu.VMEM((n + _C, d), jnp.float32)],
    )
    loss, pairs = pl.pallas_call(
        _banded_kernel,
        grid_spec=grid_spec,
        out_shape=[
            jax.ShapeDtypeStruct((1, 1), jnp.float32),
            jax.ShapeDtypeStruct((1, 1), jnp.int32),
        ],
    )(toks_p, emb_p, toks_row)

    total_loss = loss[0, 0]
    num_pairs = pairs[0, 0]
    result = jnp.where(
        num_pairs > 0,
        total_loss / jnp.maximum(num_pairs, 1).astype(jnp.float32),
        jnp.float32(0.0),
    )
    return result.astype(jnp.float32)

# --- scband reference (transcript-rebuilt; emitter-appended) ---
"""Pipeline reference for scband-context-contrastive-loss-86268713107950 (READ-ONLY COPY).

The authoritative reference and input builder live on the scoring server;
editing this copy changes nothing except your own understanding.
"""

import jax, jax.numpy as jnp
import numpy as np

TEMPERATURE = 0.07
MIN_OCCURRENCES = 2
B, T, D = 4, 2048, 64
VOCAB = 1000


def setup_inputs(seed: int = 0) -> dict:
    key = jax.random.key(seed)
    k1, k2 = jax.random.split(key)
    semantic_state = jax.random.normal(k1, (B, T, D), dtype=jnp.float32)
    # int32 used under default jax config; values identical to int64 spec (range [0, VOCAB))
    token_ids = jax.random.randint(k2, (B, T), 0, VOCAB)
    return {"semantic_state": semantic_state, "token_ids": token_ids}


def _group_positions(tokens_flat_np):
    uniq, counts = np.unique(tokens_flat_np, return_counts=True)
    repeated = uniq[counts >= MIN_OCCURRENCES]
    groups = []
    for tok in repeated:
        pos = np.nonzero(tokens_flat_np == tok)[0]
        if pos.size >= 2:
            groups.append(np.asarray(pos))
    return groups


def _contrastive_loss(semantic_flat, groups, temperature):
    # Vectorized-per-group but mathematically identical to the per-anchor torch loop.
    # In the original: anchor_sim[i] = 1/temp only touches the diagonal (and only affects
    # the info dict); negatives[i] = -inf overwrites it before the loss, so the loss per
    # anchor row i is -logsumexp(-sim_row_with_diag_-inf / temp).
    total_loss = jnp.asarray(0.0, dtype=jnp.float32)
    num_pairs = 0
    for positions in groups:
        pos = jnp.asarray(positions)
        N = int(positions.shape[0])
        emb = semantic_flat[pos]
        # F.normalize(p=2, dim=1) with default eps=1e-12 (clamp_min on the norm)
        norm = jnp.maximum(jnp.linalg.norm(emb, axis=1, keepdims=True), 1e-12)
        emb = emb / norm
        sim = emb @ emb.T
        diag = jnp.arange(N)
        neg = sim.at[diag, diag].set(-jnp.inf)
        row_losses = -jax.scipy.special.logsumexp(-neg / temperature, axis=1)
        total_loss = total_loss + jnp.sum(row_losses)
        num_pairs += N * (N - 1)
    if num_pairs == 0:
        return total_loss * 0.0
    return total_loss / num_pairs


def reference(semantic_state, token_ids):
    Bx, Tx, Dx = semantic_state.shape
    semantic_flat = semantic_state.reshape(Bx * Tx, Dx)
    tokens_flat = token_ids.reshape(Bx * Tx)
    norm = jnp.maximum(jnp.linalg.norm(semantic_flat, axis=1, keepdims=True), 1e-12)
    emb = semantic_flat / norm
    sim = emb @ emb.T
    n = Bx * Tx
    same = tokens_flat[:, None] == tokens_flat[None, :]
    diag = jnp.eye(n, dtype=bool)
    counts = jnp.sum(same, axis=1)
    in_group = counts >= MIN_OCCURRENCES
    neg = jnp.where(diag, -jnp.inf, sim)
    args = jnp.where(same, -neg / TEMPERATURE, -jnp.inf)
    row_losses = -jax.scipy.special.logsumexp(args, axis=1)
    total_loss = jnp.sum(jnp.where(in_group, row_losses, jnp.float32(0.0)))
    num_pairs = jnp.sum(jnp.where(in_group, counts - 1, 0))
    result = jnp.where(
        num_pairs > 0,
        total_loss / jnp.maximum(num_pairs, 1),
        jnp.float32(0.0),
    )
    return result.astype(jnp.float32)

if __name__ == "__main__":
    import jax
    _d = setup_inputs()
    print(jax.jit(kernel)(*tuple(_d.values())))

</pallas_src>

<mosaic_0001>
#map = affine_map<(d0, d1) -> (0, 0)>
#map1 = affine_map<(d0, d1) -> (0)>
module attributes {stable_mosaic.version = 14 : i64} {
  func.func @gather_rows(%arg0: i32, %arg1: i32, %arg2: memref<8192x64xf32, #tpu.memory_space<hbm>>, %arg3: memref<8192xi32, #tpu.memory_space<hbm>>, %arg4: memref<8192x64xf32, #tpu.memory_space<hbm>>, %arg5: memref<256xi32, #tpu.memory_space<vmem>>, %arg6: memref<256x64xf32, #tpu.memory_space<vmem>>, %arg7: memref<!tpu.dma_semaphore, #tpu.memory_space<semaphore_mem>>) attributes {dimension_semantics = [#tpu.dimension_semantics<core_parallel>, #tpu.dimension_semantics<subcore_parallel>], iteration_bounds = array<i64: 2, 16>, scalar_prefetch = 0 : i64, scratch_operands = 3 : i64, tpu.core_type = #tpu.core_type<sc_vector_subcore>, window_params = [{transform_indices = #map}, {transform_indices = #map1}, {transform_indices = #map}]} {
    %mul3A = arith.constant 2 : i32
    %mul3A_0 = arith.muli %arg1, %mul3A : i32
    %add3A = arith.addi %mul3A_0, %arg0 : i32
    %mul3A_1 = arith.constant 256 : i32
    %mul3A_2 = arith.muli %add3A, %mul3A_1 : i32
    "tpu.region"() ({
      %run_scoped3A = tpu.sem_alloc : memref<!tpu.dma_semaphore, #tpu.memory_space<semaphore_mem>>
      %dma_start3A_7 = tpu.memref_slice %arg3[%mul3A_2] : memref<8192xi32, #tpu.memory_space<hbm>> -> memref<256xi32, #tpu.memory_space<hbm>>
      %dma_start3A_8 = tpu.memref_slice %arg3[%mul3A_2] : memref<8192xi32, #tpu.memory_space<hbm>> -> memref<256xi32, #tpu.memory_space<hbm>>
      tpu.enqueue_dma source(%dma_start3A_8 : memref<256xi32, #tpu.memory_space<hbm>>) target(%arg5 : memref<256xi32, #tpu.memory_space<vmem>>) target_semaphore(%run_scoped3A : memref<!tpu.dma_semaphore, #tpu.memory_space<semaphore_mem>>)
      %dma_wait3A_9 = tpu.memref_slice %arg3[%mul3A_2] : memref<8192xi32, #tpu.memory_space<hbm>> -> memref<256xi32, #tpu.memory_space<hbm>>
      %dma_wait3A_10 = tpu.memref_slice %arg3[%mul3A_2] : memref<8192xi32, #tpu.memory_space<hbm>> -> memref<256xi32, #tpu.memory_space<hbm>>
      tpu.wait_dma2 semaphore(%run_scoped3A : memref<!tpu.dma_semaphore, #tpu.memory_space<semaphore_mem>>) src(%dma_wait3A_10 : memref<256xi32, #tpu.memory_space<hbm>>) dst(%arg5 : memref<256xi32, #tpu.memory_space<vmem>>)
      tpu.yield
    }) : () -> ()
    %dma_start3A = arith.constant 0 : i32
    %dma_start3A_3 = arith.constant 0 : i32
    %dma_start3A_4 = tpu.memref_slice %arg2[%dma_start3A, %dma_start3A_3] : memref<8192x64xf32, #tpu.memory_space<hbm>> -> memref<8192x64xf32, #tpu.memory_space<hbm>>
    tpu.enqueue_indirect_dma source(%dma_start3A_4 : memref<8192x64xf32, #tpu.memory_space<hbm>>) target(%arg6 : memref<256x64xf32, #tpu.memory_space<vmem>>) offsets(%arg5 : memref<256xi32, #tpu.memory_space<vmem>>) semaphore(%arg7 : memref<!tpu.dma_semaphore, #tpu.memory_space<semaphore_mem>>)
    %dma_wait3A = arith.constant 0 : i32
    %dma_wait3A_5 = arith.constant 0 : i32
    %dma_wait3A_6 = tpu.memref_slice %arg2[%dma_wait3A, %dma_wait3A_5] : memref<8192x64xf32, #tpu.memory_space<hbm>> -> memref<8192x64xf32, #tpu.memory_space<hbm>>
    tpu.wait_indirect_dma semaphore(%arg7 : memref<!tpu.dma_semaphore, #tpu.memory_space<semaphore_mem>>) src(%dma_wait3A_6 : memref<8192x64xf32, #tpu.memory_space<hbm>>) dst(%arg6 : memref<256x64xf32, #tpu.memory_space<vmem>>)
    "tpu.region"() ({
      %run_scoped3A = tpu.sem_alloc : memref<!tpu.dma_semaphore, #tpu.memory_space<semaphore_mem>>
      %dma_start3A_7 = arith.constant 0 : i32
      %dma_start3A_8 = tpu.memref_slice %arg4[%mul3A_2, %dma_start3A_7] : memref<8192x64xf32, #tpu.memory_space<hbm>> -> memref<256x64xf32, #tpu.memory_space<hbm>>
      %dma_start3A_9 = arith.constant 0 : i32
      %dma_start3A_10 = tpu.memref_slice %arg4[%mul3A_2, %dma_start3A_9] : memref<8192x64xf32, #tpu.memory_space<hbm>> -> memref<256x64xf32, #tpu.memory_space<hbm>>
      tpu.enqueue_dma source(%arg6 : memref<256x64xf32, #tpu.memory_space<vmem>>) target(%dma_start3A_10 : memref<256x64xf32, #tpu.memory_space<hbm>>) target_semaphore(%run_scoped3A : memref<!tpu.dma_semaphore, #tpu.memory_space<semaphore_mem>>)
      %dma_wait3A_11 = arith.constant 0 : i32
      %dma_wait3A_12 = tpu.memref_slice %arg4[%mul3A_2, %dma_wait3A_11] : memref<8192x64xf32, #tpu.memory_space<hbm>> -> memref<256x64xf32, #tpu.memory_space<hbm>>
      %dma_wait3A_13 = arith.constant 0 : i32
      %dma_wait3A_14 = tpu.memref_slice %arg4[%mul3A_2, %dma_wait3A_13] : memref<8192x64xf32, #tpu.memory_space<hbm>> -> memref<256x64xf32, #tpu.memory_space<hbm>>
      tpu.wait_dma2 semaphore(%run_scoped3A : memref<!tpu.dma_semaphore, #tpu.memory_space<semaphore_mem>>) src(%arg6 : memref<256x64xf32, #tpu.memory_space<vmem>>) dst(%dma_wait3A_14 : memref<256x64xf32, #tpu.memory_space<hbm>>)
      tpu.yield
    }) : () -> ()
    return
  }
}

module attributes {stable_mosaic.version = 14 : i64} {
  func.func @_banded_kernel(%arg0: i32, %arg1: memref<8960xi32, #tpu.memory_space<smem>>, %arg2: memref<8960x64xf32, #tpu.memory_space<vmem>>, %arg3: memref<1x8960xi32, #tpu.memory_space<vmem>>, %arg4: memref<1x1xf32, #tpu.memory_space<vmem>>, %arg5: memref<1x1xi32, #tpu.memory_space<vmem>>, %arg6: memref<8960x64xf32, #tpu.memory_space<vmem>>) attributes {dimension_semantics = [#tpu.dimension_semantics<arbitrary>], iteration_bounds = array<i64: 1>, scalar_prefetch = 1 : i64, scratch_operands = 1 : i64, tpu.core_type = #tpu.core_type<tc>, window_params = [{pipeline_mode = #tpu.pipeline_mode<synchronous>, transform_indices = @transform_0, window_bounds = array<i64: 8960, 64>}, {pipeline_mode = #tpu.pipeline_mode<synchronous>, transform_indices = @transform_1, window_bounds = array<i64: 1, 8960>}, {pipeline_mode = #tpu.pipeline_mode<synchronous>, transform_indices = @transform_2, window_bounds = array<i64: 1, 1>}, {pipeline_mode = #tpu.pipeline_mode<synchronous>, transform_indices = @transform_3, window_bounds = array<i64: 1, 1>}]} {
    %pow3A = arith.constant 14.2857141 : f32
    %pow3A_0 = arith.constant 5.000000e-01 : f32
    %pow3A_1 = math.powf %pow3A, %pow3A_0 : f32
    %scan3A = arith.constant 0 : i32
    %scan3A_2 = arith.constant 17 : i32
    %scan3A_3 = arith.addi %scan3A, %scan3A_2 : i32
    %scan3A_4 = arith.constant 1 : i32
    scf.for %scan3A_2390 = %scan3A to %scan3A_3 step %scan3A_4  : i32 {
      %mul3A_2391 = arith.constant 512 : i32
      %mul3A_2392 = arith.muli %scan3A_2390, %mul3A_2391 : i32
      %get3A_2393 = arith.index_cast %mul3A_2392 : i32 to index
      %get3A_2394 = arith.constant 0 : index
      %get3A_2395 = vector.load %arg2[%get3A_2393, %get3A_2394] : memref<8960x64xf32, #tpu.memory_space<vmem>>, vector<512x64xf32>
      %mul3A_2396 = arith.mulf %get3A_2395, %get3A_2395 : vector<512x64xf32>
      %reduce_sum3A_2397 = arith.constant dense<0.000000e+00> : vector<512xf32>
      %reduce_sum3A_2398 = vector.multi_reduction <add>, %mul3A_2396, %reduce_sum3A_2397 [1] : vector<512x64xf32> to vector<512xf32>
      %broadcast_in_dim3A_2399 = vector.shape_cast %reduce_sum3A_2398 : vector<512xf32> to vector<512x1xf32>
      %max3A = arith.constant 1.000000e-24 : f32
      %max3A_2400 = vector.broadcast %max3A : f32 to vector<512x1xf32>
      %max3A_2401 = arith.maximumf %broadcast_in_dim3A_2399, %max3A_2400 : vector<512x1xf32>
      %rsqrt3A = math.rsqrt %max3A_2401 : vector<512x1xf32>
      %mul3A_2402 = vector.broadcast %pow3A_1 : f32 to vector<512x1xf32>
      %mul3A_2403 = arith.mulf %rsqrt3A, %mul3A_2402 : vector<512x1xf32>
      %mul3A_2404 = vector.broadcast %mul3A_2403 : vector<512x1xf32> to vector<512x64xf32>
      %mul3A_2405 = arith.mulf %get3A_2395, %mul3A_2404 : vector<512x64xf32>
      %mul3A_2406 = arith.constant 512 : i32
      %mul3A_2407 = arith.muli %scan3A_2390, %mul3A_2406 : i32
      %swap3A_2408 = arith.index_cast %mul3A_2407 : i32 to index
      %swap3A_2409 = arith.constant 0 : index
      %swap3A_2410 = vector.load %arg6[%swap3A_2408, %swap3A_2409] : memref<8960x64xf32, #tpu.memory_space<vmem>>, vector<512x64xf32>
      tpu.vector_store %arg6[%swap3A_2408, %swap3A_2409], %mul3A_2405 {strides = array<i32>} : memref<8960x64xf32, #tpu.memory_space<vmem>>, vector<512x64xf32>,
    }
    %scan3A_5 = arith.constant 17 : i32
    %broadcast_in_dim3A = arith.constant 1.000000e+00 : f32
    %broadcast_in_dim3A_6 = vector.broadcast %broadcast_in_dim3A : f32 to vector<768x128xf32>
    %broadcast_in_dim3A_7 = arith.constant 0.000000e+00 : f32
    %broadcast_in_dim3A_8 = vector.broadcast %broadcast_in_dim3A_7 : f32 to vector<512x1xf32>
    %broadcast_in_dim3A_9 = arith.constant 0.000000e+00 : f32
    %broadcast_in_dim3A_10 = vector.broadcast %broadcast_in_dim3A_9 : f32 to vector<512x1xf32>
    %get3A = arith.constant 0 : index
    %get3A_11 = arith.constant 0 : index
    %get3A_12 = vector.load %arg6[%get3A, %get3A_11] : memref<8960x64xf32, #tpu.memory_space<vmem>>, vector<512x64xf32>
    %get3A_13 = arith.constant 0 : index
    %get3A_14 = arith.constant 0 : index
    %get3A_15 = vector.load %arg3[%get3A_13, %get3A_14] : memref<1x8960xi32, #tpu.memory_space<vmem>>, vector<1x512xi32>
    %get3A_16 = arith.constant 0 : index
    %get3A_17 = memref.load %arg1[%get3A_16] : memref<8960xi32, #tpu.memory_space<smem>>
    %get3A_18 = arith.constant 511 : index
    %get3A_19 = memref.load %arg1[%get3A_18] : memref<8960xi32, #tpu.memory_space<smem>>
    %scan3A_20 = arith.constant 0 : i32
    %scan3A_21 = arith.constant 8960 : i32
    %scan3A_22 = arith.constant 0 : i32
    %scan3A_23 = arith.constant 14 : i32
    %scan3A_24 = arith.addi %scan3A_22, %scan3A_23 : i32
    %scan3A_25 = arith.constant 1 : i32
    %scan3A_26:2 = scf.for %scan3A_2390 = %scan3A_22 to %scan3A_24 step %scan3A_25 iter_args(%scan3A_2391 = %scan3A_20, %scan3A_2392 = %scan3A_21) -> (i32, i32)  : i32 {
      %add3A_2393 = arith.addi %scan3A_2391, %scan3A_2392 : i32
      %jit3A_2394 = arith.constant 2 : i32
      %div3A_2395 = arith.divsi %add3A_2393, %jit3A_2394 : i32
      %sign3A_2396 = arith.constant 0 : i32
      %sign3A_2397 = arith.cmpi sgt, %add3A_2393, %sign3A_2396 : i32
      %sign3A_2398 = arith.extui %sign3A_2397 : i1 to i32
      %sign3A_2399 = arith.constant 0 : i32
      %sign3A_2400 = arith.cmpi slt, %add3A_2393, %sign3A_2399 : i32
      %sign3A_2401 = arith.extui %sign3A_2400 : i1 to i32
      %sign3A_2402 = arith.subi %sign3A_2398, %sign3A_2401 : i32
      %sign3A_2403 = arith.constant 0 : i32
      %sign3A_2404 = arith.cmpi sgt, %jit3A_2394, %sign3A_2403 : i32
      %sign3A_2405 = arith.extui %sign3A_2404 : i1 to i32
      %sign3A_2406 = arith.constant 0 : i32
      %sign3A_2407 = arith.cmpi slt, %jit3A_2394, %sign3A_2406 : i32
      %sign3A_2408 = arith.extui %sign3A_2407 : i1 to i32
      %sign3A_2409 = arith.subi %sign3A_2405, %sign3A_2408 : i32
      %ne3A_2410 = arith.cmpi ne, %sign3A_2402, %sign3A_2409 : i32
      %rem3A_2411 = arith.remsi %add3A_2393, %jit3A_2394 : i32
      %ne3A_2412 = arith.constant 0 : i32
      %ne3A_2413 = arith.cmpi ne, %rem3A_2411, %ne3A_2412 : i32
      %and3A_2414 = arith.andi %ne3A_2410, %ne3A_2413 : i1
      %sub3A_2415 = arith.constant 1 : i32
      %sub3A_2416 = arith.subi %div3A_2395, %sub3A_2415 : i32
      %select_n3A_2417 = arith.select %and3A_2414, %sub3A_2416, %div3A_2395 : i32
      %lt3A = arith.cmpi slt, %scan3A_2391, %scan3A_2392 : i32
      %get3A_2418 = arith.index_cast %select_n3A_2417 : i32 to index
      %get3A_2419 = memref.load %arg1[%get3A_2418] : memref<8960xi32, #tpu.memory_space<smem>>
      %lt3A_2420 = arith.cmpi slt, %get3A_2419, %get3A_17 : i32
      %and3A_2421 = arith.andi %lt3A, %lt3A_2420 : i1
      %lt3A_2422 = arith.cmpi slt, %scan3A_2391, %scan3A_2392 : i32
      %not3A = arith.constant true
      %not3A_2423 = arith.xori %and3A_2421, %not3A : i1
      %and3A_2424 = arith.andi %lt3A_2422, %not3A_2423 : i1
      %add3A_2425 = arith.constant 1 : i32
      %add3A_2426 = arith.addi %select_n3A_2417, %add3A_2425 : i32
      %select_n3A_2427 = arith.select %and3A_2421, %add3A_2426, %scan3A_2391 : i32
      %select_n3A_2428 = arith.select %and3A_2424, %select_n3A_2417, %scan3A_2392 : i32
      scf.yield %select_n3A_2427, %select_n3A_2428 : i32, i32
    }
    %add3A = arith.constant 1 : i32
    %add3A_27 = arith.addi %get3A_19, %add3A : i32
    %scan3A_28 = arith.constant 0 : i32
    %scan3A_29 = arith.constant 8960 : i32
    %scan3A_30 = arith.constant 0 : i32
    %scan3A_31 = arith.constant 14 : i32
    %scan3A_32 = arith.addi %scan3A_30, %scan3A_31 : i32
    %scan3A_33 = arith.constant 1 : i32
    %scan3A_34:2 = scf.for %scan3A_2390 = %scan3A_30 to %scan3A_32 step %scan3A_33 iter_args(%scan3A_2391 = %scan3A_28, %scan3A_2392 = %scan3A_29) -> (i32, i32)  : i32 {
      %add3A_2393 = arith.addi %scan3A_2391, %scan3A_2392 : i32
      %jit3A_2394 = arith.constant 2 : i32
      %div3A_2395 = arith.divsi %add3A_2393, %jit3A_2394 : i32
      %sign3A_2396 = arith.constant 0 : i32
      %sign3A_2397 = arith.cmpi sgt, %add3A_2393, %sign3A_2396 : i32
      %sign3A_2398 = arith.extui %sign3A_2397 : i1 to i32
      %sign3A_2399 = arith.constant 0 : i32
      %sign3A_2400 = arith.cmpi slt, %add3A_2393, %sign3A_2399 : i32
      %sign3A_2401 = arith.extui %sign3A_2400 : i1 to i32
      %sign3A_2402 = arith.subi %sign3A_2398, %sign3A_2401 : i32
      %sign3A_2403 = arith.constant 0 : i32
      %sign3A_2404 = arith.cmpi sgt, %jit3A_2394, %sign3A_2403 : i32
      %sign3A_2405 = arith.extui %sign3A_2404 : i1 to i32
      %sign3A_2406 = arith.constant 0 : i32
      %sign3A_2407 = arith.cmpi slt, %jit3A_2394, %sign3A_2406 : i32
      %sign3A_2408 = arith.extui %sign3A_2407 : i1 to i32
      %sign3A_2409 = arith.subi %sign3A_2405, %sign3A_2408 : i32
      %ne3A_2410 = arith.cmpi ne, %sign3A_2402, %sign3A_2409 : i32
      %rem3A_2411 = arith.remsi %add3A_2393, %jit3A_2394 : i32
      %ne3A_2412 = arith.constant 0 : i32
      %ne3A_2413 = arith.cmpi ne, %rem3A_2411, %ne3A_2412 : i32
      %and3A_2414 = arith.andi %ne3A_2410, %ne3A_2413 : i1
      %sub3A_2415 = arith.constant 1 : i32
      %sub3A_2416 = arith.subi %div3A_2395, %sub3A_2415 : i32
      %select_n3A_2417 = arith.select %and3A_2414, %sub3A_2416, %div3A_2395 : i32
      %lt3A = arith.cmpi slt, %scan3A_2391, %scan3A_2392 : i32
      %get3A_2418 = arith.index_cast %select_n3A_2417 : i32 to index
      %get3A_2419 = memref.load %arg1[%get3A_2418] : memref<8960xi32, #tpu.memory_space<smem>>
      %lt3A_2420 = arith.cmpi slt, %get3A_2419, %add3A_27 : i32
      %and3A_2421 = arith.andi %lt3A, %lt3A_2420 : i1
      %lt3A_2422 = arith.cmpi slt, %scan3A_2391, %scan3A_2392 : i32
      %not3A = arith.constant true
      %not3A_2423 = arith.xori %and3A_2421, %not3A : i1
      %and3A_2424 = arith.andi %lt3A_2422, %not3A_2423 : i1
      %add3A_2425 = arith.constant 1 : i32
      %add3A_2426 = arith.addi %select_n3A_2417, %add3A_2425 : i32
      %select_n3A_2427 = arith.select %and3A_2421, %add3A_2426, %scan3A_2391 : i32
      %select_n3A_2428 = arith.select %and3A_2424, %select_n3A_2417, %scan3A_2392 : i32
      scf.yield %select_n3A_2427, %select_n3A_2428 : i32, i32
    }
    %jit3A = arith.constant 128 : i32
    %div3A = arith.divsi %scan3A_26#0, %jit3A : i32
    %sign3A = arith.constant 0 : i32
    %sign3A_35 = arith.cmpi sgt, %scan3A_26#0, %sign3A : i32
    %sign3A_36 = arith.extui %sign3A_35 : i1 to i32
    %sign3A_37 = arith.constant 0 : i32
    %sign3A_38 = arith.cmpi slt, %scan3A_26#0, %sign3A_37 : i32
    %sign3A_39 = arith.extui %sign3A_38 : i1 to i32
    %sign3A_40 = arith.subi %sign3A_36, %sign3A_39 : i32
    %sign3A_41 = arith.constant 0 : i32
    %sign3A_42 = arith.cmpi sgt, %jit3A, %sign3A_41 : i32
    %sign3A_43 = arith.extui %sign3A_42 : i1 to i32
    %sign3A_44 = arith.constant 0 : i32
    %sign3A_45 = arith.cmpi slt, %jit3A, %sign3A_44 : i32
    %sign3A_46 = arith.extui %sign3A_45 : i1 to i32
    %sign3A_47 = arith.subi %sign3A_43, %sign3A_46 : i32
    %ne3A = arith.cmpi ne, %sign3A_40, %sign3A_47 : i32
    %rem3A = arith.remsi %scan3A_26#0, %jit3A : i32
    %ne3A_48 = arith.constant 0 : i32
    %ne3A_49 = arith.cmpi ne, %rem3A, %ne3A_48 : i32
    %and3A = arith.andi %ne3A, %ne3A_49 : i1
    %sub3A = arith.constant 1 : i32
    %sub3A_50 = arith.subi %div3A, %sub3A : i32
    %select_n3A = arith.select %and3A, %sub3A_50, %div3A : i32
    %mul3A = arith.constant 128 : i32
    %mul3A_51 = arith.muli %select_n3A, %mul3A : i32
    %sub3A_52 = arith.subi %scan3A_34#0, %mul3A_51 : i32
    %add3A_53 = arith.constant 768 : i32
    %add3A_54 = arith.addi %sub3A_52, %add3A_53 : i32
    %sub3A_55 = arith.constant 1 : i32
    %sub3A_56 = arith.subi %add3A_54, %sub3A_55 : i32
    %jit3A_57 = arith.constant 768 : i32
    %div3A_58 = arith.divsi %sub3A_56, %jit3A_57 : i32
    %sign3A_59 = arith.constant 0 : i32
    %sign3A_60 = arith.cmpi sgt, %sub3A_56, %sign3A_59 : i32
    %sign3A_61 = arith.extui %sign3A_60 : i1 to i32
    %sign3A_62 = arith.constant 0 : i32
    %sign3A_63 = arith.cmpi slt, %sub3A_56, %sign3A_62 : i32
    %sign3A_64 = arith.extui %sign3A_63 : i1 to i32
    %sign3A_65 = arith.subi %sign3A_61, %sign3A_64 : i32
    %sign3A_66 = arith.constant 0 : i32
    %sign3A_67 = arith.cmpi sgt, %jit3A_57, %sign3A_66 : i32
    %sign3A_68 = arith.extui %sign3A_67 : i1 to i32
    %sign3A_69 = arith.constant 0 : i32
    %sign3A_70 = arith.cmpi slt, %jit3A_57, %sign3A_69 : i32
    %sign3A_71 = arith.extui %sign3A_70 : i1 to i32
    %sign3A_72 = arith.subi %sign3A_68, %sign3A_71 : i32
    %ne3A_73 = arith.cmpi ne, %sign3A_65, %sign3A_72 : i32
    %rem3A_74 = arith.remsi %sub3A_56, %jit3A_57 : i32
    %ne3A_75 = arith.constant 0 : i32
    %ne3A_76 = arith.cmpi ne, %rem3A_74, %ne3A_75 : i32
    %and3A_77 = arith.andi %ne3A_73, %ne3A_76 : i1
    %sub3A_78 = arith.constant 1 : i32
    %sub3A_79 = arith.subi %div3A_58, %sub3A_78 : i32
    %select_n3A_80 = arith.select %and3A_77, %sub3A_79, %div3A_58 : i32
    %get3A_81 = arith.index_cast %mul3A_51 : i32 to index
    %get3A_82 = arith.constant 0 : index
    %get3A_83 = vector.load %arg6[%get3A_81, %get3A_82] : memref<8960x64xf32, #tpu.memory_space<vmem>>, vector<768x64xf32>
    %get3A_84 = arith.constant 0 : index
    %get3A_85 = arith.index_cast %mul3A_51 : i32 to index
    %get3A_86 = vector.load %arg3[%get3A_84, %get3A_85] : memref<1x8960xi32, #tpu.memory_space<vmem>>, vector<1x768xi32>
    %dot_general3A = arith.constant dense<0.000000e+00> : vector<512x768xf32>
    %dot_general3A_87 = tpu.matmul %get3A_12, %get3A_83, %dot_general3A {dimension_numbers = #tpu.dot_dimension_numbers<[1], [1], [0], [0], [0, 0, 1, 0], [], []>, transpose_lhs_hint = false} : vector<512x64xf32>, vector<768x64xf32>, vector<512x768xf32> -> vector<512x768xf32>
    %transpose3A = tpu.transpose %get3A_15, [1, 0] : vector<1x512xi32> -> vector<512x1xi32>
    %eq3A = vector.broadcast %transpose3A : vector<512x1xi32> to vector<512x768xi32>
    %eq3A_88 = vector.broadcast %get3A_86 : vector<1x768xi32> to vector<512x768xi32>
    %eq3A_89 = arith.cmpi eq, %eq3A, %eq3A_88 : vector<512x768xi32>
    %neg3A = arith.constant 0.000000e+00 : f32
    %neg3A_90 = vector.broadcast %neg3A : f32 to vector<512x768xf32>
    %neg3A_91 = arith.subf %neg3A_90, %dot_general3A_87 : vector<512x768xf32>
    %exp3A = math.exp %neg3A_91 : vector<512x768xf32>
    %jit3A_92 = arith.constant 0.000000e+00 : f32
    %broadcast_in_dim3A_93 = vector.broadcast %jit3A_92 : f32 to vector<512x768xf32>
    %select_n3A_94 = arith.select %eq3A_89, %exp3A, %broadcast_in_dim3A_93 : vector<512x768xi1>, vector<512x768xf32>
    %jit3A_95 = arith.constant 1.000000e+00 : f32
    %jit3A_96 = arith.constant 0.000000e+00 : f32
    %broadcast_in_dim3A_97 = vector.broadcast %jit3A_95 : f32 to vector<512x768xf32>
    %broadcast_in_dim3A_98 = vector.broadcast %jit3A_96 : f32 to vector<512x768xf32>
    %select_n3A_99 = arith.select %eq3A_89, %broadcast_in_dim3A_97, %broadcast_in_dim3A_98 : vector<512x768xi1>, vector<512x768xf32>
    %dot_general3A_100 = arith.constant dense<0.000000e+00> : vector<512x128xf32>
    %dot_general3A_101 = tpu.matmul %select_n3A_94, %broadcast_in_dim3A_6, %dot_general3A_100 {dimension_numbers = #tpu.dot_dimension_numbers<[1], [0], [0], [1], [0, 0, 1, 1], [], []>, transpose_lhs_hint = false} : vector<512x768xf32>, vector<768x128xf32>, vector<512x128xf32> -> vector<512x128xf32>
    %slice3A = vector.extract_strided_slice %dot_general3A_101 {offsets = [0, 0], sizes = [512, 1], strides = [1, 1]} : vector<512x128xf32> to vector<512x1xf32>
    %dot_general3A_102 = arith.constant dense<0.000000e+00> : vector<512x128xf32>
    %dot_general3A_103 = tpu.matmul %select_n3A_99, %broadcast_in_dim3A_6, %dot_general3A_102 {dimension_numbers = #tpu.dot_dimension_numbers<[1], [0], [0], [1], [0, 0, 1, 1], [], []>, transpose_lhs_hint = false} : vector<512x768xf32>, vector<768x128xf32>, vector<512x128xf32> -> vector<512x128xf32>
    %slice3A_104 = vector.extract_strided_slice %dot_general3A_103 {offsets = [0, 0], sizes = [512, 1], strides = [1, 1]} : vector<512x128xf32> to vector<512x1xf32>
    %while3A = arith.constant 1 : i32
    %while3A_105 = arith.subi %select_n3A_80, %while3A : i32
    %while3A_106 = arith.addi %while3A, %while3A_105 : i32
    %while3A_107 = arith.constant 1 : i32
    %while3A_108 = arith.divsi %while3A_105, %while3A_107 : i32
    %while3A_109 = arith.muli %while3A_108, %while3A_107 : i32
    %while3A_110 = arith.addi %while3A, %while3A_109 : i32
    %while3A_111 = arith.constant 1 : i32
    %while3A_112:2 = scf.for %while3A_2390 = %while3A to %while3A_110 step %while3A_111 iter_args(%while3A_2391 = %slice3A, %while3A_2392 = %slice3A_104) -> (vector<512x1xf32>, vector<512x1xf32>)  : i32 {
      %mul3A_2393 = arith.constant 768 : i32
      %mul3A_2394 = arith.muli %while3A_2390, %mul3A_2393 : i32
      %add3A_2395 = arith.addi %mul3A_51, %mul3A_2394 : i32
      %get3A_2396 = arith.index_cast %add3A_2395 : i32 to index
      %get3A_2397 = arith.constant 0 : index
      %get3A_2398 = vector.load %arg6[%get3A_2396, %get3A_2397] : memref<8960x64xf32, #tpu.memory_space<vmem>>, vector<768x64xf32>
      %get3A_2399 = arith.constant 0 : index
      %get3A_2400 = arith.index_cast %add3A_2395 : i32 to index
      %get3A_2401 = vector.load %arg3[%get3A_2399, %get3A_2400] : memref<1x8960xi32, #tpu.memory_space<vmem>>, vector<1x768xi32>
      %dot_general3A_2402 = arith.constant dense<0.000000e+00> : vector<512x768xf32>
      %dot_general3A_2403 = tpu.matmul %get3A_12, %get3A_2398, %dot_general3A_2402 {dimension_numbers = #tpu.dot_dimension_numbers<[1], [1], [0], [0], [0, 0, 1, 0], [], []>, transpose_lhs_hint = false} : vector<512x64xf32>, vector<768x64xf32>, vector<512x768xf32> -> vector<512x768xf32>
      %transpose3A_2404 = tpu.transpose %get3A_15, [1, 0] : vector<1x512xi32> -> vector<512x1xi32>
      %eq3A_2405 = vector.broadcast %transpose3A_2404 : vector<512x1xi32> to vector<512x768xi32>
      %eq3A_2406 = vector.broadcast %get3A_2401 : vector<1x768xi32> to vector<512x768xi32>
      %eq3A_2407 = arith.cmpi eq, %eq3A_2405, %eq3A_2406 : vector<512x768xi32>
      %neg3A_2408 = arith.constant 0.000000e+00 : f32
      %neg3A_2409 = vector.broadcast %neg3A_2408 : f32 to vector<512x768xf32>
      %neg3A_2410 = arith.subf %neg3A_2409, %dot_general3A_2403 : vector<512x768xf32>
      %exp3A_2411 = math.exp %neg3A_2410 : vector<512x768xf32>
      %jit3A_2412 = arith.constant 0.000000e+00 : f32
      %broadcast_in_dim3A_2413 = vector.broadcast %jit3A_2412 : f32 to vector<512x768xf32>
      %select_n3A_2414 = arith.select %eq3A_2407, %exp3A_2411, %broadcast_in_dim3A_2413 : vector<512x768xi1>, vector<512x768xf32>
      %jit3A_2415 = arith.constant 1.000000e+00 : f32
      %jit3A_2416 = arith.constant 0.000000e+00 : f32
      %broadcast_in_dim3A_2417 = vector.broadcast %jit3A_2415 : f32 to vector<512x768xf32>
      %broadcast_in_dim3A_2418 = vector.broadcast %jit3A_2416 : f32 to vector<512x768xf32>
      %select_n3A_2419 = arith.select %eq3A_2407, %broadcast_in_dim3A_2417, %broadcast_in_dim3A_2418 : vector<512x768xi1>, vector<512x768xf32>
      %dot_general3A_2420 = arith.constant dense<0.000000e+00> : vector<512x128xf32>
      %dot_general3A_2421 = tpu.matmul %select_n3A_2414, %broadcast_in_dim3A_6, %dot_general3A_2420 {dimension_numbers = #tpu.dot_dimension_numbers<[1], [0], [0], [1], [0, 0, 1, 1], [], []>, transpose_lhs_hint = false} : vector<512x768xf32>, vector<768x128xf32>, vector<512x128xf32> -> vector<512x128xf32>
      %slice3A_2422 = vector.extract_strided_slice %dot_general3A_2421 {offsets = [0, 0], sizes = [512, 1], strides = [1, 1]} : vector<512x128xf32> to vector<512x1xf32>
      %dot_general3A_2423 = arith.constant dense<0.000000e+00> : vector<512x128xf32>
      %dot_general3A_2424 = tpu.matmul %select_n3A_2419, %broadcast_in_dim3A_6, %dot_general3A_2423 {dimension_numbers = #tpu.dot_dimension_numbers<[1], [0], [0], [1], [0, 0, 1, 1], [], []>, transpose_lhs_hint = false} : vector<512x768xf32>, vector<768x128xf32>, vector<512x128xf32> -> vector<512x128xf32>
      %slice3A_2425 = vector.extract_strided_slice %dot_general3A_2424 {offsets = [0, 0], sizes = [512, 1], strides = [1, 1]} : vector<512x128xf32> to vector<512x1xf32>
      %add3A_2426 = arith.addf %while3A_2391, %slice3A_2422 : vector<512x1xf32>
      %add3A_2427 = arith.addf %while3A_2392, %slice3A_2425 : vector<512x1xf32>
      scf.yield %add3A_2426, %add3A_2427 : vector<512x1xf32>, vector<512x1xf32>
    }
    %while3A_113 = arith.constant 1 : i32
    %while3A_114:2 = scf.for %while3A_2390 = %while3A_110 to %while3A_106 step %while3A_113 iter_args(%while3A_2391 = %while3A_112#0, %while3A_2392 = %while3A_112#1) -> (vector<512x1xf32>, vector<512x1xf32>)  : i32 {
      %mul3A_2393 = arith.constant 768 : i32
      %mul3A_2394 = arith.muli %while3A_2390, %mul3A_2393 : i32
      %add3A_2395 = arith.addi %mul3A_51, %mul3A_2394 : i32
      %get3A_2396 = arith.index_cast %add3A_2395 : i32 to index
      %get3A_2397 = arith.constant 0 : index
      %get3A_2398 = vector.load %arg6[%get3A_2396, %get3A_2397] : memref<8960x64xf32, #tpu.memory_space<vmem>>, vector<768x64xf32>
      %get3A_2399 = arith.constant 0 : index
      %get3A_2400 = arith.index_cast %add3A_2395 : i32 to index
      %get3A_2401 = vector.load %arg3[%get3A_2399, %get3A_2400] : memref<1x8960xi32, #tpu.memory_space<vmem>>, vector<1x768xi32>
      %dot_general3A_2402 = arith.constant dense<0.000000e+00> : vector<512x768xf32>
      %dot_general3A_2403 = tpu.matmul %get3A_12, %get3A_2398, %dot_general3A_2402 {dimension_numbers = #tpu.dot_dimension_numbers<[1], [1], [0], [0], [0, 0, 1, 0], [], []>, transpose_lhs_hint = false} : vector<512x64xf32>, vector<768x64xf32>, vector<512x768xf32> -> vector<512x768xf32>
      %transpose3A_2404 = tpu.transpose %get3A_15, [1, 0] : vector<1x512xi32> -> vector<512x1xi32>
      %eq3A_2405 = vector.broadcast %transpose3A_2404 : vector<512x1xi32> to vector<512x768xi32>
      %eq3A_2406 = vector.broadcast %get3A_2401 : vector<1x768xi32> to vector<512x768xi32>
      %eq3A_2407 = arith.cmpi eq, %eq3A_2405, %eq3A_2406 : vector<512x768xi32>
      %neg3A_2408 = arith.constant 0.000000e+00 : f32
      %neg3A_2409 = vector.broadcast %neg3A_2408 : f32 to vector<512x768xf32>
      %neg3A_2410 = arith.subf %neg3A_2409, %dot_general3A_2403 : vector<512x768xf32>
      %exp3A_2411 = math.exp %neg3A_2410 : vector<512x768xf32>
      %jit3A_2412 = arith.constant 0.000000e+00 : f32
      %broadcast_in_dim3A_2413 = vector.broadcast %jit3A_2412 : f32 to vector<512x768xf32>
      %select_n3A_2414 = arith.select %eq3A_2407, %exp3A_2411, %broadcast_in_dim3A_2413 : vector<512x768xi1>, vector<512x768xf32>
      %jit3A_2415 = arith.constant 1.000000e+00 : f32
      %jit3A_2416 = arith.constant 0.000000e+00 : f32
      %broadcast_in_dim3A_2417 = vector.broadcast %jit3A_2415 : f32 to vector<512x768xf32>
      %broadcast_in_dim3A_2418 = vector.broadcast %jit3A_2416 : f32 to vector<512x768xf32>
      %select_n3A_2419 = arith.select %eq3A_2407, %broadcast_in_dim3A_2417, %broadcast_in_dim3A_2418 : vector<512x768xi1>, vector<512x768xf32>
      %dot_general3A_2420 = arith.constant dense<0.000000e+00> : vector<512x128xf32>
      %dot_general3A_2421 = tpu.matmul %select_n3A_2414, %broadcast_in_dim3A_6, %dot_general3A_2420 {dimension_numbers = #tpu.dot_dimension_numbers<[1], [0], [0], [1], [0, 0, 1, 1], [], []>, transpose_lhs_hint = false} : vector<512x768xf32>, vector<768x128xf32>, vector<512x128xf32> -> vector<512x128xf32>
      %slice3A_2422 = vector.extract_strided_slice %dot_general3A_2421 {offsets = [0, 0], sizes = [512, 1], strides = [1, 1]} : vector<512x128xf32> to vector<512x1xf32>
      %dot_general3A_2423 = arith.constant dense<0.000000e+00> : vector<512x128xf32>
      %dot_general3A_2424 = tpu.matmul %select_n3A_2419, %broadcast_in_dim3A_6, %dot_general3A_2423 {dimension_numbers = #tpu.dot_dimension_numbers<[1], [0], [0], [1], [0, 0, 1, 1], [], []>, transpose_lhs_hint = false} : vector<512x768xf32>, vector<768x128xf32>, vector<512x128xf32> -> vector<512x128xf32>
      %slice3A_2425 = vector.extract_strided_slice %dot_general3A_2424 {offsets = [0, 0], sizes = [512, 1], strides = [1, 1]} : vector<512x128xf32> to vector<512x1xf32>
      %add3A_2426 = arith.addf %while3A_2391, %slice3A_2422 : vector<512x1xf32>
      %add3A_2427 = arith.addf %while3A_2392, %slice3A_2425 : vector<512x1xf32>
      scf.yield %add3A_2426, %add3A_2427 : vector<512x1xf32>, vector<512x1xf32>
    }
    %mul3A_115 = arith.mulf %get3A_12, %get3A_12 : vector<512x64xf32>
    %reduce_sum3A = arith.constant dense<0.000000e+00> : vector<512xf32>
    %reduce_sum3A_116 = vector.multi_reduction <add>, %mul3A_115, %reduce_sum3A [1] : vector<512x64xf32> to vector<512xf32>
    %broadcast_in_dim3A_117 = vector.shape_cast %reduce_sum3A_116 : vector<512xf32> to vector<512x1xf32>
    %neg3A_118 = arith.constant 0.000000e+00 : f32
    %neg3A_119 = vector.broadcast %neg3A_118 : f32 to vector<512x1xf32>
    %neg3A_120 = arith.subf %neg3A_119, %broadcast_in_dim3A_117 : vector<512x1xf32>
    %exp3A_121 = math.exp %neg3A_120 : vector<512x1xf32>
    %sub3A_122 = arith.subf %while3A_114#0, %exp3A_121 : vector<512x1xf32>
    %ge3A = arith.constant 2.000000e+00 : f32
    %ge3A_123 = vector.broadcast %ge3A : f32 to vector<512x1xf32>
    %ge3A_124 = arith.cmpf oge, %while3A_114#1, %ge3A_123 : vector<512x1xf32>
    %log3A = math.log %sub3A_122 : vector<512x1xf32>
    %neg3A_125 = arith.constant 0.000000e+00 : f32
    %neg3A_126 = vector.broadcast %neg3A_125 : f32 to vector<512x1xf32>
    %neg3A_127 = arith.subf %neg3A_126, %log3A : vector<512x1xf32>
    %jit3A_128 = arith.constant 0.000000e+00 : f32
    %broadcast_in_dim3A_129 = vector.broadcast %jit3A_128 : f32 to vector<512x1xf32>
    %select_n3A_130 = arith.select %ge3A_124, %neg3A_127, %broadcast_in_dim3A_129 : vector<512x1xi1>, vector<512x1xf32>
    %add3A_131 = arith.addf %broadcast_in_dim3A_8, %select_n3A_130 : vector<512x1xf32>
    %sub3A_132 = arith.constant 1.000000e+00 : f32
    %sub3A_133 = vector.broadcast %sub3A_132 : f32 to vector<512x1xf32>
    %sub3A_134 = arith.subf %while3A_114#1, %sub3A_133 : vector<512x1xf32>
    %jit3A_135 = arith.constant 0.000000e+00 : f32
    %broadcast_in_dim3A_136 = vector.broadcast %jit3A_135 : f32 to vector<512x1xf32>
    %select_n3A_137 = arith.select %ge3A_124, %sub3A_134, %broadcast_in_dim3A_136 : vector<512x1xi1>, vector<512x1xf32>
    %add3A_138 = arith.addf %broadcast_in_dim3A_10, %select_n3A_137 : vector<512x1xf32>
    %get3A_139 = arith.constant 512 : index
    %get3A_140 = arith.constant 0 : index
    %get3A_141 = vector.load %arg6[%get3A_139, %get3A_140] : memref<8960x64xf32, #tpu.memory_space<vmem>>, vector<512x64xf32>
    %get3A_142 = arith.constant 0 : index
    %get3A_143 = arith.constant 512 : index
    %get3A_144 = vector.load %arg3[%get3A_142, %get3A_143] : memref<1x8960xi32, #tpu.memory_space<vmem>>, vector<1x512xi32>
    %get3A_145 = arith.constant 512 : index
    %get3A_146 = memref.load %arg1[%get3A_145] : memref<8960xi32, #tpu.memory_space<smem>>
    %get3A_147 = arith.constant 1023 : index
    %get3A_148 = memref.load %arg1[%get3A_147] : memref<8960xi32, #tpu.memory_space<smem>>
    %scan3A_149 = arith.constant 0 : i32
    %scan3A_150 = arith.constant 8960 : i32
    %scan3A_151 = arith.constant 0 : i32
    %scan3A_152 = arith.constant 14 : i32
    %scan3A_153 = arith.addi %scan3A_151, %scan3A_152 : i32
    %scan3A_154 = arith.constant 1 : i32
    %scan3A_155:2 = scf.for %scan3A_2390 = %scan3A_151 to %scan3A_153 step %scan3A_154 iter_args(%scan3A_2391 = %scan3A_149, %scan3A_2392 = %scan3A_150) -> (i32, i32)  : i32 {
      %add3A_2393 = arith.addi %scan3A_2391, %scan3A_2392 : i32
      %jit3A_2394 = arith.constant 2 : i32
      %div3A_2395 = arith.divsi %add3A_2393, %jit3A_2394 : i32
      %sign3A_2396 = arith.constant 0 : i32
      %sign3A_2397 = arith.cmpi sgt, %add3A_2393, %sign3A_2396 : i32
      %sign3A_2398 = arith.extui %sign3A_2397 : i1 to i32
      %sign3A_2399 = arith.constant 0 : i32
      %sign3A_2400 = arith.cmpi slt, %add3A_2393, %sign3A_2399 : i32
      %sign3A_2401 = arith.extui %sign3A_2400 : i1 to i32
      %sign3A_2402 = arith.subi %sign3A_2398, %sign3A_2401 : i32
      %sign3A_2403 = arith.constant 0 : i32
      %sign3A_2404 = arith.cmpi sgt, %jit3A_2394, %sign3A_2403 : i32
      %sign3A_2405 = arith.extui %sign3A_2404 : i1 to i32
      %sign3A_2406 = arith.constant 0 : i32
      %sign3A_2407 = arith.cmpi slt, %jit3A_2394, %sign3A_2406 : i32
      %sign3A_2408 = arith.extui %sign3A_2407 : i1 to i32
      %sign3A_2409 = arith.subi %sign3A_2405, %sign3A_2408 : i32
      %ne3A_2410 = arith.cmpi ne, %sign3A_2402, %sign3A_2409 : i32
      %rem3A_2411 = arith.remsi %add3A_2393, %jit3A_2394 : i32
      %ne3A_2412 = arith.constant 0 : i32
      %ne3A_2413 = arith.cmpi ne, %rem3A_2411, %ne3A_2412 : i32
      %and3A_2414 = arith.andi %ne3A_2410, %ne3A_2413 : i1
      %sub3A_2415 = arith.constant 1 : i32
      %sub3A_2416 = arith.subi %div3A_2395, %sub3A_2415 : i32
      %select_n3A_2417 = arith.select %and3A_2414, %sub3A_2416, %div3A_2395 : i32
      %lt3A = arith.cmpi slt, %scan3A_2391, %scan3A_2392 : i32
      %get3A_2418 = arith.index_cast %select_n3A_2417 : i32 to index
      %get3A_2419 = memref.load %arg1[%get3A_2418] : memref<8960xi32, #tpu.memory_space<smem>>
      %lt3A_2420 = arith.cmpi slt, %get3A_2419, %get3A_146 : i32
      %and3A_2421 = arith.andi %lt3A, %lt3A_2420 : i1
      %lt3A_2422 = arith.cmpi slt, %scan3A_2391, %scan3A_2392 : i32
      %not3A = arith.constant true
      %not3A_2423 = arith.xori %and3A_2421, %not3A : i1
      %and3A_2424 = arith.andi %lt3A_2422, %not3A_2423 : i1
      %add3A_2425 = arith.constant 1 : i32
      %add3A_2426 = arith.addi %select_n3A_2417, %add3A_2425 : i32
      %select_n3A_2427 = arith.select %and3A_2421, %add3A_2426, %scan3A_2391 : i32
      %select_n3A_2428 = arith.select %and3A_2424, %select_n3A_2417, %scan3A_2392 : i32
      scf.yield %select_n3A_2427, %select_n3A_2428 : i32, i32
    }
    %add3A_156 = arith.constant 1 : i32
    %add3A_157 = arith.addi %get3A_148, %add3A_156 : i32
    %scan3A_158 = arith.constant 0 : i32
    %scan3A_159 = arith.constant 8960 : i32
    %scan3A_160 = arith.constant 0 : i32
    %scan3A_161 = arith.constant 14 : i32
    %scan3A_162 = arith.addi %scan3A_160, %scan3A_161 : i32
    %scan3A_163 = arith.constant 1 : i32
    %scan3A_164:2 = scf.for %scan3A_2390 = %scan3A_160 to %scan3A_162 step %scan3A_163 iter_args(%scan3A_2391 = %scan3A_158, %scan3A_2392 = %scan3A_159) -> (i32, i32)  : i32 {
      %add3A_2393 = arith.addi %scan3A_2391, %scan3A_2392 : i32
      %jit3A_2394 = arith.constant 2 : i32
      %div3A_2395 = arith.divsi %add3A_2393, %jit3A_2394 : i32
      %sign3A_2396 = arith.constant 0 : i32
      %sign3A_2397 = arith.cmpi sgt, %add3A_2393, %sign3A_2396 : i32
      %sign3A_2398 = arith.extui %sign3A_2397 : i1 to i32
      %sign3A_2399 = arith.constant 0 : i32
      %sign3A_2400 = arith.cmpi slt, %add3A_2393, %sign3A_2399 : i32
      %sign3A_2401 = arith.extui %sign3A_2400 : i1 to i32
      %sign3A_2402 = arith.subi %sign3A_2398, %sign3A_2401 : i32
      %sign3A_2403 = arith.constant 0 : i32
      %sign3A_2404 = arith.cmpi sgt, %jit3A_2394, %sign3A_2403 : i32
      %sign3A_2405 = arith.extui %sign3A_2404 : i1 to i32
      %sign3A_2406 = arith.constant 0 : i32
      %sign3A_2407 = arith.cmpi slt, %jit3A_2394, %sign3A_2406 : i32
      %sign3A_2408 = arith.extui %sign3A_2407 : i1 to i32
      %sign3A_2409 = arith.subi %sign3A_2405, %sign3A_2408 : i32
      %ne3A_2410 = arith.cmpi ne, %sign3A_2402, %sign3A_2409 : i32
      %rem3A_2411 = arith.remsi %add3A_2393, %jit3A_2394 : i32
      %ne3A_2412 = arith.constant 0 : i32
      %ne3A_2413 = arith.cmpi ne, %rem3A_2411, %ne3A_2412 : i32
      %and3A_2414 = arith.andi %ne3A_2410, %ne3A_2413 : i1
      %sub3A_2415 = arith.constant 1 : i32
      %sub3A_2416 = arith.subi %div3A_2395, %sub3A_2415 : i32
      %select_n3A_2417 = arith.select %and3A_2414, %sub3A_2416, %div3A_2395 : i32
      %lt3A = arith.cmpi slt, %scan3A_2391, %scan3A_2392 : i32
      %get3A_2418 = arith.index_cast %select_n3A_2417 : i32 to index
      %get3A_2419 = memref.load %arg1[%get3A_2418] : memref<8960xi32, #tpu.memory_space<smem>>
      %lt3A_2420 = arith.cmpi slt, %get3A_2419, %add3A_157 : i32
      %and3A_2421 = arith.andi %lt3A, %lt3A_2420 : i1
      %lt3A_2422 = arith.cmpi slt, %scan3A_2391, %scan3A_2392 : i32
      %not3A = arith.constant true
      %not3A_2423 = arith.xori %and3A_2421, %not3A : i1
      %and3A_2424 = arith.andi %lt3A_2422, %not3A_2423 : i1
      %add3A_2425 = arith.constant 1 : i32
      %add3A_2426 = arith.addi %select_n3A_2417, %add3A_2425 : i32
      %select_n3A_2427 = arith.select %and3A_2421, %add3A_2426, %scan3A_2391 : i32
      %select_n3A_2428 = arith.select %and3A_2424, %select_n3A_2417, %scan3A_2392 : i32
      scf.yield %select_n3A_2427, %select_n3A_2428 : i32, i32
    }
    %jit3A_165 = arith.constant 128 : i32
    %div3A_166 = arith.divsi %scan3A_155#0, %jit3A_165 : i32
    %sign3A_167 = arith.constant 0 : i32
    %sign3A_168 = arith.cmpi sgt, %scan3A_155#0, %sign3A_167 : i32
    %sign3A_169 = arith.extui %sign3A_168 : i1 to i32
    %sign3A_170 = arith.constant 0 : i32
    %sign3A_171 = arith.cmpi slt, %scan3A_155#0, %sign3A_170 : i32
    %sign3A_172 = arith.extui %sign3A_171 : i1 to i32
    %sign3A_173 = arith.subi %sign3A_169, %sign3A_172 : i32
    %sign3A_174 = arith.constant 0 : i32
    %sign3A_175 = arith.cmpi sgt, %jit3A_165, %sign3A_174 : i32
    %sign3A_176 = arith.extui %sign3A_175 : i1 to i32
    %sign3A_177 = arith.constant 0 : i32
    %sign3A_178 = arith.cmpi slt, %jit3A_165, %sign3A_177 : i32
    %sign3A_179 = arith.extui %sign3A_178 : i1 to i32
    %sign3A_180 = arith.subi %sign3A_176, %sign3A_179 : i32
    %ne3A_181 = arith.cmpi ne, %sign3A_173, %sign3A_180 : i32
    %rem3A_182 = arith.remsi %scan3A_155#0, %jit3A_165 : i32
    %ne3A_183 = arith.constant 0 : i32
    %ne3A_184 = arith.cmpi ne, %rem3A_182, %ne3A_183 : i32
    %and3A_185 = arith.andi %ne3A_181, %ne3A_184 : i1
    %sub3A_186 = arith.constant 1 : i32
    %sub3A_187 = arith.subi %div3A_166, %sub3A_186 : i32
    %select_n3A_188 = arith.select %and3A_185, %sub3A_187, %div3A_166 : i32
    %mul3A_189 = arith.constant 128 : i32
    %mul3A_190 = arith.muli %select_n3A_188, %mul3A_189 : i32
    %sub3A_191 = arith.subi %scan3A_164#0, %mul3A_190 : i32
    %add3A_192 = arith.constant 768 : i32
    %add3A_193 = arith.addi %sub3A_191, %add3A_192 : i32
    %sub3A_194 = arith.constant 1 : i32
    %sub3A_195 = arith.subi %add3A_193, %sub3A_194 : i32
    %jit3A_196 = arith.constant 768 : i32
    %div3A_197 = arith.divsi %sub3A_195, %jit3A_196 : i32
    %sign3A_198 = arith.constant 0 : i32
    %sign3A_199 = arith.cmpi sgt, %sub3A_195, %sign3A_198 : i32
    %sign3A_200 = arith.extui %sign3A_199 : i1 to i32
    %sign3A_201 = arith.constant 0 : i32
    %sign3A_202 = arith.cmpi slt, %sub3A_195, %sign3A_201 : i32
    %sign3A_203 = arith.extui %sign3A_202 : i1 to i32
    %sign3A_204 = arith.subi %sign3A_200, %sign3A_203 : i32
    %sign3A_205 = arith.constant 0 : i32
    %sign3A_206 = arith.cmpi sgt, %jit3A_196, %sign3A_205 : i32
    %sign3A_207 = arith.extui %sign3A_206 : i1 to i32
    %sign3A_208 = arith.constant 0 : i32
    %sign3A_209 = arith.cmpi slt, %jit3A_196, %sign3A_208 : i32
    %sign3A_210 = arith.extui %sign3A_209 : i1 to i32
    %sign3A_211 = arith.subi %sign3A_207, %sign3A_210 : i32
    %ne3A_212 = arith.cmpi ne, %sign3A_204, %sign3A_211 : i32
    %rem3A_213 = arith.remsi %sub3A_195, %jit3A_196 : i32
    %ne3A_214 = arith.constant 0 : i32
    %ne3A_215 = arith.cmpi ne, %rem3A_213, %ne3A_214 : i32
    %and3A_216 = arith.andi %ne3A_212, %ne3A_215 : i1
    %sub3A_217 = arith.constant 1 : i32
    %sub3A_218 = arith.subi %div3A_197, %sub3A_217 : i32
    %select_n3A_219 = arith.select %and3A_216, %sub3A_218, %div3A_197 : i32
    %get3A_220 = arith.index_cast %mul3A_190 : i32 to index
    %get3A_221 = arith.constant 0 : index
    %get3A_222 = vector.load %arg6[%get3A_220, %get3A_221] : memref<8960x64xf32, #tpu.memory_space<vmem>>, vector<768x64xf32>
    %get3A_223 = arith.constant 0 : index
    %get3A_224 = arith.index_cast %mul3A_190 : i32 to index
    %get3A_225 = vector.load %arg3[%get3A_223, %get3A_224] : memref<1x8960xi32, #tpu.memory_space<vmem>>, vector<1x768xi32>
    %dot_general3A_226 = arith.constant dense<0.000000e+00> : vector<512x768xf32>
    %dot_general3A_227 = tpu.matmul %get3A_141, %get3A_222, %dot_general3A_226 {dimension_numbers = #tpu.dot_dimension_numbers<[1], [1], [0], [0], [0, 0, 1, 0], [], []>, transpose_lhs_hint = false} : vector<512x64xf32>, vector<768x64xf32>, vector<512x768xf32> -> vector<512x768xf32>
    %transpose3A_228 = tpu.transpose %get3A_144, [1, 0] : vector<1x512xi32> -> vector<512x1xi32>
    %eq3A_229 = vector.broadcast %transpose3A_228 : vector<512x1xi32> to vector<512x768xi32>
    %eq3A_230 = vector.broadcast %get3A_225 : vector<1x768xi32> to vector<512x768xi32>
    %eq3A_231 = arith.cmpi eq, %eq3A_229, %eq3A_230 : vector<512x768xi32>
    %neg3A_232 = arith.constant 0.000000e+00 : f32
    %neg3A_233 = vector.broadcast %neg3A_232 : f32 to vector<512x768xf32>
    %neg3A_234 = arith.subf %neg3A_233, %dot_general3A_227 : vector<512x768xf32>
    %exp3A_235 = math.exp %neg3A_234 : vector<512x768xf32>
    %jit3A_236 = arith.constant 0.000000e+00 : f32
    %broadcast_in_dim3A_237 = vector.broadcast %jit3A_236 : f32 to vector<512x768xf32>
    %select_n3A_238 = arith.select %eq3A_231, %exp3A_235, %broadcast_in_dim3A_237 : vector<512x768xi1>, vector<512x768xf32>
    %jit3A_239 = arith.constant 1.000000e+00 : f32
    %jit3A_240 = arith.constant 0.000000e+00 : f32
    %broadcast_in_dim3A_241 = vector.broadcast %jit3A_239 : f32 to vector<512x768xf32>
    %broadcast_in_dim3A_242 = vector.broadcast %jit3A_240 : f32 to vector<512x768xf32>
    %select_n3A_243 = arith.select %eq3A_231, %broadcast_in_dim3A_241, %broadcast_in_dim3A_242 : vector<512x768xi1>, vector<512x768xf32>
    %dot_general3A_244 = arith.constant dense<0.000000e+00> : vector<512x128xf32>
    %dot_general3A_245 = tpu.matmul %select_n3A_238, %broadcast_in_dim3A_6, %dot_general3A_244 {dimension_numbers = #tpu.dot_dimension_numbers<[1], [0], [0], [1], [0, 0, 1, 1], [], []>, transpose_lhs_hint = false} : vector<512x768xf32>, vector<768x128xf32>, vector<512x128xf32> -> vector<512x128xf32>
    %slice3A_246 = vector.extract_strided_slice %dot_general3A_245 {offsets = [0, 0], sizes = [512, 1], strides = [1, 1]} : vector<512x128xf32> to vector<512x1xf32>
    %dot_general3A_247 = arith.constant dense<0.000000e+00> : vector<512x128xf32>
    %dot_general3A_248 = tpu.matmul %select_n3A_243, %broadcast_in_dim3A_6, %dot_general3A_247 {dimension_numbers = #tpu.dot_dimension_numbers<[1], [0], [0], [1], [0, 0, 1, 1], [], []>, transpose_lhs_hint = false} : vector<512x768xf32>, vector<768x128xf32>, vector<512x128xf32> -> vector<512x128xf32>
    %slice3A_249 = vector.extract_strided_slice %dot_general3A_248 {offsets = [0, 0], sizes = [512, 1], strides = [1, 1]} : vector<512x128xf32> to vector<512x1xf32>
    %while3A_250 = arith.constant 1 : i32
    %while3A_251 = arith.subi %select_n3A_219, %while3A_250 : i32
    %while3A_252 = arith.addi %while3A_250, %while3A_251 : i32
    %while3A_253 = arith.constant 1 : i32
    %while3A_254 = arith.divsi %while3A_251, %while3A_253 : i32
    %while3A_255 = arith.muli %while3A_254, %while3A_253 : i32
    %while3A_256 = arith.addi %while3A_250, %while3A_255 : i32
    %while3A_257 = arith.constant 1 : i32
    %while3A_258:2 = scf.for %while3A_2390 = %while3A_250 to %while3A_256 step %while3A_257 iter_args(%while3A_2391 = %slice3A_246, %while3A_2392 = %slice3A_249) -> (vector<512x1xf32>, vector<512x1xf32>)  : i32 {
      %mul3A_2393 = arith.constant 768 : i32
      %mul3A_2394 = arith.muli %while3A_2390, %mul3A_2393 : i32
      %add3A_2395 = arith.addi %mul3A_190, %mul3A_2394 : i32
      %get3A_2396 = arith.index_cast %add3A_2395 : i32 to index
      %get3A_2397 = arith.constant 0 : index
      %get3A_2398 = vector.load %arg6[%get3A_2396, %get3A_2397] : memref<8960x64xf32, #tpu.memory_space<vmem>>, vector<768x64xf32>
      %get3A_2399 = arith.constant 0 : index
      %get3A_2400 = arith.index_cast %add3A_2395 : i32 to index
      %get3A_2401 = vector.load %arg3[%get3A_2399, %get3A_2400] : memref<1x8960xi32, #tpu.memory_space<vmem>>, vector<1x768xi32>
      %dot_general3A_2402 = arith.constant dense<0.000000e+00> : vector<512x768xf32>
      %dot_general3A_2403 = tpu.matmul %get3A_141, %get3A_2398, %dot_general3A_2402 {dimension_numbers = #tpu.dot_dimension_numbers<[1], [1], [0], [0], [0, 0, 1, 0], [], []>, transpose_lhs_hint = false} : vector<512x64xf32>, vector<768x64xf32>, vector<512x768xf32> -> vector<512x768xf32>
      %transpose3A_2404 = tpu.transpose %get3A_144, [1, 0] : vector<1x512xi32> -> vector<512x1xi32>
      %eq3A_2405 = vector.broadcast %transpose3A_2404 : vector<512x1xi32> to vector<512x768xi32>
      %eq3A_2406 = vector.broadcast %get3A_2401 : vector<1x768xi32> to vector<512x768xi32>
      %eq3A_2407 = arith.cmpi eq, %eq3A_2405, %eq3A_2406 : vector<512x768xi32>
      %neg3A_2408 = arith.constant 0.000000e+00 : f32
      %neg3A_2409 = vector.broadcast %neg3A_2408 : f32 to vector<512x768xf32>
      %neg3A_2410 = arith.subf %neg3A_2409, %dot_general3A_2403 : vector<512x768xf32>
      %exp3A_2411 = math.exp %neg3A_2410 : vector<512x768xf32>
      %jit3A_2412 = arith.constant 0.000000e+00 : f32
      %broadcast_in_dim3A_2413 = vector.broadcast %jit3A_2412 : f32 to vector<512x768xf32>
      %select_n3A_2414 = arith.select %eq3A_2407, %exp3A_2411, %broadcast_in_dim3A_2413 : vector<512x768xi1>, vector<512x768xf32>
      %jit3A_2415 = arith.constant 1.000000e+00 : f32
      %jit3A_2416 = arith.constant 0.000000e+00 : f32
      %broadcast_in_dim3A_2417 = vector.broadcast %jit3A_2415 : f32 to vector<512x768xf32>
      %broadcast_in_dim3A_2418 = vector.broadcast %jit3A_2416 : f32 to vector<512x768xf32>
      %select_n3A_2419 = arith.select %eq3A_2407, %broadcast_in_dim3A_2417, %broadcast_in_dim3A_2418 : vector<512x768xi1>, vector<512x768xf32>
      %dot_general3A_2420 = arith.constant dense<0.000000e+00> : vector<512x128xf32>
      %dot_general3A_2421 = tpu.matmul %select_n3A_2414, %broadcast_in_dim3A_6, %dot_general3A_2420 {dimension_numbers = #tpu.dot_dimension_numbers<[1], [0], [0], [1], [0, 0, 1, 1], [], []>, transpose_lhs_hint = false} : vector<512x768xf32>, vector<768x128xf32>, vector<512x128xf32> -> vector<512x128xf32>
      %slice3A_2422 = vector.extract_strided_slice %dot_general3A_2421 {offsets = [0, 0], sizes = [512, 1], strides = [1, 1]} : vector<512x128xf32> to vector<512x1xf32>
      %dot_general3A_2423 = arith.constant dense<0.000000e+00> : vector<512x128xf32>
      %dot_general3A_2424 = tpu.matmul %select_n3A_2419, %broadcast_in_dim3A_6, %dot_general3A_2423 {dimension_numbers = #tpu.dot_dimension_numbers<[1], [0], [0], [1], [0, 0, 1, 1], [], []>, transpose_lhs_hint = false} : vector<512x768xf32>, vector<768x128xf32>, vector<512x128xf32> -> vector<512x128xf32>
      %slice3A_2425 = vector.extract_strided_slice %dot_general3A_2424 {offsets = [0, 0], sizes = [512, 1], strides = [1, 1]} : vector<512x128xf32> to vector<512x1xf32>
      %add3A_2426 = arith.addf %while3A_2391, %slice3A_2422 : vector<512x1xf32>
      %add3A_2427 = arith.addf %while3A_2392, %slice3A_2425 : vector<512x1xf32>
      scf.yield %add3A_2426, %add3A_2427 : vector<512x1xf32>, vector<512x1xf32>
    }
    %while3A_259 = arith.constant 1 : i32
    %while3A_260:2 = scf.for %while3A_2390 = %while3A_256 to %while3A_252 step %while3A_259 iter_args(%while3A_2391 = %while3A_258#0, %while3A_2392 = %while3A_258#1) -> (vector<512x1xf32>, vector<512x1xf32>)  : i32 {
      %mul3A_2393 = arith.constant 768 : i32
      %mul3A_2394 = arith.muli %while3A_2390, %mul3A_2393 : i32
      %add3A_2395 = arith.addi %mul3A_190, %mul3A_2394 : i32
      %get3A_2396 = arith.index_cast %add3A_2395 : i32 to index
      %get3A_2397 = arith.constant 0 : index
      %get3A_2398 = vector.load %arg6[%get3A_2396, %get3A_2397] : memref<8960x64xf32, #tpu.memory_space<vmem>>, vector<768x64xf32>
      %get3A_2399 = arith.constant 0 : index
      %get3A_2400 = arith.index_cast %add3A_2395 : i32 to index
      %get3A_2401 = vector.load %arg3[%get3A_2399, %get3A_2400] : memref<1x8960xi32, #tpu.memory_space<vmem>>, vector<1x768xi32>
      %dot_general3A_2402 = arith.constant dense<0.000000e+00> : vector<512x768xf32>
      %dot_general3A_2403 = tpu.matmul %get3A_141, %get3A_2398, %dot_general3A_2402 {dimension_numbers = #tpu.dot_dimension_numbers<[1], [1], [0], [0], [0, 0, 1, 0], [], []>, transpose_lhs_hint = false} : vector<512x64xf32>, vector<768x64xf32>, vector<512x768xf32> -> vector<512x768xf32>
      %transpose3A_2404 = tpu.transpose %get3A_144, [1, 0] : vector<1x512xi32> -> vector<512x1xi32>
      %eq3A_2405 = vector.broadcast %transpose3A_2404 : vector<512x1xi32> to vector<512x768xi32>
      %eq3A_2406 = vector.broadcast %get3A_2401 : vector<1x768xi32> to vector<512x768xi32>
      %eq3A_2407 = arith.cmpi eq, %eq3A_2405, %eq3A_2406 : vector<512x768xi32>
      %neg3A_2408 = arith.constant 0.000000e+00 : f32
      %neg3A_2409 = vector.broadcast %neg3A_2408 : f32 to vector<512x768xf32>
      %neg3A_2410 = arith.subf %neg3A_2409, %dot_general3A_2403 : vector<512x768xf32>
      %exp3A_2411 = math.exp %neg3A_2410 : vector<512x768xf32>
      %jit3A_2412 = arith.constant 0.000000e+00 : f32
      %broadcast_in_dim3A_2413 = vector.broadcast %jit3A_2412 : f32 to vector<512x768xf32>
      %select_n3A_2414 = arith.select %eq3A_2407, %exp3A_2411, %broadcast_in_dim3A_2413 : vector<512x768xi1>, vector<512x768xf32>
      %jit3A_2415 = arith.constant 1.000000e+00 : f32
      %jit3A_2416 = arith.constant 0.000000e+00 : f32
      %broadcast_in_dim3A_2417 = vector.broadcast %jit3A_2415 : f32 to vector<512x768xf32>
      %broadcast_in_dim3A_2418 = vector.broadcast %jit3A_2416 : f32 to vector<512x768xf32>
      %select_n3A_2419 = arith.select %eq3A_2407, %broadcast_in_dim3A_2417, %broadcast_in_dim3A_2418 : vector<512x768xi1>, vector<512x768xf32>
      %dot_general3A_2420 = arith.constant dense<0.000000e+00> : vector<512x128xf32>
      %dot_general3A_2421 = tpu.matmul %select_n3A_2414, %broadcast_in_dim3A_6, %dot_general3A_2420 {dimension_numbers = #tpu.dot_dimension_numbers<[1], [0], [0], [1], [0, 0, 1, 1], [], []>, transpose_lhs_hint = false} : vector<512x768xf32>, vector<768x128xf32>, vector<512x128xf32> -> vector<512x128xf32>
      %slice3A_2422 = vector.extract_strided_slice %dot_general3A_2421 {offsets = [0, 0], sizes = [512, 1], strides = [1, 1]} : vector<512x128xf32> to vector<512x1xf32>
      %dot_general3A_2423 = arith.constant dense<0.000000e+00> : vector<512x128xf32>
      %dot_general3A_2424 = tpu.matmul %select_n3A_2419, %broadcast_in_dim3A_6, %dot_general3A_2423 {dimension_numbers = #tpu.dot_dimension_numbers<[1], [0], [0], [1], [0, 0, 1, 1], [], []>, transpose_lhs_hint = false} : vector<512x768xf32>, vector<768x128xf32>, vector<512x128xf32> -> vector<512x128xf32>
      %slice3A_2425 = vector.extract_strided_slice %dot_general3A_2424 {offsets = [0, 0], sizes = [512, 1], strides = [1, 1]} : vector<512x128xf32> to vector<512x1xf32>
      %add3A_2426 = arith.addf %while3A_2391, %slice3A_2422 : vector<512x1xf32>
      %add3A_2427 = arith.addf %while3A_2392, %slice3A_2425 : vector<512x1xf32>
      scf.yield %add3A_2426, %add3A_2427 : vector<512x1xf32>, vector<512x1xf32>
    }
    %mul3A_261 = arith.mulf %get3A_141, %get3A_141 : vector<512x64xf32>
    %reduce_sum3A_262 = arith.constant dense<0.000000e+00> : vector<512xf32>
    %reduce_sum3A_263 = vector.multi_reduction <add>, %mul3A_261, %reduce_sum3A_262 [1] : vector<512x64xf32> to vector<512xf32>
    %broadcast_in_dim3A_264 = vector.shape_cast %reduce_sum3A_263 : vector<512xf32> to vector<512x1xf32>
    %neg3A_265 = arith.constant 0.000000e+00 : f32
    %neg3A_266 = vector.broadcast %neg3A_265 : f32 to vector<512x1xf32>
    %neg3A_267 = arith.subf %neg3A_266, %broadcast_in_dim3A_264 : vector<512x1xf32>
    %exp3A_268 = math.exp %neg3A_267 : vector<512x1xf32>
    %sub3A_269 = arith.subf %while3A_260#0, %exp3A_268 : vector<512x1xf32>
    %ge3A_270 = arith.constant 2.000000e+00 : f32
    %ge3A_271 = vector.broadcast %ge3A_270 : f32 to vector<512x1xf32>
    %ge3A_272 = arith.cmpf oge, %while3A_260#1, %ge3A_271 : vector<512x1xf32>
    %log3A_273 = math.log %sub3A_269 : vector<512x1xf32>
    %neg3A_274 = arith.constant 0.000000e+00 : f32
    %neg3A_275 = vector.broadcast %neg3A_274 : f32 to vector<512x1xf32>
    %neg3A_276 = arith.subf %neg3A_275, %log3A_273 : vector<512x1xf32>
    %jit3A_277 = arith.constant 0.000000e+00 : f32
    %broadcast_in_dim3A_278 = vector.broadcast %jit3A_277 : f32 to vector<512x1xf32>
    %select_n3A_279 = arith.select %ge3A_272, %neg3A_276, %broadcast_in_dim3A_278 : vector<512x1xi1>, vector<512x1xf32>
    %add3A_280 = arith.addf %add3A_131, %select_n3A_279 : vector<512x1xf32>
    %sub3A_281 = arith.constant 1.000000e+00 : f32
    %sub3A_282 = vector.broadcast %sub3A_281 : f32 to vector<512x1xf32>
    %sub3A_283 = arith.subf %while3A_260#1, %sub3A_282 : vector<512x1xf32>
    %jit3A_284 = arith.constant 0.000000e+00 : f32
    %broadcast_in_dim3A_285 = vector.broadcast %jit3A_284 : f32 to vector<512x1xf32>
    %select_n3A_286 = arith.select %ge3A_272, %sub3A_283, %broadcast_in_dim3A_285 : vector<512x1xi1>, vector<512x1xf32>
    %add3A_287 = arith.addf %add3A_138, %select_n3A_286 : vector<512x1xf32>
    %get3A_288 = arith.constant 1024 : index
    %get3A_289 = arith.constant 0 : index
    %get3A_290 = vector.load %arg6[%get3A_288, %get3A_289] : memref<8960x64xf32, #tpu.memory_space<vmem>>, vector<512x64xf32>
    %get3A_291 = arith.constant 0 : index
    %get3A_292 = arith.constant 1024 : index
    %get3A_293 = vector.load %arg3[%get3A_291, %get3A_292] : memref<1x8960xi32, #tpu.memory_space<vmem>>, vector<1x512xi32>
    %get3A_294 = arith.constant 1024 : index
    %get3A_295 = memref.load %arg1[%get3A_294] : memref<8960xi32, #tpu.memory_space<smem>>
    %get3A_296 = arith.constant 1535 : index
    %get3A_297 = memref.load %arg1[%get3A_296] : memref<8960xi32, #tpu.memory_space<smem>>
    %scan3A_298 = arith.constant 0 : i32
    %scan3A_299 = arith.constant 8960 : i32
    %scan3A_300 = arith.constant 0 : i32
    %scan3A_301 = arith.constant 14 : i32
    %scan3A_302 = arith.addi %scan3A_300, %scan3A_301 : i32
    %scan3A_303 = arith.constant 1 : i32
    %scan3A_304:2 = scf.for %scan3A_2390 = %scan3A_300 to %scan3A_302 step %scan3A_303 iter_args(%scan3A_2391 = %scan3A_298, %scan3A_2392 = %scan3A_299) -> (i32, i32)  : i32 {
      %add3A_2393 = arith.addi %scan3A_2391, %scan3A_2392 : i32
      %jit3A_2394 = arith.constant 2 : i32
      %div3A_2395 = arith.divsi %add3A_2393, %jit3A_2394 : i32
      %sign3A_2396 = arith.constant 0 : i32
      %sign3A_2397 = arith.cmpi sgt, %add3A_2393, %sign3A_2396 : i32
      %sign3A_2398 = arith.extui %sign3A_2397 : i1 to i32
      %sign3A_2399 = arith.constant 0 : i32
      %sign3A_2400 = arith.cmpi slt, %add3A_2393, %sign3A_2399 : i32
      %sign3A_2401 = arith.extui %sign3A_2400 : i1 to i32
      %sign3A_2402 = arith.subi %sign3A_2398, %sign3A_2401 : i32
      %sign3A_2403 = arith.constant 0 : i32
      %sign3A_2404 = arith.cmpi sgt, %jit3A_2394, %sign3A_2403 : i32
      %sign3A_2405 = arith.extui %sign3A_2404 : i1 to i32
      %sign3A_2406 = arith.constant 0 : i32
      %sign3A_2407 = arith.cmpi slt, %jit3A_2394, %sign3A_2406 : i32
      %sign3A_2408 = arith.extui %sign3A_2407 : i1 to i32
      %sign3A_2409 = arith.subi %sign3A_2405, %sign3A_2408 : i32
      %ne3A_2410 = arith.cmpi ne, %sign3A_2402, %sign3A_2409 : i32
      %rem3A_2411 = arith.remsi %add3A_2393, %jit3A_2394 : i32
      %ne3A_2412 = arith.constant 0 : i32
      %ne3A_2413 = arith.cmpi ne, %rem3A_2411, %ne3A_2412 : i32
      %and3A_2414 = arith.andi %ne3A_2410, %ne3A_2413 : i1
      %sub3A_2415 = arith.constant 1 : i32
      %sub3A_2416 = arith.subi %div3A_2395, %sub3A_2415 : i32
      %select_n3A_2417 = arith.select %and3A_2414, %sub3A_2416, %div3A_2395 : i32
      %lt3A = arith.cmpi slt, %scan3A_2391, %scan3A_2392 : i32
      %get3A_2418 = arith.index_cast %select_n3A_2417 : i32 to index
      %get3A_2419 = memref.load %arg1[%get3A_2418] : memref<8960xi32, #tpu.memory_space<smem>>
      %lt3A_2420 = arith.cmpi slt, %get3A_2419, %get3A_295 : i32
      %and3A_2421 = arith.andi %lt3A, %lt3A_2420 : i1
      %lt3A_2422 = arith.cmpi slt, %scan3A_2391, %scan3A_2392 : i32
      %not3A = arith.constant true
      %not3A_2423 = arith.xori %and3A_2421, %not3A : i1
      %and3A_2424 = arith.andi %lt3A_2422, %not3A_2423 : i1
      %add3A_2425 = arith.constant 1 : i32
      %add3A_2426 = arith.addi %select_n3A_2417, %add3A_2425 : i32
      %select_n3A_2427 = arith.select %and3A_2421, %add3A_2426, %scan3A_2391 : i32
      %select_n3A_2428 = arith.select %and3A_2424, %select_n3A_2417, %scan3A_2392 : i32
      scf.yield %select_n3A_2427, %select_n3A_2428 : i32, i32
    }
    %add3A_305 = arith.constant 1 : i32
    %add3A_306 = arith.addi %get3A_297, %add3A_305 : i32
    %scan3A_307 = arith.constant 0 : i32
    %scan3A_308 = arith.constant 8960 : i32
    %scan3A_309 = arith.constant 0 : i32
    %scan3A_310 = arith.constant 14 : i32
    %scan3A_311 = arith.addi %scan3A_309, %scan3A_310 : i32
    %scan3A_312 = arith.constant 1 : i32
    %scan3A_313:2 = scf.for %scan3A_2390 = %scan3A_309 to %scan3A_311 step %scan3A_312 iter_args(%scan3A_2391 = %scan3A_307, %scan3A_2392 = %scan3A_308) -> (i32, i32)  : i32 {
      %add3A_2393 = arith.addi %scan3A_2391, %scan3A_2392 : i32
      %jit3A_2394 = arith.constant 2 : i32
      %div3A_2395 = arith.divsi %add3A_2393, %jit3A_2394 : i32
      %sign3A_2396 = arith.constant 0 : i32
      %sign3A_2397 = arith.cmpi sgt, %add3A_2393, %sign3A_2396 : i32
      %sign3A_2398 = arith.extui %sign3A_2397 : i1 to i32
      %sign3A_2399 = arith.constant 0 : i32
      %sign3A_2400 = arith.cmpi slt, %add3A_2393, %sign3A_2399 : i32
      %sign3A_2401 = arith.extui %sign3A_2400 : i1 to i32
      %sign3A_2402 = arith.subi %sign3A_2398, %sign3A_2401 : i32
      %sign3A_2403 = arith.constant 0 : i32
      %sign3A_2404 = arith.cmpi sgt, %jit3A_2394, %sign3A_2403 : i32
      %sign3A_2405 = arith.extui %sign3A_2404 : i1 to i32
      %sign3A_2406 = arith.constant 0 : i32
      %sign3A_2407 = arith.cmpi slt, %jit3A_2394, %sign3A_2406 : i32
      %sign3A_2408 = arith.extui %sign3A_2407 : i1 to i32
      %sign3A_2409 = arith.subi %sign3A_2405, %sign3A_2408 : i32
      %ne3A_2410 = arith.cmpi ne, %sign3A_2402, %sign3A_2409 : i32
      %rem3A_2411 = arith.remsi %add3A_2393, %jit3A_2394 : i32
      %ne3A_2412 = arith.constant 0 : i32
      %ne3A_2413 = arith.cmpi ne, %rem3A_2411, %ne3A_2412 : i32
      %and3A_2414 = arith.andi %ne3A_2410, %ne3A_2413 : i1
      %sub3A_2415 = arith.constant 1 : i32
      %sub3A_2416 = arith.subi %div3A_2395, %sub3A_2415 : i32
      %select_n3A_2417 = arith.select %and3A_2414, %sub3A_2416, %div3A_2395 : i32
      %lt3A = arith.cmpi slt, %scan3A_2391, %scan3A_2392 : i32
      %get3A_2418 = arith.index_cast %select_n3A_2417 : i32 to index
      %get3A_2419 = memref.load %arg1[%get3A_2418] : memref<8960xi32, #tpu.memory_space<smem>>
      %lt3A_2420 = arith.cmpi slt, %get3A_2419, %add3A_306 : i32
      %and3A_2421 = arith.andi %lt3A, %lt3A_2420 : i1
      %lt3A_2422 = arith.cmpi slt, %scan3A_2391, %scan3A_2392 : i32
      %not3A = arith.constant true
      %not3A_2423 = arith.xori %and3A_2421, %not3A : i1
      %and3A_2424 = arith.andi %lt3A_2422, %not3A_2423 : i1
      %add3A_2425 = arith.constant 1 : i32
      %add3A_2426 = arith.addi %select_n3A_2417, %add3A_2425 : i32
      %select_n3A_2427 = arith.select %and3A_2421, %add3A_2426, %scan3A_2391 : i32
      %select_n3A_2428 = arith.select %and3A_2424, %select_n3A_2417, %scan3A_2392 : i32
      scf.yield %select_n3A_2427, %select_n3A_2428 : i32, i32
    }
    %jit3A_314 = arith.constant 128 : i32
    %div3A_315 = arith.divsi %scan3A_304#0, %jit3A_314 : i32
    %sign3A_316 = arith.constant 0 : i32
    %sign3A_317 = arith.cmpi sgt, %scan3A_304#0, %sign3A_316 : i32
    %sign3A_318 = arith.extui %sign3A_317 : i1 to i32
    %sign3A_319 = arith.constant 0 : i32
    %sign3A_320 = arith.cmpi slt, %scan3A_304#0, %sign3A_319 : i32
    %sign3A_321 = arith.extui %sign3A_320 : i1 to i32
    %sign3A_322 = arith.subi %sign3A_318, %sign3A_321 : i32
    %sign3A_323 = arith.constant 0 : i32
    %sign3A_324 = arith.cmpi sgt, %jit3A_314, %sign3A_323 : i32
    %sign3A_325 = arith.extui %sign3A_324 : i1 to i32
    %sign3A_326 = arith.constant 0 : i32
    %sign3A_327 = arith.cmpi slt, %jit3A_314, %sign3A_326 : i32
    %sign3A_328 = arith.extui %sign3A_327 : i1 to i32
    %sign3A_329 = arith.subi %sign3A_325, %sign3A_328 : i32
    %ne3A_330 = arith.cmpi ne, %sign3A_322, %sign3A_329 : i32
    %rem3A_331 = arith.remsi %scan3A_304#0, %jit3A_314 : i32
    %ne3A_332 = arith.constant 0 : i32
    %ne3A_333 = arith.cmpi ne, %rem3A_331, %ne3A_332 : i32
    %and3A_334 = arith.andi %ne3A_330, %ne3A_333 : i1
    %sub3A_335 = arith.constant 1 : i32
    %sub3A_336 = arith.subi %div3A_315, %sub3A_335 : i32
    %select_n3A_337 = arith.select %and3A_334, %sub3A_336, %div3A_315 : i32
    %mul3A_338 = arith.constant 128 : i32
    %mul3A_339 = arith.muli %select_n3A_337, %mul3A_338 : i32
    %sub3A_340 = arith.subi %scan3A_313#0, %mul3A_339 : i32
    %add3A_341 = arith.constant 768 : i32
    %add3A_342 = arith.addi %sub3A_340, %add3A_341 : i32
    %sub3A_343 = arith.constant 1 : i32
    %sub3A_344 = arith.subi %add3A_342, %sub3A_343 : i32
    %jit3A_345 = arith.constant 768 : i32
    %div3A_346 = arith.divsi %sub3A_344, %jit3A_345 : i32
    %sign3A_347 = arith.constant 0 : i32
    %sign3A_348 = arith.cmpi sgt, %sub3A_344, %sign3A_347 : i32
    %sign3A_349 = arith.extui %sign3A_348 : i1 to i32
    %sign3A_350 = arith.constant 0 : i32
    %sign3A_351 = arith.cmpi slt, %sub3A_344, %sign3A_350 : i32
    %sign3A_352 = arith.extui %sign3A_351 : i1 to i32
    %sign3A_353 = arith.subi %sign3A_349, %sign3A_352 : i32
    %sign3A_354 = arith.constant 0 : i32
    %sign3A_355 = arith.cmpi sgt, %jit3A_345, %sign3A_354 : i32
    %sign3A_356 = arith.extui %sign3A_355 : i1 to i32
    %sign3A_357 = arith.constant 0 : i32
    %sign3A_358 = arith.cmpi slt, %jit3A_345, %sign3A_357 : i32
    %sign3A_359 = arith.extui %sign3A_358 : i1 to i32
    %sign3A_360 = arith.subi %sign3A_356, %sign3A_359 : i32
    %ne3A_361 = arith.cmpi ne, %sign3A_353, %sign3A_360 : i32
    %rem3A_362 = arith.remsi %sub3A_344, %jit3A_345 : i32
    %ne3A_363 = arith.constant 0 : i32
    %ne3A_364 = arith.cmpi ne, %rem3A_362, %ne3A_363 : i32
    %and3A_365 = arith.andi %ne3A_361, %ne3A_364 : i1
    %sub3A_366 = arith.constant 1 : i32
    %sub3A_367 = arith.subi %div3A_346, %sub3A_366 : i32
    %select_n3A_368 = arith.select %and3A_365, %sub3A_367, %div3A_346 : i32
    %get3A_369 = arith.index_cast %mul3A_339 : i32 to index
    %get3A_370 = arith.constant 0 : index
    %get3A_371 = vector.load %arg6[%get3A_369, %get3A_370] : memref<8960x64xf32, #tpu.memory_space<vmem>>, vector<768x64xf32>
    %get3A_372 = arith.constant 0 : index
    %get3A_373 = arith.index_cast %mul3A_339 : i32 to index
    %get3A_374 = vector.load %arg3[%get3A_372, %get3A_373] : memref<1x8960xi32, #tpu.memory_space<vmem>>, vector<1x768xi32>
    %dot_general3A_375 = arith.constant dense<0.000000e+00> : vector<512x768xf32>
    %dot_general3A_376 = tpu.matmul %get3A_290, %get3A_371, %dot_general3A_375 {dimension_numbers = #tpu.dot_dimension_numbers<[1], [1], [0], [0], [0, 0, 1, 0], [], []>, transpose_lhs_hint = false} : vector<512x64xf32>, vector<768x64xf32>, vector<512x768xf32> -> vector<512x768xf32>
    %transpose3A_377 = tpu.transpose %get3A_293, [1, 0] : vector<1x512xi32> -> vector<512x1xi32>
    %eq3A_378 = vector.broadcast %transpose3A_377 : vector<512x1xi32> to vector<512x768xi32>
    %eq3A_379 = vector.broadcast %get3A_374 : vector<1x768xi32> to vector<512x768xi32>
    %eq3A_380 = arith.cmpi eq, %eq3A_378, %eq3A_379 : vector<512x768xi32>
    %neg3A_381 = arith.constant 0.000000e+00 : f32
    %neg3A_382 = vector.broadcast %neg3A_381 : f32 to vector<512x768xf32>
    %neg3A_383 = arith.subf %neg3A_382, %dot_general3A_376 : vector<512x768xf32>
    %exp3A_384 = math.exp %neg3A_383 : vector<512x768xf32>
    %jit3A_385 = arith.constant 0.000000e+00 : f32
    %broadcast_in_dim3A_386 = vector.broadcast %jit3A_385 : f32 to vector<512x768xf32>
    %select_n3A_387 = arith.select %eq3A_380, %exp3A_384, %broadcast_in_dim3A_386 : vector<512x768xi1>, vector<512x768xf32>
    %jit3A_388 = arith.constant 1.000000e+00 : f32
    %jit3A_389 = arith.constant 0.000000e+00 : f32
    %broadcast_in_dim3A_390 = vector.broadcast %jit3A_388 : f32 to vector<512x768xf32>
    %broadcast_in_dim3A_391 = vector.broadcast %jit3A_389 : f32 to vector<512x768xf32>
    %select_n3A_392 = arith.select %eq3A_380, %broadcast_in_dim3A_390, %broadcast_in_dim3A_391 : vector<512x768xi1>, vector<512x768xf32>
    %dot_general3A_393 = arith.constant dense<0.000000e+00> : vector<512x128xf32>
    %dot_general3A_394 = tpu.matmul %select_n3A_387, %broadcast_in_dim3A_6, %dot_general3A_393 {dimension_numbers = #tpu.dot_dimension_numbers<[1], [0], [0], [1], [0, 0, 1, 1], [], []>, transpose_lhs_hint = false} : vector<512x768xf32>, vector<768x128xf32>, vector<512x128xf32> -> vector<512x128xf32>
    %slice3A_395 = vector.extract_strided_slice %dot_general3A_394 {offsets = [0, 0], sizes = [512, 1], strides = [1, 1]} : vector<512x128xf32> to vector<512x1xf32>
    %dot_general3A_396 = arith.constant dense<0.000000e+00> : vector<512x128xf32>
    %dot_general3A_397 = tpu.matmul %select_n3A_392, %broadcast_in_dim3A_6, %dot_general3A_396 {dimension_numbers = #tpu.dot_dimension_numbers<[1], [0], [0], [1], [0, 0, 1, 1], [], []>, transpose_lhs_hint = false} : vector<512x768xf32>, vector<768x128xf32>, vector<512x128xf32> -> vector<512x128xf32>
    %slice3A_398 = vector.extract_strided_slice %dot_general3A_397 {offsets = [0, 0], sizes = [512, 1], strides = [1, 1]} : vector<512x128xf32> to vector<512x1xf32>
    %while3A_399 = arith.constant 1 : i32
    %while3A_400 = arith.subi %select_n3A_368, %while3A_399 : i32
    %while3A_401 = arith.addi %while3A_399, %while3A_400 : i32
    %while3A_402 = arith.constant 1 : i32
    %while3A_403 = arith.divsi %while3A_400, %while3A_402 : i32
    %while3A_404 = arith.muli %while3A_403, %while3A_402 : i32
    %while3A_405 = arith.addi %while3A_399, %while3A_404 : i32
    %while3A_406 = arith.constant 1 : i32
    %while3A_407:2 = scf.for %while3A_2390 = %while3A_399 to %while3A_405 step %while3A_406 iter_args(%while3A_2391 = %slice3A_395, %while3A_2392 = %slice3A_398) -> (vector<512x1xf32>, vector<512x1xf32>)  : i32 {
      %mul3A_2393 = arith.constant 768 : i32
      %mul3A_2394 = arith.muli %while3A_2390, %mul3A_2393 : i32
      %add3A_2395 = arith.addi %mul3A_339, %mul3A_2394 : i32
      %get3A_2396 = arith.index_cast %add3A_2395 : i32 to index
      %get3A_2397 = arith.constant 0 : index
      %get3A_2398 = vector.load %arg6[%get3A_2396, %get3A_2397] : memref<8960x64xf32, #tpu.memory_space<vmem>>, vector<768x64xf32>
      %get3A_2399 = arith.constant 0 : index
      %get3A_2400 = arith.index_cast %add3A_2395 : i32 to index
      %get3A_2401 = vector.load %arg3[%get3A_2399, %get3A_2400] : memref<1x8960xi32, #tpu.memory_space<vmem>>, vector<1x768xi32>
      %dot_general3A_2402 = arith.constant dense<0.000000e+00> : vector<512x768xf32>
      %dot_general3A_2403 = tpu.matmul %get3A_290, %get3A_2398, %dot_general3A_2402 {dimension_numbers = #tpu.dot_dimension_numbers<[1], [1], [0], [0], [0, 0, 1, 0], [], []>, transpose_lhs_hint = false} : vector<512x64xf32>, vector<768x64xf32>, vector<512x768xf32> -> vector<512x768xf32>
      %transpose3A_2404 = tpu.transpose %get3A_293, [1, 0] : vector<1x512xi32> -> vector<512x1xi32>
      %eq3A_2405 = vector.broadcast %transpose3A_2404 : vector<512x1xi32> to vector<512x768xi32>
      %eq3A_2406 = vector.broadcast %get3A_2401 : vector<1x768xi32> to vector<512x768xi32>
      %eq3A_2407 = arith.cmpi eq, %eq3A_2405, %eq3A_2406 : vector<512x768xi32>
      %neg3A_2408 = arith.constant 0.000000e+00 : f32
      %neg3A_2409 = vector.broadcast %neg3A_2408 : f32 to vector<512x768xf32>
      %neg3A_2410 = arith.subf %neg3A_2409, %dot_general3A_2403 : vector<512x768xf32>
      %exp3A_2411 = math.exp %neg3A_2410 : vector<512x768xf32>
      %jit3A_2412 = arith.constant 0.000000e+00 : f32
      %broadcast_in_dim3A_2413 = vector.broadcast %jit3A_2412 : f32 to vector<512x768xf32>
      %select_n3A_2414 = arith.select %eq3A_2407, %exp3A_2411, %broadcast_in_dim3A_2413 : vector<512x768xi1>, vector<512x768xf32>
      %jit3A_2415 = arith.constant 1.000000e+00 : f32
      %jit3A_2416 = arith.constant 0.000000e+00 : f32
      %broadcast_in_dim3A_2417 = vector.broadcast %jit3A_2415 : f32 to vector<512x768xf32>
      %broadcast_in_dim3A_2418 = vector.broadcast %jit3A_2416 : f32 to vector<512x768xf32>
      %select_n3A_2419 = arith.select %eq3A_2407, %broadcast_in_dim3A_2417, %broadcast_in_dim3A_2418 : vector<512x768xi1>, vector<512x768xf32>
      %dot_general3A_2420 = arith.constant dense<0.000000e+00> : vector<512x128xf32>
      %dot_general3A_2421 = tpu.matmul %select_n3A_2414, %broadcast_in_dim3A_6, %dot_general3A_2420 {dimension_numbers = #tpu.dot_dimension_numbers<[1], [0], [0], [1], [0, 0, 1, 1], [], []>, transpose_lhs_hint = false} : vector<512x768xf32>, vector<768x128xf32>, vector<512x128xf32> -> vector<512x128xf32>
      %slice3A_2422 = vector.extract_strided_slice %dot_general3A_2421 {offsets = [0, 0], sizes = [512, 1], strides = [1, 1]} : vector<512x128xf32> to vector<512x1xf32>
      %dot_general3A_2423 = arith.constant dense<0.000000e+00> : vector<512x128xf32>
      %dot_general3A_2424 = tpu.matmul %select_n3A_2419, %broadcast_in_dim3A_6, %dot_general3A_2423 {dimension_numbers = #tpu.dot_dimension_numbers<[1], [0], [0], [1], [0, 0, 1, 1], [], []>, transpose_lhs_hint = false} : vector<512x768xf32>, vector<768x128xf32>, vector<512x128xf32> -> vector<512x128xf32>
      %slice3A_2425 = vector.extract_strided_slice %dot_general3A_2424 {offsets = [0, 0], sizes = [512, 1], strides = [1, 1]} : vector<512x128xf32> to vector<512x1xf32>
      %add3A_2426 = arith.addf %while3A_2391, %slice3A_2422 : vector<512x1xf32>
      %add3A_2427 = arith.addf %while3A_2392, %slice3A_2425 : vector<512x1xf32>
      scf.yield %add3A_2426, %add3A_2427 : vector<512x1xf32>, vector<512x1xf32>
    }
    %while3A_408 = arith.constant 1 : i32
    %while3A_409:2 = scf.for %while3A_2390 = %while3A_405 to %while3A_401 step %while3A_408 iter_args(%while3A_2391 = %while3A_407#0, %while3A_2392 = %while3A_407#1) -> (vector<512x1xf32>, vector<512x1xf32>)  : i32 {
      %mul3A_2393 = arith.constant 768 : i32
      %mul3A_2394 = arith.muli %while3A_2390, %mul3A_2393 : i32
      %add3A_2395 = arith.addi %mul3A_339, %mul3A_2394 : i32
      %get3A_2396 = arith.index_cast %add3A_2395 : i32 to index
      %get3A_2397 = arith.constant 0 : index
      %get3A_2398 = vector.load %arg6[%get3A_2396, %get3A_2397] : memref<8960x64xf32, #tpu.memory_space<vmem>>, vector<768x64xf32>
      %get3A_2399 = arith.constant 0 : index
      %get3A_2400 = arith.index_cast %add3A_2395 : i32 to index
      %get3A_2401 = vector.load %arg3[%get3A_2399, %get3A_2400] : memref<1x8960xi32, #tpu.memory_space<vmem>>, vector<1x768xi32>
      %dot_general3A_2402 = arith.constant dense<0.000000e+00> : vector<512x768xf32>
      %dot_general3A_2403 = tpu.matmul %get3A_290, %get3A_2398, %dot_general3A_2402 {dimension_numbers = #tpu.dot_dimension_numbers<[1], [1], [0], [0], [0, 0, 1, 0], [], []>, transpose_lhs_hint = false} : vector<512x64xf32>, vector<768x64xf32>, vector<512x768xf32> -> vector<512x768xf32>
      %transpose3A_2404 = tpu.transpose %get3A_293, [1, 0] : vector<1x512xi32> -> vector<512x1xi32>
      %eq3A_2405 = vector.broadcast %transpose3A_2404 : vector<512x1xi32> to vector<512x768xi32>
      %eq3A_2406 = vector.broadcast %get3A_2401 : vector<1x768xi32> to vector<512x768xi32>
      %eq3A_2407 = arith.cmpi eq, %eq3A_2405, %eq3A_2406 : vector<512x768xi32>
      %neg3A_2408 = arith.constant 0.000000e+00 : f32
      %neg3A_2409 = vector.broadcast %neg3A_2408 : f32 to vector<512x768xf32>
      %neg3A_2410 = arith.subf %neg3A_2409, %dot_general3A_2403 : vector<512x768xf32>
      %exp3A_2411 = math.exp %neg3A_2410 : vector<512x768xf32>
      %jit3A_2412 = arith.constant 0.000000e+00 : f32
      %broadcast_in_dim3A_2413 = vector.broadcast %jit3A_2412 : f32 to vector<512x768xf32>
      %select_n3A_2414 = arith.select %eq3A_2407, %exp3A_2411, %broadcast_in_dim3A_2413 : vector<512x768xi1>, vector<512x768xf32>
      %jit3A_2415 = arith.constant 1.000000e+00 : f32
      %jit3A_2416 = arith.constant 0.000000e+00 : f32
      %broadcast_in_dim3A_2417 = vector.broadcast %jit3A_2415 : f32 to vector<512x768xf32>
      %broadcast_in_dim3A_2418 = vector.broadcast %jit3A_2416 : f32 to vector<512x768xf32>
      %select_n3A_2419 = arith.select %eq3A_2407, %broadcast_in_dim3A_2417, %broadcast_in_dim3A_2418 : vector<512x768xi1>, vector<512x768xf32>
      %dot_general3A_2420 = arith.constant dense<0.000000e+00> : vector<512x128xf32>
      %dot_general3A_2421 = tpu.matmul %select_n3A_2414, %broadcast_in_dim3A_6, %dot_general3A_2420 {dimension_numbers = #tpu.dot_dimension_numbers<[1], [0], [0], [1], [0, 0, 1, 1], [], []>, transpose_lhs_hint = false} : vector<512x768xf32>, vector<768x128xf32>, vector<512x128xf32> -> vector<512x128xf32>
      %slice3A_2422 = vector.extract_strided_slice %dot_general3A_2421 {offsets = [0, 0], sizes = [512, 1], strides = [1, 1]} : vector<512x128xf32> to vector<512x1xf32>
      %dot_general3A_2423 = arith.constant dense<0.000000e+00> : vector<512x128xf32>
      %dot_general3A_2424 = tpu.matmul %select_n3A_2419, %broadcast_in_dim3A_6, %dot_general3A_2423 {dimension_numbers = #tpu.dot_dimension_numbers<[1], [0], [0], [1], [0, 0, 1, 1], [], []>, transpose_lhs_hint = false} : vector<512x768xf32>, vector<768x128xf32>, vector<512x128xf32> -> vector<512x128xf32>
      %slice3A_2425 = vector.extract_strided_slice %dot_general3A_2424 {offsets = [0, 0], sizes = [512, 1], strides = [1, 1]} : vector<512x128xf32> to vector<512x1xf32>
      %add3A_2426 = arith.addf %while3A_2391, %slice3A_2422 : vector<512x1xf32>
      %add3A_2427 = arith.addf %while3A_2392, %slice3A_2425 : vector<512x1xf32>
      scf.yield %add3A_2426, %add3A_2427 : vector<512x1xf32>, vector<512x1xf32>
    }
    %mul3A_410 = arith.mulf %get3A_290, %get3A_290 : vector<512x64xf32>
    %reduce_sum3A_411 = arith.constant dense<0.000000e+00> : vector<512xf32>
    %reduce_sum3A_412 = vector.multi_reduction <add>, %mul3A_410, %reduce_sum3A_411 [1] : vector<512x64xf32> to vector<512xf32>
    %broadcast_in_dim3A_413 = vector.shape_cast %reduce_sum3A_412 : vector<512xf32> to vector<512x1xf32>
    %neg3A_414 = arith.constant 0.000000e+00 : f32
    %neg3A_415 = vector.broadcast %neg3A_414 : f32 to vector<512x1xf32>
    %neg3A_416 = arith.subf %neg3A_415, %broadcast_in_dim3A_413 : vector<512x1xf32>
    %exp3A_417 = math.exp %neg3A_416 : vector<512x1xf32>
    %sub3A_418 = arith.subf %while3A_409#0, %exp3A_417 : vector<512x1xf32>
    %ge3A_419 = arith.constant 2.000000e+00 : f32
    %ge3A_420 = vector.broadcast %ge3A_419 : f32 to vector<512x1xf32>
    %ge3A_421 = arith.cmpf oge, %while3A_409#1, %ge3A_420 : vector<512x1xf32>
    %log3A_422 = math.log %sub3A_418 : vector<512x1xf32>
    %neg3A_423 = arith.constant 0.000000e+00 : f32
    %neg3A_424 = vector.broadcast %neg3A_423 : f32 to vector<512x1xf32>
    %neg3A_425 = arith.subf %neg3A_424, %log3A_422 : vector<512x1xf32>
    %jit3A_426 = arith.constant 0.000000e+00 : f32
    %broadcast_in_dim3A_427 = vector.broadcast %jit3A_426 : f32 to vector<512x1xf32>
    %select_n3A_428 = arith.select %ge3A_421, %neg3A_425, %broadcast_in_dim3A_427 : vector<512x1xi1>, vector<512x1xf32>
    %add3A_429 = arith.addf %add3A_280, %select_n3A_428 : vector<512x1xf32>
    %sub3A_430 = arith.constant 1.000000e+00 : f32
    %sub3A_431 = vector.broadcast %sub3A_430 : f32 to vector<512x1xf32>
    %sub3A_432 = arith.subf %while3A_409#1, %sub3A_431 : vector<512x1xf32>
    %jit3A_433 = arith.constant 0.000000e+00 : f32
    %broadcast_in_dim3A_434 = vector.broadcast %jit3A_433 : f32 to vector<512x1xf32>
    %select_n3A_435 = arith.select %ge3A_421, %sub3A_432, %broadcast_in_dim3A_434 : vector<512x1xi1>, vector<512x1xf32>
    %add3A_436 = arith.addf %add3A_287, %select_n3A_435 : vector<512x1xf32>
    %get3A_437 = arith.constant 1536 : index
    %get3A_438 = arith.constant 0 : index
    %get3A_439 = vector.load %arg6[%get3A_437, %get3A_438] : memref<8960x64xf32, #tpu.memory_space<vmem>>, vector<512x64xf32>
    %get3A_440 = arith.constant 0 : index
    %get3A_441 = arith.constant 1536 : index
    %get3A_442 = vector.load %arg3[%get3A_440, %get3A_441] : memref<1x8960xi32, #tpu.memory_space<vmem>>, vector<1x512xi32>
    %get3A_443 = arith.constant 1536 : index
    %get3A_444 = memref.load %arg1[%get3A_443] : memref<8960xi32, #tpu.memory_space<smem>>
    %get3A_445 = arith.constant 2047 : index
    %get3A_446 = memref.load %arg1[%get3A_445] : memref<8960xi32, #tpu.memory_space<smem>>
    %scan3A_447 = arith.constant 0 : i32
    %scan3A_448 = arith.constant 8960 : i32
    %scan3A_449 = arith.constant 0 : i32
    %scan3A_450 = arith.constant 14 : i32
    %scan3A_451 = arith.addi %scan3A_449, %scan3A_450 : i32
    %scan3A_452 = arith.constant 1 : i32
    %scan3A_453:2 = scf.for %scan3A_2390 = %scan3A_449 to %scan3A_451 step %scan3A_452 iter_args(%scan3A_2391 = %scan3A_447, %scan3A_2392 = %scan3A_448) -> (i32, i32)  : i32 {
      %add3A_2393 = arith.addi %scan3A_2391, %scan3A_2392 : i32
      %jit3A_2394 = arith.constant 2 : i32
      %div3A_2395 = arith.divsi %add3A_2393, %jit3A_2394 : i32
      %sign3A_2396 = arith.constant 0 : i32
      %sign3A_2397 = arith.cmpi sgt, %add3A_2393, %sign3A_2396 : i32
      %sign3A_2398 = arith.extui %sign3A_2397 : i1 to i32
      %sign3A_2399 = arith.constant 0 : i32
      %sign3A_2400 = arith.cmpi slt, %add3A_2393, %sign3A_2399 : i32
      %sign3A_2401 = arith.extui %sign3A_2400 : i1 to i32
      %sign3A_2402 = arith.subi %sign3A_2398, %sign3A_2401 : i32
      %sign3A_2403 = arith.constant 0 : i32
      %sign3A_2404 = arith.cmpi sgt, %jit3A_2394, %sign3A_2403 : i32
      %sign3A_2405 = arith.extui %sign3A_2404 : i1 to i32
      %sign3A_2406 = arith.constant 0 : i32
      %sign3A_2407 = arith.cmpi slt, %jit3A_2394, %sign3A_2406 : i32
      %sign3A_2408 = arith.extui %sign3A_2407 : i1 to i32
      %sign3A_2409 = arith.subi %sign3A_2405, %sign3A_2408 : i32
      %ne3A_2410 = arith.cmpi ne, %sign3A_2402, %sign3A_2409 : i32
      %rem3A_2411 = arith.remsi %add3A_2393, %jit3A_2394 : i32
      %ne3A_2412 = arith.constant 0 : i32
      %ne3A_2413 = arith.cmpi ne, %rem3A_2411, %ne3A_2412 : i32
      %and3A_2414 = arith.andi %ne3A_2410, %ne3A_2413 : i1
      %sub3A_2415 = arith.constant 1 : i32
      %sub3A_2416 = arith.subi %div3A_2395, %sub3A_2415 : i32
      %select_n3A_2417 = arith.select %and3A_2414, %sub3A_2416, %div3A_2395 : i32
      %lt3A = arith.cmpi slt, %scan3A_2391, %scan3A_2392 : i32
      %get3A_2418 = arith.index_cast %select_n3A_2417 : i32 to index
      %get3A_2419 = memref.load %arg1[%get3A_2418] : memref<8960xi32, #tpu.memory_space<smem>>
      %lt3A_2420 = arith.cmpi slt, %get3A_2419, %get3A_444 : i32
      %and3A_2421 = arith.andi %lt3A, %lt3A_2420 : i1
      %lt3A_2422 = arith.cmpi slt, %scan3A_2391, %scan3A_2392 : i32
      %not3A = arith.constant true
      %not3A_2423 = arith.xori %and3A_2421, %not3A : i1
      %and3A_2424 = arith.andi %lt3A_2422, %not3A_2423 : i1
      %add3A_2425 = arith.constant 1 : i32
      %add3A_2426 = arith.addi %select_n3A_2417, %add3A_2425 : i32
      %select_n3A_2427 = arith.select %and3A_2421, %add3A_2426, %scan3A_2391 : i32
      %select_n3A_2428 = arith.select %and3A_2424, %select_n3A_2417, %scan3A_2392 : i32
      scf.yield %select_n3A_2427, %select_n3A_2428 : i32, i32
    }
    %add3A_454 = arith.constant 1 : i32
    %add3A_455 = arith.addi %get3A_446, %add3A_454 : i32
    %scan3A_456 = arith.constant 0 : i32
    %scan3A_457 = arith.constant 8960 : i32
    %scan3A_458 = arith.constant 0 : i32
    %scan3A_459 = arith.constant 14 : i32
    %scan3A_460 = arith.addi %scan3A_458, %scan3A_459 : i32
    %scan3A_461 = arith.constant 1 : i32
    %scan3A_462:2 = scf.for %scan3A_2390 = %scan3A_458 to %scan3A_460 step %scan3A_461 iter_args(%scan3A_2391 = %scan3A_456, %scan3A_2392 = %scan3A_457) -> (i32, i32)  : i32 {
      %add3A_2393 = arith.addi %scan3A_2391, %scan3A_2392 : i32
      %jit3A_2394 = arith.constant 2 : i32
      %div3A_2395 = arith.divsi %add3A_2393, %jit3A_2394 : i32
      %sign3A_2396 = arith.constant 0 : i32
      %sign3A_2397 = arith.cmpi sgt, %add3A_2393, %sign3A_2396 : i32
      %sign3A_2398 = arith.extui %sign3A_2397 : i1 to i32
      %sign3A_2399 = arith.constant 0 : i32
      %sign3A_2400 = arith.cmpi slt, %add3A_2393, %sign3A_2399 : i32
      %sign3A_2401 = arith.extui %sign3A_2400 : i1 to i32
      %sign3A_2402 = arith.subi %sign3A_2398, %sign3A_2401 : i32
      %sign3A_2403 = arith.constant 0 : i32
      %sign3A_2404 = arith.cmpi sgt, %jit3A_2394, %sign3A_2403 : i32
      %sign3A_2405 = arith.extui %sign3A_2404 : i1 to i32
      %sign3A_2406 = arith.constant 0 : i32
      %sign3A_2407 = arith.cmpi slt, %jit3A_2394, %sign3A_2406 : i32
      %sign3A_2408 = arith.extui %sign3A_2407 : i1 to i32
      %sign3A_2409 = arith.subi %sign3A_2405, %sign3A_2408 : i32
      %ne3A_2410 = arith.cmpi ne, %sign3A_2402, %sign3A_2409 : i32
      %rem3A_2411 = arith.remsi %add3A_2393, %jit3A_2394 : i32
      %ne3A_2412 = arith.constant 0 : i32
      %ne3A_2413 = arith.cmpi ne, %rem3A_2411, %ne3A_2412 : i32
      %and3A_2414 = arith.andi %ne3A_2410, %ne3A_2413 : i1
      %sub3A_2415 = arith.constant 1 : i32
      %sub3A_2416 = arith.subi %div3A_2395, %sub3A_2415 : i32
      %select_n3A_2417 = arith.select %and3A_2414, %sub3A_2416, %div3A_2395 : i32
      %lt3A = arith.cmpi slt, %scan3A_2391, %scan3A_2392 : i32
      %get3A_2418 = arith.index_cast %select_n3A_2417 : i32 to index
      %get3A_2419 = memref.load %arg1[%get3A_2418] : memref<8960xi32, #tpu.memory_space<smem>>
      %lt3A_2420 = arith.cmpi slt, %get3A_2419, %add3A_455 : i32
      %and3A_2421 = arith.andi %lt3A, %lt3A_2420 : i1
      %lt3A_2422 = arith.cmpi slt, %scan3A_2391, %scan3A_2392 : i32
      %not3A = arith.constant true
      %not3A_2423 = arith.xori %and3A_2421, %not3A : i1
      %and3A_2424 = arith.andi %lt3A_2422, %not3A_2423 : i1
      %add3A_2425 = arith.constant 1 : i32
      %add3A_2426 = arith.addi %select_n3A_2417, %add3A_2425 : i32
      %select_n3A_2427 = arith.select %and3A_2421, %add3A_2426, %scan3A_2391 : i32
      %select_n3A_2428 = arith.select %and3A_2424, %select_n3A_2417, %scan3A_2392 : i32
      scf.yield %select_n3A_2427, %select_n3A_2428 : i32, i32
    }
    %jit3A_463 = arith.constant 128 : i32
    %div3A_464 = arith.divsi %scan3A_453#0, %jit3A_463 : i32
    %sign3A_465 = arith.constant 0 : i32
    %sign3A_466 = arith.cmpi sgt, %scan3A_453#0, %sign3A_465 : i32
    %sign3A_467 = arith.extui %sign3A_466 : i1 to i32
    %sign3A_468 = arith.constant 0 : i32
    %sign3A_469 = arith.cmpi slt, %scan3A_453#0, %sign3A_468 : i32
    %sign3A_470 = arith.extui %sign3A_469 : i1 to i32
    %sign3A_471 = arith.subi %sign3A_467, %sign3A_470 : i32
    %sign3A_472 = arith.constant 0 : i32
    %sign3A_473 = arith.cmpi sgt, %jit3A_463, %sign3A_472 : i32
    %sign3A_474 = arith.extui %sign3A_473 : i1 to i32
    %sign3A_475 = arith.constant 0 : i32
    %sign3A_476 = arith.cmpi slt, %jit3A_463, %sign3A_475 : i32
    %sign3A_477 = arith.extui %sign3A_476 : i1 to i32
    %sign3A_478 = arith.subi %sign3A_474, %sign3A_477 : i32
    %ne3A_479 = arith.cmpi ne, %sign3A_471, %sign3A_478 : i32
    %rem3A_480 = arith.remsi %scan3A_453#0, %jit3A_463 : i32
    %ne3A_481 = arith.constant 0 : i32
    %ne3A_482 = arith.cmpi ne, %rem3A_480, %ne3A_481 : i32
    %and3A_483 = arith.andi %ne3A_479, %ne3A_482 : i1
    %sub3A_484 = arith.constant 1 : i32
    %sub3A_485 = arith.subi %div3A_464, %sub3A_484 : i32
    %select_n3A_486 = arith.select %and3A_483, %sub3A_485, %div3A_464 : i32
    %mul3A_487 = arith.constant 128 : i32
    %mul3A_488 = arith.muli %select_n3A_486, %mul3A_487 : i32
    %sub3A_489 = arith.subi %scan3A_462#0, %mul3A_488 : i32
    %add3A_490 = arith.constant 768 : i32
    %add3A_491 = arith.addi %sub3A_489, %add3A_490 : i32
    %sub3A_492 = arith.constant 1 : i32
    %sub3A_493 = arith.subi %add3A_491, %sub3A_492 : i32
    %jit3A_494 = arith.constant 768 : i32
    %div3A_495 = arith.divsi %sub3A_493, %jit3A_494 : i32
    %sign3A_496 = arith.constant 0 : i32
    %sign3A_497 = arith.cmpi sgt, %sub3A_493, %sign3A_496 : i32
    %sign3A_498 = arith.extui %sign3A_497 : i1 to i32
    %sign3A_499 = arith.constant 0 : i32
    %sign3A_500 = arith.cmpi slt, %sub3A_493, %sign3A_499 : i32
    %sign3A_501 = arith.extui %sign3A_500 : i1 to i32
    %sign3A_502 = arith.subi %sign3A_498, %sign3A_501 : i32
    %sign3A_503 = arith.constant 0 : i32
    %sign3A_504 = arith.cmpi sgt, %jit3A_494, %sign3A_503 : i32
    %sign3A_505 = arith.extui %sign3A_504 : i1 to i32
    %sign3A_506 = arith.constant 0 : i32
    %sign3A_507 = arith.cmpi slt, %jit3A_494, %sign3A_506 : i32
    %sign3A_508 = arith.extui %sign3A_507 : i1 to i32
    %sign3A_509 = arith.subi %sign3A_505, %sign3A_508 : i32
    %ne3A_510 = arith.cmpi ne, %sign3A_502, %sign3A_509 : i32
    %rem3A_511 = arith.remsi %sub3A_493, %jit3A_494 : i32
    %ne3A_512 = arith.constant 0 : i32
    %ne3A_513 = arith.cmpi ne, %rem3A_511, %ne3A_512 : i32
    %and3A_514 = arith.andi %ne3A_510, %ne3A_513 : i1
    %sub3A_515 = arith.constant 1 : i32
    %sub3A_516 = arith.subi %div3A_495, %sub3A_515 : i32
    %select_n3A_517 = arith.select %and3A_514, %sub3A_516, %div3A_495 : i32
    %get3A_518 = arith.index_cast %mul3A_488 : i32 to index
    %get3A_519 = arith.constant 0 : index
    %get3A_520 = vector.load %arg6[%get3A_518, %get3A_519] : memref<8960x64xf32, #tpu.memory_space<vmem>>, vector<768x64xf32>
    %get3A_521 = arith.constant 0 : index
    %get3A_522 = arith.index_cast %mul3A_488 : i32 to index
    %get3A_523 = vector.load %arg3[%get3A_521, %get3A_522] : memref<1x8960xi32, #tpu.memory_space<vmem>>, vector<1x768xi32>
    %dot_general3A_524 = arith.constant dense<0.000000e+00> : vector<512x768xf32>
    %dot_general3A_525 = tpu.matmul %get3A_439, %get3A_520, %dot_general3A_524 {dimension_numbers = #tpu.dot_dimension_numbers<[1], [1], [0], [0], [0, 0, 1, 0], [], []>, transpose_lhs_hint = false} : vector<512x64xf32>, vector<768x64xf32>, vector<512x768xf32> -> vector<512x768xf32>
    %transpose3A_526 = tpu.transpose %get3A_442, [1, 0] : vector<1x512xi32> -> vector<512x1xi32>
    %eq3A_527 = vector.broadcast %transpose3A_526 : vector<512x1xi32> to vector<512x768xi32>
    %eq3A_528 = vector.broadcast %get3A_523 : vector<1x768xi32> to vector<512x768xi32>
    %eq3A_529 = arith.cmpi eq, %eq3A_527, %eq3A_528 : vector<512x768xi32>
    %neg3A_530 = arith.constant 0.000000e+00 : f32
    %neg3A_531 = vector.broadcast %neg3A_530 : f32 to vector<512x768xf32>
    %neg3A_532 = arith.subf %neg3A_531, %dot_general3A_525 : vector<512x768xf32>
    %exp3A_533 = math.exp %neg3A_532 : vector<512x768xf32>
    %jit3A_534 = arith.constant 0.000000e+00 : f32
    %broadcast_in_dim3A_535 = vector.broadcast %jit3A_534 : f32 to vector<512x768xf32>
    %select_n3A_536 = arith.select %eq3A_529, %exp3A_533, %broadcast_in_dim3A_535 : vector<512x768xi1>, vector<512x768xf32>
    %jit3A_537 = arith.constant 1.000000e+00 : f32
    %jit3A_538 = arith.constant 0.000000e+00 : f32
    %broadcast_in_dim3A_539 = vector.broadcast %jit3A_537 : f32 to vector<512x768xf32>
    %broadcast_in_dim3A_540 = vector.broadcast %jit3A_538 : f32 to vector<512x768xf32>
    %select_n3A_541 = arith.select %eq3A_529, %broadcast_in_dim3A_539, %broadcast_in_dim3A_540 : vector<512x768xi1>, vector<512x768xf32>
    %dot_general3A_542 = arith.constant dense<0.000000e+00> : vector<512x128xf32>
    %dot_general3A_543 = tpu.matmul %select_n3A_536, %broadcast_in_dim3A_6, %dot_general3A_542 {dimension_numbers = #tpu.dot_dimension_numbers<[1], [0], [0], [1], [0, 0, 1, 1], [], []>, transpose_lhs_hint = false} : vector<512x768xf32>, vector<768x128xf32>, vector<512x128xf32> -> vector<512x128xf32>
    %slice3A_544 = vector.extract_strided_slice %dot_general3A_543 {offsets = [0, 0], sizes = [512, 1], strides = [1, 1]} : vector<512x128xf32> to vector<512x1xf32>
    %dot_general3A_545 = arith.constant dense<0.000000e+00> : vector<512x128xf32>
    %dot_general3A_546 = tpu.matmul %select_n3A_541, %broadcast_in_dim3A_6, %dot_general3A_545 {dimension_numbers = #tpu.dot_dimension_numbers<[1], [0], [0], [1], [0, 0, 1, 1], [], []>, transpose_lhs_hint = false} : vector<512x768xf32>, vector<768x128xf32>, vector<512x128xf32> -> vector<512x128xf32>
    %slice3A_547 = vector.extract_strided_slice %dot_general3A_546 {offsets = [0, 0], sizes = [512, 1], strides = [1, 1]} : vector<512x128xf32> to vector<512x1xf32>
    %while3A_548 = arith.constant 1 : i32
    %while3A_549 = arith.subi %select_n3A_517, %while3A_548 : i32
    %while3A_550 = arith.addi %while3A_548, %while3A_549 : i32
    %while3A_551 = arith.constant 1 : i32
    %while3A_552 = arith.divsi %while3A_549, %while3A_551 : i32
    %while3A_553 = arith.muli %while3A_552, %while3A_551 : i32
    %while3A_554 = arith.addi %while3A_548, %while3A_553 : i32
    %while3A_555 = arith.constant 1 : i32
    %while3A_556:2 = scf.for %while3A_2390 = %while3A_548 to %while3A_554 step %while3A_555 iter_args(%while3A_2391 = %slice3A_544, %while3A_2392 = %slice3A_547) -> (vector<512x1xf32>, vector<512x1xf32>)  : i32 {
      %mul3A_2393 = arith.constant 768 : i32
      %mul3A_2394 = arith.muli %while3A_2390, %mul3A_2393 : i32
      %add3A_2395 = arith.addi %mul3A_488, %mul3A_2394 : i32
      %get3A_2396 = arith.index_cast %add3A_2395 : i32 to index
      %get3A_2397 = arith.constant 0 : index
      %get3A_2398 = vector.load %arg6[%get3A_2396, %get3A_2397] : memref<8960x64xf32, #tpu.memory_space<vmem>>, vector<768x64xf32>
      %get3A_2399 = arith.constant 0 : index
      %get3A_2400 = arith.index_cast %add3A_2395 : i32 to index
      %get3A_2401 = vector.load %arg3[%get3A_2399, %get3A_2400] : memref<1x8960xi32, #tpu.memory_space<vmem>>, vector<1x768xi32>
      %dot_general3A_2402 = arith.constant dense<0.000000e+00> : vector<512x768xf32>
      %dot_general3A_2403 = tpu.matmul %get3A_439, %get3A_2398, %dot_general3A_2402 {dimension_numbers = #tpu.dot_dimension_numbers<[1], [1], [0], [0], [0, 0, 1, 0], [], []>, transpose_lhs_hint = false} : vector<512x64xf32>, vector<768x64xf32>, vector<512x768xf32> -> vector<512x768xf32>
      %transpose3A_2404 = tpu.transpose %get3A_442, [1, 0] : vector<1x512xi32> -> vector<512x1xi32>
      %eq3A_2405 = vector.broadcast %transpose3A_2404 : vector<512x1xi32> to vector<512x768xi32>
      %eq3A_2406 = vector.broadcast %get3A_2401 : vector<1x768xi32> to vector<512x768xi32>
      %eq3A_2407 = arith.cmpi eq, %eq3A_2405, %eq3A_2406 : vector<512x768xi32>
      %neg3A_2408 = arith.constant 0.000000e+00 : f32
      %neg3A_2409 = vector.broadcast %neg3A_2408 : f32 to vector<512x768xf32>
      %neg3A_2410 = arith.subf %neg3A_2409, %dot_general3A_2403 : vector<512x768xf32>
      %exp3A_2411 = math.exp %neg3A_2410 : vector<512x768xf32>
      %jit3A_2412 = arith.constant 0.000000e+00 : f32
      %broadcast_in_dim3A_2413 = vector.broadcast %jit3A_2412 : f32 to vector<512x768xf32>
      %select_n3A_2414 = arith.select %eq3A_2407, %exp3A_2411, %broadcast_in_dim3A_2413 : vector<512x768xi1>, vector<512x768xf32>
      %jit3A_2415 = arith.constant 1.000000e+00 : f32
      %jit3A_2416 = arith.constant 0.000000e+00 : f32
      %broadcast_in_dim3A_2417 = vector.broadcast %jit3A_2415 : f32 to vector<512x768xf32>
      %broadcast_in_dim3A_2418 = vector.broadcast %jit3A_2416 : f32 to vector<512x768xf32>
      %select_n3A_2419 = arith.select %eq3A_2407, %broadcast_in_dim3A_2417, %broadcast_in_dim3A_2418 : vector<512x768xi1>, vector<512x768xf32>
      %dot_general3A_2420 = arith.constant dense<0.000000e+00> : vector<512x128xf32>
      %dot_general3A_2421 = tpu.matmul %select_n3A_2414, %broadcast_in_dim3A_6, %dot_general3A_2420 {dimension_numbers = #tpu.dot_dimension_numbers<[1], [0], [0], [1], [0, 0, 1, 1], [], []>, transpose_lhs_hint = false} : vector<512x768xf32>, vector<768x128xf32>, vector<512x128xf32> -> vector<512x128xf32>
      %slice3A_2422 = vector.extract_strided_slice %dot_general3A_2421 {offsets = [0, 0], sizes = [512, 1], strides = [1, 1]} : vector<512x128xf32> to vector<512x1xf32>
      %dot_general3A_2423 = arith.constant dense<0.000000e+00> : vector<512x128xf32>
      %dot_general3A_2424 = tpu.matmul %select_n3A_2419, %broadcast_in_dim3A_6, %dot_general3A_2423 {dimension_numbers = #tpu.dot_dimension_numbers<[1], [0], [0], [1], [0, 0, 1, 1], [], []>, transpose_lhs_hint = false} : vector<512x768xf32>, vector<768x128xf32>, vector<512x128xf32> -> vector<512x128xf32>
      %slice3A_2425 = vector.extract_strided_slice %dot_general3A_2424 {offsets = [0, 0], sizes = [512, 1], strides = [1, 1]} : vector<512x128xf32> to vector<512x1xf32>
      %add3A_2426 = arith.addf %while3A_2391, %slice3A_2422 : vector<512x1xf32>
      %add3A_2427 = arith.addf %while3A_2392, %slice3A_2425 : vector<512x1xf32>
      scf.yield %add3A_2426, %add3A_2427 : vector<512x1xf32>, vector<512x1xf32>
    }
    %while3A_557 = arith.constant 1 : i32
    %while3A_558:2 = scf.for %while3A_2390 = %while3A_554 to %while3A_550 step %while3A_557 iter_args(%while3A_2391 = %while3A_556#0, %while3A_2392 = %while3A_556#1) -> (vector<512x1xf32>, vector<512x1xf32>)  : i32 {
      %mul3A_2393 = arith.constant 768 : i32
      %mul3A_2394 = arith.muli %while3A_2390, %mul3A_2393 : i32
      %add3A_2395 = arith.addi %mul3A_488, %mul3A_2394 : i32
      %get3A_2396 = arith.index_cast %add3A_2395 : i32 to index
      %get3A_2397 = arith.constant 0 : index
      %get3A_2398 = vector.load %arg6[%get3A_2396, %get3A_2397] : memref<8960x64xf32, #tpu.memory_space<vmem>>, vector<768x64xf32>
      %get3A_2399 = arith.constant 0 : index
      %get3A_2400 = arith.index_cast %add3A_2395 : i32 to index
      %get3A_2401 = vector.load %arg3[%get3A_2399, %get3A_2400] : memref<1x8960xi32, #tpu.memory_space<vmem>>, vector<1x768xi32>
      %dot_general3A_2402 = arith.constant dense<0.000000e+00> : vector<512x768xf32>
      %dot_general3A_2403 = tpu.matmul %get3A_439, %get3A_2398, %dot_general3A_2402 {dimension_numbers = #tpu.dot_dimension_numbers<[1], [1], [0], [0], [0, 0, 1, 0], [], []>, transpose_lhs_hint = false} : vector<512x64xf32>, vector<768x64xf32>, vector<512x768xf32> -> vector<512x768xf32>
      %transpose3A_2404 = tpu.transpose %get3A_442, [1, 0] : vector<1x512xi32> -> vector<512x1xi32>
      %eq3A_2405 = vector.broadcast %transpose3A_2404 : vector<512x1xi32> to vector<512x768xi32>
      %eq3A_2406 = vector.broadcast %get3A_2401 : vector<1x768xi32> to vector<512x768xi32>
      %eq3A_2407 = arith.cmpi eq, %eq3A_2405, %eq3A_2406 : vector<512x768xi32>
      %neg3A_2408 = arith.constant 0.000000e+00 : f32
      %neg3A_2409 = vector.broadcast %neg3A_2408 : f32 to vector<512x768xf32>
      %neg3A_2410 = arith.subf %neg3A_2409, %dot_general3A_2403 : vector<512x768xf32>
      %exp3A_2411 = math.exp %neg3A_2410 : vector<512x768xf32>
      %jit3A_2412 = arith.constant 0.000000e+00 : f32
      %broadcast_in_dim3A_2413 = vector.broadcast %jit3A_2412 : f32 to vector<512x768xf32>
      %select_n3A_2414 = arith.select %eq3A_2407, %exp3A_2411, %broadcast_in_dim3A_2413 : vector<512x768xi1>, vector<512x768xf32>
      %jit3A_2415 = arith.constant 1.000000e+00 : f32
      %jit3A_2416 = arith.constant 0.000000e+00 : f32
      %broadcast_in_dim3A_2417 = vector.broadcast %jit3A_2415 : f32 to vector<512x768xf32>
      %broadcast_in_dim3A_2418 = vector.broadcast %jit3A_2416 : f32 to vector<512x768xf32>
      %select_n3A_2419 = arith.select %eq3A_2407, %broadcast_in_dim3A_2417, %broadcast_in_dim3A_2418 : vector<512x768xi1>, vector<512x768xf32>
      %dot_general3A_2420 = arith.constant dense<0.000000e+00> : vector<512x128xf32>
      %dot_general3A_2421 = tpu.matmul %select_n3A_2414, %broadcast_in_dim3A_6, %dot_general3A_2420 {dimension_numbers = #tpu.dot_dimension_numbers<[1], [0], [0], [1], [0, 0, 1, 1], [], []>, transpose_lhs_hint = false} : vector<512x768xf32>, vector<768x128xf32>, vector<512x128xf32> -> vector<512x128xf32>
      %slice3A_2422 = vector.extract_strided_slice %dot_general3A_2421 {offsets = [0, 0], sizes = [512, 1], strides = [1, 1]} : vector<512x128xf32> to vector<512x1xf32>
      %dot_general3A_2423 = arith.constant dense<0.000000e+00> : vector<512x128xf32>
      %dot_general3A_2424 = tpu.matmul %select_n3A_2419, %broadcast_in_dim3A_6, %dot_general3A_2423 {dimension_numbers = #tpu.dot_dimension_numbers<[1], [0], [0], [1], [0, 0, 1, 1], [], []>, transpose_lhs_hint = false} : vector<512x768xf32>, vector<768x128xf32>, vector<512x128xf32> -> vector<512x128xf32>
      %slice3A_2425 = vector.extract_strided_slice %dot_general3A_2424 {offsets = [0, 0], sizes = [512, 1], strides = [1, 1]} : vector<512x128xf32> to vector<512x1xf32>
      %add3A_2426 = arith.addf %while3A_2391, %slice3A_2422 : vector<512x1xf32>
      %add3A_2427 = arith.addf %while3A_2392, %slice3A_2425 : vector<512x1xf32>
      scf.yield %add3A_2426, %add3A_2427 : vector<512x1xf32>, vector<512x1xf32>
    }
    %mul3A_559 = arith.mulf %get3A_439, %get3A_439 : vector<512x64xf32>
    %reduce_sum3A_560 = arith.constant dense<0.000000e+00> : vector<512xf32>
    %reduce_sum3A_561 = vector.multi_reduction <add>, %mul3A_559, %reduce_sum3A_560 [1] : vector<512x64xf32> to vector<512xf32>
    %broadcast_in_dim3A_562 = vector.shape_cast %reduce_sum3A_561 : vector<512xf32> to vector<512x1xf32>
    %neg3A_563 = arith.constant 0.000000e+00 : f32
    %neg3A_564 = vector.broadcast %neg3A_563 : f32 to vector<512x1xf32>
    %neg3A_565 = arith.subf %neg3A_564, %broadcast_in_dim3A_562 : vector<512x1xf32>
    %exp3A_566 = math.exp %neg3A_565 : vector<512x1xf32>
    %sub3A_567 = arith.subf %while3A_558#0, %exp3A_566 : vector<512x1xf32>
    %ge3A_568 = arith.constant 2.000000e+00 : f32
    %ge3A_569 = vector.broadcast %ge3A_568 : f32 to vector<512x1xf32>
    %ge3A_570 = arith.cmpf oge, %while3A_558#1, %ge3A_569 : vector<512x1xf32>
    %log3A_571 = math.log %sub3A_567 : vector<512x1xf32>
    %neg3A_572 = arith.constant 0.000000e+00 : f32
    %neg3A_573 = vector.broadcast %neg3A_572 : f32 to vector<512x1xf32>
    %neg3A_574 = arith.subf %neg3A_573, %log3A_571 : vector<512x1xf32>
    %jit3A_575 = arith.constant 0.000000e+00 : f32
    %broadcast_in_dim3A_576 = vector.broadcast %jit3A_575 : f32 to vector<512x1xf32>
    %select_n3A_577 = arith.select %ge3A_570, %neg3A_574, %broadcast_in_dim3A_576 : vector<512x1xi1>, vector<512x1xf32>
    %add3A_578 = arith.addf %add3A_429, %select_n3A_577 : vector<512x1xf32>
    %sub3A_579 = arith.constant 1.000000e+00 : f32
    %sub3A_580 = vector.broadcast %sub3A_579 : f32 to vector<512x1xf32>
    %sub3A_581 = arith.subf %while3A_558#1, %sub3A_580 : vector<512x1xf32>
    %jit3A_582 = arith.constant 0.000000e+00 : f32
    %broadcast_in_dim3A_583 = vector.broadcast %jit3A_582 : f32 to vector<512x1xf32>
    %select_n3A_584 = arith.select %ge3A_570, %sub3A_581, %broadcast_in_dim3A_583 : vector<512x1xi1>, vector<512x1xf32>
    %add3A_585 = arith.addf %add3A_436, %select_n3A_584 : vector<512x1xf32>
    %get3A_586 = arith.constant 2048 : index
    %get3A_587 = arith.constant 0 : index
    %get3A_588 = vector.load %arg6[%get3A_586, %get3A_587] : memref<8960x64xf32, #tpu.memory_space<vmem>>, vector<512x64xf32>
    %get3A_589 = arith.constant 0 : index
    %get3A_590 = arith.constant 2048 : index
    %get3A_591 = vector.load %arg3[%get3A_589, %get3A_590] : memref<1x8960xi32, #tpu.memory_space<vmem>>, vector<1x512xi32>
    %get3A_592 = arith.constant 2048 : index
    %get3A_593 = memref.load %arg1[%get3A_592] : memref<8960xi32, #tpu.memory_space<smem>>
    %get3A_594 = arith.constant 2559 : index
    %get3A_595 = memref.load %arg1[%get3A_594] : memref<8960xi32, #tpu.memory_space<smem>>
    %scan3A_596 = arith.constant 0 : i32
    %scan3A_597 = arith.constant 8960 : i32
    %scan3A_598 = arith.constant 0 : i32
    %scan3A_599 = arith.constant 14 : i32
    %scan3A_600 = arith.addi %scan3A_598, %scan3A_599 : i32
    %scan3A_601 = arith.constant 1 : i32
    %scan3A_602:2 = scf.for %scan3A_2390 = %scan3A_598 to %scan3A_600 step %scan3A_601 iter_args(%scan3A_2391 = %scan3A_596, %scan3A_2392 = %scan3A_597) -> (i32, i32)  : i32 {
      %add3A_2393 = arith.addi %scan3A_2391, %scan3A_2392 : i32
      %jit3A_2394 = arith.constant 2 : i32
      %div3A_2395 = arith.divsi %add3A_2393, %jit3A_2394 : i32
      %sign3A_2396 = arith.constant 0 : i32
      %sign3A_2397 = arith.cmpi sgt, %add3A_2393, %sign3A_2396 : i32
      %sign3A_2398 = arith.extui %sign3A_2397 : i1 to i32
      %sign3A_2399 = arith.constant 0 : i32
      %sign3A_2400 = arith.cmpi slt, %add3A_2393, %sign3A_2399 : i32
      %sign3A_2401 = arith.extui %sign3A_2400 : i1 to i32
      %sign3A_2402 = arith.subi %sign3A_2398, %sign3A_2401 : i32
      %sign3A_2403 = arith.constant 0 : i32
      %sign3A_2404 = arith.cmpi sgt, %jit3A_2394, %sign3A_2403 : i32
      %sign3A_2405 = arith.extui %sign3A_2404 : i1 to i32
      %sign3A_2406 = arith.constant 0 : i32
      %sign3A_2407 = arith.cmpi slt, %jit3A_2394, %sign3A_2406 : i32
      %sign3A_2408 = arith.extui %sign3A_2407 : i1 to i32
      %sign3A_2409 = arith.subi %sign3A_2405, %sign3A_2408 : i32
      %ne3A_2410 = arith.cmpi ne, %sign3A_2402, %sign3A_2409 : i32
      %rem3A_2411 = arith.remsi %add3A_2393, %jit3A_2394 : i32
      %ne3A_2412 = arith.constant 0 : i32
      %ne3A_2413 = arith.cmpi ne, %rem3A_2411, %ne3A_2412 : i32
      %and3A_2414 = arith.andi %ne3A_2410, %ne3A_2413 : i1
      %sub3A_2415 = arith.constant 1 : i32
      %sub3A_2416 = arith.subi %div3A_2395, %sub3A_2415 : i32
      %select_n3A_2417 = arith.select %and3A_2414, %sub3A_2416, %div3A_2395 : i32
      %lt3A = arith.cmpi slt, %scan3A_2391, %scan3A_2392 : i32
      %get3A_2418 = arith.index_cast %select_n3A_2417 : i32 to index
      %get3A_2419 = memref.load %arg1[%get3A_2418] : memref<8960xi32, #tpu.memory_space<smem>>
      %lt3A_2420 = arith.cmpi slt, %get3A_2419, %get3A_593 : i32
      %and3A_2421 = arith.andi %lt3A, %lt3A_2420 : i1
      %lt3A_2422 = arith.cmpi slt, %scan3A_2391, %scan3A_2392 : i32
      %not3A = arith.constant true
      %not3A_2423 = arith.xori %and3A_2421, %not3A : i1
      %and3A_2424 = arith.andi %lt3A_2422, %not3A_2423 : i1
      %add3A_2425 = arith.constant 1 : i32
      %add3A_2426 = arith.addi %select_n3A_2417, %add3A_2425 : i32
      %select_n3A_2427 = arith.select %and3A_2421, %add3A_2426, %scan3A_2391 : i32
      %select_n3A_2428 = arith.select %and3A_2424, %select_n3A_2417, %scan3A_2392 : i32
      scf.yield %select_n3A_2427, %select_n3A_2428 : i32, i32
    }
    %add3A_603 = arith.constant 1 : i32
    %add3A_604 = arith.addi %get3A_595, %add3A_603 : i32
    %scan3A_605 = arith.constant 0 : i32
    %scan3A_606 = arith.constant 8960 : i32
    %scan3A_607 = arith.constant 0 : i32
    %scan3A_608 = arith.constant 14 : i32
    %scan3A_609 = arith.addi %scan3A_607, %scan3A_608 : i32
    %scan3A_610 = arith.constant 1 : i32
    %scan3A_611:2 = scf.for %scan3A_2390 = %scan3A_607 to %scan3A_609 step %scan3A_610 iter_args(%scan3A_2391 = %scan3A_605, %scan3A_2392 = %scan3A_606) -> (i32, i32)  : i32 {
      %add3A_2393 = arith.addi %scan3A_2391, %scan3A_2392 : i32
      %jit3A_2394 = arith.constant 2 : i32
      %div3A_2395 = arith.divsi %add3A_2393, %jit3A_2394 : i32
      %sign3A_2396 = arith.constant 0 : i32
      %sign3A_2397 = arith.cmpi sgt, %add3A_2393, %sign3A_2396 : i32
      %sign3A_2398 = arith.extui %sign3A_2397 : i1 to i32
      %sign3A_2399 = arith.constant 0 : i32
      %sign3A_2400 = arith.cmpi slt, %add3A_2393, %sign3A_2399 : i32
      %sign3A_2401 = arith.extui %sign3A_2400 : i1 to i32
      %sign3A_2402 = arith.subi %sign3A_2398, %sign3A_2401 : i32
      %sign3A_2403 = arith.constant 0 : i32
      %sign3A_2404 = arith.cmpi sgt, %jit3A_2394, %sign3A_2403 : i32
      %sign3A_2405 = arith.extui %sign3A_2404 : i1 to i32
      %sign3A_2406 = arith.constant 0 : i32
      %sign3A_2407 = arith.cmpi slt, %jit3A_2394, %sign3A_2406 : i32
      %sign3A_2408 = arith.extui %sign3A_2407 : i1 to i32
      %sign3A_2409 = arith.subi %sign3A_2405, %sign3A_2408 : i32
      %ne3A_2410 = arith.cmpi ne, %sign3A_2402, %sign3A_2409 : i32
      %rem3A_2411 = arith.remsi %add3A_2393, %jit3A_2394 : i32
      %ne3A_2412 = arith.constant 0 : i32
      %ne3A_2413 = arith.cmpi ne, %rem3A_2411, %ne3A_2412 : i32
      %and3A_2414 = arith.andi %ne3A_2410, %ne3A_2413 : i1
      %sub3A_2415 = arith.constant 1 : i32
      %sub3A_2416 = arith.subi %div3A_2395, %sub3A_2415 : i32
      %select_n3A_2417 = arith.select %and3A_2414, %sub3A_2416, %div3A_2395 : i32
      %lt3A = arith.cmpi slt, %scan3A_2391, %scan3A_2392 : i32
      %get3A_2418 = arith.index_cast %select_n3A_2417 : i32 to index
      %get3A_2419 = memref.load %arg1[%get3A_2418] : memref<8960xi32, #tpu.memory_space<smem>>
      %lt3A_2420 = arith.cmpi slt, %get3A_2419, %add3A_604 : i32
      %and3A_2421 = arith.andi %lt3A, %lt3A_2420 : i1
      %lt3A_2422 = arith.cmpi slt, %scan3A_2391, %scan3A_2392 : i32
      %not3A = arith.constant true
      %not3A_2423 = arith.xori %and3A_2421, %not3A : i1
      %and3A_2424 = arith.andi %lt3A_2422, %not3A_2423 : i1
      %add3A_2425 = arith.constant 1 : i32
      %add3A_2426 = arith.addi %select_n3A_2417, %add3A_2425 : i32
      %select_n3A_2427 = arith.select %and3A_2421, %add3A_2426, %scan3A_2391 : i32
      %select_n3A_2428 = arith.select %and3A_2424, %select_n3A_2417, %scan3A_2392 : i32
      scf.yield %select_n3A_2427, %select_n3A_2428 : i32, i32
    }
    %jit3A_612 = arith.constant 128 : i32
    %div3A_613 = arith.divsi %scan3A_602#0, %jit3A_612 : i32
    %sign3A_614 = arith.constant 0 : i32
    %sign3A_615 = arith.cmpi sgt, %scan3A_602#0, %sign3A_614 : i32
    %sign3A_616 = arith.extui %sign3A_615 : i1 to i32
    %sign3A_617 = arith.constant 0 : i32
    %sign3A_618 = arith.cmpi slt, %scan3A_602#0, %sign3A_617 : i32
    %sign3A_619 = arith.extui %sign3A_618 : i1 to i32
    %sign3A_620 = arith.subi %sign3A_616, %sign3A_619 : i32
    %sign3A_621 = arith.constant 0 : i32
    %sign3A_622 = arith.cmpi sgt, %jit3A_612, %sign3A_621 : i32
    %sign3A_623 = arith.extui %sign3A_622 : i1 to i32
    %sign3A_624 = arith.constant 0 : i32
    %sign3A_625 = arith.cmpi slt, %jit3A_612, %sign3A_624 : i32
    %sign3A_626 = arith.extui %sign3A_625 : i1 to i32
    %sign3A_627 = arith.subi %sign3A_623, %sign3A_626 : i32
    %ne3A_628 = arith.cmpi ne, %sign3A_620, %sign3A_627 : i32
    %rem3A_629 = arith.remsi %scan3A_602#0, %jit3A_612 : i32
    %ne3A_630 = arith.constant 0 : i32
    %ne3A_631 = arith.cmpi ne, %rem3A_629, %ne3A_630 : i32
    %and3A_632 = arith.andi %ne3A_628, %ne3A_631 : i1
    %sub3A_633 = arith.constant 1 : i32
    %sub3A_634 = arith.subi %div3A_613, %sub3A_633 : i32
    %select_n3A_635 = arith.select %and3A_632, %sub3A_634, %div3A_613 : i32
    %mul3A_636 = arith.constant 128 : i32
    %mul3A_637 = arith.muli %select_n3A_635, %mul3A_636 : i32
    %sub3A_638 = arith.subi %scan3A_611#0, %mul3A_637 : i32
    %add3A_639 = arith.constant 768 : i32
    %add3A_640 = arith.addi %sub3A_638, %add3A_639 : i32
    %sub3A_641 = arith.constant 1 : i32
    %sub3A_642 = arith.subi %add3A_640, %sub3A_641 : i32
    %jit3A_643 = arith.constant 768 : i32
    %div3A_644 = arith.divsi %sub3A_642, %jit3A_643 : i32
    %sign3A_645 = arith.constant 0 : i32
    %sign3A_646 = arith.cmpi sgt, %sub3A_642, %sign3A_645 : i32
    %sign3A_647 = arith.extui %sign3A_646 : i1 to i32
    %sign3A_648 = arith.constant 0 : i32
    %sign3A_649 = arith.cmpi slt, %sub3A_642, %sign3A_648 : i32
    %sign3A_650 = arith.extui %sign3A_649 : i1 to i32
    %sign3A_651 = arith.subi %sign3A_647, %sign3A_650 : i32
    %sign3A_652 = arith.constant 0 : i32
    %sign3A_653 = arith.cmpi sgt, %jit3A_643, %sign3A_652 : i32
    %sign3A_654 = arith.extui %sign3A_653 : i1 to i32
    %sign3A_655 = arith.constant 0 : i32
    %sign3A_656 = arith.cmpi slt, %jit3A_643, %sign3A_655 : i32
    %sign3A_657 = arith.extui %sign3A_656 : i1 to i32
    %sign3A_658 = arith.subi %sign3A_654, %sign3A_657 : i32
    %ne3A_659 = arith.cmpi ne, %sign3A_651, %sign3A_658 : i32
    %rem3A_660 = arith.remsi %sub3A_642, %jit3A_643 : i32
    %ne3A_661 = arith.constant 0 : i32
    %ne3A_662 = arith.cmpi ne, %rem3A_660, %ne3A_661 : i32
    %and3A_663 = arith.andi %ne3A_659, %ne3A_662 : i1
    %sub3A_664 = arith.constant 1 : i32
    %sub3A_665 = arith.subi %div3A_644, %sub3A_664 : i32
    %select_n3A_666 = arith.select %and3A_663, %sub3A_665, %div3A_644 : i32
    %get3A_667 = arith.index_cast %mul3A_637 : i32 to index
    %get3A_668 = arith.constant 0 : index
    %get3A_669 = vector.load %arg6[%get3A_667, %get3A_668] : memref<8960x64xf32, #tpu.memory_space<vmem>>, vector<768x64xf32>
    %get3A_670 = arith.constant 0 : index
    %get3A_671 = arith.index_cast %mul3A_637 : i32 to index
    %get3A_672 = vector.load %arg3[%get3A_670, %get3A_671] : memref<1x8960xi32, #tpu.memory_space<vmem>>, vector<1x768xi32>
    %dot_general3A_673 = arith.constant dense<0.000000e+00> : vector<512x768xf32>
    %dot_general3A_674 = tpu.matmul %get3A_588, %get3A_669, %dot_general3A_673 {dimension_numbers = #tpu.dot_dimension_numbers<[1], [1], [0], [0], [0, 0, 1, 0], [], []>, transpose_lhs_hint = false} : vector<512x64xf32>, vector<768x64xf32>, vector<512x768xf32> -> vector<512x768xf32>
    %transpose3A_675 = tpu.transpose %get3A_591, [1, 0] : vector<1x512xi32> -> vector<512x1xi32>
    %eq3A_676 = vector.broadcast %transpose3A_675 : vector<512x1xi32> to vector<512x768xi32>
    %eq3A_677 = vector.broadcast %get3A_672 : vector<1x768xi32> to vector<512x768xi32>
    %eq3A_678 = arith.cmpi eq, %eq3A_676, %eq3A_677 : vector<512x768xi32>
    %neg3A_679 = arith.constant 0.000000e+00 : f32
    %neg3A_680 = vector.broadcast %neg3A_679 : f32 to vector<512x768xf32>
    %neg3A_681 = arith.subf %neg3A_680, %dot_general3A_674 : vector<512x768xf32>
    %exp3A_682 = math.exp %neg3A_681 : vector<512x768xf32>
    %jit3A_683 = arith.constant 0.000000e+00 : f32
    %broadcast_in_dim3A_684 = vector.broadcast %jit3A_683 : f32 to vector<512x768xf32>
    %select_n3A_685 = arith.select %eq3A_678, %exp3A_682, %broadcast_in_dim3A_684 : vector<512x768xi1>, vector<512x768xf32>
    %jit3A_686 = arith.constant 1.000000e+00 : f32
    %jit3A_687 = arith.constant 0.000000e+00 : f32
    %broadcast_in_dim3A_688 = vector.broadcast %jit3A_686 : f32 to vector<512x768xf32>
    %broadcast_in_dim3A_689 = vector.broadcast %jit3A_687 : f32 to vector<512x768xf32>
    %select_n3A_690 = arith.select %eq3A_678, %broadcast_in_dim3A_688, %broadcast_in_dim3A_689 : vector<512x768xi1>, vector<512x768xf32>
    %dot_general3A_691 = arith.constant dense<0.000000e+00> : vector<512x128xf32>
    %dot_general3A_692 = tpu.matmul %select_n3A_685, %broadcast_in_dim3A_6, %dot_general3A_691 {dimension_numbers = #tpu.dot_dimension_numbers<[1], [0], [0], [1], [0, 0, 1, 1], [], []>, transpose_lhs_hint = false} : vector<512x768xf32>, vector<768x128xf32>, vector<512x128xf32> -> vector<512x128xf32>
    %slice3A_693 = vector.extract_strided_slice %dot_general3A_692 {offsets = [0, 0], sizes = [512, 1], strides = [1, 1]} : vector<512x128xf32> to vector<512x1xf32>
    %dot_general3A_694 = arith.constant dense<0.000000e+00> : vector<512x128xf32>
    %dot_general3A_695 = tpu.matmul %select_n3A_690, %broadcast_in_dim3A_6, %dot_general3A_694 {dimension_numbers = #tpu.dot_dimension_numbers<[1], [0], [0], [1], [0, 0, 1, 1], [], []>, transpose_lhs_hint = false} : vector<512x768xf32>, vector<768x128xf32>, vector<512x128xf32> -> vector<512x128xf32>
    %slice3A_696 = vector.extract_strided_slice %dot_general3A_695 {offsets = [0, 0], sizes = [512, 1], strides = [1, 1]} : vector<512x128xf32> to vector<512x1xf32>
    %while3A_697 = arith.constant 1 : i32
    %while3A_698 = arith.subi %select_n3A_666, %while3A_697 : i32
    %while3A_699 = arith.addi %while3A_697, %while3A_698 : i32
    %while3A_700 = arith.constant 1 : i32
    %while3A_701 = arith.divsi %while3A_698, %while3A_700 : i32
    %while3A_702 = arith.muli %while3A_701, %while3A_700 : i32
    %while3A_703 = arith.addi %while3A_697, %while3A_702 : i32
    %while3A_704 = arith.constant 1 : i32
    %while3A_705:2 = scf.for %while3A_2390 = %while3A_697 to %while3A_703 step %while3A_704 iter_args(%while3A_2391 = %slice3A_693, %while3A_2392 = %slice3A_696) -> (vector<512x1xf32>, vector<512x1xf32>)  : i32 {
      %mul3A_2393 = arith.constant 768 : i32
      %mul3A_2394 = arith.muli %while3A_2390, %mul3A_2393 : i32
      %add3A_2395 = arith.addi %mul3A_637, %mul3A_2394 : i32
      %get3A_2396 = arith.index_cast %add3A_2395 : i32 to index
      %get3A_2397 = arith.constant 0 : index
      %get3A_2398 = vector.load %arg6[%get3A_2396, %get3A_2397] : memref<8960x64xf32, #tpu.memory_space<vmem>>, vector<768x64xf32>
      %get3A_2399 = arith.constant 0 : index
      %get3A_2400 = arith.index_cast %add3A_2395 : i32 to index
      %get3A_2401 = vector.load %arg3[%get3A_2399, %get3A_2400] : memref<1x8960xi32, #tpu.memory_space<vmem>>, vector<1x768xi32>
      %dot_general3A_2402 = arith.constant dense<0.000000e+00> : vector<512x768xf32>
      %dot_general3A_2403 = tpu.matmul %get3A_588, %get3A_2398, %dot_general3A_2402 {dimension_numbers = #tpu.dot_dimension_numbers<[1], [1], [0], [0], [0, 0, 1, 0], [], []>, transpose_lhs_hint = false} : vector<512x64xf32>, vector<768x64xf32>, vector<512x768xf32> -> vector<512x768xf32>
      %transpose3A_2404 = tpu.transpose %get3A_591, [1, 0] : vector<1x512xi32> -> vector<512x1xi32>
      %eq3A_2405 = vector.broadcast %transpose3A_2404 : vector<512x1xi32> to vector<512x768xi32>
      %eq3A_2406 = vector.broadcast %get3A_2401 : vector<1x768xi32> to vector<512x768xi32>
      %eq3A_2407 = arith.cmpi eq, %eq3A_2405, %eq3A_2406 : vector<512x768xi32>
      %neg3A_2408 = arith.constant 0.000000e+00 : f32
      %neg3A_2409 = vector.broadcast %neg3A_2408 : f32 to vector<512x768xf32>
      %neg3A_2410 = arith.subf %neg3A_2409, %dot_general3A_2403 : vector<512x768xf32>
      %exp3A_2411 = math.exp %neg3A_2410 : vector<512x768xf32>
      %jit3A_2412 = arith.constant 0.000000e+00 : f32
      %broadcast_in_dim3A_2413 = vector.broadcast %jit3A_2412 : f32 to vector<512x768xf32>
      %select_n3A_2414 = arith.select %eq3A_2407, %exp3A_2411, %broadcast_in_dim3A_2413 : vector<512x768xi1>, vector<512x768xf32>
      %jit3A_2415 = arith.constant 1.000000e+00 : f32
      %jit3A_2416 = arith.constant 0.000000e+00 : f32
      %broadcast_in_dim3A_2417 = vector.broadcast %jit3A_2415 : f32 to vector<512x768xf32>
      %broadcast_in_dim3A_2418 = vector.broadcast %jit3A_2416 : f32 to vector<512x768xf32>
      %select_n3A_2419 = arith.select %eq3A_2407, %broadcast_in_dim3A_2417, %broadcast_in_dim3A_2418 : vector<512x768xi1>, vector<512x768xf32>
      %dot_general3A_2420 = arith.constant dense<0.000000e+00> : vector<512x128xf32>
      %dot_general3A_2421 = tpu.matmul %select_n3A_2414, %broadcast_in_dim3A_6, %dot_general3A_2420 {dimension_numbers = #tpu.dot_dimension_numbers<[1], [0], [0], [1], [0, 0, 1, 1], [], []>, transpose_lhs_hint = false} : vector<512x768xf32>, vector<768x128xf32>, vector<512x128xf32> -> vector<512x128xf32>
      %slice3A_2422 = vector.extract_strided_slice %dot_general3A_2421 {offsets = [0, 0], sizes = [512, 1], strides = [1, 1]} : vector<512x128xf32> to vector<512x1xf32>
      %dot_general3A_2423 = arith.constant dense<0.000000e+00> : vector<512x128xf32>
      %dot_general3A_2424 = tpu.matmul %select_n3A_2419, %broadcast_in_dim3A_6, %dot_general3A_2423 {dimension_numbers = #tpu.dot_dimension_numbers<[1], [0], [0], [1], [0, 0, 1, 1], [], []>, transpose_lhs_hint = false} : vector<512x768xf32>, vector<768x128xf32>, vector<512x128xf32> -> vector<512x128xf32>
      %slice3A_2425 = vector.extract_strided_slice %dot_general3A_2424 {offsets = [0, 0], sizes = [512, 1], strides = [1, 1]} : vector<512x128xf32> to vector<512x1xf32>
      %add3A_2426 = arith.addf %while3A_2391, %slice3A_2422 : vector<512x1xf32>
      %add3A_2427 = arith.addf %while3A_2392, %slice3A_2425 : vector<512x1xf32>
      scf.yield %add3A_2426, %add3A_2427 : vector<512x1xf32>, vector<512x1xf32>
    }
    %while3A_706 = arith.constant 1 : i32
    %while3A_707:2 = scf.for %while3A_2390 = %while3A_703 to %while3A_699 step %while3A_706 iter_args(%while3A_2391 = %while3A_705#0, %while3A_2392 = %while3A_705#1) -> (vector<512x1xf32>, vector<512x1xf32>)  : i32 {
      %mul3A_2393 = arith.constant 768 : i32
      %mul3A_2394 = arith.muli %while3A_2390, %mul3A_2393 : i32
      %add3A_2395 = arith.addi %mul3A_637, %mul3A_2394 : i32
      %get3A_2396 = arith.index_cast %add3A_2395 : i32 to index
      %get3A_2397 = arith.constant 0 : index
      %get3A_2398 = vector.load %arg6[%get3A_2396, %get3A_2397] : memref<8960x64xf32, #tpu.memory_space<vmem>>, vector<768x64xf32>
      %get3A_2399 = arith.constant 0 : index
      %get3A_2400 = arith.index_cast %add3A_2395 : i32 to index
      %get3A_2401 = vector.load %arg3[%get3A_2399, %get3A_2400] : memref<1x8960xi32, #tpu.memory_space<vmem>>, vector<1x768xi32>
      %dot_general3A_2402 = arith.constant dense<0.000000e+00> : vector<512x768xf32>
      %dot_general3A_2403 = tpu.matmul %get3A_588, %get3A_2398, %dot_general3A_2402 {dimension_numbers = #tpu.dot_dimension_numbers<[1], [1], [0], [0], [0, 0, 1, 0], [], []>, transpose_lhs_hint = false} : vector<512x64xf32>, vector<768x64xf32>, vector<512x768xf32> -> vector<512x768xf32>
      %transpose3A_2404 = tpu.transpose %get3A_591, [1, 0] : vector<1x512xi32> -> vector<512x1xi32>
      %eq3A_2405 = vector.broadcast %transpose3A_2404 : vector<512x1xi32> to vector<512x768xi32>
      %eq3A_2406 = vector.broadcast %get3A_2401 : vector<1x768xi32> to vector<512x768xi32>
      %eq3A_2407 = arith.cmpi eq, %eq3A_2405, %eq3A_2406 : vector<512x768xi32>
      %neg3A_2408 = arith.constant 0.000000e+00 : f32
      %neg3A_2409 = vector.broadcast %neg3A_2408 : f32 to vector<512x768xf32>
      %neg3A_2410 = arith.subf %neg3A_2409, %dot_general3A_2403 : vector<512x768xf32>
      %exp3A_2411 = math.exp %neg3A_2410 : vector<512x768xf32>
      %jit3A_2412 = arith.constant 0.000000e+00 : f32
      %broadcast_in_dim3A_2413 = vector.broadcast %jit3A_2412 : f32 to vector<512x768xf32>
      %select_n3A_2414 = arith.select %eq3A_2407, %exp3A_2411, %broadcast_in_dim3A_2413 : vector<512x768xi1>, vector<512x768xf32>
      %jit3A_2415 = arith.constant 1.000000e+00 : f32
      %jit3A_2416 = arith.constant 0.000000e+00 : f32
      %broadcast_in_dim3A_2417 = vector.broadcast %jit3A_2415 : f32 to vector<512x768xf32>
      %broadcast_in_dim3A_2418 = vector.broadcast %jit3A_2416 : f32 to vector<512x768xf32>
      %select_n3A_2419 = arith.select %eq3A_2407, %broadcast_in_dim3A_2417, %broadcast_in_dim3A_2418 : vector<512x768xi1>, vector<512x768xf32>
      %dot_general3A_2420 = arith.constant dense<0.000000e+00> : vector<512x128xf32>
      %dot_general3A_2421 = tpu.matmul %select_n3A_2414, %broadcast_in_dim3A_6, %dot_general3A_2420 {dimension_numbers = #tpu.dot_dimension_numbers<[1], [0], [0], [1], [0, 0, 1, 1], [], []>, transpose_lhs_hint = false} : vector<512x768xf32>, vector<768x128xf32>, vector<512x128xf32> -> vector<512x128xf32>
      %slice3A_2422 = vector.extract_strided_slice %dot_general3A_2421 {offsets = [0, 0], sizes = [512, 1], strides = [1, 1]} : vector<512x128xf32> to vector<512x1xf32>
      %dot_general3A_2423 = arith.constant dense<0.000000e+00> : vector<512x128xf32>
      %dot_general3A_2424 = tpu.matmul %select_n3A_2419, %broadcast_in_dim3A_6, %dot_general3A_2423 {dimension_numbers = #tpu.dot_dimension_numbers<[1], [0], [0], [1], [0, 0, 1, 1], [], []>, transpose_lhs_hint = false} : vector<512x768xf32>, vector<768x128xf32>, vector<512x128xf32> -> vector<512x128xf32>
      %slice3A_2425 = vector.extract_strided_slice %dot_general3A_2424 {offsets = [0, 0], sizes = [512, 1], strides = [1, 1]} : vector<512x128xf32> to vector<512x1xf32>
      %add3A_2426 = arith.addf %while3A_2391, %slice3A_2422 : vector<512x1xf32>
      %add3A_2427 = arith.addf %while3A_2392, %slice3A_2425 : vector<512x1xf32>
      scf.yield %add3A_2426, %add3A_2427 : vector<512x1xf32>, vector<512x1xf32>
    }
    %mul3A_708 = arith.mulf %get3A_588, %get3A_588 : vector<512x64xf32>
    %reduce_sum3A_709 = arith.constant dense<0.000000e+00> : vector<512xf32>
    %reduce_sum3A_710 = vector.multi_reduction <add>, %mul3A_708, %reduce_sum3A_709 [1] : vector<512x64xf32> to vector<512xf32>
    %broadcast_in_dim3A_711 = vector.shape_cast %reduce_sum3A_710 : vector<512xf32> to vector<512x1xf32>
    %neg3A_712 = arith.constant 0.000000e+00 : f32
    %neg3A_713 = vector.broadcast %neg3A_712 : f32 to vector<512x1xf32>
    %neg3A_714 = arith.subf %neg3A_713, %broadcast_in_dim3A_711 : vector<512x1xf32>
    %exp3A_715 = math.exp %neg3A_714 : vector<512x1xf32>
    %sub3A_716 = arith.subf %while3A_707#0, %exp3A_715 : vector<512x1xf32>
    %ge3A_717 = arith.constant 2.000000e+00 : f32
    %ge3A_718 = vector.broadcast %ge3A_717 : f32 to vector<512x1xf32>
    %ge3A_719 = arith.cmpf oge, %while3A_707#1, %ge3A_718 : vector<512x1xf32>
    %log3A_720 = math.log %sub3A_716 : vector<512x1xf32>
    %neg3A_721 = arith.constant 0.000000e+00 : f32
    %neg3A_722 = vector.broadcast %neg3A_721 : f32 to vector<512x1xf32>
    %neg3A_723 = arith.subf %neg3A_722, %log3A_720 : vector<512x1xf32>
    %jit3A_724 = arith.constant 0.000000e+00 : f32
    %broadcast_in_dim3A_725 = vector.broadcast %jit3A_724 : f32 to vector<512x1xf32>
    %select_n3A_726 = arith.select %ge3A_719, %neg3A_723, %broadcast_in_dim3A_725 : vector<512x1xi1>, vector<512x1xf32>
    %add3A_727 = arith.addf %add3A_578, %select_n3A_726 : vector<512x1xf32>
    %sub3A_728 = arith.constant 1.000000e+00 : f32
    %sub3A_729 = vector.broadcast %sub3A_728 : f32 to vector<512x1xf32>
    %sub3A_730 = arith.subf %while3A_707#1, %sub3A_729 : vector<512x1xf32>
    %jit3A_731 = arith.constant 0.000000e+00 : f32
    %broadcast_in_dim3A_732 = vector.broadcast %jit3A_731 : f32 to vector<512x1xf32>
    %select_n3A_733 = arith.select %ge3A_719, %sub3A_730, %broadcast_in_dim3A_732 : vector<512x1xi1>, vector<512x1xf32>
    %add3A_734 = arith.addf %add3A_585, %select_n3A_733 : vector<512x1xf32>
    %get3A_735 = arith.constant 2560 : index
    %get3A_736 = arith.constant 0 : index
    %get3A_737 = vector.load %arg6[%get3A_735, %get3A_736] : memref<8960x64xf32, #tpu.memory_space<vmem>>, vector<512x64xf32>
    %get3A_738 = arith.constant 0 : index
    %get3A_739 = arith.constant 2560 : index
    %get3A_740 = vector.load %arg3[%get3A_738, %get3A_739] : memref<1x8960xi32, #tpu.memory_space<vmem>>, vector<1x512xi32>
    %get3A_741 = arith.constant 2560 : index
    %get3A_742 = memref.load %arg1[%get3A_741] : memref<8960xi32, #tpu.memory_space<smem>>
    %get3A_743 = arith.constant 3071 : index
    %get3A_744 = memref.load %arg1[%get3A_743] : memref<8960xi32, #tpu.memory_space<smem>>
    %scan3A_745 = arith.constant 0 : i32
    %scan3A_746 = arith.constant 8960 : i32
    %scan3A_747 = arith.constant 0 : i32
    %scan3A_748 = arith.constant 14 : i32
    %scan3A_749 = arith.addi %scan3A_747, %scan3A_748 : i32
    %scan3A_750 = arith.constant 1 : i32
    %scan3A_751:2 = scf.for %scan3A_2390 = %scan3A_747 to %scan3A_749 step %scan3A_750 iter_args(%scan3A_2391 = %scan3A_745, %scan3A_2392 = %scan3A_746) -> (i32, i32)  : i32 {
      %add3A_2393 = arith.addi %scan3A_2391, %scan3A_2392 : i32
      %jit3A_2394 = arith.constant 2 : i32
      %div3A_2395 = arith.divsi %add3A_2393, %jit3A_2394 : i32
      %sign3A_2396 = arith.constant 0 : i32
      %sign3A_2397 = arith.cmpi sgt, %add3A_2393, %sign3A_2396 : i32
      %sign3A_2398 = arith.extui %sign3A_2397 : i1 to i32
      %sign3A_2399 = arith.constant 0 : i32
      %sign3A_2400 = arith.cmpi slt, %add3A_2393, %sign3A_2399 : i32
      %sign3A_2401 = arith.extui %sign3A_2400 : i1 to i32
      %sign3A_2402 = arith.subi %sign3A_2398, %sign3A_2401 : i32
      %sign3A_2403 = arith.constant 0 : i32
      %sign3A_2404 = arith.cmpi sgt, %jit3A_2394, %sign3A_2403 : i32
      %sign3A_2405 = arith.extui %sign3A_2404 : i1 to i32
      %sign3A_2406 = arith.constant 0 : i32
      %sign3A_2407 = arith.cmpi slt, %jit3A_2394, %sign3A_2406 : i32
      %sign3A_2408 = arith.extui %sign3A_2407 : i1 to i32
      %sign3A_2409 = arith.subi %sign3A_2405, %sign3A_2408 : i32
      %ne3A_2410 = arith.cmpi ne, %sign3A_2402, %sign3A_2409 : i32
      %rem3A_2411 = arith.remsi %add3A_2393, %jit3A_2394 : i32
      %ne3A_2412 = arith.constant 0 : i32
      %ne3A_2413 = arith.cmpi ne, %rem3A_2411, %ne3A_2412 : i32
      %and3A_2414 = arith.andi %ne3A_2410, %ne3A_2413 : i1
      %sub3A_2415 = arith.constant 1 : i32
      %sub3A_2416 = arith.subi %div3A_2395, %sub3A_2415 : i32
      %select_n3A_2417 = arith.select %and3A_2414, %sub3A_2416, %div3A_2395 : i32
      %lt3A = arith.cmpi slt, %scan3A_2391, %scan3A_2392 : i32
      %get3A_2418 = arith.index_cast %select_n3A_2417 : i32 to index
      %get3A_2419 = memref.load %arg1[%get3A_2418] : memref<8960xi32, #tpu.memory_space<smem>>
      %lt3A_2420 = arith.cmpi slt, %get3A_2419, %get3A_742 : i32
      %and3A_2421 = arith.andi %lt3A, %lt3A_2420 : i1
      %lt3A_2422 = arith.cmpi slt, %scan3A_2391, %scan3A_2392 : i32
      %not3A = arith.constant true
      %not3A_2423 = arith.xori %and3A_2421, %not3A : i1
      %and3A_2424 = arith.andi %lt3A_2422, %not3A_2423 : i1
      %add3A_2425 = arith.constant 1 : i32
      %add3A_2426 = arith.addi %select_n3A_2417, %add3A_2425 : i32
      %select_n3A_2427 = arith.select %and3A_2421, %add3A_2426, %scan3A_2391 : i32
      %select_n3A_2428 = arith.select %and3A_2424, %select_n3A_2417, %scan3A_2392 : i32
      scf.yield %select_n3A_2427, %select_n3A_2428 : i32, i32
    }
    %add3A_752 = arith.constant 1 : i32
    %add3A_753 = arith.addi %get3A_744, %add3A_752 : i32
    %scan3A_754 = arith.constant 0 : i32
    %scan3A_755 = arith.constant 8960 : i32
    %scan3A_756 = arith.constant 0 : i32
    %scan3A_757 = arith.constant 14 : i32
    %scan3A_758 = arith.addi %scan3A_756, %scan3A_757 : i32
    %scan3A_759 = arith.constant 1 : i32
    %scan3A_760:2 = scf.for %scan3A_2390 = %scan3A_756 to %scan3A_758 step %scan3A_759 iter_args(%scan3A_2391 = %scan3A_754, %scan3A_2392 = %scan3A_755) -> (i32, i32)  : i32 {
      %add3A_2393 = arith.addi %scan3A_2391, %scan3A_2392 : i32
      %jit3A_2394 = arith.constant 2 : i32
      %div3A_2395 = arith.divsi %add3A_2393, %jit3A_2394 : i32
      %sign3A_2396 = arith.constant 0 : i32
      %sign3A_2397 = arith.cmpi sgt, %add3A_2393, %sign3A_2396 : i32
      %sign3A_2398 = arith.extui %sign3A_2397 : i1 to i32
      %sign3A_2399 = arith.constant 0 : i32
      %sign3A_2400 = arith.cmpi slt, %add3A_2393, %sign3A_2399 : i32
      %sign3A_2401 = arith.extui %sign3A_2400 : i1 to i32
      %sign3A_2402 = arith.subi %sign3A_2398, %sign3A_2401 : i32
      %sign3A_2403 = arith.constant 0 : i32
      %sign3A_2404 = arith.cmpi sgt, %jit3A_2394, %sign3A_2403 : i32
      %sign3A_2405 = arith.extui %sign3A_2404 : i1 to i32
      %sign3A_2406 = arith.constant 0 : i32
      %sign3A_2407 = arith.cmpi slt, %jit3A_2394, %sign3A_2406 : i32
      %sign3A_2408 = arith.extui %sign3A_2407 : i1 to i32
      %sign3A_2409 = arith.subi %sign3A_2405, %sign3A_2408 : i32
      %ne3A_2410 = arith.cmpi ne, %sign3A_2402, %sign3A_2409 : i32
      %rem3A_2411 = arith.remsi %add3A_2393, %jit3A_2394 : i32
      %ne3A_2412 = arith.constant 0 : i32
      %ne3A_2413 = arith.cmpi ne, %rem3A_2411, %ne3A_2412 : i32
      %and3A_2414 = arith.andi %ne3A_2410, %ne3A_2413 : i1
      %sub3A_2415 = arith.constant 1 : i32
      %sub3A_2416 = arith.subi %div3A_2395, %sub3A_2415 : i32
      %select_n3A_2417 = arith.select %and3A_2414, %sub3A_2416, %div3A_2395 : i32
      %lt3A = arith.cmpi slt, %scan3A_2391, %scan3A_2392 : i32
      %get3A_2418 = arith.index_cast %select_n3A_2417 : i32 to index
      %get3A_2419 = memref.load %arg1[%get3A_2418] : memref<8960xi32, #tpu.memory_space<smem>>
      %lt3A_2420 = arith.cmpi slt, %get3A_2419, %add3A_753 : i32
      %and3A_2421 = arith.andi %lt3A, %lt3A_2420 : i1
      %lt3A_2422 = arith.cmpi slt, %scan3A_2391, %scan3A_2392 : i32
      %not3A = arith.constant true
      %not3A_2423 = arith.xori %and3A_2421, %not3A : i1
      %and3A_2424 = arith.andi %lt3A_2422, %not3A_2423 : i1
      %add3A_2425 = arith.constant 1 : i32
      %add3A_2426 = arith.addi %select_n3A_2417, %add3A_2425 : i32
      %select_n3A_2427 = arith.select %and3A_2421, %add3A_2426, %scan3A_2391 : i32
      %select_n3A_2428 = arith.select %and3A_2424, %select_n3A_2417, %scan3A_2392 : i32
      scf.yield %select_n3A_2427, %select_n3A_2428 : i32, i32
    }
    %jit3A_761 = arith.constant 128 : i32
    %div3A_762 = arith.divsi %scan3A_751#0, %jit3A_761 : i32
    %sign3A_763 = arith.constant 0 : i32
    %sign3A_764 = arith.cmpi sgt, %scan3A_751#0, %sign3A_763 : i32
    %sign3A_765 = arith.extui %sign3A_764 : i1 to i32
    %sign3A_766 = arith.constant 0 : i32
    %sign3A_767 = arith.cmpi slt, %scan3A_751#0, %sign3A_766 : i32
    %sign3A_768 = arith.extui %sign3A_767 : i1 to i32
    %sign3A_769 = arith.subi %sign3A_765, %sign3A_768 : i32
    %sign3A_770 = arith.constant 0 : i32
    %sign3A_771 = arith.cmpi sgt, %jit3A_761, %sign3A_770 : i32
    %sign3A_772 = arith.extui %sign3A_771 : i1 to i32
    %sign3A_773 = arith.constant 0 : i32
    %sign3A_774 = arith.cmpi slt, %jit3A_761, %sign3A_773 : i32
    %sign3A_775 = arith.extui %sign3A_774 : i1 to i32
    %sign3A_776 = arith.subi %sign3A_772, %sign3A_775 : i32
    %ne3A_777 = arith.cmpi ne, %sign3A_769, %sign3A_776 : i32
    %rem3A_778 = arith.remsi %scan3A_751#0, %jit3A_761 : i32
    %ne3A_779 = arith.constant 0 : i32
    %ne3A_780 = arith.cmpi ne, %rem3A_778, %ne3A_779 : i32
    %and3A_781 = arith.andi %ne3A_777, %ne3A_780 : i1
    %sub3A_782 = arith.constant 1 : i32
    %sub3A_783 = arith.subi %div3A_762, %sub3A_782 : i32
    %select_n3A_784 = arith.select %and3A_781, %sub3A_783, %div3A_762 : i32
    %mul3A_785 = arith.constant 128 : i32
    %mul3A_786 = arith.muli %select_n3A_784, %mul3A_785 : i32
    %sub3A_787 = arith.subi %scan3A_760#0, %mul3A_786 : i32
    %add3A_788 = arith.constant 768 : i32
    %add3A_789 = arith.addi %sub3A_787, %add3A_788 : i32
    %sub3A_790 = arith.constant 1 : i32
    %sub3A_791 = arith.subi %add3A_789, %sub3A_790 : i32
    %jit3A_792 = arith.constant 768 : i32
    %div3A_793 = arith.divsi %sub3A_791, %jit3A_792 : i32
    %sign3A_794 = arith.constant 0 : i32
    %sign3A_795 = arith.cmpi sgt, %sub3A_791, %sign3A_794 : i32
    %sign3A_796 = arith.extui %sign3A_795 : i1 to i32
    %sign3A_797 = arith.constant 0 : i32
    %sign3A_798 = arith.cmpi slt, %sub3A_791, %sign3A_797 : i32
    %sign3A_799 = arith.extui %sign3A_798 : i1 to i32
    %sign3A_800 = arith.subi %sign3A_796, %sign3A_799 : i32
    %sign3A_801 = arith.constant 0 : i32
    %sign3A_802 = arith.cmpi sgt, %jit3A_792, %sign3A_801 : i32
    %sign3A_803 = arith.extui %sign3A_802 : i1 to i32
    %sign3A_804 = arith.constant 0 : i32
    %sign3A_805 = arith.cmpi slt, %jit3A_792, %sign3A_804 : i32
    %sign3A_806 = arith.extui %sign3A_805 : i1 to i32
    %sign3A_807 = arith.subi %sign3A_803, %sign3A_806 : i32
    %ne3A_808 = arith.cmpi ne, %sign3A_800, %sign3A_807 : i32
    %rem3A_809 = arith.remsi %sub3A_791, %jit3A_792 : i32
    %ne3A_810 = arith.constant 0 : i32
    %ne3A_811 = arith.cmpi ne, %rem3A_809, %ne3A_810 : i32
    %and3A_812 = arith.andi %ne3A_808, %ne3A_811 : i1
    %sub3A_813 = arith.constant 1 : i32
    %sub3A_814 = arith.subi %div3A_793, %sub3A_813 : i32
    %select_n3A_815 = arith.select %and3A_812, %sub3A_814, %div3A_793 : i32
    %get3A_816 = arith.index_cast %mul3A_786 : i32 to index
    %get3A_817 = arith.constant 0 : index
    %get3A_818 = vector.load %arg6[%get3A_816, %get3A_817] : memref<8960x64xf32, #tpu.memory_space<vmem>>, vector<768x64xf32>
    %get3A_819 = arith.constant 0 : index
    %get3A_820 = arith.index_cast %mul3A_786 : i32 to index
    %get3A_821 = vector.load %arg3[%get3A_819, %get3A_820] : memref<1x8960xi32, #tpu.memory_space<vmem>>, vector<1x768xi32>
    %dot_general3A_822 = arith.constant dense<0.000000e+00> : vector<512x768xf32>
    %dot_general3A_823 = tpu.matmul %get3A_737, %get3A_818, %dot_general3A_822 {dimension_numbers = #tpu.dot_dimension_numbers<[1], [1], [0], [0], [0, 0, 1, 0], [], []>, transpose_lhs_hint = false} : vector<512x64xf32>, vector<768x64xf32>, vector<512x768xf32> -> vector<512x768xf32>
    %transpose3A_824 = tpu.transpose %get3A_740, [1, 0] : vector<1x512xi32> -> vector<512x1xi32>
    %eq3A_825 = vector.broadcast %transpose3A_824 : vector<512x1xi32> to vector<512x768xi32>
    %eq3A_826 = vector.broadcast %get3A_821 : vector<1x768xi32> to vector<512x768xi32>
    %eq3A_827 = arith.cmpi eq, %eq3A_825, %eq3A_826 : vector<512x768xi32>
    %neg3A_828 = arith.constant 0.000000e+00 : f32
    %neg3A_829 = vector.broadcast %neg3A_828 : f32 to vector<512x768xf32>
    %neg3A_830 = arith.subf %neg3A_829, %dot_general3A_823 : vector<512x768xf32>
    %exp3A_831 = math.exp %neg3A_830 : vector<512x768xf32>
    %jit3A_832 = arith.constant 0.000000e+00 : f32
    %broadcast_in_dim3A_833 = vector.broadcast %jit3A_832 : f32 to vector<512x768xf32>
    %select_n3A_834 = arith.select %eq3A_827, %exp3A_831, %broadcast_in_dim3A_833 : vector<512x768xi1>, vector<512x768xf32>
    %jit3A_835 = arith.constant 1.000000e+00 : f32
    %jit3A_836 = arith.constant 0.000000e+00 : f32
    %broadcast_in_dim3A_837 = vector.broadcast %jit3A_835 : f32 to vector<512x768xf32>
    %broadcast_in_dim3A_838 = vector.broadcast %jit3A_836 : f32 to vector<512x768xf32>
    %select_n3A_839 = arith.select %eq3A_827, %broadcast_in_dim3A_837, %broadcast_in_dim3A_838 : vector<512x768xi1>, vector<512x768xf32>
    %dot_general3A_840 = arith.constant dense<0.000000e+00> : vector<512x128xf32>
    %dot_general3A_841 = tpu.matmul %select_n3A_834, %broadcast_in_dim3A_6, %dot_general3A_840 {dimension_numbers = #tpu.dot_dimension_numbers<[1], [0], [0], [1], [0, 0, 1, 1], [], []>, transpose_lhs_hint = false} : vector<512x768xf32>, vector<768x128xf32>, vector<512x128xf32> -> vector<512x128xf32>
    %slice3A_842 = vector.extract_strided_slice %dot_general3A_841 {offsets = [0, 0], sizes = [512, 1], strides = [1, 1]} : vector<512x128xf32> to vector<512x1xf32>
    %dot_general3A_843 = arith.constant dense<0.000000e+00> : vector<512x128xf32>
    %dot_general3A_844 = tpu.matmul %select_n3A_839, %broadcast_in_dim3A_6, %dot_general3A_843 {dimension_numbers = #tpu.dot_dimension_numbers<[1], [0], [0], [1], [0, 0, 1, 1], [], []>, transpose_lhs_hint = false} : vector<512x768xf32>, vector<768x128xf32>, vector<512x128xf32> -> vector<512x128xf32>
    %slice3A_845 = vector.extract_strided_slice %dot_general3A_844 {offsets = [0, 0], sizes = [512, 1], strides = [1, 1]} : vector<512x128xf32> to vector<512x1xf32>
    %while3A_846 = arith.constant 1 : i32
    %while3A_847 = arith.subi %select_n3A_815, %while3A_846 : i32
    %while3A_848 = arith.addi %while3A_846, %while3A_847 : i32
    %while3A_849 = arith.constant 1 : i32
    %while3A_850 = arith.divsi %while3A_847, %while3A_849 : i32
    %while3A_851 = arith.muli %while3A_850, %while3A_849 : i32
    %while3A_852 = arith.addi %while3A_846, %while3A_851 : i32
    %while3A_853 = arith.constant 1 : i32
    %while3A_854:2 = scf.for %while3A_2390 = %while3A_846 to %while3A_852 step %while3A_853 iter_args(%while3A_2391 = %slice3A_842, %while3A_2392 = %slice3A_845) -> (vector<512x1xf32>, vector<512x1xf32>)  : i32 {
      %mul3A_2393 = arith.constant 768 : i32
      %mul3A_2394 = arith.muli %while3A_2390, %mul3A_2393 : i32
      %add3A_2395 = arith.addi %mul3A_786, %mul3A_2394 : i32
      %get3A_2396 = arith.index_cast %add3A_2395 : i32 to index
      %get3A_2397 = arith.constant 0 : index
      %get3A_2398 = vector.load %arg6[%get3A_2396, %get3A_2397] : memref<8960x64xf32, #tpu.memory_space<vmem>>, vector<768x64xf32>
      %get3A_2399 = arith.constant 0 : index
      %get3A_2400 = arith.index_cast %add3A_2395 : i32 to index
      %get3A_2401 = vector.load %arg3[%get3A_2399, %get3A_2400] : memref<1x8960xi32, #tpu.memory_space<vmem>>, vector<1x768xi32>
      %dot_general3A_2402 = arith.constant dense<0.000000e+00> : vector<512x768xf32>
      %dot_general3A_2403 = tpu.matmul %get3A_737, %get3A_2398, %dot_general3A_2402 {dimension_numbers = #tpu.dot_dimension_numbers<[1], [1], [0], [0], [0, 0, 1, 0], [], []>, transpose_lhs_hint = false} : vector<512x64xf32>, vector<768x64xf32>, vector<512x768xf32> -> vector<512x768xf32>
      %transpose3A_2404 = tpu.transpose %get3A_740, [1, 0] : vector<1x512xi32> -> vector<512x1xi32>
      %eq3A_2405 = vector.broadcast %transpose3A_2404 : vector<512x1xi32> to vector<512x768xi32>
      %eq3A_2406 = vector.broadcast %get3A_2401 : vector<1x768xi32> to vector<512x768xi32>
      %eq3A_2407 = arith.cmpi eq, %eq3A_2405, %eq3A_2406 : vector<512x768xi32>
      %neg3A_2408 = arith.constant 0.000000e+00 : f32
      %neg3A_2409 = vector.broadcast %neg3A_2408 : f32 to vector<512x768xf32>
      %neg3A_2410 = arith.subf %neg3A_2409, %dot_general3A_2403 : vector<512x768xf32>
      %exp3A_2411 = math.exp %neg3A_2410 : vector<512x768xf32>
      %jit3A_2412 = arith.constant 0.000000e+00 : f32
      %broadcast_in_dim3A_2413 = vector.broadcast %jit3A_2412 : f32 to vector<512x768xf32>
      %select_n3A_2414 = arith.select %eq3A_2407, %exp3A_2411, %broadcast_in_dim3A_2413 : vector<512x768xi1>, vector<512x768xf32>
      %jit3A_2415 = arith.constant 1.000000e+00 : f32
      %jit3A_2416 = arith.constant 0.000000e+00 : f32
      %broadcast_in_dim3A_2417 = vector.broadcast %jit3A_2415 : f32 to vector<512x768xf32>
      %broadcast_in_dim3A_2418 = vector.broadcast %jit3A_2416 : f32 to vector<512x768xf32>
      %select_n3A_2419 = arith.select %eq3A_2407, %broadcast_in_dim3A_2417, %broadcast_in_dim3A_2418 : vector<512x768xi1>, vector<512x768xf32>
      %dot_general3A_2420 = arith.constant dense<0.000000e+00> : vector<512x128xf32>
      %dot_general3A_2421 = tpu.matmul %select_n3A_2414, %broadcast_in_dim3A_6, %dot_general3A_2420 {dimension_numbers = #tpu.dot_dimension_numbers<[1], [0], [0], [1], [0, 0, 1, 1], [], []>, transpose_lhs_hint = false} : vector<512x768xf32>, vector<768x128xf32>, vector<512x128xf32> -> vector<512x128xf32>
      %slice3A_2422 = vector.extract_strided_slice %dot_general3A_2421 {offsets = [0, 0], sizes = [512, 1], strides = [1, 1]} : vector<512x128xf32> to vector<512x1xf32>
      %dot_general3A_2423 = arith.constant dense<0.000000e+00> : vector<512x128xf32>
      %dot_general3A_2424 = tpu.matmul %select_n3A_2419, %broadcast_in_dim3A_6, %dot_general3A_2423 {dimension_numbers = #tpu.dot_dimension_numbers<[1], [0], [0], [1], [0, 0, 1, 1], [], []>, transpose_lhs_hint = false} : vector<512x768xf32>, vector<768x128xf32>, vector<512x128xf32> -> vector<512x128xf32>
      %slice3A_2425 = vector.extract_strided_slice %dot_general3A_2424 {offsets = [0, 0], sizes = [512, 1], strides = [1, 1]} : vector<512x128xf32> to vector<512x1xf32>
      %add3A_2426 = arith.addf %while3A_2391, %slice3A_2422 : vector<512x1xf32>
      %add3A_2427 = arith.addf %while3A_2392, %slice3A_2425 : vector<512x1xf32>
      scf.yield %add3A_2426, %add3A_2427 : vector<512x1xf32>, vector<512x1xf32>
    }
    %while3A_855 = arith.constant 1 : i32
    %while3A_856:2 = scf.for %while3A_2390 = %while3A_852 to %while3A_848 step %while3A_855 iter_args(%while3A_2391 = %while3A_854#0, %while3A_2392 = %while3A_854#1) -> (vector<512x1xf32>, vector<512x1xf32>)  : i32 {
      %mul3A_2393 = arith.constant 768 : i32
      %mul3A_2394 = arith.muli %while3A_2390, %mul3A_2393 : i32
      %add3A_2395 = arith.addi %mul3A_786, %mul3A_2394 : i32
      %get3A_2396 = arith.index_cast %add3A_2395 : i32 to index
      %get3A_2397 = arith.constant 0 : index
      %get3A_2398 = vector.load %arg6[%get3A_2396, %get3A_2397] : memref<8960x64xf32, #tpu.memory_space<vmem>>, vector<768x64xf32>
      %get3A_2399 = arith.constant 0 : index
      %get3A_2400 = arith.index_cast %add3A_2395 : i32 to index
      %get3A_2401 = vector.load %arg3[%get3A_2399, %get3A_2400] : memref<1x8960xi32, #tpu.memory_space<vmem>>, vector<1x768xi32>
      %dot_general3A_2402 = arith.constant dense<0.000000e+00> : vector<512x768xf32>
      %dot_general3A_2403 = tpu.matmul %get3A_737, %get3A_2398, %dot_general3A_2402 {dimension_numbers = #tpu.dot_dimension_numbers<[1], [1], [0], [0], [0, 0, 1, 0], [], []>, transpose_lhs_hint = false} : vector<512x64xf32>, vector<768x64xf32>, vector<512x768xf32> -> vector<512x768xf32>
      %transpose3A_2404 = tpu.transpose %get3A_740, [1, 0] : vector<1x512xi32> -> vector<512x1xi32>
      %eq3A_2405 = vector.broadcast %transpose3A_2404 : vector<512x1xi32> to vector<512x768xi32>
      %eq3A_2406 = vector.broadcast %get3A_2401 : vector<1x768xi32> to vector<512x768xi32>
      %eq3A_2407 = arith.cmpi eq, %eq3A_2405, %eq3A_2406 : vector<512x768xi32>
      %neg3A_2408 = arith.constant 0.000000e+00 : f32
      %neg3A_2409 = vector.broadcast %neg3A_2408 : f32 to vector<512x768xf32>
      %neg3A_2410 = arith.subf %neg3A_2409, %dot_general3A_2403 : vector<512x768xf32>
      %exp3A_2411 = math.exp %neg3A_2410 : vector<512x768xf32>
      %jit3A_2412 = arith.constant 0.000000e+00 : f32
      %broadcast_in_dim3A_2413 = vector.broadcast %jit3A_2412 : f32 to vector<512x768xf32>
      %select_n3A_2414 = arith.select %eq3A_2407, %exp3A_2411, %broadcast_in_dim3A_2413 : vector<512x768xi1>, vector<512x768xf32>
      %jit3A_2415 = arith.constant 1.000000e+00 : f32
      %jit3A_2416 = arith.constant 0.000000e+00 : f32
      %broadcast_in_dim3A_2417 = vector.broadcast %jit3A_2415 : f32 to vector<512x768xf32>
      %broadcast_in_dim3A_2418 = vector.broadcast %jit3A_2416 : f32 to vector<512x768xf32>
      %select_n3A_2419 = arith.select %eq3A_2407, %broadcast_in_dim3A_2417, %broadcast_in_dim3A_2418 : vector<512x768xi1>, vector<512x768xf32>
      %dot_general3A_2420 = arith.constant dense<0.000000e+00> : vector<512x128xf32>
      %dot_general3A_2421 = tpu.matmul %select_n3A_2414, %broadcast_in_dim3A_6, %dot_general3A_2420 {dimension_numbers = #tpu.dot_dimension_numbers<[1], [0], [0], [1], [0, 0, 1, 1], [], []>, transpose_lhs_hint = false} : vector<512x768xf32>, vector<768x128xf32>, vector<512x128xf32> -> vector<512x128xf32>
      %slice3A_2422 = vector.extract_strided_slice %dot_general3A_2421 {offsets = [0, 0], sizes = [512, 1], strides = [1, 1]} : vector<512x128xf32> to vector<512x1xf32>
      %dot_general3A_2423 = arith.constant dense<0.000000e+00> : vector<512x128xf32>
      %dot_general3A_2424 = tpu.matmul %select_n3A_2419, %broadcast_in_dim3A_6, %dot_general3A_2423 {dimension_numbers = #tpu.dot_dimension_numbers<[1], [0], [0], [1], [0, 0, 1, 1], [], []>, transpose_lhs_hint = false} : vector<512x768xf32>, vector<768x128xf32>, vector<512x128xf32> -> vector<512x128xf32>
      %slice3A_2425 = vector.extract_strided_slice %dot_general3A_2424 {offsets = [0, 0], sizes = [512, 1], strides = [1, 1]} : vector<512x128xf32> to vector<512x1xf32>
      %add3A_2426 = arith.addf %while3A_2391, %slice3A_2422 : vector<512x1xf32>
      %add3A_2427 = arith.addf %while3A_2392, %slice3A_2425 : vector<512x1xf32>
      scf.yield %add3A_2426, %add3A_2427 : vector<512x1xf32>, vector<512x1xf32>
    }
    %mul3A_857 = arith.mulf %get3A_737, %get3A_737 : vector<512x64xf32>
    %reduce_sum3A_858 = arith.constant dense<0.000000e+00> : vector<512xf32>
    %reduce_sum3A_859 = vector.multi_reduction <add>, %mul3A_857, %reduce_sum3A_858 [1] : vector<512x64xf32> to vector<512xf32>
    %broadcast_in_dim3A_860 = vector.shape_cast %reduce_sum3A_859 : vector<512xf32> to vector<512x1xf32>
    %neg3A_861 = arith.constant 0.000000e+00 : f32
    %neg3A_862 = vector.broadcast %neg3A_861 : f32 to vector<512x1xf32>
    %neg3A_863 = arith.subf %neg3A_862, %broadcast_in_dim3A_860 : vector<512x1xf32>
    %exp3A_864 = math.exp %neg3A_863 : vector<512x1xf32>
    %sub3A_865 = arith.subf %while3A_856#0, %exp3A_864 : vector<512x1xf32>
    %ge3A_866 = arith.constant 2.000000e+00 : f32
    %ge3A_867 = vector.broadcast %ge3A_866 : f32 to vector<512x1xf32>
    %ge3A_868 = arith.cmpf oge, %while3A_856#1, %ge3A_867 : vector<512x1xf32>
    %log3A_869 = math.log %sub3A_865 : vector<512x1xf32>
    %neg3A_870 = arith.constant 0.000000e+00 : f32
    %neg3A_871 = vector.broadcast %neg3A_870 : f32 to vector<512x1xf32>
    %neg3A_872 = arith.subf %neg3A_871, %log3A_869 : vector<512x1xf32>
    %jit3A_873 = arith.constant 0.000000e+00 : f32
    %broadcast_in_dim3A_874 = vector.broadcast %jit3A_873 : f32 to vector<512x1xf32>
    %select_n3A_875 = arith.select %ge3A_868, %neg3A_872, %broadcast_in_dim3A_874 : vector<512x1xi1>, vector<512x1xf32>
    %add3A_876 = arith.addf %add3A_727, %select_n3A_875 : vector<512x1xf32>
    %sub3A_877 = arith.constant 1.000000e+00 : f32
    %sub3A_878 = vector.broadcast %sub3A_877 : f32 to vector<512x1xf32>
    %sub3A_879 = arith.subf %while3A_856#1, %sub3A_878 : vector<512x1xf32>
    %jit3A_880 = arith.constant 0.000000e+00 : f32
    %broadcast_in_dim3A_881 = vector.broadcast %jit3A_880 : f32 to vector<512x1xf32>
    %select_n3A_882 = arith.select %ge3A_868, %sub3A_879, %broadcast_in_dim3A_881 : vector<512x1xi1>, vector<512x1xf32>
    %add3A_883 = arith.addf %add3A_734, %select_n3A_882 : vector<512x1xf32>
    %get3A_884 = arith.constant 3072 : index
    %get3A_885 = arith.constant 0 : index
    %get3A_886 = vector.load %arg6[%get3A_884, %get3A_885] : memref<8960x64xf32, #tpu.memory_space<vmem>>, vector<512x64xf32>
    %get3A_887 = arith.constant 0 : index
    %get3A_888 = arith.constant 3072 : index
    %get3A_889 = vector.load %arg3[%get3A_887, %get3A_888] : memref<1x8960xi32, #tpu.memory_space<vmem>>, vector<1x512xi32>
    %get3A_890 = arith.constant 3072 : index
    %get3A_891 = memref.load %arg1[%get3A_890] : memref<8960xi32, #tpu.memory_space<smem>>
    %get3A_892 = arith.constant 3583 : index
    %get3A_893 = memref.load %arg1[%get3A_892] : memref<8960xi32, #tpu.memory_space<smem>>
    %scan3A_894 = arith.constant 0 : i32
    %scan3A_895 = arith.constant 8960 : i32
    %scan3A_896 = arith.constant 0 : i32
    %scan3A_897 = arith.constant 14 : i32
    %scan3A_898 = arith.addi %scan3A_896, %scan3A_897 : i32
    %scan3A_899 = arith.constant 1 : i32
    %scan3A_900:2 = scf.for %scan3A_2390 = %scan3A_896 to %scan3A_898 step %scan3A_899 iter_args(%scan3A_2391 = %scan3A_894, %scan3A_2392 = %scan3A_895) -> (i32, i32)  : i32 {
      %add3A_2393 = arith.addi %scan3A_2391, %scan3A_2392 : i32
      %jit3A_2394 = arith.constant 2 : i32
      %div3A_2395 = arith.divsi %add3A_2393, %jit3A_2394 : i32
      %sign3A_2396 = arith.constant 0 : i32
      %sign3A_2397 = arith.cmpi sgt, %add3A_2393, %sign3A_2396 : i32
      %sign3A_2398 = arith.extui %sign3A_2397 : i1 to i32
      %sign3A_2399 = arith.constant 0 : i32
      %sign3A_2400 = arith.cmpi slt, %add3A_2393, %sign3A_2399 : i32
      %sign3A_2401 = arith.extui %sign3A_2400 : i1 to i32
      %sign3A_2402 = arith.subi %sign3A_2398, %sign3A_2401 : i32
      %sign3A_2403 = arith.constant 0 : i32
      %sign3A_2404 = arith.cmpi sgt, %jit3A_2394, %sign3A_2403 : i32
      %sign3A_2405 = arith.extui %sign3A_2404 : i1 to i32
      %sign3A_2406 = arith.constant 0 : i32
      %sign3A_2407 = arith.cmpi slt, %jit3A_2394, %sign3A_2406 : i32
      %sign3A_2408 = arith.extui %sign3A_2407 : i1 to i32
      %sign3A_2409 = arith.subi %sign3A_2405, %sign3A_2408 : i32
      %ne3A_2410 = arith.cmpi ne, %sign3A_2402, %sign3A_2409 : i32
      %rem3A_2411 = arith.remsi %add3A_2393, %jit3A_2394 : i32
      %ne3A_2412 = arith.constant 0 : i32
      %ne3A_2413 = arith.cmpi ne, %rem3A_2411, %ne3A_2412 : i32
      %and3A_2414 = arith.andi %ne3A_2410, %ne3A_2413 : i1
      %sub3A_2415 = arith.constant 1 : i32
      %sub3A_2416 = arith.subi %div3A_2395, %sub3A_2415 : i32
      %select_n3A_2417 = arith.select %and3A_2414, %sub3A_2416, %div3A_2395 : i32
      %lt3A = arith.cmpi slt, %scan3A_2391, %scan3A_2392 : i32
      %get3A_2418 = arith.index_cast %select_n3A_2417 : i32 to index
      %get3A_2419 = memref.load %arg1[%get3A_2418] : memref<8960xi32, #tpu.memory_space<smem>>
      %lt3A_2420 = arith.cmpi slt, %get3A_2419, %get3A_891 : i32
      %and3A_2421 = arith.andi %lt3A, %lt3A_2420 : i1
      %lt3A_2422 = arith.cmpi slt, %scan3A_2391, %scan3A_2392 : i32
      %not3A = arith.constant true
      %not3A_2423 = arith.xori %and3A_2421, %not3A : i1
      %and3A_2424 = arith.andi %lt3A_2422, %not3A_2423 : i1
      %add3A_2425 = arith.constant 1 : i32
      %add3A_2426 = arith.addi %select_n3A_2417, %add3A_2425 : i32
      %select_n3A_2427 = arith.select %and3A_2421, %add3A_2426, %scan3A_2391 : i32
      %select_n3A_2428 = arith.select %and3A_2424, %select_n3A_2417, %scan3A_2392 : i32
      scf.yield %select_n3A_2427, %select_n3A_2428 : i32, i32
    }
    %add3A_901 = arith.constant 1 : i32
    %add3A_902 = arith.addi %get3A_893, %add3A_901 : i32
    %scan3A_903 = arith.constant 0 : i32
    %scan3A_904 = arith.constant 8960 : i32
    %scan3A_905 = arith.constant 0 : i32
    %scan3A_906 = arith.constant 14 : i32
    %scan3A_907 = arith.addi %scan3A_905, %scan3A_906 : i32
    %scan3A_908 = arith.constant 1 : i32
    %scan3A_909:2 = scf.for %scan3A_2390 = %scan3A_905 to %scan3A_907 step %scan3A_908 iter_args(%scan3A_2391 = %scan3A_903, %scan3A_2392 = %scan3A_904) -> (i32, i32)  : i32 {
      %add3A_2393 = arith.addi %scan3A_2391, %scan3A_2392 : i32
      %jit3A_2394 = arith.constant 2 : i32
      %div3A_2395 = arith.divsi %add3A_2393, %jit3A_2394 : i32
      %sign3A_2396 = arith.constant 0 : i32
      %sign3A_2397 = arith.cmpi sgt, %add3A_2393, %sign3A_2396 : i32
      %sign3A_2398 = arith.extui %sign3A_2397 : i1 to i32
      %sign3A_2399 = arith.constant 0 : i32
      %sign3A_2400 = arith.cmpi slt, %add3A_2393, %sign3A_2399 : i32
      %sign3A_2401 = arith.extui %sign3A_2400 : i1 to i32
      %sign3A_2402 = arith.subi %sign3A_2398, %sign3A_2401 : i32
      %sign3A_2403 = arith.constant 0 : i32
      %sign3A_2404 = arith.cmpi sgt, %jit3A_2394, %sign3A_2403 : i32
      %sign3A_2405 = arith.extui %sign3A_2404 : i1 to i32
      %sign3A_2406 = arith.constant 0 : i32
      %sign3A_2407 = arith.cmpi slt, %jit3A_2394, %sign3A_2406 : i32
      %sign3A_2408 = arith.extui %sign3A_2407 : i1 to i32
      %sign3A_2409 = arith.subi %sign3A_2405, %sign3A_2408 : i32
      %ne3A_2410 = arith.cmpi ne, %sign3A_2402, %sign3A_2409 : i32
      %rem3A_2411 = arith.remsi %add3A_2393, %jit3A_2394 : i32
      %ne3A_2412 = arith.constant 0 : i32
      %ne3A_2413 = arith.cmpi ne, %rem3A_2411, %ne3A_2412 : i32
      %and3A_2414 = arith.andi %ne3A_2410, %ne3A_2413 : i1
      %sub3A_2415 = arith.constant 1 : i32
      %sub3A_2416 = arith.subi %div3A_2395, %sub3A_2415 : i32
      %select_n3A_2417 = arith.select %and3A_2414, %sub3A_2416, %div3A_2395 : i32
      %lt3A = arith.cmpi slt, %scan3A_2391, %scan3A_2392 : i32
      %get3A_2418 = arith.index_cast %select_n3A_2417 : i32 to index
      %get3A_2419 = memref.load %arg1[%get3A_2418] : memref<8960xi32, #tpu.memory_space<smem>>
      %lt3A_2420 = arith.cmpi slt, %get3A_2419, %add3A_902 : i32
      %and3A_2421 = arith.andi %lt3A, %lt3A_2420 : i1
      %lt3A_2422 = arith.cmpi slt, %scan3A_2391, %scan3A_2392 : i32
      %not3A = arith.constant true
      %not3A_2423 = arith.xori %and3A_2421, %not3A : i1
      %and3A_2424 = arith.andi %lt3A_2422, %not3A_2423 : i1
      %add3A_2425 = arith.constant 1 : i32
      %add3A_2426 = arith.addi %select_n3A_2417, %add3A_2425 : i32
      %select_n3A_2427 = arith.select %and3A_2421, %add3A_2426, %scan3A_2391 : i32
      %select_n3A_2428 = arith.select %and3A_2424, %select_n3A_2417, %scan3A_2392 : i32
      scf.yield %select_n3A_2427, %select_n3A_2428 : i32, i32
    }
    %jit3A_910 = arith.constant 128 : i32
    %div3A_911 = arith.divsi %scan3A_900#0, %jit3A_910 : i32
    %sign3A_912 = arith.constant 0 : i32
    %sign3A_913 = arith.cmpi sgt, %scan3A_900#0, %sign3A_912 : i32
    %sign3A_914 = arith.extui %sign3A_913 : i1 to i32
    %sign3A_915 = arith.constant 0 : i32
    %sign3A_916 = arith.cmpi slt, %scan3A_900#0, %sign3A_915 : i32
    %sign3A_917 = arith.extui %sign3A_916 : i1 to i32
    %sign3A_918 = arith.subi %sign3A_914, %sign3A_917 : i32
    %sign3A_919 = arith.constant 0 : i32
    %sign3A_920 = arith.cmpi sgt, %jit3A_910, %sign3A_919 : i32
    %sign3A_921 = arith.extui %sign3A_920 : i1 to i32
    %sign3A_922 = arith.constant 0 : i32
    %sign3A_923 = arith.cmpi slt, %jit3A_910, %sign3A_922 : i32
    %sign3A_924 = arith.extui %sign3A_923 : i1 to i32
    %sign3A_925 = arith.subi %sign3A_921, %sign3A_924 : i32
    %ne3A_926 = arith.cmpi ne, %sign3A_918, %sign3A_925 : i32
    %rem3A_927 = arith.remsi %scan3A_900#0, %jit3A_910 : i32
    %ne3A_928 = arith.constant 0 : i32
    %ne3A_929 = arith.cmpi ne, %rem3A_927, %ne3A_928 : i32
    %and3A_930 = arith.andi %ne3A_926, %ne3A_929 : i1
    %sub3A_931 = arith.constant 1 : i32
    %sub3A_932 = arith.subi %div3A_911, %sub3A_931 : i32
    %select_n3A_933 = arith.select %and3A_930, %sub3A_932, %div3A_911 : i32
    %mul3A_934 = arith.constant 128 : i32
    %mul3A_935 = arith.muli %select_n3A_933, %mul3A_934 : i32
    %sub3A_936 = arith.subi %scan3A_909#0, %mul3A_935 : i32
    %add3A_937 = arith.constant 768 : i32
    %add3A_938 = arith.addi %sub3A_936, %add3A_937 : i32
    %sub3A_939 = arith.constant 1 : i32
    %sub3A_940 = arith.subi %add3A_938, %sub3A_939 : i32
    %jit3A_941 = arith.constant 768 : i32
    %div3A_942 = arith.divsi %sub3A_940, %jit3A_941 : i32
    %sign3A_943 = arith.constant 0 : i32
    %sign3A_944 = arith.cmpi sgt, %sub3A_940, %sign3A_943 : i32
    %sign3A_945 = arith.extui %sign3A_944 : i1 to i32
    %sign3A_946 = arith.constant 0 : i32
    %sign3A_947 = arith.cmpi slt, %sub3A_940, %sign3A_946 : i32
    %sign3A_948 = arith.extui %sign3A_947 : i1 to i32
    %sign3A_949 = arith.subi %sign3A_945, %sign3A_948 : i32
    %sign3A_950 = arith.constant 0 : i32
    %sign3A_951 = arith.cmpi sgt, %jit3A_941, %sign3A_950 : i32
    %sign3A_952 = arith.extui %sign3A_951 : i1 to i32
    %sign3A_953 = arith.constant 0 : i32
    %sign3A_954 = arith.cmpi slt, %jit3A_941, %sign3A_953 : i32
    %sign3A_955 = arith.extui %sign3A_954 : i1 to i32
    %sign3A_956 = arith.subi %sign3A_952, %sign3A_955 : i32
    %ne3A_957 = arith.cmpi ne, %sign3A_949, %sign3A_956 : i32
    %rem3A_958 = arith.remsi %sub3A_940, %jit3A_941 : i32
    %ne3A_959 = arith.constant 0 : i32
    %ne3A_960 = arith.cmpi ne, %rem3A_958, %ne3A_959 : i32
    %and3A_961 = arith.andi %ne3A_957, %ne3A_960 : i1
    %sub3A_962 = arith.constant 1 : i32
    %sub3A_963 = arith.subi %div3A_942, %sub3A_962 : i32
    %select_n3A_964 = arith.select %and3A_961, %sub3A_963, %div3A_942 : i32
    %get3A_965 = arith.index_cast %mul3A_935 : i32 to index
    %get3A_966 = arith.constant 0 : index
    %get3A_967 = vector.load %arg6[%get3A_965, %get3A_966] : memref<8960x64xf32, #tpu.memory_space<vmem>>, vector<768x64xf32>
    %get3A_968 = arith.constant 0 : index
    %get3A_969 = arith.index_cast %mul3A_935 : i32 to index
    %get3A_970 = vector.load %arg3[%get3A_968, %get3A_969] : memref<1x8960xi32, #tpu.memory_space<vmem>>, vector<1x768xi32>
    %dot_general3A_971 = arith.constant dense<0.000000e+00> : vector<512x768xf32>
    %dot_general3A_972 = tpu.matmul %get3A_886, %get3A_967, %dot_general3A_971 {dimension_numbers = #tpu.dot_dimension_numbers<[1], [1], [0], [0], [0, 0, 1, 0], [], []>, transpose_lhs_hint = false} : vector<512x64xf32>, vector<768x64xf32>, vector<512x768xf32> -> vector<512x768xf32>
    %transpose3A_973 = tpu.transpose %get3A_889, [1, 0] : vector<1x512xi32> -> vector<512x1xi32>
    %eq3A_974 = vector.broadcast %transpose3A_973 : vector<512x1xi32> to vector<512x768xi32>
    %eq3A_975 = vector.broadcast %get3A_970 : vector<1x768xi32> to vector<512x768xi32>
    %eq3A_976 = arith.cmpi eq, %eq3A_974, %eq3A_975 : vector<512x768xi32>
    %neg3A_977 = arith.constant 0.000000e+00 : f32
    %neg3A_978 = vector.broadcast %neg3A_977 : f32 to vector<512x768xf32>
    %neg3A_979 = arith.subf %neg3A_978, %dot_general3A_972 : vector<512x768xf32>
    %exp3A_980 = math.exp %neg3A_979 : vector<512x768xf32>
    %jit3A_981 = arith.constant 0.000000e+00 : f32
    %broadcast_in_dim3A_982 = vector.broadcast %jit3A_981 : f32 to vector<512x768xf32>
    %select_n3A_983 = arith.select %eq3A_976, %exp3A_980, %broadcast_in_dim3A_982 : vector<512x768xi1>, vector<512x768xf32>
    %jit3A_984 = arith.constant 1.000000e+00 : f32
    %jit3A_985 = arith.constant 0.000000e+00 : f32
    %broadcast_in_dim3A_986 = vector.broadcast %jit3A_984 : f32 to vector<512x768xf32>
    %broadcast_in_dim3A_987 = vector.broadcast %jit3A_985 : f32 to vector<512x768xf32>
    %select_n3A_988 = arith.select %eq3A_976, %broadcast_in_dim3A_986, %broadcast_in_dim3A_987 : vector<512x768xi1>, vector<512x768xf32>
    %dot_general3A_989 = arith.constant dense<0.000000e+00> : vector<512x128xf32>
    %dot_general3A_990 = tpu.matmul %select_n3A_983, %broadcast_in_dim3A_6, %dot_general3A_989 {dimension_numbers = #tpu.dot_dimension_numbers<[1], [0], [0], [1], [0, 0, 1, 1], [], []>, transpose_lhs_hint = false} : vector<512x768xf32>, vector<768x128xf32>, vector<512x128xf32> -> vector<512x128xf32>
    %slice3A_991 = vector.extract_strided_slice %dot_general3A_990 {offsets = [0, 0], sizes = [512, 1], strides = [1, 1]} : vector<512x128xf32> to vector<512x1xf32>
    %dot_general3A_992 = arith.constant dense<0.000000e+00> : vector<512x128xf32>
    %dot_general3A_993 = tpu.matmul %select_n3A_988, %broadcast_in_dim3A_6, %dot_general3A_992 {dimension_numbers = #tpu.dot_dimension_numbers<[1], [0], [0], [1], [0, 0, 1, 1], [], []>, transpose_lhs_hint = false} : vector<512x768xf32>, vector<768x128xf32>, vector<512x128xf32> -> vector<512x128xf32>
    %slice3A_994 = vector.extract_strided_slice %dot_general3A_993 {offsets = [0, 0], sizes = [512, 1], strides = [1, 1]} : vector<512x128xf32> to vector<512x1xf32>
    %while3A_995 = arith.constant 1 : i32
    %while3A_996 = arith.subi %select_n3A_964, %while3A_995 : i32
    %while3A_997 = arith.addi %while3A_995, %while3A_996 : i32
    %while3A_998 = arith.constant 1 : i32
    %while3A_999 = arith.divsi %while3A_996, %while3A_998 : i32
    %while3A_1000 = arith.muli %while3A_999, %while3A_998 : i32
    %while3A_1001 = arith.addi %while3A_995, %while3A_1000 : i32
    %while3A_1002 = arith.constant 1 : i32
    %while3A_1003:2 = scf.for %while3A_2390 = %while3A_995 to %while3A_1001 step %while3A_1002 iter_args(%while3A_2391 = %slice3A_991, %while3A_2392 = %slice3A_994) -> (vector<512x1xf32>, vector<512x1xf32>)  : i32 {
      %mul3A_2393 = arith.constant 768 : i32
      %mul3A_2394 = arith.muli %while3A_2390, %mul3A_2393 : i32
      %add3A_2395 = arith.addi %mul3A_935, %mul3A_2394 : i32
      %get3A_2396 = arith.index_cast %add3A_2395 : i32 to index
      %get3A_2397 = arith.constant 0 : index
      %get3A_2398 = vector.load %arg6[%get3A_2396, %get3A_2397] : memref<8960x64xf32, #tpu.memory_space<vmem>>, vector<768x64xf32>
      %get3A_2399 = arith.constant 0 : index
      %get3A_2400 = arith.index_cast %add3A_2395 : i32 to index
      %get3A_2401 = vector.load %arg3[%get3A_2399, %get3A_2400] : memref<1x8960xi32, #tpu.memory_space<vmem>>, vector<1x768xi32>
      %dot_general3A_2402 = arith.constant dense<0.000000e+00> : vector<512x768xf32>
      %dot_general3A_2403 = tpu.matmul %get3A_886, %get3A_2398, %dot_general3A_2402 {dimension_numbers = #tpu.dot_dimension_numbers<[1], [1], [0], [0], [0, 0, 1, 0], [], []>, transpose_lhs_hint = false} : vector<512x64xf32>, vector<768x64xf32>, vector<512x768xf32> -> vector<512x768xf32>
      %transpose3A_2404 = tpu.transpose %get3A_889, [1, 0] : vector<1x512xi32> -> vector<512x1xi32>
      %eq3A_2405 = vector.broadcast %transpose3A_2404 : vector<512x1xi32> to vector<512x768xi32>
      %eq3A_2406 = vector.broadcast %get3A_2401 : vector<1x768xi32> to vector<512x768xi32>
      %eq3A_2407 = arith.cmpi eq, %eq3A_2405, %eq3A_2406 : vector<512x768xi32>
      %neg3A_2408 = arith.constant 0.000000e+00 : f32
      %neg3A_2409 = vector.broadcast %neg3A_2408 : f32 to vector<512x768xf32>
      %neg3A_2410 = arith.subf %neg3A_2409, %dot_general3A_2403 : vector<512x768xf32>
      %exp3A_2411 = math.exp %neg3A_2410 : vector<512x768xf32>
      %jit3A_2412 = arith.constant 0.000000e+00 : f32
      %broadcast_in_dim3A_2413 = vector.broadcast %jit3A_2412 : f32 to vector<512x768xf32>
      %select_n3A_2414 = arith.select %eq3A_2407, %exp3A_2411, %broadcast_in_dim3A_2413 : vector<512x768xi1>, vector<512x768xf32>
      %jit3A_2415 = arith.constant 1.000000e+00 : f32
      %jit3A_2416 = arith.constant 0.000000e+00 : f32
      %broadcast_in_dim3A_2417 = vector.broadcast %jit3A_2415 : f32 to vector<512x768xf32>
      %broadcast_in_dim3A_2418 = vector.broadcast %jit3A_2416 : f32 to vector<512x768xf32>
      %select_n3A_2419 = arith.select %eq3A_2407, %broadcast_in_dim3A_2417, %broadcast_in_dim3A_2418 : vector<512x768xi1>, vector<512x768xf32>
      %dot_general3A_2420 = arith.constant dense<0.000000e+00> : vector<512x128xf32>
      %dot_general3A_2421 = tpu.matmul %select_n3A_2414, %broadcast_in_dim3A_6, %dot_general3A_2420 {dimension_numbers = #tpu.dot_dimension_numbers<[1], [0], [0], [1], [0, 0, 1, 1], [], []>, transpose_lhs_hint = false} : vector<512x768xf32>, vector<768x128xf32>, vector<512x128xf32> -> vector<512x128xf32>
      %slice3A_2422 = vector.extract_strided_slice %dot_general3A_2421 {offsets = [0, 0], sizes = [512, 1], strides = [1, 1]} : vector<512x128xf32> to vector<512x1xf32>
      %dot_general3A_2423 = arith.constant dense<0.000000e+00> : vector<512x128xf32>
      %dot_general3A_2424 = tpu.matmul %select_n3A_2419, %broadcast_in_dim3A_6, %dot_general3A_2423 {dimension_numbers = #tpu.dot_dimension_numbers<[1], [0], [0], [1], [0, 0, 1, 1], [], []>, transpose_lhs_hint = false} : vector<512x768xf32>, vector<768x128xf32>, vector<512x128xf32> -> vector<512x128xf32>
      %slice3A_2425 = vector.extract_strided_slice %dot_general3A_2424 {offsets = [0, 0], sizes = [512, 1], strides = [1, 1]} : vector<512x128xf32> to vector<512x1xf32>
      %add3A_2426 = arith.addf %while3A_2391, %slice3A_2422 : vector<512x1xf32>
      %add3A_2427 = arith.addf %while3A_2392, %slice3A_2425 : vector<512x1xf32>
      scf.yield %add3A_2426, %add3A_2427 : vector<512x1xf32>, vector<512x1xf32>
    }
    %while3A_1004 = arith.constant 1 : i32
    %while3A_1005:2 = scf.for %while3A_2390 = %while3A_1001 to %while3A_997 step %while3A_1004 iter_args(%while3A_2391 = %while3A_1003#0, %while3A_2392 = %while3A_1003#1) -> (vector<512x1xf32>, vector<512x1xf32>)  : i32 {
      %mul3A_2393 = arith.constant 768 : i32
      %mul3A_2394 = arith.muli %while3A_2390, %mul3A_2393 : i32
      %add3A_2395 = arith.addi %mul3A_935, %mul3A_2394 : i32
      %get3A_2396 = arith.index_cast %add3A_2395 : i32 to index
      %get3A_2397 = arith.constant 0 : index
      %get3A_2398 = vector.load %arg6[%get3A_2396, %get3A_2397] : memref<8960x64xf32, #tpu.memory_space<vmem>>, vector<768x64xf32>
      %get3A_2399 = arith.constant 0 : index
      %get3A_2400 = arith.index_cast %add3A_2395 : i32 to index
      %get3A_2401 = vector.load %arg3[%get3A_2399, %get3A_2400] : memref<1x8960xi32, #tpu.memory_space<vmem>>, vector<1x768xi32>
      %dot_general3A_2402 = arith.constant dense<0.000000e+00> : vector<512x768xf32>
      %dot_general3A_2403 = tpu.matmul %get3A_886, %get3A_2398, %dot_general3A_2402 {dimension_numbers = #tpu.dot_dimension_numbers<[1], [1], [0], [0], [0, 0, 1, 0], [], []>, transpose_lhs_hint = false} : vector<512x64xf32>, vector<768x64xf32>, vector<512x768xf32> -> vector<512x768xf32>
      %transpose3A_2404 = tpu.transpose %get3A_889, [1, 0] : vector<1x512xi32> -> vector<512x1xi32>
      %eq3A_2405 = vector.broadcast %transpose3A_2404 : vector<512x1xi32> to vector<512x768xi32>
      %eq3A_2406 = vector.broadcast %get3A_2401 : vector<1x768xi32> to vector<512x768xi32>
      %eq3A_2407 = arith.cmpi eq, %eq3A_2405, %eq3A_2406 : vector<512x768xi32>
      %neg3A_2408 = arith.constant 0.000000e+00 : f32
      %neg3A_2409 = vector.broadcast %neg3A_2408 : f32 to vector<512x768xf32>
      %neg3A_2410 = arith.subf %neg3A_2409, %dot_general3A_2403 : vector<512x768xf32>
      %exp3A_2411 = math.exp %neg3A_2410 : vector<512x768xf32>
      %jit3A_2412 = arith.constant 0.000000e+00 : f32
      %broadcast_in_dim3A_2413 = vector.broadcast %jit3A_2412 : f32 to vector<512x768xf32>
      %select_n3A_2414 = arith.select %eq3A_2407, %exp3A_2411, %broadcast_in_dim3A_2413 : vector<512x768xi1>, vector<512x768xf32>
      %jit3A_2415 = arith.constant 1.000000e+00 : f32
      %jit3A_2416 = arith.constant 0.000000e+00 : f32
      %broadcast_in_dim3A_2417 = vector.broadcast %jit3A_2415 : f32 to vector<512x768xf32>
      %broadcast_in_dim3A_2418 = vector.broadcast %jit3A_2416 : f32 to vector<512x768xf32>
      %select_n3A_2419 = arith.select %eq3A_2407, %broadcast_in_dim3A_2417, %broadcast_in_dim3A_2418 : vector<512x768xi1>, vector<512x768xf32>
      %dot_general3A_2420 = arith.constant dense<0.000000e+00> : vector<512x128xf32>
      %dot_general3A_2421 = tpu.matmul %select_n3A_2414, %broadcast_in_dim3A_6, %dot_general3A_2420 {dimension_numbers = #tpu.dot_dimension_numbers<[1], [0], [0], [1], [0, 0, 1, 1], [], []>, transpose_lhs_hint = false} : vector<512x768xf32>, vector<768x128xf32>, vector<512x128xf32> -> vector<512x128xf32>
      %slice3A_2422 = vector.extract_strided_slice %dot_general3A_2421 {offsets = [0, 0], sizes = [512, 1], strides = [1, 1]} : vector<512x128xf32> to vector<512x1xf32>
      %dot_general3A_2423 = arith.constant dense<0.000000e+00> : vector<512x128xf32>
      %dot_general3A_2424 = tpu.matmul %select_n3A_2419, %broadcast_in_dim3A_6, %dot_general3A_2423 {dimension_numbers = #tpu.dot_dimension_numbers<[1], [0], [0], [1], [0, 0, 1, 1], [], []>, transpose_lhs_hint = false} : vector<512x768xf32>, vector<768x128xf32>, vector<512x128xf32> -> vector<512x128xf32>
      %slice3A_2425 = vector.extract_strided_slice %dot_general3A_2424 {offsets = [0, 0], sizes = [512, 1], strides = [1, 1]} : vector<512x128xf32> to vector<512x1xf32>
      %add3A_2426 = arith.addf %while3A_2391, %slice3A_2422 : vector<512x1xf32>
      %add3A_2427 = arith.addf %while3A_2392, %slice3A_2425 : vector<512x1xf32>
      scf.yield %add3A_2426, %add3A_2427 : vector<512x1xf32>, vector<512x1xf32>
    }
    %mul3A_1006 = arith.mulf %get3A_886, %get3A_886 : vector<512x64xf32>
    %reduce_sum3A_1007 = arith.constant dense<0.000000e+00> : vector<512xf32>
    %reduce_sum3A_1008 = vector.multi_reduction <add>, %mul3A_1006, %reduce_sum3A_1007 [1] : vector<512x64xf32> to vector<512xf32>
    %broadcast_in_dim3A_1009 = vector.shape_cast %reduce_sum3A_1008 : vector<512xf32> to vector<512x1xf32>
    %neg3A_1010 = arith.constant 0.000000e+00 : f32
    %neg3A_1011 = vector.broadcast %neg3A_1010 : f32 to vector<512x1xf32>
    %neg3A_1012 = arith.subf %neg3A_1011, %broadcast_in_dim3A_1009 : vector<512x1xf32>
    %exp3A_1013 = math.exp %neg3A_1012 : vector<512x1xf32>
    %sub3A_1014 = arith.subf %while3A_1005#0, %exp3A_1013 : vector<512x1xf32>
    %ge3A_1015 = arith.constant 2.000000e+00 : f32
    %ge3A_1016 = vector.broadcast %ge3A_1015 : f32 to vector<512x1xf32>
    %ge3A_1017 = arith.cmpf oge, %while3A_1005#1, %ge3A_1016 : vector<512x1xf32>
    %log3A_1018 = math.log %sub3A_1014 : vector<512x1xf32>
    %neg3A_1019 = arith.constant 0.000000e+00 : f32
    %neg3A_1020 = vector.broadcast %neg3A_1019 : f32 to vector<512x1xf32>
    %neg3A_1021 = arith.subf %neg3A_1020, %log3A_1018 : vector<512x1xf32>
    %jit3A_1022 = arith.constant 0.000000e+00 : f32
    %broadcast_in_dim3A_1023 = vector.broadcast %jit3A_1022 : f32 to vector<512x1xf32>
    %select_n3A_1024 = arith.select %ge3A_1017, %neg3A_1021, %broadcast_in_dim3A_1023 : vector<512x1xi1>, vector<512x1xf32>
    %add3A_1025 = arith.addf %add3A_876, %select_n3A_1024 : vector<512x1xf32>
    %sub3A_1026 = arith.constant 1.000000e+00 : f32
    %sub3A_1027 = vector.broadcast %sub3A_1026 : f32 to vector<512x1xf32>
    %sub3A_1028 = arith.subf %while3A_1005#1, %sub3A_1027 : vector<512x1xf32>
    %jit3A_1029 = arith.constant 0.000000e+00 : f32
    %broadcast_in_dim3A_1030 = vector.broadcast %jit3A_1029 : f32 to vector<512x1xf32>
    %select_n3A_1031 = arith.select %ge3A_1017, %sub3A_1028, %broadcast_in_dim3A_1030 : vector<512x1xi1>, vector<512x1xf32>
    %add3A_1032 = arith.addf %add3A_883, %select_n3A_1031 : vector<512x1xf32>
    %get3A_1033 = arith.constant 3584 : index
    %get3A_1034 = arith.constant 0 : index
    %get3A_1035 = vector.load %arg6[%get3A_1033, %get3A_1034] : memref<8960x64xf32, #tpu.memory_space<vmem>>, vector<512x64xf32>
    %get3A_1036 = arith.constant 0 : index
    %get3A_1037 = arith.constant 3584 : index
    %get3A_1038 = vector.load %arg3[%get3A_1036, %get3A_1037] : memref<1x8960xi32, #tpu.memory_space<vmem>>, vector<1x512xi32>
    %get3A_1039 = arith.constant 3584 : index
    %get3A_1040 = memref.load %arg1[%get3A_1039] : memref<8960xi32, #tpu.memory_space<smem>>
    %get3A_1041 = arith.constant 4095 : index
    %get3A_1042 = memref.load %arg1[%get3A_1041] : memref<8960xi32, #tpu.memory_space<smem>>
    %scan3A_1043 = arith.constant 0 : i32
    %scan3A_1044 = arith.constant 8960 : i32
    %scan3A_1045 = arith.constant 0 : i32
    %scan3A_1046 = arith.constant 14 : i32
    %scan3A_1047 = arith.addi %scan3A_1045, %scan3A_1046 : i32
    %scan3A_1048 = arith.constant 1 : i32
    %scan3A_1049:2 = scf.for %scan3A_2390 = %scan3A_1045 to %scan3A_1047 step %scan3A_1048 iter_args(%scan3A_2391 = %scan3A_1043, %scan3A_2392 = %scan3A_1044) -> (i32, i32)  : i32 {
      %add3A_2393 = arith.addi %scan3A_2391, %scan3A_2392 : i32
      %jit3A_2394 = arith.constant 2 : i32
      %div3A_2395 = arith.divsi %add3A_2393, %jit3A_2394 : i32
      %sign3A_2396 = arith.constant 0 : i32
      %sign3A_2397 = arith.cmpi sgt, %add3A_2393, %sign3A_2396 : i32
      %sign3A_2398 = arith.extui %sign3A_2397 : i1 to i32
      %sign3A_2399 = arith.constant 0 : i32
      %sign3A_2400 = arith.cmpi slt, %add3A_2393, %sign3A_2399 : i32
      %sign3A_2401 = arith.extui %sign3A_2400 : i1 to i32
      %sign3A_2402 = arith.subi %sign3A_2398, %sign3A_2401 : i32
      %sign3A_2403 = arith.constant 0 : i32
      %sign3A_2404 = arith.cmpi sgt, %jit3A_2394, %sign3A_2403 : i32
      %sign3A_2405 = arith.extui %sign3A_2404 : i1 to i32
      %sign3A_2406 = arith.constant 0 : i32
      %sign3A_2407 = arith.cmpi slt, %jit3A_2394, %sign3A_2406 : i32
      %sign3A_2408 = arith.extui %sign3A_2407 : i1 to i32
      %sign3A_2409 = arith.subi %sign3A_2405, %sign3A_2408 : i32
      %ne3A_2410 = arith.cmpi ne, %sign3A_2402, %sign3A_2409 : i32
      %rem3A_2411 = arith.remsi %add3A_2393, %jit3A_2394 : i32
      %ne3A_2412 = arith.constant 0 : i32
      %ne3A_2413 = arith.cmpi ne, %rem3A_2411, %ne3A_2412 : i32
      %and3A_2414 = arith.andi %ne3A_2410, %ne3A_2413 : i1
      %sub3A_2415 = arith.constant 1 : i32
      %sub3A_2416 = arith.subi %div3A_2395, %sub3A_2415 : i32
      %select_n3A_2417 = arith.select %and3A_2414, %sub3A_2416, %div3A_2395 : i32
      %lt3A = arith.cmpi slt, %scan3A_2391, %scan3A_2392 : i32
      %get3A_2418 = arith.index_cast %select_n3A_2417 : i32 to index
      %get3A_2419 = memref.load %arg1[%get3A_2418] : memref<8960xi32, #tpu.memory_space<smem>>
      %lt3A_2420 = arith.cmpi slt, %get3A_2419, %get3A_1040 : i32
      %and3A_2421 = arith.andi %lt3A, %lt3A_2420 : i1
      %lt3A_2422 = arith.cmpi slt, %scan3A_2391, %scan3A_2392 : i32
      %not3A = arith.constant true
      %not3A_2423 = arith.xori %and3A_2421, %not3A : i1
      %and3A_2424 = arith.andi %lt3A_2422, %not3A_2423 : i1
      %add3A_2425 = arith.constant 1 : i32
      %add3A_2426 = arith.addi %select_n3A_2417, %add3A_2425 : i32
      %select_n3A_2427 = arith.select %and3A_2421, %add3A_2426, %scan3A_2391 : i32
      %select_n3A_2428 = arith.select %and3A_2424, %select_n3A_2417, %scan3A_2392 : i32
      scf.yield %select_n3A_2427, %select_n3A_2428 : i32, i32
    }
    %add3A_1050 = arith.constant 1 : i32
    %add3A_1051 = arith.addi %get3A_1042, %add3A_1050 : i32
    %scan3A_1052 = arith.constant 0 : i32
    %scan3A_1053 = arith.constant 8960 : i32
    %scan3A_1054 = arith.constant 0 : i32
    %scan3A_1055 = arith.constant 14 : i32
    %scan3A_1056 = arith.addi %scan3A_1054, %scan3A_1055 : i32
    %scan3A_1057 = arith.constant 1 : i32
    %scan3A_1058:2 = scf.for %scan3A_2390 = %scan3A_1054 to %scan3A_1056 step %scan3A_1057 iter_args(%scan3A_2391 = %scan3A_1052, %scan3A_2392 = %scan3A_1053) -> (i32, i32)  : i32 {
      %add3A_2393 = arith.addi %scan3A_2391, %scan3A_2392 : i32
      %jit3A_2394 = arith.constant 2 : i32
      %div3A_2395 = arith.divsi %add3A_2393, %jit3A_2394 : i32
      %sign3A_2396 = arith.constant 0 : i32
      %sign3A_2397 = arith.cmpi sgt, %add3A_2393, %sign3A_2396 : i32
      %sign3A_2398 = arith.extui %sign3A_2397 : i1 to i32
      %sign3A_2399 = arith.constant 0 : i32
      %sign3A_2400 = arith.cmpi slt, %add3A_2393, %sign3A_2399 : i32
      %sign3A_2401 = arith.extui %sign3A_2400 : i1 to i32
      %sign3A_2402 = arith.subi %sign3A_2398, %sign3A_2401 : i32
      %sign3A_2403 = arith.constant 0 : i32
      %sign3A_2404 = arith.cmpi sgt, %jit3A_2394, %sign3A_2403 : i32
      %sign3A_2405 = arith.extui %sign3A_2404 : i1 to i32
      %sign3A_2406 = arith.constant 0 : i32
      %sign3A_2407 = arith.cmpi slt, %jit3A_2394, %sign3A_2406 : i32
      %sign3A_2408 = arith.extui %sign3A_2407 : i1 to i32
      %sign3A_2409 = arith.subi %sign3A_2405, %sign3A_2408 : i32
      %ne3A_2410 = arith.cmpi ne, %sign3A_2402, %sign3A_2409 : i32
      %rem3A_2411 = arith.remsi %add3A_2393, %jit3A_2394 : i32
      %ne3A_2412 = arith.constant 0 : i32
      %ne3A_2413 = arith.cmpi ne, %rem3A_2411, %ne3A_2412 : i32
      %and3A_2414 = arith.andi %ne3A_2410, %ne3A_2413 : i1
      %sub3A_2415 = arith.constant 1 : i32
      %sub3A_2416 = arith.subi %div3A_2395, %sub3A_2415 : i32
      %select_n3A_2417 = arith.select %and3A_2414, %sub3A_2416, %div3A_2395 : i32
      %lt3A = arith.cmpi slt, %scan3A_2391, %scan3A_2392 : i32
      %get3A_2418 = arith.index_cast %select_n3A_2417 : i32 to index
      %get3A_2419 = memref.load %arg1[%get3A_2418] : memref<8960xi32, #tpu.memory_space<smem>>
      %lt3A_2420 = arith.cmpi slt, %get3A_2419, %add3A_1051 : i32
      %and3A_2421 = arith.andi %lt3A, %lt3A_2420 : i1
      %lt3A_2422 = arith.cmpi slt, %scan3A_2391, %scan3A_2392 : i32
      %not3A = arith.constant true
      %not3A_2423 = arith.xori %and3A_2421, %not3A : i1
      %and3A_2424 = arith.andi %lt3A_2422, %not3A_2423 : i1
      %add3A_2425 = arith.constant 1 : i32
      %add3A_2426 = arith.addi %select_n3A_2417, %add3A_2425 : i32
      %select_n3A_2427 = arith.select %and3A_2421, %add3A_2426, %scan3A_2391 : i32
      %select_n3A_2428 = arith.select %and3A_2424, %select_n3A_2417, %scan3A_2392 : i32
      scf.yield %select_n3A_2427, %select_n3A_2428 : i32, i32
    }
    %jit3A_1059 = arith.constant 128 : i32
    %div3A_1060 = arith.divsi %scan3A_1049#0, %jit3A_1059 : i32
    %sign3A_1061 = arith.constant 0 : i32
    %sign3A_1062 = arith.cmpi sgt, %scan3A_1049#0, %sign3A_1061 : i32
    %sign3A_1063 = arith.extui %sign3A_1062 : i1 to i32
    %sign3A_1064 = arith.constant 0 : i32
    %sign3A_1065 = arith.cmpi slt, %scan3A_1049#0, %sign3A_1064 : i32
    %sign3A_1066 = arith.extui %sign3A_1065 : i1 to i32
    %sign3A_1067 = arith.subi %sign3A_1063, %sign3A_1066 : i32
    %sign3A_1068 = arith.constant 0 : i32
    %sign3A_1069 = arith.cmpi sgt, %jit3A_1059, %sign3A_1068 : i32
    %sign3A_1070 = arith.extui %sign3A_1069 : i1 to i32
    %sign3A_1071 = arith.constant 0 : i32
    %sign3A_1072 = arith.cmpi slt, %jit3A_1059, %sign3A_1071 : i32
    %sign3A_1073 = arith.extui %sign3A_1072 : i1 to i32
    %sign3A_1074 = arith.subi %sign3A_1070, %sign3A_1073 : i32
    %ne3A_1075 = arith.cmpi ne, %sign3A_1067, %sign3A_1074 : i32
    %rem3A_1076 = arith.remsi %scan3A_1049#0, %jit3A_1059 : i32
    %ne3A_1077 = arith.constant 0 : i32
    %ne3A_1078 = arith.cmpi ne, %rem3A_1076, %ne3A_1077 : i32
    %and3A_1079 = arith.andi %ne3A_1075, %ne3A_1078 : i1
    %sub3A_1080 = arith.constant 1 : i32
    %sub3A_1081 = arith.subi %div3A_1060, %sub3A_1080 : i32
    %select_n3A_1082 = arith.select %and3A_1079, %sub3A_1081, %div3A_1060 : i32
    %mul3A_1083 = arith.constant 128 : i32
    %mul3A_1084 = arith.muli %select_n3A_1082, %mul3A_1083 : i32
    %sub3A_1085 = arith.subi %scan3A_1058#0, %mul3A_1084 : i32
    %add3A_1086 = arith.constant 768 : i32
    %add3A_1087 = arith.addi %sub3A_1085, %add3A_1086 : i32
    %sub3A_1088 = arith.constant 1 : i32
    %sub3A_1089 = arith.subi %add3A_1087, %sub3A_1088 : i32
    %jit3A_1090 = arith.constant 768 : i32
    %div3A_1091 = arith.divsi %sub3A_1089, %jit3A_1090 : i32
    %sign3A_1092 = arith.constant 0 : i32
    %sign3A_1093 = arith.cmpi sgt, %sub3A_1089, %sign3A_1092 : i32
    %sign3A_1094 = arith.extui %sign3A_1093 : i1 to i32
    %sign3A_1095 = arith.constant 0 : i32
    %sign3A_1096 = arith.cmpi slt, %sub3A_1089, %sign3A_1095 : i32
    %sign3A_1097 = arith.extui %sign3A_1096 : i1 to i32
    %sign3A_1098 = arith.subi %sign3A_1094, %sign3A_1097 : i32
    %sign3A_1099 = arith.constant 0 : i32
    %sign3A_1100 = arith.cmpi sgt, %jit3A_1090, %sign3A_1099 : i32
    %sign3A_1101 = arith.extui %sign3A_1100 : i1 to i32
    %sign3A_1102 = arith.constant 0 : i32
    %sign3A_1103 = arith.cmpi slt, %jit3A_1090, %sign3A_1102 : i32
    %sign3A_1104 = arith.extui %sign3A_1103 : i1 to i32
    %sign3A_1105 = arith.subi %sign3A_1101, %sign3A_1104 : i32
    %ne3A_1106 = arith.cmpi ne, %sign3A_1098, %sign3A_1105 : i32
    %rem3A_1107 = arith.remsi %sub3A_1089, %jit3A_1090 : i32
    %ne3A_1108 = arith.constant 0 : i32
    %ne3A_1109 = arith.cmpi ne, %rem3A_1107, %ne3A_1108 : i32
    %and3A_1110 = arith.andi %ne3A_1106, %ne3A_1109 : i1
    %sub3A_1111 = arith.constant 1 : i32
    %sub3A_1112 = arith.subi %div3A_1091, %sub3A_1111 : i32
    %select_n3A_1113 = arith.select %and3A_1110, %sub3A_1112, %div3A_1091 : i32
    %get3A_1114 = arith.index_cast %mul3A_1084 : i32 to index
    %get3A_1115 = arith.constant 0 : index
    %get3A_1116 = vector.load %arg6[%get3A_1114, %get3A_1115] : memref<8960x64xf32, #tpu.memory_space<vmem>>, vector<768x64xf32>
    %get3A_1117 = arith.constant 0 : index
    %get3A_1118 = arith.index_cast %mul3A_1084 : i32 to index
    %get3A_1119 = vector.load %arg3[%get3A_1117, %get3A_1118] : memref<1x8960xi32, #tpu.memory_space<vmem>>, vector<1x768xi32>
    %dot_general3A_1120 = arith.constant dense<0.000000e+00> : vector<512x768xf32>
    %dot_general3A_1121 = tpu.matmul %get3A_1035, %get3A_1116, %dot_general3A_1120 {dimension_numbers = #tpu.dot_dimension_numbers<[1], [1], [0], [0], [0, 0, 1, 0], [], []>, transpose_lhs_hint = false} : vector<512x64xf32>, vector<768x64xf32>, vector<512x768xf32> -> vector<512x768xf32>
    %transpose3A_1122 = tpu.transpose %get3A_1038, [1, 0] : vector<1x512xi32> -> vector<512x1xi32>
    %eq3A_1123 = vector.broadcast %transpose3A_1122 : vector<512x1xi32> to vector<512x768xi32>
    %eq3A_1124 = vector.broadcast %get3A_1119 : vector<1x768xi32> to vector<512x768xi32>
    %eq3A_1125 = arith.cmpi eq, %eq3A_1123, %eq3A_1124 : vector<512x768xi32>
    %neg3A_1126 = arith.constant 0.000000e+00 : f32
    %neg3A_1127 = vector.broadcast %neg3A_1126 : f32 to vector<512x768xf32>
    %neg3A_1128 = arith.subf %neg3A_1127, %dot_general3A_1121 : vector<512x768xf32>
    %exp3A_1129 = math.exp %neg3A_1128 : vector<512x768xf32>
    %jit3A_1130 = arith.constant 0.000000e+00 : f32
    %broadcast_in_dim3A_1131 = vector.broadcast %jit3A_1130 : f32 to vector<512x768xf32>
    %select_n3A_1132 = arith.select %eq3A_1125, %exp3A_1129, %broadcast_in_dim3A_1131 : vector<512x768xi1>, vector<512x768xf32>
    %jit3A_1133 = arith.constant 1.000000e+00 : f32
    %jit3A_1134 = arith.constant 0.000000e+00 : f32
    %broadcast_in_dim3A_1135 = vector.broadcast %jit3A_1133 : f32 to vector<512x768xf32>
    %broadcast_in_dim3A_1136 = vector.broadcast %jit3A_1134 : f32 to vector<512x768xf32>
    %select_n3A_1137 = arith.select %eq3A_1125, %broadcast_in_dim3A_1135, %broadcast_in_dim3A_1136 : vector<512x768xi1>, vector<512x768xf32>
    %dot_general3A_1138 = arith.constant dense<0.000000e+00> : vector<512x128xf32>
    %dot_general3A_1139 = tpu.matmul %select_n3A_1132, %broadcast_in_dim3A_6, %dot_general3A_1138 {dimension_numbers = #tpu.dot_dimension_numbers<[1], [0], [0], [1], [0, 0, 1, 1], [], []>, transpose_lhs_hint = false} : vector<512x768xf32>, vector<768x128xf32>, vector<512x128xf32> -> vector<512x128xf32>
    %slice3A_1140 = vector.extract_strided_slice %dot_general3A_1139 {offsets = [0, 0], sizes = [512, 1], strides = [1, 1]} : vector<512x128xf32> to vector<512x1xf32>
    %dot_general3A_1141 = arith.constant dense<0.000000e+00> : vector<512x128xf32>
    %dot_general3A_1142 = tpu.matmul %select_n3A_1137, %broadcast_in_dim3A_6, %dot_general3A_1141 {dimension_numbers = #tpu.dot_dimension_numbers<[1], [0], [0], [1], [0, 0, 1, 1], [], []>, transpose_lhs_hint = false} : vector<512x768xf32>, vector<768x128xf32>, vector<512x128xf32> -> vector<512x128xf32>
    %slice3A_1143 = vector.extract_strided_slice %dot_general3A_1142 {offsets = [0, 0], sizes = [512, 1], strides = [1, 1]} : vector<512x128xf32> to vector<512x1xf32>
    %while3A_1144 = arith.constant 1 : i32
    %while3A_1145 = arith.subi %select_n3A_1113, %while3A_1144 : i32
    %while3A_1146 = arith.addi %while3A_1144, %while3A_1145 : i32
    %while3A_1147 = arith.constant 1 : i32
    %while3A_1148 = arith.divsi %while3A_1145, %while3A_1147 : i32
    %while3A_1149 = arith.muli %while3A_1148, %while3A_1147 : i32
    %while3A_1150 = arith.addi %while3A_1144, %while3A_1149 : i32
    %while3A_1151 = arith.constant 1 : i32
    %while3A_1152:2 = scf.for %while3A_2390 = %while3A_1144 to %while3A_1150 step %while3A_1151 iter_args(%while3A_2391 = %slice3A_1140, %while3A_2392 = %slice3A_1143) -> (vector<512x1xf32>, vector<512x1xf32>)  : i32 {
      %mul3A_2393 = arith.constant 768 : i32
      %mul3A_2394 = arith.muli %while3A_2390, %mul3A_2393 : i32
      %add3A_2395 = arith.addi %mul3A_1084, %mul3A_2394 : i32
      %get3A_2396 = arith.index_cast %add3A_2395 : i32 to index
      %get3A_2397 = arith.constant 0 : index
      %get3A_2398 = vector.load %arg6[%get3A_2396, %get3A_2397] : memref<8960x64xf32, #tpu.memory_space<vmem>>, vector<768x64xf32>
      %get3A_2399 = arith.constant 0 : index
      %get3A_2400 = arith.index_cast %add3A_2395 : i32 to index
      %get3A_2401 = vector.load %arg3[%get3A_2399, %get3A_2400] : memref<1x8960xi32, #tpu.memory_space<vmem>>, vector<1x768xi32>
      %dot_general3A_2402 = arith.constant dense<0.000000e+00> : vector<512x768xf32>
      %dot_general3A_2403 = tpu.matmul %get3A_1035, %get3A_2398, %dot_general3A_2402 {dimension_numbers = #tpu.dot_dimension_numbers<[1], [1], [0], [0], [0, 0, 1, 0], [], []>, transpose_lhs_hint = false} : vector<512x64xf32>, vector<768x64xf32>, vector<512x768xf32> -> vector<512x768xf32>
      %transpose3A_2404 = tpu.transpose %get3A_1038, [1, 0] : vector<1x512xi32> -> vector<512x1xi32>
      %eq3A_2405 = vector.broadcast %transpose3A_2404 : vector<512x1xi32> to vector<512x768xi32>
      %eq3A_2406 = vector.broadcast %get3A_2401 : vector<1x768xi32> to vector<512x768xi32>
      %eq3A_2407 = arith.cmpi eq, %eq3A_2405, %eq3A_2406 : vector<512x768xi32>
      %neg3A_2408 = arith.constant 0.000000e+00 : f32
      %neg3A_2409 = vector.broadcast %neg3A_2408 : f32 to vector<512x768xf32>
      %neg3A_2410 = arith.subf %neg3A_2409, %dot_general3A_2403 : vector<512x768xf32>
      %exp3A_2411 = math.exp %neg3A_2410 : vector<512x768xf32>
      %jit3A_2412 = arith.constant 0.000000e+00 : f32
      %broadcast_in_dim3A_2413 = vector.broadcast %jit3A_2412 : f32 to vector<512x768xf32>
      %select_n3A_2414 = arith.select %eq3A_2407, %exp3A_2411, %broadcast_in_dim3A_2413 : vector<512x768xi1>, vector<512x768xf32>
      %jit3A_2415 = arith.constant 1.000000e+00 : f32
      %jit3A_2416 = arith.constant 0.000000e+00 : f32
      %broadcast_in_dim3A_2417 = vector.broadcast %jit3A_2415 : f32 to vector<512x768xf32>
      %broadcast_in_dim3A_2418 = vector.broadcast %jit3A_2416 : f32 to vector<512x768xf32>
      %select_n3A_2419 = arith.select %eq3A_2407, %broadcast_in_dim3A_2417, %broadcast_in_dim3A_2418 : vector<512x768xi1>, vector<512x768xf32>
      %dot_general3A_2420 = arith.constant dense<0.000000e+00> : vector<512x128xf32>
      %dot_general3A_2421 = tpu.matmul %select_n3A_2414, %broadcast_in_dim3A_6, %dot_general3A_2420 {dimension_numbers = #tpu.dot_dimension_numbers<[1], [0], [0], [1], [0, 0, 1, 1], [], []>, transpose_lhs_hint = false} : vector<512x768xf32>, vector<768x128xf32>, vector<512x128xf32> -> vector<512x128xf32>
      %slice3A_2422 = vector.extract_strided_slice %dot_general3A_2421 {offsets = [0, 0], sizes = [512, 1], strides = [1, 1]} : vector<512x128xf32> to vector<512x1xf32>
      %dot_general3A_2423 = arith.constant dense<0.000000e+00> : vector<512x128xf32>
      %dot_general3A_2424 = tpu.matmul %select_n3A_2419, %broadcast_in_dim3A_6, %dot_general3A_2423 {dimension_numbers = #tpu.dot_dimension_numbers<[1], [0], [0], [1], [0, 0, 1, 1], [], []>, transpose_lhs_hint = false} : vector<512x768xf32>, vector<768x128xf32>, vector<512x128xf32> -> vector<512x128xf32>
      %slice3A_2425 = vector.extract_strided_slice %dot_general3A_2424 {offsets = [0, 0], sizes = [512, 1], strides = [1, 1]} : vector<512x128xf32> to vector<512x1xf32>
      %add3A_2426 = arith.addf %while3A_2391, %slice3A_2422 : vector<512x1xf32>
      %add3A_2427 = arith.addf %while3A_2392, %slice3A_2425 : vector<512x1xf32>
      scf.yield %add3A_2426, %add3A_2427 : vector<512x1xf32>, vector<512x1xf32>
    }
    %while3A_1153 = arith.constant 1 : i32
    %while3A_1154:2 = scf.for %while3A_2390 = %while3A_1150 to %while3A_1146 step %while3A_1153 iter_args(%while3A_2391 = %while3A_1152#0, %while3A_2392 = %while3A_1152#1) -> (vector<512x1xf32>, vector<512x1xf32>)  : i32 {
      %mul3A_2393 = arith.constant 768 : i32
      %mul3A_2394 = arith.muli %while3A_2390, %mul3A_2393 : i32
      %add3A_2395 = arith.addi %mul3A_1084, %mul3A_2394 : i32
      %get3A_2396 = arith.index_cast %add3A_2395 : i32 to index
      %get3A_2397 = arith.constant 0 : index
      %get3A_2398 = vector.load %arg6[%get3A_2396, %get3A_2397] : memref<8960x64xf32, #tpu.memory_space<vmem>>, vector<768x64xf32>
      %get3A_2399 = arith.constant 0 : index
      %get3A_2400 = arith.index_cast %add3A_2395 : i32 to index
      %get3A_2401 = vector.load %arg3[%get3A_2399, %get3A_2400] : memref<1x8960xi32, #tpu.memory_space<vmem>>, vector<1x768xi32>
      %dot_general3A_2402 = arith.constant dense<0.000000e+00> : vector<512x768xf32>
      %dot_general3A_2403 = tpu.matmul %get3A_1035, %get3A_2398, %dot_general3A_2402 {dimension_numbers = #tpu.dot_dimension_numbers<[1], [1], [0], [0], [0, 0, 1, 0], [], []>, transpose_lhs_hint = false} : vector<512x64xf32>, vector<768x64xf32>, vector<512x768xf32> -> vector<512x768xf32>
      %transpose3A_2404 = tpu.transpose %get3A_1038, [1, 0] : vector<1x512xi32> -> vector<512x1xi32>
      %eq3A_2405 = vector.broadcast %transpose3A_2404 : vector<512x1xi32> to vector<512x768xi32>
      %eq3A_2406 = vector.broadcast %get3A_2401 : vector<1x768xi32> to vector<512x768xi32>
      %eq3A_2407 = arith.cmpi eq, %eq3A_2405, %eq3A_2406 : vector<512x768xi32>
      %neg3A_2408 = arith.constant 0.000000e+00 : f32
      %neg3A_2409 = vector.broadcast %neg3A_2408 : f32 to vector<512x768xf32>
      %neg3A_2410 = arith.subf %neg3A_2409, %dot_general3A_2403 : vector<512x768xf32>
      %exp3A_2411 = math.exp %neg3A_2410 : vector<512x768xf32>
      %jit3A_2412 = arith.constant 0.000000e+00 : f32
      %broadcast_in_dim3A_2413 = vector.broadcast %jit3A_2412 : f32 to vector<512x768xf32>
      %select_n3A_2414 = arith.select %eq3A_2407, %exp3A_2411, %broadcast_in_dim3A_2413 : vector<512x768xi1>, vector<512x768xf32>
      %jit3A_2415 = arith.constant 1.000000e+00 : f32
      %jit3A_2416 = arith.constant 0.000000e+00 : f32
      %broadcast_in_dim3A_2417 = vector.broadcast %jit3A_2415 : f32 to vector<512x768xf32>
      %broadcast_in_dim3A_2418 = vector.broadcast %jit3A_2416 : f32 to vector<512x768xf32>
      %select_n3A_2419 = arith.select %eq3A_2407, %broadcast_in_dim3A_2417, %broadcast_in_dim3A_2418 : vector<512x768xi1>, vector<512x768xf32>
      %dot_general3A_2420 = arith.constant dense<0.000000e+00> : vector<512x128xf32>
      %dot_general3A_2421 = tpu.matmul %select_n3A_2414, %broadcast_in_dim3A_6, %dot_general3A_2420 {dimension_numbers = #tpu.dot_dimension_numbers<[1], [0], [0], [1], [0, 0, 1, 1], [], []>, transpose_lhs_hint = false} : vector<512x768xf32>, vector<768x128xf32>, vector<512x128xf32> -> vector<512x128xf32>
      %slice3A_2422 = vector.extract_strided_slice %dot_general3A_2421 {offsets = [0, 0], sizes = [512, 1], strides = [1, 1]} : vector<512x128xf32> to vector<512x1xf32>
      %dot_general3A_2423 = arith.constant dense<0.000000e+00> : vector<512x128xf32>
      %dot_general3A_2424 = tpu.matmul %select_n3A_2419, %broadcast_in_dim3A_6, %dot_general3A_2423 {dimension_numbers = #tpu.dot_dimension_numbers<[1], [0], [0], [1], [0, 0, 1, 1], [], []>, transpose_lhs_hint = false} : vector<512x768xf32>, vector<768x128xf32>, vector<512x128xf32> -> vector<512x128xf32>
      %slice3A_2425 = vector.extract_strided_slice %dot_general3A_2424 {offsets = [0, 0], sizes = [512, 1], strides = [1, 1]} : vector<512x128xf32> to vector<512x1xf32>
      %add3A_2426 = arith.addf %while3A_2391, %slice3A_2422 : vector<512x1xf32>
      %add3A_2427 = arith.addf %while3A_2392, %slice3A_2425 : vector<512x1xf32>
      scf.yield %add3A_2426, %add3A_2427 : vector<512x1xf32>, vector<512x1xf32>
    }
    %mul3A_1155 = arith.mulf %get3A_1035, %get3A_1035 : vector<512x64xf32>
    %reduce_sum3A_1156 = arith.constant dense<0.000000e+00> : vector<512xf32>
    %reduce_sum3A_1157 = vector.multi_reduction <add>, %mul3A_1155, %reduce_sum3A_1156 [1] : vector<512x64xf32> to vector<512xf32>
    %broadcast_in_dim3A_1158 = vector.shape_cast %reduce_sum3A_1157 : vector<512xf32> to vector<512x1xf32>
    %neg3A_1159 = arith.constant 0.000000e+00 : f32
    %neg3A_1160 = vector.broadcast %neg3A_1159 : f32 to vector<512x1xf32>
    %neg3A_1161 = arith.subf %neg3A_1160, %broadcast_in_dim3A_1158 : vector<512x1xf32>
    %exp3A_1162 = math.exp %neg3A_1161 : vector<512x1xf32>
    %sub3A_1163 = arith.subf %while3A_1154#0, %exp3A_1162 : vector<512x1xf32>
    %ge3A_1164 = arith.constant 2.000000e+00 : f32
    %ge3A_1165 = vector.broadcast %ge3A_1164 : f32 to vector<512x1xf32>
    %ge3A_1166 = arith.cmpf oge, %while3A_1154#1, %ge3A_1165 : vector<512x1xf32>
    %log3A_1167 = math.log %sub3A_1163 : vector<512x1xf32>
    %neg3A_1168 = arith.constant 0.000000e+00 : f32
    %neg3A_1169 = vector.broadcast %neg3A_1168 : f32 to vector<512x1xf32>
    %neg3A_1170 = arith.subf %neg3A_1169, %log3A_1167 : vector<512x1xf32>
    %jit3A_1171 = arith.constant 0.000000e+00 : f32
    %broadcast_in_dim3A_1172 = vector.broadcast %jit3A_1171 : f32 to vector<512x1xf32>
    %select_n3A_1173 = arith.select %ge3A_1166, %neg3A_1170, %broadcast_in_dim3A_1172 : vector<512x1xi1>, vector<512x1xf32>
    %add3A_1174 = arith.addf %add3A_1025, %select_n3A_1173 : vector<512x1xf32>
    %sub3A_1175 = arith.constant 1.000000e+00 : f32
    %sub3A_1176 = vector.broadcast %sub3A_1175 : f32 to vector<512x1xf32>
    %sub3A_1177 = arith.subf %while3A_1154#1, %sub3A_1176 : vector<512x1xf32>
    %jit3A_1178 = arith.constant 0.000000e+00 : f32
    %broadcast_in_dim3A_1179 = vector.broadcast %jit3A_1178 : f32 to vector<512x1xf32>
    %select_n3A_1180 = arith.select %ge3A_1166, %sub3A_1177, %broadcast_in_dim3A_1179 : vector<512x1xi1>, vector<512x1xf32>
    %add3A_1181 = arith.addf %add3A_1032, %select_n3A_1180 : vector<512x1xf32>
    %get3A_1182 = arith.constant 4096 : index
    %get3A_1183 = arith.constant 0 : index
    %get3A_1184 = vector.load %arg6[%get3A_1182, %get3A_1183] : memref<8960x64xf32, #tpu.memory_space<vmem>>, vector<512x64xf32>
    %get3A_1185 = arith.constant 0 : index
    %get3A_1186 = arith.constant 4096 : index
    %get3A_1187 = vector.load %arg3[%get3A_1185, %get3A_1186] : memref<1x8960xi32, #tpu.memory_space<vmem>>, vector<1x512xi32>
    %get3A_1188 = arith.constant 4096 : index
    %get3A_1189 = memref.load %arg1[%get3A_1188] : memref<8960xi32, #tpu.memory_space<smem>>
    %get3A_1190 = arith.constant 4607 : index
    %get3A_1191 = memref.load %arg1[%get3A_1190] : memref<8960xi32, #tpu.memory_space<smem>>
    %scan3A_1192 = arith.constant 0 : i32
    %scan3A_1193 = arith.constant 8960 : i32
    %scan3A_1194 = arith.constant 0 : i32
    %scan3A_1195 = arith.constant 14 : i32
    %scan3A_1196 = arith.addi %scan3A_1194, %scan3A_1195 : i32
    %scan3A_1197 = arith.constant 1 : i32
    %scan3A_1198:2 = scf.for %scan3A_2390 = %scan3A_1194 to %scan3A_1196 step %scan3A_1197 iter_args(%scan3A_2391 = %scan3A_1192, %scan3A_2392 = %scan3A_1193) -> (i32, i32)  : i32 {
      %add3A_2393 = arith.addi %scan3A_2391, %scan3A_2392 : i32
      %jit3A_2394 = arith.constant 2 : i32
      %div3A_2395 = arith.divsi %add3A_2393, %jit3A_2394 : i32
      %sign3A_2396 = arith.constant 0 : i32
      %sign3A_2397 = arith.cmpi sgt, %add3A_2393, %sign3A_2396 : i32
      %sign3A_2398 = arith.extui %sign3A_2397 : i1 to i32
      %sign3A_2399 = arith.constant 0 : i32
      %sign3A_2400 = arith.cmpi slt, %add3A_2393, %sign3A_2399 : i32
      %sign3A_2401 = arith.extui %sign3A_2400 : i1 to i32
      %sign3A_2402 = arith.subi %sign3A_2398, %sign3A_2401 : i32
      %sign3A_2403 = arith.constant 0 : i32
      %sign3A_2404 = arith.cmpi sgt, %jit3A_2394, %sign3A_2403 : i32
      %sign3A_2405 = arith.extui %sign3A_2404 : i1 to i32
      %sign3A_2406 = arith.constant 0 : i32
      %sign3A_2407 = arith.cmpi slt, %jit3A_2394, %sign3A_2406 : i32
      %sign3A_2408 = arith.extui %sign3A_2407 : i1 to i32
      %sign3A_2409 = arith.subi %sign3A_2405, %sign3A_2408 : i32
      %ne3A_2410 = arith.cmpi ne, %sign3A_2402, %sign3A_2409 : i32
      %rem3A_2411 = arith.remsi %add3A_2393, %jit3A_2394 : i32
      %ne3A_2412 = arith.constant 0 : i32
      %ne3A_2413 = arith.cmpi ne, %rem3A_2411, %ne3A_2412 : i32
      %and3A_2414 = arith.andi %ne3A_2410, %ne3A_2413 : i1
      %sub3A_2415 = arith.constant 1 : i32
      %sub3A_2416 = arith.subi %div3A_2395, %sub3A_2415 : i32
      %select_n3A_2417 = arith.select %and3A_2414, %sub3A_2416, %div3A_2395 : i32
      %lt3A = arith.cmpi slt, %scan3A_2391, %scan3A_2392 : i32
      %get3A_2418 = arith.index_cast %select_n3A_2417 : i32 to index
      %get3A_2419 = memref.load %arg1[%get3A_2418] : memref<8960xi32, #tpu.memory_space<smem>>
      %lt3A_2420 = arith.cmpi slt, %get3A_2419, %get3A_1189 : i32
      %and3A_2421 = arith.andi %lt3A, %lt3A_2420 : i1
      %lt3A_2422 = arith.cmpi slt, %scan3A_2391, %scan3A_2392 : i32
      %not3A = arith.constant true
      %not3A_2423 = arith.xori %and3A_2421, %not3A : i1
      %and3A_2424 = arith.andi %lt3A_2422, %not3A_2423 : i1
      %add3A_2425 = arith.constant 1 : i32
      %add3A_2426 = arith.addi %select_n3A_2417, %add3A_2425 : i32
      %select_n3A_2427 = arith.select %and3A_2421, %add3A_2426, %scan3A_2391 : i32
      %select_n3A_2428 = arith.select %and3A_2424, %select_n3A_2417, %scan3A_2392 : i32
      scf.yield %select_n3A_2427, %select_n3A_2428 : i32, i32
    }
    %add3A_1199 = arith.constant 1 : i32
    %add3A_1200 = arith.addi %get3A_1191, %add3A_1199 : i32
    %scan3A_1201 = arith.constant 0 : i32
    %scan3A_1202 = arith.constant 8960 : i32
    %scan3A_1203 = arith.constant 0 : i32
    %scan3A_1204 = arith.constant 14 : i32
    %scan3A_1205 = arith.addi %scan3A_1203, %scan3A_1204 : i32
    %scan3A_1206 = arith.constant 1 : i32
    %scan3A_1207:2 = scf.for %scan3A_2390 = %scan3A_1203 to %scan3A_1205 step %scan3A_1206 iter_args(%scan3A_2391 = %scan3A_1201, %scan3A_2392 = %scan3A_1202) -> (i32, i32)  : i32 {
      %add3A_2393 = arith.addi %scan3A_2391, %scan3A_2392 : i32
      %jit3A_2394 = arith.constant 2 : i32
      %div3A_2395 = arith.divsi %add3A_2393, %jit3A_2394 : i32
      %sign3A_2396 = arith.constant 0 : i32
      %sign3A_2397 = arith.cmpi sgt, %add3A_2393, %sign3A_2396 : i32
      %sign3A_2398 = arith.extui %sign3A_2397 : i1 to i32
      %sign3A_2399 = arith.constant 0 : i32
      %sign3A_2400 = arith.cmpi slt, %add3A_2393, %sign3A_2399 : i32
      %sign3A_2401 = arith.extui %sign3A_2400 : i1 to i32
      %sign3A_2402 = arith.subi %sign3A_2398, %sign3A_2401 : i32
      %sign3A_2403 = arith.constant 0 : i32
      %sign3A_2404 = arith.cmpi sgt, %jit3A_2394, %sign3A_2403 : i32
      %sign3A_2405 = arith.extui %sign3A_2404 : i1 to i32
      %sign3A_2406 = arith.constant 0 : i32
      %sign3A_2407 = arith.cmpi slt, %jit3A_2394, %sign3A_2406 : i32
      %sign3A_2408 = arith.extui %sign3A_2407 : i1 to i32
      %sign3A_2409 = arith.subi %sign3A_2405, %sign3A_2408 : i32
      %ne3A_2410 = arith.cmpi ne, %sign3A_2402, %sign3A_2409 : i32
      %rem3A_2411 = arith.remsi %add3A_2393, %jit3A_2394 : i32
      %ne3A_2412 = arith.constant 0 : i32
      %ne3A_2413 = arith.cmpi ne, %rem3A_2411, %ne3A_2412 : i32
      %and3A_2414 = arith.andi %ne3A_2410, %ne3A_2413 : i1
      %sub3A_2415 = arith.constant 1 : i32
      %sub3A_2416 = arith.subi %div3A_2395, %sub3A_2415 : i32
      %select_n3A_2417 = arith.select %and3A_2414, %sub3A_2416, %div3A_2395 : i32
      %lt3A = arith.cmpi slt, %scan3A_2391, %scan3A_2392 : i32
      %get3A_2418 = arith.index_cast %select_n3A_2417 : i32 to index
      %get3A_2419 = memref.load %arg1[%get3A_2418] : memref<8960xi32, #tpu.memory_space<smem>>
      %lt3A_2420 = arith.cmpi slt, %get3A_2419, %add3A_1200 : i32
      %and3A_2421 = arith.andi %lt3A, %lt3A_2420 : i1
      %lt3A_2422 = arith.cmpi slt, %scan3A_2391, %scan3A_2392 : i32
      %not3A = arith.constant true
      %not3A_2423 = arith.xori %and3A_2421, %not3A : i1
      %and3A_2424 = arith.andi %lt3A_2422, %not3A_2423 : i1
      %add3A_2425 = arith.constant 1 : i32
      %add3A_2426 = arith.addi %select_n3A_2417, %add3A_2425 : i32
      %select_n3A_2427 = arith.select %and3A_2421, %add3A_2426, %scan3A_2391 : i32
      %select_n3A_2428 = arith.select %and3A_2424, %select_n3A_2417, %scan3A_2392 : i32
      scf.yield %select_n3A_2427, %select_n3A_2428 : i32, i32
    }
    %jit3A_1208 = arith.constant 128 : i32
    %div3A_1209 = arith.divsi %scan3A_1198#0, %jit3A_1208 : i32
    %sign3A_1210 = arith.constant 0 : i32
    %sign3A_1211 = arith.cmpi sgt, %scan3A_1198#0, %sign3A_1210 : i32
    %sign3A_1212 = arith.extui %sign3A_1211 : i1 to i32
    %sign3A_1213 = arith.constant 0 : i32
    %sign3A_1214 = arith.cmpi slt, %scan3A_1198#0, %sign3A_1213 : i32
    %sign3A_1215 = arith.extui %sign3A_1214 : i1 to i32
    %sign3A_1216 = arith.subi %sign3A_1212, %sign3A_1215 : i32
    %sign3A_1217 = arith.constant 0 : i32
    %sign3A_1218 = arith.cmpi sgt, %jit3A_1208, %sign3A_1217 : i32
    %sign3A_1219 = arith.extui %sign3A_1218 : i1 to i32
    %sign3A_1220 = arith.constant 0 : i32
    %sign3A_1221 = arith.cmpi slt, %jit3A_1208, %sign3A_1220 : i32
    %sign3A_1222 = arith.extui %sign3A_1221 : i1 to i32
    %sign3A_1223 = arith.subi %sign3A_1219, %sign3A_1222 : i32
    %ne3A_1224 = arith.cmpi ne, %sign3A_1216, %sign3A_1223 : i32
    %rem3A_1225 = arith.remsi %scan3A_1198#0, %jit3A_1208 : i32
    %ne3A_1226 = arith.constant 0 : i32
    %ne3A_1227 = arith.cmpi ne, %rem3A_1225, %ne3A_1226 : i32
    %and3A_1228 = arith.andi %ne3A_1224, %ne3A_1227 : i1
    %sub3A_1229 = arith.constant 1 : i32
    %sub3A_1230 = arith.subi %div3A_1209, %sub3A_1229 : i32
    %select_n3A_1231 = arith.select %and3A_1228, %sub3A_1230, %div3A_1209 : i32
    %mul3A_1232 = arith.constant 128 : i32
    %mul3A_1233 = arith.muli %select_n3A_1231, %mul3A_1232 : i32
    %sub3A_1234 = arith.subi %scan3A_1207#0, %mul3A_1233 : i32
    %add3A_1235 = arith.constant 768 : i32
    %add3A_1236 = arith.addi %sub3A_1234, %add3A_1235 : i32
    %sub3A_1237 = arith.constant 1 : i32
    %sub3A_1238 = arith.subi %add3A_1236, %sub3A_1237 : i32
    %jit3A_1239 = arith.constant 768 : i32
    %div3A_1240 = arith.divsi %sub3A_1238, %jit3A_1239 : i32
    %sign3A_1241 = arith.constant 0 : i32
    %sign3A_1242 = arith.cmpi sgt, %sub3A_1238, %sign3A_1241 : i32
    %sign3A_1243 = arith.extui %sign3A_1242 : i1 to i32
    %sign3A_1244 = arith.constant 0 : i32
    %sign3A_1245 = arith.cmpi slt, %sub3A_1238, %sign3A_1244 : i32
    %sign3A_1246 = arith.extui %sign3A_1245 : i1 to i32
    %sign3A_1247 = arith.subi %sign3A_1243, %sign3A_1246 : i32
    %sign3A_1248 = arith.constant 0 : i32
    %sign3A_1249 = arith.cmpi sgt, %jit3A_1239, %sign3A_1248 : i32
    %sign3A_1250 = arith.extui %sign3A_1249 : i1 to i32
    %sign3A_1251 = arith.constant 0 : i32
    %sign3A_1252 = arith.cmpi slt, %jit3A_1239, %sign3A_1251 : i32
    %sign3A_1253 = arith.extui %sign3A_1252 : i1 to i32
    %sign3A_1254 = arith.subi %sign3A_1250, %sign3A_1253 : i32
    %ne3A_1255 = arith.cmpi ne, %sign3A_1247, %sign3A_1254 : i32
    %rem3A_1256 = arith.remsi %sub3A_1238, %jit3A_1239 : i32
    %ne3A_1257 = arith.constant 0 : i32
    %ne3A_1258 = arith.cmpi ne, %rem3A_1256, %ne3A_1257 : i32
    %and3A_1259 = arith.andi %ne3A_1255, %ne3A_1258 : i1
    %sub3A_1260 = arith.constant 1 : i32
    %sub3A_1261 = arith.subi %div3A_1240, %sub3A_1260 : i32
    %select_n3A_1262 = arith.select %and3A_1259, %sub3A_1261, %div3A_1240 : i32
    %get3A_1263 = arith.index_cast %mul3A_1233 : i32 to index
    %get3A_1264 = arith.constant 0 : index
    %get3A_1265 = vector.load %arg6[%get3A_1263, %get3A_1264] : memref<8960x64xf32, #tpu.memory_space<vmem>>, vector<768x64xf32>
    %get3A_1266 = arith.constant 0 : index
    %get3A_1267 = arith.index_cast %mul3A_1233 : i32 to index
    %get3A_1268 = vector.load %arg3[%get3A_1266, %get3A_1267] : memref<1x8960xi32, #tpu.memory_space<vmem>>, vector<1x768xi32>
    %dot_general3A_1269 = arith.constant dense<0.000000e+00> : vector<512x768xf32>
    %dot_general3A_1270 = tpu.matmul %get3A_1184, %get3A_1265, %dot_general3A_1269 {dimension_numbers = #tpu.dot_dimension_numbers<[1], [1], [0], [0], [0, 0, 1, 0], [], []>, transpose_lhs_hint = false} : vector<512x64xf32>, vector<768x64xf32>, vector<512x768xf32> -> vector<512x768xf32>
    %transpose3A_1271 = tpu.transpose %get3A_1187, [1, 0] : vector<1x512xi32> -> vector<512x1xi32>
    %eq3A_1272 = vector.broadcast %transpose3A_1271 : vector<512x1xi32> to vector<512x768xi32>
    %eq3A_1273 = vector.broadcast %get3A_1268 : vector<1x768xi32> to vector<512x768xi32>
    %eq3A_1274 = arith.cmpi eq, %eq3A_1272, %eq3A_1273 : vector<512x768xi32>
    %neg3A_1275 = arith.constant 0.000000e+00 : f32
    %neg3A_1276 = vector.broadcast %neg3A_1275 : f32 to vector<512x768xf32>
    %neg3A_1277 = arith.subf %neg3A_1276, %dot_general3A_1270 : vector<512x768xf32>
    %exp3A_1278 = math.exp %neg3A_1277 : vector<512x768xf32>
    %jit3A_1279 = arith.constant 0.000000e+00 : f32
    %broadcast_in_dim3A_1280 = vector.broadcast %jit3A_1279 : f32 to vector<512x768xf32>
    %select_n3A_1281 = arith.select %eq3A_1274, %exp3A_1278, %broadcast_in_dim3A_1280 : vector<512x768xi1>, vector<512x768xf32>
    %jit3A_1282 = arith.constant 1.000000e+00 : f32
    %jit3A_1283 = arith.constant 0.000000e+00 : f32
    %broadcast_in_dim3A_1284 = vector.broadcast %jit3A_1282 : f32 to vector<512x768xf32>
    %broadcast_in_dim3A_1285 = vector.broadcast %jit3A_1283 : f32 to vector<512x768xf32>
    %select_n3A_1286 = arith.select %eq3A_1274, %broadcast_in_dim3A_1284, %broadcast_in_dim3A_1285 : vector<512x768xi1>, vector<512x768xf32>
    %dot_general3A_1287 = arith.constant dense<0.000000e+00> : vector<512x128xf32>
    %dot_general3A_1288 = tpu.matmul %select_n3A_1281, %broadcast_in_dim3A_6, %dot_general3A_1287 {dimension_numbers = #tpu.dot_dimension_numbers<[1], [0], [0], [1], [0, 0, 1, 1], [], []>, transpose_lhs_hint = false} : vector<512x768xf32>, vector<768x128xf32>, vector<512x128xf32> -> vector<512x128xf32>
    %slice3A_1289 = vector.extract_strided_slice %dot_general3A_1288 {offsets = [0, 0], sizes = [512, 1], strides = [1, 1]} : vector<512x128xf32> to vector<512x1xf32>
    %dot_general3A_1290 = arith.constant dense<0.000000e+00> : vector<512x128xf32>
    %dot_general3A_1291 = tpu.matmul %select_n3A_1286, %broadcast_in_dim3A_6, %dot_general3A_1290 {dimension_numbers = #tpu.dot_dimension_numbers<[1], [0], [0], [1], [0, 0, 1, 1], [], []>, transpose_lhs_hint = false} : vector<512x768xf32>, vector<768x128xf32>, vector<512x128xf32> -> vector<512x128xf32>
    %slice3A_1292 = vector.extract_strided_slice %dot_general3A_1291 {offsets = [0, 0], sizes = [512, 1], strides = [1, 1]} : vector<512x128xf32> to vector<512x1xf32>
    %while3A_1293 = arith.constant 1 : i32
    %while3A_1294 = arith.subi %select_n3A_1262, %while3A_1293 : i32
    %while3A_1295 = arith.addi %while3A_1293, %while3A_1294 : i32
    %while3A_1296 = arith.constant 1 : i32
    %while3A_1297 = arith.divsi %while3A_1294, %while3A_1296 : i32
    %while3A_1298 = arith.muli %while3A_1297, %while3A_1296 : i32
    %while3A_1299 = arith.addi %while3A_1293, %while3A_1298 : i32
    %while3A_1300 = arith.constant 1 : i32
    %while3A_1301:2 = scf.for %while3A_2390 = %while3A_1293 to %while3A_1299 step %while3A_1300 iter_args(%while3A_2391 = %slice3A_1289, %while3A_2392 = %slice3A_1292) -> (vector<512x1xf32>, vector<512x1xf32>)  : i32 {
      %mul3A_2393 = arith.constant 768 : i32
      %mul3A_2394 = arith.muli %while3A_2390, %mul3A_2393 : i32
      %add3A_2395 = arith.addi %mul3A_1233, %mul3A_2394 : i32
      %get3A_2396 = arith.index_cast %add3A_2395 : i32 to index
      %get3A_2397 = arith.constant 0 : index
      %get3A_2398 = vector.load %arg6[%get3A_2396, %get3A_2397] : memref<8960x64xf32, #tpu.memory_space<vmem>>, vector<768x64xf32>
      %get3A_2399 = arith.constant 0 : index
      %get3A_2400 = arith.index_cast %add3A_2395 : i32 to index
      %get3A_2401 = vector.load %arg3[%get3A_2399, %get3A_2400] : memref<1x8960xi32, #tpu.memory_space<vmem>>, vector<1x768xi32>
      %dot_general3A_2402 = arith.constant dense<0.000000e+00> : vector<512x768xf32>
      %dot_general3A_2403 = tpu.matmul %get3A_1184, %get3A_2398, %dot_general3A_2402 {dimension_numbers = #tpu.dot_dimension_numbers<[1], [1], [0], [0], [0, 0, 1, 0], [], []>, transpose_lhs_hint = false} : vector<512x64xf32>, vector<768x64xf32>, vector<512x768xf32> -> vector<512x768xf32>
      %transpose3A_2404 = tpu.transpose %get3A_1187, [1, 0] : vector<1x512xi32> -> vector<512x1xi32>
      %eq3A_2405 = vector.broadcast %transpose3A_2404 : vector<512x1xi32> to vector<512x768xi32>
      %eq3A_2406 = vector.broadcast %get3A_2401 : vector<1x768xi32> to vector<512x768xi32>
      %eq3A_2407 = arith.cmpi eq, %eq3A_2405, %eq3A_2406 : vector<512x768xi32>
      %neg3A_2408 = arith.constant 0.000000e+00 : f32
      %neg3A_2409 = vector.broadcast %neg3A_2408 : f32 to vector<512x768xf32>
      %neg3A_2410 = arith.subf %neg3A_2409, %dot_general3A_2403 : vector<512x768xf32>
      %exp3A_2411 = math.exp %neg3A_2410 : vector<512x768xf32>
      %jit3A_2412 = arith.constant 0.000000e+00 : f32
      %broadcast_in_dim3A_2413 = vector.broadcast %jit3A_2412 : f32 to vector<512x768xf32>
      %select_n3A_2414 = arith.select %eq3A_2407, %exp3A_2411, %broadcast_in_dim3A_2413 : vector<512x768xi1>, vector<512x768xf32>
      %jit3A_2415 = arith.constant 1.000000e+00 : f32
      %jit3A_2416 = arith.constant 0.000000e+00 : f32
      %broadcast_in_dim3A_2417 = vector.broadcast %jit3A_2415 : f32 to vector<512x768xf32>
      %broadcast_in_dim3A_2418 = vector.broadcast %jit3A_2416 : f32 to vector<512x768xf32>
      %select_n3A_2419 = arith.select %eq3A_2407, %broadcast_in_dim3A_2417, %broadcast_in_dim3A_2418 : vector<512x768xi1>, vector<512x768xf32>
      %dot_general3A_2420 = arith.constant dense<0.000000e+00> : vector<512x128xf32>
      %dot_general3A_2421 = tpu.matmul %select_n3A_2414, %broadcast_in_dim3A_6, %dot_general3A_2420 {dimension_numbers = #tpu.dot_dimension_numbers<[1], [0], [0], [1], [0, 0, 1, 1], [], []>, transpose_lhs_hint = false} : vector<512x768xf32>, vector<768x128xf32>, vector<512x128xf32> -> vector<512x128xf32>
      %slice3A_2422 = vector.extract_strided_slice %dot_general3A_2421 {offsets = [0, 0], sizes = [512, 1], strides = [1, 1]} : vector<512x128xf32> to vector<512x1xf32>
      %dot_general3A_2423 = arith.constant dense<0.000000e+00> : vector<512x128xf32>
      %dot_general3A_2424 = tpu.matmul %select_n3A_2419, %broadcast_in_dim3A_6, %dot_general3A_2423 {dimension_numbers = #tpu.dot_dimension_numbers<[1], [0], [0], [1], [0, 0, 1, 1], [], []>, transpose_lhs_hint = false} : vector<512x768xf32>, vector<768x128xf32>, vector<512x128xf32> -> vector<512x128xf32>
      %slice3A_2425 = vector.extract_strided_slice %dot_general3A_2424 {offsets = [0, 0], sizes = [512, 1], strides = [1, 1]} : vector<512x128xf32> to vector<512x1xf32>
      %add3A_2426 = arith.addf %while3A_2391, %slice3A_2422 : vector<512x1xf32>
      %add3A_2427 = arith.addf %while3A_2392, %slice3A_2425 : vector<512x1xf32>
      scf.yield %add3A_2426, %add3A_2427 : vector<512x1xf32>, vector<512x1xf32>
    }
    %while3A_1302 = arith.constant 1 : i32
    %while3A_1303:2 = scf.for %while3A_2390 = %while3A_1299 to %while3A_1295 step %while3A_1302 iter_args(%while3A_2391 = %while3A_1301#0, %while3A_2392 = %while3A_1301#1) -> (vector<512x1xf32>, vector<512x1xf32>)  : i32 {
      %mul3A_2393 = arith.constant 768 : i32
      %mul3A_2394 = arith.muli %while3A_2390, %mul3A_2393 : i32
      %add3A_2395 = arith.addi %mul3A_1233, %mul3A_2394 : i32
      %get3A_2396 = arith.index_cast %add3A_2395 : i32 to index
      %get3A_2397 = arith.constant 0 : index
      %get3A_2398 = vector.load %arg6[%get3A_2396, %get3A_2397] : memref<8960x64xf32, #tpu.memory_space<vmem>>, vector<768x64xf32>
      %get3A_2399 = arith.constant 0 : index
      %get3A_2400 = arith.index_cast %add3A_2395 : i32 to index
      %get3A_2401 = vector.load %arg3[%get3A_2399, %get3A_2400] : memref<1x8960xi32, #tpu.memory_space<vmem>>, vector<1x768xi32>
      %dot_general3A_2402 = arith.constant dense<0.000000e+00> : vector<512x768xf32>
      %dot_general3A_2403 = tpu.matmul %get3A_1184, %get3A_2398, %dot_general3A_2402 {dimension_numbers = #tpu.dot_dimension_numbers<[1], [1], [0], [0], [0, 0, 1, 0], [], []>, transpose_lhs_hint = false} : vector<512x64xf32>, vector<768x64xf32>, vector<512x768xf32> -> vector<512x768xf32>
      %transpose3A_2404 = tpu.transpose %get3A_1187, [1, 0] : vector<1x512xi32> -> vector<512x1xi32>
      %eq3A_2405 = vector.broadcast %transpose3A_2404 : vector<512x1xi32> to vector<512x768xi32>
      %eq3A_2406 = vector.broadcast %get3A_2401 : vector<1x768xi32> to vector<512x768xi32>
      %eq3A_2407 = arith.cmpi eq, %eq3A_2405, %eq3A_2406 : vector<512x768xi32>
      %neg3A_2408 = arith.constant 0.000000e+00 : f32
      %neg3A_2409 = vector.broadcast %neg3A_2408 : f32 to vector<512x768xf32>
      %neg3A_2410 = arith.subf %neg3A_2409, %dot_general3A_2403 : vector<512x768xf32>
      %exp3A_2411 = math.exp %neg3A_2410 : vector<512x768xf32>
      %jit3A_2412 = arith.constant 0.000000e+00 : f32
      %broadcast_in_dim3A_2413 = vector.broadcast %jit3A_2412 : f32 to vector<512x768xf32>
      %select_n3A_2414 = arith.select %eq3A_2407, %exp3A_2411, %broadcast_in_dim3A_2413 : vector<512x768xi1>, vector<512x768xf32>
      %jit3A_2415 = arith.constant 1.000000e+00 : f32
      %jit3A_2416 = arith.constant 0.000000e+00 : f32
      %broadcast_in_dim3A_2417 = vector.broadcast %jit3A_2415 : f32 to vector<512x768xf32>
      %broadcast_in_dim3A_2418 = vector.broadcast %jit3A_2416 : f32 to vector<512x768xf32>
      %select_n3A_2419 = arith.select %eq3A_2407, %broadcast_in_dim3A_2417, %broadcast_in_dim3A_2418 : vector<512x768xi1>, vector<512x768xf32>
      %dot_general3A_2420 = arith.constant dense<0.000000e+00> : vector<512x128xf32>
      %dot_general3A_2421 = tpu.matmul %select_n3A_2414, %broadcast_in_dim3A_6, %dot_general3A_2420 {dimension_numbers = #tpu.dot_dimension_numbers<[1], [0], [0], [1], [0, 0, 1, 1], [], []>, transpose_lhs_hint = false} : vector<512x768xf32>, vector<768x128xf32>, vector<512x128xf32> -> vector<512x128xf32>
      %slice3A_2422 = vector.extract_strided_slice %dot_general3A_2421 {offsets = [0, 0], sizes = [512, 1], strides = [1, 1]} : vector<512x128xf32> to vector<512x1xf32>
      %dot_general3A_2423 = arith.constant dense<0.000000e+00> : vector<512x128xf32>
      %dot_general3A_2424 = tpu.matmul %select_n3A_2419, %broadcast_in_dim3A_6, %dot_general3A_2423 {dimension_numbers = #tpu.dot_dimension_numbers<[1], [0], [0], [1], [0, 0, 1, 1], [], []>, transpose_lhs_hint = false} : vector<512x768xf32>, vector<768x128xf32>, vector<512x128xf32> -> vector<512x128xf32>
      %slice3A_2425 = vector.extract_strided_slice %dot_general3A_2424 {offsets = [0, 0], sizes = [512, 1], strides = [1, 1]} : vector<512x128xf32> to vector<512x1xf32>
      %add3A_2426 = arith.addf %while3A_2391, %slice3A_2422 : vector<512x1xf32>
      %add3A_2427 = arith.addf %while3A_2392, %slice3A_2425 : vector<512x1xf32>
      scf.yield %add3A_2426, %add3A_2427 : vector<512x1xf32>, vector<512x1xf32>
    }
    %mul3A_1304 = arith.mulf %get3A_1184, %get3A_1184 : vector<512x64xf32>
    %reduce_sum3A_1305 = arith.constant dense<0.000000e+00> : vector<512xf32>
    %reduce_sum3A_1306 = vector.multi_reduction <add>, %mul3A_1304, %reduce_sum3A_1305 [1] : vector<512x64xf32> to vector<512xf32>
    %broadcast_in_dim3A_1307 = vector.shape_cast %reduce_sum3A_1306 : vector<512xf32> to vector<512x1xf32>
    %neg3A_1308 = arith.constant 0.000000e+00 : f32
    %neg3A_1309 = vector.broadcast %neg3A_1308 : f32 to vector<512x1xf32>
    %neg3A_1310 = arith.subf %neg3A_1309, %broadcast_in_dim3A_1307 : vector<512x1xf32>
    %exp3A_1311 = math.exp %neg3A_1310 : vector<512x1xf32>
    %sub3A_1312 = arith.subf %while3A_1303#0, %exp3A_1311 : vector<512x1xf32>
    %ge3A_1313 = arith.constant 2.000000e+00 : f32
    %ge3A_1314 = vector.broadcast %ge3A_1313 : f32 to vector<512x1xf32>
    %ge3A_1315 = arith.cmpf oge, %while3A_1303#1, %ge3A_1314 : vector<512x1xf32>
    %log3A_1316 = math.log %sub3A_1312 : vector<512x1xf32>
    %neg3A_1317 = arith.constant 0.000000e+00 : f32
    %neg3A_1318 = vector.broadcast %neg3A_1317 : f32 to vector<512x1xf32>
    %neg3A_1319 = arith.subf %neg3A_1318, %log3A_1316 : vector<512x1xf32>
    %jit3A_1320 = arith.constant 0.000000e+00 : f32
    %broadcast_in_dim3A_1321 = vector.broadcast %jit3A_1320 : f32 to vector<512x1xf32>
    %select_n3A_1322 = arith.select %ge3A_1315, %neg3A_1319, %broadcast_in_dim3A_1321 : vector<512x1xi1>, vector<512x1xf32>
    %add3A_1323 = arith.addf %add3A_1174, %select_n3A_1322 : vector<512x1xf32>
    %sub3A_1324 = arith.constant 1.000000e+00 : f32
    %sub3A_1325 = vector.broadcast %sub3A_1324 : f32 to vector<512x1xf32>
    %sub3A_1326 = arith.subf %while3A_1303#1, %sub3A_1325 : vector<512x1xf32>
    %jit3A_1327 = arith.constant 0.000000e+00 : f32
    %broadcast_in_dim3A_1328 = vector.broadcast %jit3A_1327 : f32 to vector<512x1xf32>
    %select_n3A_1329 = arith.select %ge3A_1315, %sub3A_1326, %broadcast_in_dim3A_1328 : vector<512x1xi1>, vector<512x1xf32>
    %add3A_1330 = arith.addf %add3A_1181, %select_n3A_1329 : vector<512x1xf32>
    %get3A_1331 = arith.constant 4608 : index
    %get3A_1332 = arith.constant 0 : index
    %get3A_1333 = vector.load %arg6[%get3A_1331, %get3A_1332] : memref<8960x64xf32, #tpu.memory_space<vmem>>, vector<512x64xf32>
    %get3A_1334 = arith.constant 0 : index
    %get3A_1335 = arith.constant 4608 : index
    %get3A_1336 = vector.load %arg3[%get3A_1334, %get3A_1335] : memref<1x8960xi32, #tpu.memory_space<vmem>>, vector<1x512xi32>
    %get3A_1337 = arith.constant 4608 : index
    %get3A_1338 = memref.load %arg1[%get3A_1337] : memref<8960xi32, #tpu.memory_space<smem>>
    %get3A_1339 = arith.constant 5119 : index
    %get3A_1340 = memref.load %arg1[%get3A_1339] : memref<8960xi32, #tpu.memory_space<smem>>
    %scan3A_1341 = arith.constant 0 : i32
    %scan3A_1342 = arith.constant 8960 : i32
    %scan3A_1343 = arith.constant 0 : i32
    %scan3A_1344 = arith.constant 14 : i32
    %scan3A_1345 = arith.addi %scan3A_1343, %scan3A_1344 : i32
    %scan3A_1346 = arith.constant 1 : i32
    %scan3A_1347:2 = scf.for %scan3A_2390 = %scan3A_1343 to %scan3A_1345 step %scan3A_1346 iter_args(%scan3A_2391 = %scan3A_1341, %scan3A_2392 = %scan3A_1342) -> (i32, i32)  : i32 {
      %add3A_2393 = arith.addi %scan3A_2391, %scan3A_2392 : i32
      %jit3A_2394 = arith.constant 2 : i32
      %div3A_2395 = arith.divsi %add3A_2393, %jit3A_2394 : i32
      %sign3A_2396 = arith.constant 0 : i32
      %sign3A_2397 = arith.cmpi sgt, %add3A_2393, %sign3A_2396 : i32
      %sign3A_2398 = arith.extui %sign3A_2397 : i1 to i32
      %sign3A_2399 = arith.constant 0 : i32
      %sign3A_2400 = arith.cmpi slt, %add3A_2393, %sign3A_2399 : i32
      %sign3A_2401 = arith.extui %sign3A_2400 : i1 to i32
      %sign3A_2402 = arith.subi %sign3A_2398, %sign3A_2401 : i32
      %sign3A_2403 = arith.constant 0 : i32
      %sign3A_2404 = arith.cmpi sgt, %jit3A_2394, %sign3A_2403 : i32
      %sign3A_2405 = arith.extui %sign3A_2404 : i1 to i32
      %sign3A_2406 = arith.constant 0 : i32
      %sign3A_2407 = arith.cmpi slt, %jit3A_2394, %sign3A_2406 : i32
      %sign3A_2408 = arith.extui %sign3A_2407 : i1 to i32
      %sign3A_2409 = arith.subi %sign3A_2405, %sign3A_2408 : i32
      %ne3A_2410 = arith.cmpi ne, %sign3A_2402, %sign3A_2409 : i32
      %rem3A_2411 = arith.remsi %add3A_2393, %jit3A_2394 : i32
      %ne3A_2412 = arith.constant 0 : i32
      %ne3A_2413 = arith.cmpi ne, %rem3A_2411, %ne3A_2412 : i32
      %and3A_2414 = arith.andi %ne3A_2410, %ne3A_2413 : i1
      %sub3A_2415 = arith.constant 1 : i32
      %sub3A_2416 = arith.subi %div3A_2395, %sub3A_2415 : i32
      %select_n3A_2417 = arith.select %and3A_2414, %sub3A_2416, %div3A_2395 : i32
      %lt3A = arith.cmpi slt, %scan3A_2391, %scan3A_2392 : i32
      %get3A_2418 = arith.index_cast %select_n3A_2417 : i32 to index
      %get3A_2419 = memref.load %arg1[%get3A_2418] : memref<8960xi32, #tpu.memory_space<smem>>
      %lt3A_2420 = arith.cmpi slt, %get3A_2419, %get3A_1338 : i32
      %and3A_2421 = arith.andi %lt3A, %lt3A_2420 : i1
      %lt3A_2422 = arith.cmpi slt, %scan3A_2391, %scan3A_2392 : i32
      %not3A = arith.constant true
      %not3A_2423 = arith.xori %and3A_2421, %not3A : i1
      %and3A_2424 = arith.andi %lt3A_2422, %not3A_2423 : i1
      %add3A_2425 = arith.constant 1 : i32
      %add3A_2426 = arith.addi %select_n3A_2417, %add3A_2425 : i32
      %select_n3A_2427 = arith.select %and3A_2421, %add3A_2426, %scan3A_2391 : i32
      %select_n3A_2428 = arith.select %and3A_2424, %select_n3A_2417, %scan3A_2392 : i32
      scf.yield %select_n3A_2427, %select_n3A_2428 : i32, i32
    }
    %add3A_1348 = arith.constant 1 : i32
    %add3A_1349 = arith.addi %get3A_1340, %add3A_1348 : i32
    %scan3A_1350 = arith.constant 0 : i32
    %scan3A_1351 = arith.constant 8960 : i32
    %scan3A_1352 = arith.constant 0 : i32
    %scan3A_1353 = arith.constant 14 : i32
    %scan3A_1354 = arith.addi %scan3A_1352, %scan3A_1353 : i32
    %scan3A_1355 = arith.constant 1 : i32
    %scan3A_1356:2 = scf.for %scan3A_2390 = %scan3A_1352 to %scan3A_1354 step %scan3A_1355 iter_args(%scan3A_2391 = %scan3A_1350, %scan3A_2392 = %scan3A_1351) -> (i32, i32)  : i32 {
      %add3A_2393 = arith.addi %scan3A_2391, %scan3A_2392 : i32
      %jit3A_2394 = arith.constant 2 : i32
      %div3A_2395 = arith.divsi %add3A_2393, %jit3A_2394 : i32
      %sign3A_2396 = arith.constant 0 : i32
      %sign3A_2397 = arith.cmpi sgt, %add3A_2393, %sign3A_2396 : i32
      %sign3A_2398 = arith.extui %sign3A_2397 : i1 to i32
      %sign3A_2399 = arith.constant 0 : i32
      %sign3A_2400 = arith.cmpi slt, %add3A_2393, %sign3A_2399 : i32
      %sign3A_2401 = arith.extui %sign3A_2400 : i1 to i32
      %sign3A_2402 = arith.subi %sign3A_2398, %sign3A_2401 : i32
      %sign3A_2403 = arith.constant 0 : i32
      %sign3A_2404 = arith.cmpi sgt, %jit3A_2394, %sign3A_2403 : i32
      %sign3A_2405 = arith.extui %sign3A_2404 : i1 to i32
      %sign3A_2406 = arith.constant 0 : i32
      %sign3A_2407 = arith.cmpi slt, %jit3A_2394, %sign3A_2406 : i32
      %sign3A_2408 = arith.extui %sign3A_2407 : i1 to i32
      %sign3A_2409 = arith.subi %sign3A_2405, %sign3A_2408 : i32
      %ne3A_2410 = arith.cmpi ne, %sign3A_2402, %sign3A_2409 : i32
      %rem3A_2411 = arith.remsi %add3A_2393, %jit3A_2394 : i32
      %ne3A_2412 = arith.constant 0 : i32
      %ne3A_2413 = arith.cmpi ne, %rem3A_2411, %ne3A_2412 : i32
      %and3A_2414 = arith.andi %ne3A_2410, %ne3A_2413 : i1
      %sub3A_2415 = arith.constant 1 : i32
      %sub3A_2416 = arith.subi %div3A_2395, %sub3A_2415 : i32
      %select_n3A_2417 = arith.select %and3A_2414, %sub3A_2416, %div3A_2395 : i32
      %lt3A = arith.cmpi slt, %scan3A_2391, %scan3A_2392 : i32
      %get3A_2418 = arith.index_cast %select_n3A_2417 : i32 to index
      %get3A_2419 = memref.load %arg1[%get3A_2418] : memref<8960xi32, #tpu.memory_space<smem>>
      %lt3A_2420 = arith.cmpi slt, %get3A_2419, %add3A_1349 : i32
      %and3A_2421 = arith.andi %lt3A, %lt3A_2420 : i1
      %lt3A_2422 = arith.cmpi slt, %scan3A_2391, %scan3A_2392 : i32
      %not3A = arith.constant true
      %not3A_2423 = arith.xori %and3A_2421, %not3A : i1
      %and3A_2424 = arith.andi %lt3A_2422, %not3A_2423 : i1
      %add3A_2425 = arith.constant 1 : i32
      %add3A_2426 = arith.addi %select_n3A_2417, %add3A_2425 : i32
      %select_n3A_2427 = arith.select %and3A_2421, %add3A_2426, %scan3A_2391 : i32
      %select_n3A_2428 = arith.select %and3A_2424, %select_n3A_2417, %scan3A_2392 : i32
      scf.yield %select_n3A_2427, %select_n3A_2428 : i32, i32
    }
    %jit3A_1357 = arith.constant 128 : i32
    %div3A_1358 = arith.divsi %scan3A_1347#0, %jit3A_1357 : i32
    %sign3A_1359 = arith.constant 0 : i32
    %sign3A_1360 = arith.cmpi sgt, %scan3A_1347#0, %sign3A_1359 : i32
    %sign3A_1361 = arith.extui %sign3A_1360 : i1 to i32
    %sign3A_1362 = arith.constant 0 : i32
    %sign3A_1363 = arith.cmpi slt, %scan3A_1347#0, %sign3A_1362 : i32
    %sign3A_1364 = arith.extui %sign3A_1363 : i1 to i32
    %sign3A_1365 = arith.subi %sign3A_1361, %sign3A_1364 : i32
    %sign3A_1366 = arith.constant 0 : i32
    %sign3A_1367 = arith.cmpi sgt, %jit3A_1357, %sign3A_1366 : i32
    %sign3A_1368 = arith.extui %sign3A_1367 : i1 to i32
    %sign3A_1369 = arith.constant 0 : i32
    %sign3A_1370 = arith.cmpi slt, %jit3A_1357, %sign3A_1369 : i32
    %sign3A_1371 = arith.extui %sign3A_1370 : i1 to i32
    %sign3A_1372 = arith.subi %sign3A_1368, %sign3A_1371 : i32
    %ne3A_1373 = arith.cmpi ne, %sign3A_1365, %sign3A_1372 : i32
    %rem3A_1374 = arith.remsi %scan3A_1347#0, %jit3A_1357 : i32
    %ne3A_1375 = arith.constant 0 : i32
    %ne3A_1376 = arith.cmpi ne, %rem3A_1374, %ne3A_1375 : i32
    %and3A_1377 = arith.andi %ne3A_1373, %ne3A_1376 : i1
    %sub3A_1378 = arith.constant 1 : i32
    %sub3A_1379 = arith.subi %div3A_1358, %sub3A_1378 : i32
    %select_n3A_1380 = arith.select %and3A_1377, %sub3A_1379, %div3A_1358 : i32
    %mul3A_1381 = arith.constant 128 : i32
    %mul3A_1382 = arith.muli %select_n3A_1380, %mul3A_1381 : i32
    %sub3A_1383 = arith.subi %scan3A_1356#0, %mul3A_1382 : i32
    %add3A_1384 = arith.constant 768 : i32
    %add3A_1385 = arith.addi %sub3A_1383, %add3A_1384 : i32
    %sub3A_1386 = arith.constant 1 : i32
    %sub3A_1387 = arith.subi %add3A_1385, %sub3A_1386 : i32
    %jit3A_1388 = arith.constant 768 : i32
    %div3A_1389 = arith.divsi %sub3A_1387, %jit3A_1388 : i32
    %sign3A_1390 = arith.constant 0 : i32
    %sign3A_1391 = arith.cmpi sgt, %sub3A_1387, %sign3A_1390 : i32
    %sign3A_1392 = arith.extui %sign3A_1391 : i1 to i32
    %sign3A_1393 = arith.constant 0 : i32
    %sign3A_1394 = arith.cmpi slt, %sub3A_1387, %sign3A_1393 : i32
    %sign3A_1395 = arith.extui %sign3A_1394 : i1 to i32
    %sign3A_1396 = arith.subi %sign3A_1392, %sign3A_1395 : i32
    %sign3A_1397 = arith.constant 0 : i32
    %sign3A_1398 = arith.cmpi sgt, %jit3A_1388, %sign3A_1397 : i32
    %sign3A_1399 = arith.extui %sign3A_1398 : i1 to i32
    %sign3A_1400 = arith.constant 0 : i32
    %sign3A_1401 = arith.cmpi slt, %jit3A_1388, %sign3A_1400 : i32
    %sign3A_1402 = arith.extui %sign3A_1401 : i1 to i32
    %sign3A_1403 = arith.subi %sign3A_1399, %sign3A_1402 : i32
    %ne3A_1404 = arith.cmpi ne, %sign3A_1396, %sign3A_1403 : i32
    %rem3A_1405 = arith.remsi %sub3A_1387, %jit3A_1388 : i32
    %ne3A_1406 = arith.constant 0 : i32
    %ne3A_1407 = arith.cmpi ne, %rem3A_1405, %ne3A_1406 : i32
    %and3A_1408 = arith.andi %ne3A_1404, %ne3A_1407 : i1
    %sub3A_1409 = arith.constant 1 : i32
    %sub3A_1410 = arith.subi %div3A_1389, %sub3A_1409 : i32
    %select_n3A_1411 = arith.select %and3A_1408, %sub3A_1410, %div3A_1389 : i32
    %get3A_1412 = arith.index_cast %mul3A_1382 : i32 to index
    %get3A_1413 = arith.constant 0 : index
    %get3A_1414 = vector.load %arg6[%get3A_1412, %get3A_1413] : memref<8960x64xf32, #tpu.memory_space<vmem>>, vector<768x64xf32>
    %get3A_1415 = arith.constant 0 : index
    %get3A_1416 = arith.index_cast %mul3A_1382 : i32 to index
    %get3A_1417 = vector.load %arg3[%get3A_1415, %get3A_1416] : memref<1x8960xi32, #tpu.memory_space<vmem>>, vector<1x768xi32>
    %dot_general3A_1418 = arith.constant dense<0.000000e+00> : vector<512x768xf32>
    %dot_general3A_1419 = tpu.matmul %get3A_1333, %get3A_1414, %dot_general3A_1418 {dimension_numbers = #tpu.dot_dimension_numbers<[1], [1], [0], [0], [0, 0, 1, 0], [], []>, transpose_lhs_hint = false} : vector<512x64xf32>, vector<768x64xf32>, vector<512x768xf32> -> vector<512x768xf32>
    %transpose3A_1420 = tpu.transpose %get3A_1336, [1, 0] : vector<1x512xi32> -> vector<512x1xi32>
    %eq3A_1421 = vector.broadcast %transpose3A_1420 : vector<512x1xi32> to vector<512x768xi32>
    %eq3A_1422 = vector.broadcast %get3A_1417 : vector<1x768xi32> to vector<512x768xi32>
    %eq3A_1423 = arith.cmpi eq, %eq3A_1421, %eq3A_1422 : vector<512x768xi32>
    %neg3A_1424 = arith.constant 0.000000e+00 : f32
    %neg3A_1425 = vector.broadcast %neg3A_1424 : f32 to vector<512x768xf32>
    %neg3A_1426 = arith.subf %neg3A_1425, %dot_general3A_1419 : vector<512x768xf32>
    %exp3A_1427 = math.exp %neg3A_1426 : vector<512x768xf32>
    %jit3A_1428 = arith.constant 0.000000e+00 : f32
    %broadcast_in_dim3A_1429 = vector.broadcast %jit3A_1428 : f32 to vector<512x768xf32>
    %select_n3A_1430 = arith.select %eq3A_1423, %exp3A_1427, %broadcast_in_dim3A_1429 : vector<512x768xi1>, vector<512x768xf32>
    %jit3A_1431 = arith.constant 1.000000e+00 : f32
    %jit3A_1432 = arith.constant 0.000000e+00 : f32
    %broadcast_in_dim3A_1433 = vector.broadcast %jit3A_1431 : f32 to vector<512x768xf32>
    %broadcast_in_dim3A_1434 = vector.broadcast %jit3A_1432 : f32 to vector<512x768xf32>
    %select_n3A_1435 = arith.select %eq3A_1423, %broadcast_in_dim3A_1433, %broadcast_in_dim3A_1434 : vector<512x768xi1>, vector<512x768xf32>
    %dot_general3A_1436 = arith.constant dense<0.000000e+00> : vector<512x128xf32>
    %dot_general3A_1437 = tpu.matmul %select_n3A_1430, %broadcast_in_dim3A_6, %dot_general3A_1436 {dimension_numbers = #tpu.dot_dimension_numbers<[1], [0], [0], [1], [0, 0, 1, 1], [], []>, transpose_lhs_hint = false} : vector<512x768xf32>, vector<768x128xf32>, vector<512x128xf32> -> vector<512x128xf32>
    %slice3A_1438 = vector.extract_strided_slice %dot_general3A_1437 {offsets = [0, 0], sizes = [512, 1], strides = [1, 1]} : vector<512x128xf32> to vector<512x1xf32>
    %dot_general3A_1439 = arith.constant dense<0.000000e+00> : vector<512x128xf32>
    %dot_general3A_1440 = tpu.matmul %select_n3A_1435, %broadcast_in_dim3A_6, %dot_general3A_1439 {dimension_numbers = #tpu.dot_dimension_numbers<[1], [0], [0], [1], [0, 0, 1, 1], [], []>, transpose_lhs_hint = false} : vector<512x768xf32>, vector<768x128xf32>, vector<512x128xf32> -> vector<512x128xf32>
    %slice3A_1441 = vector.extract_strided_slice %dot_general3A_1440 {offsets = [0, 0], sizes = [512, 1], strides = [1, 1]} : vector<512x128xf32> to vector<512x1xf32>
    %while3A_1442 = arith.constant 1 : i32
    %while3A_1443 = arith.subi %select_n3A_1411, %while3A_1442 : i32
    %while3A_1444 = arith.addi %while3A_1442, %while3A_1443 : i32
    %while3A_1445 = arith.constant 1 : i32
    %while3A_1446 = arith.divsi %while3A_1443, %while3A_1445 : i32
    %while3A_1447 = arith.muli %while3A_1446, %while3A_1445 : i32
    %while3A_1448 = arith.addi %while3A_1442, %while3A_1447 : i32
    %while3A_1449 = arith.constant 1 : i32
    %while3A_1450:2 = scf.for %while3A_2390 = %while3A_1442 to %while3A_1448 step %while3A_1449 iter_args(%while3A_2391 = %slice3A_1438, %while3A_2392 = %slice3A_1441) -> (vector<512x1xf32>, vector<512x1xf32>)  : i32 {
      %mul3A_2393 = arith.constant 768 : i32
      %mul3A_2394 = arith.muli %while3A_2390, %mul3A_2393 : i32
      %add3A_2395 = arith.addi %mul3A_1382, %mul3A_2394 : i32
      %get3A_2396 = arith.index_cast %add3A_2395 : i32 to index
      %get3A_2397 = arith.constant 0 : index
      %get3A_2398 = vector.load %arg6[%get3A_2396, %get3A_2397] : memref<8960x64xf32, #tpu.memory_space<vmem>>, vector<768x64xf32>
      %get3A_2399 = arith.constant 0 : index
      %get3A_2400 = arith.index_cast %add3A_2395 : i32 to index
      %get3A_2401 = vector.load %arg3[%get3A_2399, %get3A_2400] : memref<1x8960xi32, #tpu.memory_space<vmem>>, vector<1x768xi32>
      %dot_general3A_2402 = arith.constant dense<0.000000e+00> : vector<512x768xf32>
      %dot_general3A_2403 = tpu.matmul %get3A_1333, %get3A_2398, %dot_general3A_2402 {dimension_numbers = #tpu.dot_dimension_numbers<[1], [1], [0], [0], [0, 0, 1, 0], [], []>, transpose_lhs_hint = false} : vector<512x64xf32>, vector<768x64xf32>, vector<512x768xf32> -> vector<512x768xf32>
      %transpose3A_2404 = tpu.transpose %get3A_1336, [1, 0] : vector<1x512xi32> -> vector<512x1xi32>
      %eq3A_2405 = vector.broadcast %transpose3A_2404 : vector<512x1xi32> to vector<512x768xi32>
      %eq3A_2406 = vector.broadcast %get3A_2401 : vector<1x768xi32> to vector<512x768xi32>
      %eq3A_2407 = arith.cmpi eq, %eq3A_2405, %eq3A_2406 : vector<512x768xi32>
      %neg3A_2408 = arith.constant 0.000000e+00 : f32
      %neg3A_2409 = vector.broadcast %neg3A_2408 : f32 to vector<512x768xf32>
      %neg3A_2410 = arith.subf %neg3A_2409, %dot_general3A_2403 : vector<512x768xf32>
      %exp3A_2411 = math.exp %neg3A_2410 : vector<512x768xf32>
      %jit3A_2412 = arith.constant 0.000000e+00 : f32
      %broadcast_in_dim3A_2413 = vector.broadcast %jit3A_2412 : f32 to vector<512x768xf32>
      %select_n3A_2414 = arith.select %eq3A_2407, %exp3A_2411, %broadcast_in_dim3A_2413 : vector<512x768xi1>, vector<512x768xf32>
      %jit3A_2415 = arith.constant 1.000000e+00 : f32
      %jit3A_2416 = arith.constant 0.000000e+00 : f32
      %broadcast_in_dim3A_2417 = vector.broadcast %jit3A_2415 : f32 to vector<512x768xf32>
      %broadcast_in_dim3A_2418 = vector.broadcast %jit3A_2416 : f32 to vector<512x768xf32>
      %select_n3A_2419 = arith.select %eq3A_2407, %broadcast_in_dim3A_2417, %broadcast_in_dim3A_2418 : vector<512x768xi1>, vector<512x768xf32>
      %dot_general3A_2420 = arith.constant dense<0.000000e+00> : vector<512x128xf32>
      %dot_general3A_2421 = tpu.matmul %select_n3A_2414, %broadcast_in_dim3A_6, %dot_general3A_2420 {dimension_numbers = #tpu.dot_dimension_numbers<[1], [0], [0], [1], [0, 0, 1, 1], [], []>, transpose_lhs_hint = false} : vector<512x768xf32>, vector<768x128xf32>, vector<512x128xf32> -> vector<512x128xf32>
      %slice3A_2422 = vector.extract_strided_slice %dot_general3A_2421 {offsets = [0, 0], sizes = [512, 1], strides = [1, 1]} : vector<512x128xf32> to vector<512x1xf32>
      %dot_general3A_2423 = arith.constant dense<0.000000e+00> : vector<512x128xf32>
      %dot_general3A_2424 = tpu.matmul %select_n3A_2419, %broadcast_in_dim3A_6, %dot_general3A_2423 {dimension_numbers = #tpu.dot_dimension_numbers<[1], [0], [0], [1], [0, 0, 1, 1], [], []>, transpose_lhs_hint = false} : vector<512x768xf32>, vector<768x128xf32>, vector<512x128xf32> -> vector<512x128xf32>
      %slice3A_2425 = vector.extract_strided_slice %dot_general3A_2424 {offsets = [0, 0], sizes = [512, 1], strides = [1, 1]} : vector<512x128xf32> to vector<512x1xf32>
      %add3A_2426 = arith.addf %while3A_2391, %slice3A_2422 : vector<512x1xf32>
      %add3A_2427 = arith.addf %while3A_2392, %slice3A_2425 : vector<512x1xf32>
      scf.yield %add3A_2426, %add3A_2427 : vector<512x1xf32>, vector<512x1xf32>
    }
    %while3A_1451 = arith.constant 1 : i32
    %while3A_1452:2 = scf.for %while3A_2390 = %while3A_1448 to %while3A_1444 step %while3A_1451 iter_args(%while3A_2391 = %while3A_1450#0, %while3A_2392 = %while3A_1450#1) -> (vector<512x1xf32>, vector<512x1xf32>)  : i32 {
      %mul3A_2393 = arith.constant 768 : i32
      %mul3A_2394 = arith.muli %while3A_2390, %mul3A_2393 : i32
      %add3A_2395 = arith.addi %mul3A_1382, %mul3A_2394 : i32
      %get3A_2396 = arith.index_cast %add3A_2395 : i32 to index
      %get3A_2397 = arith.constant 0 : index
      %get3A_2398 = vector.load %arg6[%get3A_2396, %get3A_2397] : memref<8960x64xf32, #tpu.memory_space<vmem>>, vector<768x64xf32>
      %get3A_2399 = arith.constant 0 : index
      %get3A_2400 = arith.index_cast %add3A_2395 : i32 to index
      %get3A_2401 = vector.load %arg3[%get3A_2399, %get3A_2400] : memref<1x8960xi32, #tpu.memory_space<vmem>>, vector<1x768xi32>
      %dot_general3A_2402 = arith.constant dense<0.000000e+00> : vector<512x768xf32>
      %dot_general3A_2403 = tpu.matmul %get3A_1333, %get3A_2398, %dot_general3A_2402 {dimension_numbers = #tpu.dot_dimension_numbers<[1], [1], [0], [0], [0, 0, 1, 0], [], []>, transpose_lhs_hint = false} : vector<512x64xf32>, vector<768x64xf32>, vector<512x768xf32> -> vector<512x768xf32>
      %transpose3A_2404 = tpu.transpose %get3A_1336, [1, 0] : vector<1x512xi32> -> vector<512x1xi32>
      %eq3A_2405 = vector.broadcast %transpose3A_2404 : vector<512x1xi32> to vector<512x768xi32>
      %eq3A_2406 = vector.broadcast %get3A_2401 : vector<1x768xi32> to vector<512x768xi32>
      %eq3A_2407 = arith.cmpi eq, %eq3A_2405, %eq3A_2406 : vector<512x768xi32>
      %neg3A_2408 = arith.constant 0.000000e+00 : f32
      %neg3A_2409 = vector.broadcast %neg3A_2408 : f32 to vector<512x768xf32>
      %neg3A_2410 = arith.subf %neg3A_2409, %dot_general3A_2403 : vector<512x768xf32>
      %exp3A_2411 = math.exp %neg3A_2410 : vector<512x768xf32>
      %jit3A_2412 = arith.constant 0.000000e+00 : f32
      %broadcast_in_dim3A_2413 = vector.broadcast %jit3A_2412 : f32 to vector<512x768xf32>
      %select_n3A_2414 = arith.select %eq3A_2407, %exp3A_2411, %broadcast_in_dim3A_2413 : vector<512x768xi1>, vector<512x768xf32>
      %jit3A_2415 = arith.constant 1.000000e+00 : f32
      %jit3A_2416 = arith.constant 0.000000e+00 : f32
      %broadcast_in_dim3A_2417 = vector.broadcast %jit3A_2415 : f32 to vector<512x768xf32>
      %broadcast_in_dim3A_2418 = vector.broadcast %jit3A_2416 : f32 to vector<512x768xf32>
      %select_n3A_2419 = arith.select %eq3A_2407, %broadcast_in_dim3A_2417, %broadcast_in_dim3A_2418 : vector<512x768xi1>, vector<512x768xf32>
      %dot_general3A_2420 = arith.constant dense<0.000000e+00> : vector<512x128xf32>
      %dot_general3A_2421 = tpu.matmul %select_n3A_2414, %broadcast_in_dim3A_6, %dot_general3A_2420 {dimension_numbers = #tpu.dot_dimension_numbers<[1], [0], [0], [1], [0, 0, 1, 1], [], []>, transpose_lhs_hint = false} : vector<512x768xf32>, vector<768x128xf32>, vector<512x128xf32> -> vector<512x128xf32>
      %slice3A_2422 = vector.extract_strided_slice %dot_general3A_2421 {offsets = [0, 0], sizes = [512, 1], strides = [1, 1]} : vector<512x128xf32> to vector<512x1xf32>
      %dot_general3A_2423 = arith.constant dense<0.000000e+00> : vector<512x128xf32>
      %dot_general3A_2424 = tpu.matmul %select_n3A_2419, %broadcast_in_dim3A_6, %dot_general3A_2423 {dimension_numbers = #tpu.dot_dimension_numbers<[1], [0], [0], [1], [0, 0, 1, 1], [], []>, transpose_lhs_hint = false} : vector<512x768xf32>, vector<768x128xf32>, vector<512x128xf32> -> vector<512x128xf32>
      %slice3A_2425 = vector.extract_strided_slice %dot_general3A_2424 {offsets = [0, 0], sizes = [512, 1], strides = [1, 1]} : vector<512x128xf32> to vector<512x1xf32>
      %add3A_2426 = arith.addf %while3A_2391, %slice3A_2422 : vector<512x1xf32>
      %add3A_2427 = arith.addf %while3A_2392, %slice3A_2425 : vector<512x1xf32>
      scf.yield %add3A_2426, %add3A_2427 : vector<512x1xf32>, vector<512x1xf32>
    }
    %mul3A_1453 = arith.mulf %get3A_1333, %get3A_1333 : vector<512x64xf32>
    %reduce_sum3A_1454 = arith.constant dense<0.000000e+00> : vector<512xf32>
    %reduce_sum3A_1455 = vector.multi_reduction <add>, %mul3A_1453, %reduce_sum3A_1454 [1] : vector<512x64xf32> to vector<512xf32>
    %broadcast_in_dim3A_1456 = vector.shape_cast %reduce_sum3A_1455 : vector<512xf32> to vector<512x1xf32>
    %neg3A_1457 = arith.constant 0.000000e+00 : f32
    %neg3A_1458 = vector.broadcast %neg3A_1457 : f32 to vector<512x1xf32>
    %neg3A_1459 = arith.subf %neg3A_1458, %broadcast_in_dim3A_1456 : vector<512x1xf32>
    %exp3A_1460 = math.exp %neg3A_1459 : vector<512x1xf32>
    %sub3A_1461 = arith.subf %while3A_1452#0, %exp3A_1460 : vector<512x1xf32>
    %ge3A_1462 = arith.constant 2.000000e+00 : f32
    %ge3A_1463 = vector.broadcast %ge3A_1462 : f32 to vector<512x1xf32>
    %ge3A_1464 = arith.cmpf oge, %while3A_1452#1, %ge3A_1463 : vector<512x1xf32>
    %log3A_1465 = math.log %sub3A_1461 : vector<512x1xf32>
    %neg3A_1466 = arith.constant 0.000000e+00 : f32
    %neg3A_1467 = vector.broadcast %neg3A_1466 : f32 to vector<512x1xf32>
    %neg3A_1468 = arith.subf %neg3A_1467, %log3A_1465 : vector<512x1xf32>
    %jit3A_1469 = arith.constant 0.000000e+00 : f32
    %broadcast_in_dim3A_1470 = vector.broadcast %jit3A_1469 : f32 to vector<512x1xf32>
    %select_n3A_1471 = arith.select %ge3A_1464, %neg3A_1468, %broadcast_in_dim3A_1470 : vector<512x1xi1>, vector<512x1xf32>
    %add3A_1472 = arith.addf %add3A_1323, %select_n3A_1471 : vector<512x1xf32>
    %sub3A_1473 = arith.constant 1.000000e+00 : f32
    %sub3A_1474 = vector.broadcast %sub3A_1473 : f32 to vector<512x1xf32>
    %sub3A_1475 = arith.subf %while3A_1452#1, %sub3A_1474 : vector<512x1xf32>
    %jit3A_1476 = arith.constant 0.000000e+00 : f32
    %broadcast_in_dim3A_1477 = vector.broadcast %jit3A_1476 : f32 to vector<512x1xf32>
    %select_n3A_1478 = arith.select %ge3A_1464, %sub3A_1475, %broadcast_in_dim3A_1477 : vector<512x1xi1>, vector<512x1xf32>
    %add3A_1479 = arith.addf %add3A_1330, %select_n3A_1478 : vector<512x1xf32>
    %get3A_1480 = arith.constant 5120 : index
    %get3A_1481 = arith.constant 0 : index
    %get3A_1482 = vector.load %arg6[%get3A_1480, %get3A_1481] : memref<8960x64xf32, #tpu.memory_space<vmem>>, vector<512x64xf32>
    %get3A_1483 = arith.constant 0 : index
    %get3A_1484 = arith.constant 5120 : index
    %get3A_1485 = vector.load %arg3[%get3A_1483, %get3A_1484] : memref<1x8960xi32, #tpu.memory_space<vmem>>, vector<1x512xi32>
    %get3A_1486 = arith.constant 5120 : index
    %get3A_1487 = memref.load %arg1[%get3A_1486] : memref<8960xi32, #tpu.memory_space<smem>>
    %get3A_1488 = arith.constant 5631 : index
    %get3A_1489 = memref.load %arg1[%get3A_1488] : memref<8960xi32, #tpu.memory_space<smem>>
    %scan3A_1490 = arith.constant 0 : i32
    %scan3A_1491 = arith.constant 8960 : i32
    %scan3A_1492 = arith.constant 0 : i32
    %scan3A_1493 = arith.constant 14 : i32
    %scan3A_1494 = arith.addi %scan3A_1492, %scan3A_1493 : i32
    %scan3A_1495 = arith.constant 1 : i32
    %scan3A_1496:2 = scf.for %scan3A_2390 = %scan3A_1492 to %scan3A_1494 step %scan3A_1495 iter_args(%scan3A_2391 = %scan3A_1490, %scan3A_2392 = %scan3A_1491) -> (i32, i32)  : i32 {
      %add3A_2393 = arith.addi %scan3A_2391, %scan3A_2392 : i32
      %jit3A_2394 = arith.constant 2 : i32
      %div3A_2395 = arith.divsi %add3A_2393, %jit3A_2394 : i32
      %sign3A_2396 = arith.constant 0 : i32
      %sign3A_2397 = arith.cmpi sgt, %add3A_2393, %sign3A_2396 : i32
      %sign3A_2398 = arith.extui %sign3A_2397 : i1 to i32
      %sign3A_2399 = arith.constant 0 : i32
      %sign3A_2400 = arith.cmpi slt, %add3A_2393, %sign3A_2399 : i32
      %sign3A_2401 = arith.extui %sign3A_2400 : i1 to i32
      %sign3A_2402 = arith.subi %sign3A_2398, %sign3A_2401 : i32
      %sign3A_2403 = arith.constant 0 : i32
      %sign3A_2404 = arith.cmpi sgt, %jit3A_2394, %sign3A_2403 : i32
      %sign3A_2405 = arith.extui %sign3A_2404 : i1 to i32
      %sign3A_2406 = arith.constant 0 : i32
      %sign3A_2407 = arith.cmpi slt, %jit3A_2394, %sign3A_2406 : i32
      %sign3A_2408 = arith.extui %sign3A_2407 : i1 to i32
      %sign3A_2409 = arith.subi %sign3A_2405, %sign3A_2408 : i32
      %ne3A_2410 = arith.cmpi ne, %sign3A_2402, %sign3A_2409 : i32
      %rem3A_2411 = arith.remsi %add3A_2393, %jit3A_2394 : i32
      %ne3A_2412 = arith.constant 0 : i32
      %ne3A_2413 = arith.cmpi ne, %rem3A_2411, %ne3A_2412 : i32
      %and3A_2414 = arith.andi %ne3A_2410, %ne3A_2413 : i1
      %sub3A_2415 = arith.constant 1 : i32
      %sub3A_2416 = arith.subi %div3A_2395, %sub3A_2415 : i32
      %select_n3A_2417 = arith.select %and3A_2414, %sub3A_2416, %div3A_2395 : i32
      %lt3A = arith.cmpi slt, %scan3A_2391, %scan3A_2392 : i32
      %get3A_2418 = arith.index_cast %select_n3A_2417 : i32 to index
      %get3A_2419 = memref.load %arg1[%get3A_2418] : memref<8960xi32, #tpu.memory_space<smem>>
      %lt3A_2420 = arith.cmpi slt, %get3A_2419, %get3A_1487 : i32
      %and3A_2421 = arith.andi %lt3A, %lt3A_2420 : i1
      %lt3A_2422 = arith.cmpi slt, %scan3A_2391, %scan3A_2392 : i32
      %not3A = arith.constant true
      %not3A_2423 = arith.xori %and3A_2421, %not3A : i1
      %and3A_2424 = arith.andi %lt3A_2422, %not3A_2423 : i1
      %add3A_2425 = arith.constant 1 : i32
      %add3A_2426 = arith.addi %select_n3A_2417, %add3A_2425 : i32
      %select_n3A_2427 = arith.select %and3A_2421, %add3A_2426, %scan3A_2391 : i32
      %select_n3A_2428 = arith.select %and3A_2424, %select_n3A_2417, %scan3A_2392 : i32
      scf.yield %select_n3A_2427, %select_n3A_2428 : i32, i32
    }
    %add3A_1497 = arith.constant 1 : i32
    %add3A_1498 = arith.addi %get3A_1489, %add3A_1497 : i32
    %scan3A_1499 = arith.constant 0 : i32
    %scan3A_1500 = arith.constant 8960 : i32
    %scan3A_1501 = arith.constant 0 : i32
    %scan3A_1502 = arith.constant 14 : i32
    %scan3A_1503 = arith.addi %scan3A_1501, %scan3A_1502 : i32
    %scan3A_1504 = arith.constant 1 : i32
    %scan3A_1505:2 = scf.for %scan3A_2390 = %scan3A_1501 to %scan3A_1503 step %scan3A_1504 iter_args(%scan3A_2391 = %scan3A_1499, %scan3A_2392 = %scan3A_1500) -> (i32, i32)  : i32 {
      %add3A_2393 = arith.addi %scan3A_2391, %scan3A_2392 : i32
      %jit3A_2394 = arith.constant 2 : i32
      %div3A_2395 = arith.divsi %add3A_2393, %jit3A_2394 : i32
      %sign3A_2396 = arith.constant 0 : i32
      %sign3A_2397 = arith.cmpi sgt, %add3A_2393, %sign3A_2396 : i32
      %sign3A_2398 = arith.extui %sign3A_2397 : i1 to i32
      %sign3A_2399 = arith.constant 0 : i32
      %sign3A_2400 = arith.cmpi slt, %add3A_2393, %sign3A_2399 : i32
      %sign3A_2401 = arith.extui %sign3A_2400 : i1 to i32
      %sign3A_2402 = arith.subi %sign3A_2398, %sign3A_2401 : i32
      %sign3A_2403 = arith.constant 0 : i32
      %sign3A_2404 = arith.cmpi sgt, %jit3A_2394, %sign3A_2403 : i32
      %sign3A_2405 = arith.extui %sign3A_2404 : i1 to i32
      %sign3A_2406 = arith.constant 0 : i32
      %sign3A_2407 = arith.cmpi slt, %jit3A_2394, %sign3A_2406 : i32
      %sign3A_2408 = arith.extui %sign3A_2407 : i1 to i32
      %sign3A_2409 = arith.subi %sign3A_2405, %sign3A_2408 : i32
      %ne3A_2410 = arith.cmpi ne, %sign3A_2402, %sign3A_2409 : i32
      %rem3A_2411 = arith.remsi %add3A_2393, %jit3A_2394 : i32
      %ne3A_2412 = arith.constant 0 : i32
      %ne3A_2413 = arith.cmpi ne, %rem3A_2411, %ne3A_2412 : i32
      %and3A_2414 = arith.andi %ne3A_2410, %ne3A_2413 : i1
      %sub3A_2415 = arith.constant 1 : i32
      %sub3A_2416 = arith.subi %div3A_2395, %sub3A_2415 : i32
      %select_n3A_2417 = arith.select %and3A_2414, %sub3A_2416, %div3A_2395 : i32
      %lt3A = arith.cmpi slt, %scan3A_2391, %scan3A_2392 : i32
      %get3A_2418 = arith.index_cast %select_n3A_2417 : i32 to index
      %get3A_2419 = memref.load %arg1[%get3A_2418] : memref<8960xi32, #tpu.memory_space<smem>>
      %lt3A_2420 = arith.cmpi slt, %get3A_2419, %add3A_1498 : i32
      %and3A_2421 = arith.andi %lt3A, %lt3A_2420 : i1
      %lt3A_2422 = arith.cmpi slt, %scan3A_2391, %scan3A_2392 : i32
      %not3A = arith.constant true
      %not3A_2423 = arith.xori %and3A_2421, %not3A : i1
      %and3A_2424 = arith.andi %lt3A_2422, %not3A_2423 : i1
      %add3A_2425 = arith.constant 1 : i32
      %add3A_2426 = arith.addi %select_n3A_2417, %add3A_2425 : i32
      %select_n3A_2427 = arith.select %and3A_2421, %add3A_2426, %scan3A_2391 : i32
      %select_n3A_2428 = arith.select %and3A_2424, %select_n3A_2417, %scan3A_2392 : i32
      scf.yield %select_n3A_2427, %select_n3A_2428 : i32, i32
    }
    %jit3A_1506 = arith.constant 128 : i32
    %div3A_1507 = arith.divsi %scan3A_1496#0, %jit3A_1506 : i32
    %sign3A_1508 = arith.constant 0 : i32
    %sign3A_1509 = arith.cmpi sgt, %scan3A_1496#0, %sign3A_1508 : i32
    %sign3A_1510 = arith.extui %sign3A_1509 : i1 to i32
    %sign3A_1511 = arith.constant 0 : i32
    %sign3A_1512 = arith.cmpi slt, %scan3A_1496#0, %sign3A_1511 : i32
    %sign3A_1513 = arith.extui %sign3A_1512 : i1 to i32
    %sign3A_1514 = arith.subi %sign3A_1510, %sign3A_1513 : i32
    %sign3A_1515 = arith.constant 0 : i32
    %sign3A_1516 = arith.cmpi sgt, %jit3A_1506, %sign3A_1515 : i32
    %sign3A_1517 = arith.extui %sign3A_1516 : i1 to i32
    %sign3A_1518 = arith.constant 0 : i32
    %sign3A_1519 = arith.cmpi slt, %jit3A_1506, %sign3A_1518 : i32
    %sign3A_1520 = arith.extui %sign3A_1519 : i1 to i32
    %sign3A_1521 = arith.subi %sign3A_1517, %sign3A_1520 : i32
    %ne3A_1522 = arith.cmpi ne, %sign3A_1514, %sign3A_1521 : i32
    %rem3A_1523 = arith.remsi %scan3A_1496#0, %jit3A_1506 : i32
    %ne3A_1524 = arith.constant 0 : i32
    %ne3A_1525 = arith.cmpi ne, %rem3A_1523, %ne3A_1524 : i32
    %and3A_1526 = arith.andi %ne3A_1522, %ne3A_1525 : i1
    %sub3A_1527 = arith.constant 1 : i32
    %sub3A_1528 = arith.subi %div3A_1507, %sub3A_1527 : i32
    %select_n3A_1529 = arith.select %and3A_1526, %sub3A_1528, %div3A_1507 : i32
    %mul3A_1530 = arith.constant 128 : i32
    %mul3A_1531 = arith.muli %select_n3A_1529, %mul3A_1530 : i32
    %sub3A_1532 = arith.subi %scan3A_1505#0, %mul3A_1531 : i32
    %add3A_1533 = arith.constant 768 : i32
    %add3A_1534 = arith.addi %sub3A_1532, %add3A_1533 : i32
    %sub3A_1535 = arith.constant 1 : i32
    %sub3A_1536 = arith.subi %add3A_1534, %sub3A_1535 : i32
    %jit3A_1537 = arith.constant 768 : i32
    %div3A_1538 = arith.divsi %sub3A_1536, %jit3A_1537 : i32
    %sign3A_1539 = arith.constant 0 : i32
    %sign3A_1540 = arith.cmpi sgt, %sub3A_1536, %sign3A_1539 : i32
    %sign3A_1541 = arith.extui %sign3A_1540 : i1 to i32
    %sign3A_1542 = arith.constant 0 : i32
    %sign3A_1543 = arith.cmpi slt, %sub3A_1536, %sign3A_1542 : i32
    %sign3A_1544 = arith.extui %sign3A_1543 : i1 to i32
    %sign3A_1545 = arith.subi %sign3A_1541, %sign3A_1544 : i32
    %sign3A_1546 = arith.constant 0 : i32
    %sign3A_1547 = arith.cmpi sgt, %jit3A_1537, %sign3A_1546 : i32
    %sign3A_1548 = arith.extui %sign3A_1547 : i1 to i32
    %sign3A_1549 = arith.constant 0 : i32
    %sign3A_1550 = arith.cmpi slt, %jit3A_1537, %sign3A_1549 : i32
    %sign3A_1551 = arith.extui %sign3A_1550 : i1 to i32
    %sign3A_1552 = arith.subi %sign3A_1548, %sign3A_1551 : i32
    %ne3A_1553 = arith.cmpi ne, %sign3A_1545, %sign3A_1552 : i32
    %rem3A_1554 = arith.remsi %sub3A_1536, %jit3A_1537 : i32
    %ne3A_1555 = arith.constant 0 : i32
    %ne3A_1556 = arith.cmpi ne, %rem3A_1554, %ne3A_1555 : i32
    %and3A_1557 = arith.andi %ne3A_1553, %ne3A_1556 : i1
    %sub3A_1558 = arith.constant 1 : i32
    %sub3A_1559 = arith.subi %div3A_1538, %sub3A_1558 : i32
    %select_n3A_1560 = arith.select %and3A_1557, %sub3A_1559, %div3A_1538 : i32
    %get3A_1561 = arith.index_cast %mul3A_1531 : i32 to index
    %get3A_1562 = arith.constant 0 : index
    %get3A_1563 = vector.load %arg6[%get3A_1561, %get3A_1562] : memref<8960x64xf32, #tpu.memory_space<vmem>>, vector<768x64xf32>
    %get3A_1564 = arith.constant 0 : index
    %get3A_1565 = arith.index_cast %mul3A_1531 : i32 to index
    %get3A_1566 = vector.load %arg3[%get3A_1564, %get3A_1565] : memref<1x8960xi32, #tpu.memory_space<vmem>>, vector<1x768xi32>
    %dot_general3A_1567 = arith.constant dense<0.000000e+00> : vector<512x768xf32>
    %dot_general3A_1568 = tpu.matmul %get3A_1482, %get3A_1563, %dot_general3A_1567 {dimension_numbers = #tpu.dot_dimension_numbers<[1], [1], [0], [0], [0, 0, 1, 0], [], []>, transpose_lhs_hint = false} : vector<512x64xf32>, vector<768x64xf32>, vector<512x768xf32> -> vector<512x768xf32>
    %transpose3A_1569 = tpu.transpose %get3A_1485, [1, 0] : vector<1x512xi32> -> vector<512x1xi32>
    %eq3A_1570 = vector.broadcast %transpose3A_1569 : vector<512x1xi32> to vector<512x768xi32>
    %eq3A_1571 = vector.broadcast %get3A_1566 : vector<1x768xi32> to vector<512x768xi32>
    %eq3A_1572 = arith.cmpi eq, %eq3A_1570, %eq3A_1571 : vector<512x768xi32>
    %neg3A_1573 = arith.constant 0.000000e+00 : f32
    %neg3A_1574 = vector.broadcast %neg3A_1573 : f32 to vector<512x768xf32>
    %neg3A_1575 = arith.subf %neg3A_1574, %dot_general3A_1568 : vector<512x768xf32>
    %exp3A_1576 = math.exp %neg3A_1575 : vector<512x768xf32>
    %jit3A_1577 = arith.constant 0.000000e+00 : f32
    %broadcast_in_dim3A_1578 = vector.broadcast %jit3A_1577 : f32 to vector<512x768xf32>
    %select_n3A_1579 = arith.select %eq3A_1572, %exp3A_1576, %broadcast_in_dim3A_1578 : vector<512x768xi1>, vector<512x768xf32>
    %jit3A_1580 = arith.constant 1.000000e+00 : f32
    %jit3A_1581 = arith.constant 0.000000e+00 : f32
    %broadcast_in_dim3A_1582 = vector.broadcast %jit3A_1580 : f32 to vector<512x768xf32>
    %broadcast_in_dim3A_1583 = vector.broadcast %jit3A_1581 : f32 to vector<512x768xf32>
    %select_n3A_1584 = arith.select %eq3A_1572, %broadcast_in_dim3A_1582, %broadcast_in_dim3A_1583 : vector<512x768xi1>, vector<512x768xf32>
    %dot_general3A_1585 = arith.constant dense<0.000000e+00> : vector<512x128xf32>
    %dot_general3A_1586 = tpu.matmul %select_n3A_1579, %broadcast_in_dim3A_6, %dot_general3A_1585 {dimension_numbers = #tpu.dot_dimension_numbers<[1], [0], [0], [1], [0, 0, 1, 1], [], []>, transpose_lhs_hint = false} : vector<512x768xf32>, vector<768x128xf32>, vector<512x128xf32> -> vector<512x128xf32>
    %slice3A_1587 = vector.extract_strided_slice %dot_general3A_1586 {offsets = [0, 0], sizes = [512, 1], strides = [1, 1]} : vector<512x128xf32> to vector<512x1xf32>
    %dot_general3A_1588 = arith.constant dense<0.000000e+00> : vector<512x128xf32>
    %dot_general3A_1589 = tpu.matmul %select_n3A_1584, %broadcast_in_dim3A_6, %dot_general3A_1588 {dimension_numbers = #tpu.dot_dimension_numbers<[1], [0], [0], [1], [0, 0, 1, 1], [], []>, transpose_lhs_hint = false} : vector<512x768xf32>, vector<768x128xf32>, vector<512x128xf32> -> vector<512x128xf32>
    %slice3A_1590 = vector.extract_strided_slice %dot_general3A_1589 {offsets = [0, 0], sizes = [512, 1], strides = [1, 1]} : vector<512x128xf32> to vector<512x1xf32>
    %while3A_1591 = arith.constant 1 : i32
    %while3A_1592 = arith.subi %select_n3A_1560, %while3A_1591 : i32
    %while3A_1593 = arith.addi %while3A_1591, %while3A_1592 : i32
    %while3A_1594 = arith.constant 1 : i32
    %while3A_1595 = arith.divsi %while3A_1592, %while3A_1594 : i32
    %while3A_1596 = arith.muli %while3A_1595, %while3A_1594 : i32
    %while3A_1597 = arith.addi %while3A_1591, %while3A_1596 : i32
    %while3A_1598 = arith.constant 1 : i32
    %while3A_1599:2 = scf.for %while3A_2390 = %while3A_1591 to %while3A_1597 step %while3A_1598 iter_args(%while3A_2391 = %slice3A_1587, %while3A_2392 = %slice3A_1590) -> (vector<512x1xf32>, vector<512x1xf32>)  : i32 {
      %mul3A_2393 = arith.constant 768 : i32
      %mul3A_2394 = arith.muli %while3A_2390, %mul3A_2393 : i32
      %add3A_2395 = arith.addi %mul3A_1531, %mul3A_2394 : i32
      %get3A_2396 = arith.index_cast %add3A_2395 : i32 to index
      %get3A_2397 = arith.constant 0 : index
      %get3A_2398 = vector.load %arg6[%get3A_2396, %get3A_2397] : memref<8960x64xf32, #tpu.memory_space<vmem>>, vector<768x64xf32>
      %get3A_2399 = arith.constant 0 : index
      %get3A_2400 = arith.index_cast %add3A_2395 : i32 to index
      %get3A_2401 = vector.load %arg3[%get3A_2399, %get3A_2400] : memref<1x8960xi32, #tpu.memory_space<vmem>>, vector<1x768xi32>
      %dot_general3A_2402 = arith.constant dense<0.000000e+00> : vector<512x768xf32>
      %dot_general3A_2403 = tpu.matmul %get3A_1482, %get3A_2398, %dot_general3A_2402 {dimension_numbers = #tpu.dot_dimension_numbers<[1], [1], [0], [0], [0, 0, 1, 0], [], []>, transpose_lhs_hint = false} : vector<512x64xf32>, vector<768x64xf32>, vector<512x768xf32> -> vector<512x768xf32>
      %transpose3A_2404 = tpu.transpose %get3A_1485, [1, 0] : vector<1x512xi32> -> vector<512x1xi32>
      %eq3A_2405 = vector.broadcast %transpose3A_2404 : vector<512x1xi32> to vector<512x768xi32>
      %eq3A_2406 = vector.broadcast %get3A_2401 : vector<1x768xi32> to vector<512x768xi32>
      %eq3A_2407 = arith.cmpi eq, %eq3A_2405, %eq3A_2406 : vector<512x768xi32>
      %neg3A_2408 = arith.constant 0.000000e+00 : f32
      %neg3A_2409 = vector.broadcast %neg3A_2408 : f32 to vector<512x768xf32>
      %neg3A_2410 = arith.subf %neg3A_2409, %dot_general3A_2403 : vector<512x768xf32>
      %exp3A_2411 = math.exp %neg3A_2410 : vector<512x768xf32>
      %jit3A_2412 = arith.constant 0.000000e+00 : f32
      %broadcast_in_dim3A_2413 = vector.broadcast %jit3A_2412 : f32 to vector<512x768xf32>
      %select_n3A_2414 = arith.select %eq3A_2407, %exp3A_2411, %broadcast_in_dim3A_2413 : vector<512x768xi1>, vector<512x768xf32>
      %jit3A_2415 = arith.constant 1.000000e+00 : f32
      %jit3A_2416 = arith.constant 0.000000e+00 : f32
      %broadcast_in_dim3A_2417 = vector.broadcast %jit3A_2415 : f32 to vector<512x768xf32>
      %broadcast_in_dim3A_2418 = vector.broadcast %jit3A_2416 : f32 to vector<512x768xf32>
      %select_n3A_2419 = arith.select %eq3A_2407, %broadcast_in_dim3A_2417, %broadcast_in_dim3A_2418 : vector<512x768xi1>, vector<512x768xf32>
      %dot_general3A_2420 = arith.constant dense<0.000000e+00> : vector<512x128xf32>
      %dot_general3A_2421 = tpu.matmul %select_n3A_2414, %broadcast_in_dim3A_6, %dot_general3A_2420 {dimension_numbers = #tpu.dot_dimension_numbers<[1], [0], [0], [1], [0, 0, 1, 1], [], []>, transpose_lhs_hint = false} : vector<512x768xf32>, vector<768x128xf32>, vector<512x128xf32> -> vector<512x128xf32>
      %slice3A_2422 = vector.extract_strided_slice %dot_general3A_2421 {offsets = [0, 0], sizes = [512, 1], strides = [1, 1]} : vector<512x128xf32> to vector<512x1xf32>
      %dot_general3A_2423 = arith.constant dense<0.000000e+00> : vector<512x128xf32>
      %dot_general3A_2424 = tpu.matmul %select_n3A_2419, %broadcast_in_dim3A_6, %dot_general3A_2423 {dimension_numbers = #tpu.dot_dimension_numbers<[1], [0], [0], [1], [0, 0, 1, 1], [], []>, transpose_lhs_hint = false} : vector<512x768xf32>, vector<768x128xf32>, vector<512x128xf32> -> vector<512x128xf32>
      %slice3A_2425 = vector.extract_strided_slice %dot_general3A_2424 {offsets = [0, 0], sizes = [512, 1], strides = [1, 1]} : vector<512x128xf32> to vector<512x1xf32>
      %add3A_2426 = arith.addf %while3A_2391, %slice3A_2422 : vector<512x1xf32>
      %add3A_2427 = arith.addf %while3A_2392, %slice3A_2425 : vector<512x1xf32>
      scf.yield %add3A_2426, %add3A_2427 : vector<512x1xf32>, vector<512x1xf32>
    }
    %while3A_1600 = arith.constant 1 : i32
    %while3A_1601:2 = scf.for %while3A_2390 = %while3A_1597 to %while3A_1593 step %while3A_1600 iter_args(%while3A_2391 = %while3A_1599#0, %while3A_2392 = %while3A_1599#1) -> (vector<512x1xf32>, vector<512x1xf32>)  : i32 {
      %mul3A_2393 = arith.constant 768 : i32
      %mul3A_2394 = arith.muli %while3A_2390, %mul3A_2393 : i32
      %add3A_2395 = arith.addi %mul3A_1531, %mul3A_2394 : i32
      %get3A_2396 = arith.index_cast %add3A_2395 : i32 to index
      %get3A_2397 = arith.constant 0 : index
      %get3A_2398 = vector.load %arg6[%get3A_2396, %get3A_2397] : memref<8960x64xf32, #tpu.memory_space<vmem>>, vector<768x64xf32>
      %get3A_2399 = arith.constant 0 : index
      %get3A_2400 = arith.index_cast %add3A_2395 : i32 to index
      %get3A_2401 = vector.load %arg3[%get3A_2399, %get3A_2400] : memref<1x8960xi32, #tpu.memory_space<vmem>>, vector<1x768xi32>
      %dot_general3A_2402 = arith.constant dense<0.000000e+00> : vector<512x768xf32>
      %dot_general3A_2403 = tpu.matmul %get3A_1482, %get3A_2398, %dot_general3A_2402 {dimension_numbers = #tpu.dot_dimension_numbers<[1], [1], [0], [0], [0, 0, 1, 0], [], []>, transpose_lhs_hint = false} : vector<512x64xf32>, vector<768x64xf32>, vector<512x768xf32> -> vector<512x768xf32>
      %transpose3A_2404 = tpu.transpose %get3A_1485, [1, 0] : vector<1x512xi32> -> vector<512x1xi32>
      %eq3A_2405 = vector.broadcast %transpose3A_2404 : vector<512x1xi32> to vector<512x768xi32>
      %eq3A_2406 = vector.broadcast %get3A_2401 : vector<1x768xi32> to vector<512x768xi32>
      %eq3A_2407 = arith.cmpi eq, %eq3A_2405, %eq3A_2406 : vector<512x768xi32>
      %neg3A_2408 = arith.constant 0.000000e+00 : f32
      %neg3A_2409 = vector.broadcast %neg3A_2408 : f32 to vector<512x768xf32>
      %neg3A_2410 = arith.subf %neg3A_2409, %dot_general3A_2403 : vector<512x768xf32>
      %exp3A_2411 = math.exp %neg3A_2410 : vector<512x768xf32>
      %jit3A_2412 = arith.constant 0.000000e+00 : f32
      %broadcast_in_dim3A_2413 = vector.broadcast %jit3A_2412 : f32 to vector<512x768xf32>
      %select_n3A_2414 = arith.select %eq3A_2407, %exp3A_2411, %broadcast_in_dim3A_2413 : vector<512x768xi1>, vector<512x768xf32>
      %jit3A_2415 = arith.constant 1.000000e+00 : f32
      %jit3A_2416 = arith.constant 0.000000e+00 : f32
      %broadcast_in_dim3A_2417 = vector.broadcast %jit3A_2415 : f32 to vector<512x768xf32>
      %broadcast_in_dim3A_2418 = vector.broadcast %jit3A_2416 : f32 to vector<512x768xf32>
      %select_n3A_2419 = arith.select %eq3A_2407, %broadcast_in_dim3A_2417, %broadcast_in_dim3A_2418 : vector<512x768xi1>, vector<512x768xf32>
      %dot_general3A_2420 = arith.constant dense<0.000000e+00> : vector<512x128xf32>
      %dot_general3A_2421 = tpu.matmul %select_n3A_2414, %broadcast_in_dim3A_6, %dot_general3A_2420 {dimension_numbers = #tpu.dot_dimension_numbers<[1], [0], [0], [1], [0, 0, 1, 1], [], []>, transpose_lhs_hint = false} : vector<512x768xf32>, vector<768x128xf32>, vector<512x128xf32> -> vector<512x128xf32>
      %slice3A_2422 = vector.extract_strided_slice %dot_general3A_2421 {offsets = [0, 0], sizes = [512, 1], strides = [1, 1]} : vector<512x128xf32> to vector<512x1xf32>
      %dot_general3A_2423 = arith.constant dense<0.000000e+00> : vector<512x128xf32>
      %dot_general3A_2424 = tpu.matmul %select_n3A_2419, %broadcast_in_dim3A_6, %dot_general3A_2423 {dimension_numbers = #tpu.dot_dimension_numbers<[1], [0], [0], [1], [0, 0, 1, 1], [], []>, transpose_lhs_hint = false} : vector<512x768xf32>, vector<768x128xf32>, vector<512x128xf32> -> vector<512x128xf32>
      %slice3A_2425 = vector.extract_strided_slice %dot_general3A_2424 {offsets = [0, 0], sizes = [512, 1], strides = [1, 1]} : vector<512x128xf32> to vector<512x1xf32>
      %add3A_2426 = arith.addf %while3A_2391, %slice3A_2422 : vector<512x1xf32>
      %add3A_2427 = arith.addf %while3A_2392, %slice3A_2425 : vector<512x1xf32>
      scf.yield %add3A_2426, %add3A_2427 : vector<512x1xf32>, vector<512x1xf32>
    }
    %mul3A_1602 = arith.mulf %get3A_1482, %get3A_1482 : vector<512x64xf32>
    %reduce_sum3A_1603 = arith.constant dense<0.000000e+00> : vector<512xf32>
    %reduce_sum3A_1604 = vector.multi_reduction <add>, %mul3A_1602, %reduce_sum3A_1603 [1] : vector<512x64xf32> to vector<512xf32>
    %broadcast_in_dim3A_1605 = vector.shape_cast %reduce_sum3A_1604 : vector<512xf32> to vector<512x1xf32>
    %neg3A_1606 = arith.constant 0.000000e+00 : f32
    %neg3A_1607 = vector.broadcast %neg3A_1606 : f32 to vector<512x1xf32>
    %neg3A_1608 = arith.subf %neg3A_1607, %broadcast_in_dim3A_1605 : vector<512x1xf32>
    %exp3A_1609 = math.exp %neg3A_1608 : vector<512x1xf32>
    %sub3A_1610 = arith.subf %while3A_1601#0, %exp3A_1609 : vector<512x1xf32>
    %ge3A_1611 = arith.constant 2.000000e+00 : f32
    %ge3A_1612 = vector.broadcast %ge3A_1611 : f32 to vector<512x1xf32>
    %ge3A_1613 = arith.cmpf oge, %while3A_1601#1, %ge3A_1612 : vector<512x1xf32>
    %log3A_1614 = math.log %sub3A_1610 : vector<512x1xf32>
    %neg3A_1615 = arith.constant 0.000000e+00 : f32
    %neg3A_1616 = vector.broadcast %neg3A_1615 : f32 to vector<512x1xf32>
    %neg3A_1617 = arith.subf %neg3A_1616, %log3A_1614 : vector<512x1xf32>
    %jit3A_1618 = arith.constant 0.000000e+00 : f32
    %broadcast_in_dim3A_1619 = vector.broadcast %jit3A_1618 : f32 to vector<512x1xf32>
    %select_n3A_1620 = arith.select %ge3A_1613, %neg3A_1617, %broadcast_in_dim3A_1619 : vector<512x1xi1>, vector<512x1xf32>
    %add3A_1621 = arith.addf %add3A_1472, %select_n3A_1620 : vector<512x1xf32>
    %sub3A_1622 = arith.constant 1.000000e+00 : f32
    %sub3A_1623 = vector.broadcast %sub3A_1622 : f32 to vector<512x1xf32>
    %sub3A_1624 = arith.subf %while3A_1601#1, %sub3A_1623 : vector<512x1xf32>
    %jit3A_1625 = arith.constant 0.000000e+00 : f32
    %broadcast_in_dim3A_1626 = vector.broadcast %jit3A_1625 : f32 to vector<512x1xf32>
    %select_n3A_1627 = arith.select %ge3A_1613, %sub3A_1624, %broadcast_in_dim3A_1626 : vector<512x1xi1>, vector<512x1xf32>
    %add3A_1628 = arith.addf %add3A_1479, %select_n3A_1627 : vector<512x1xf32>
    %get3A_1629 = arith.constant 5632 : index
    %get3A_1630 = arith.constant 0 : index
    %get3A_1631 = vector.load %arg6[%get3A_1629, %get3A_1630] : memref<8960x64xf32, #tpu.memory_space<vmem>>, vector<512x64xf32>
    %get3A_1632 = arith.constant 0 : index
    %get3A_1633 = arith.constant 5632 : index
    %get3A_1634 = vector.load %arg3[%get3A_1632, %get3A_1633] : memref<1x8960xi32, #tpu.memory_space<vmem>>, vector<1x512xi32>
    %get3A_1635 = arith.constant 5632 : index
    %get3A_1636 = memref.load %arg1[%get3A_1635] : memref<8960xi32, #tpu.memory_space<smem>>
    %get3A_1637 = arith.constant 6143 : index
    %get3A_1638 = memref.load %arg1[%get3A_1637] : memref<8960xi32, #tpu.memory_space<smem>>
    %scan3A_1639 = arith.constant 0 : i32
    %scan3A_1640 = arith.constant 8960 : i32
    %scan3A_1641 = arith.constant 0 : i32
    %scan3A_1642 = arith.constant 14 : i32
    %scan3A_1643 = arith.addi %scan3A_1641, %scan3A_1642 : i32
    %scan3A_1644 = arith.constant 1 : i32
    %scan3A_1645:2 = scf.for %scan3A_2390 = %scan3A_1641 to %scan3A_1643 step %scan3A_1644 iter_args(%scan3A_2391 = %scan3A_1639, %scan3A_2392 = %scan3A_1640) -> (i32, i32)  : i32 {
      %add3A_2393 = arith.addi %scan3A_2391, %scan3A_2392 : i32
      %jit3A_2394 = arith.constant 2 : i32
      %div3A_2395 = arith.divsi %add3A_2393, %jit3A_2394 : i32
      %sign3A_2396 = arith.constant 0 : i32
      %sign3A_2397 = arith.cmpi sgt, %add3A_2393, %sign3A_2396 : i32
      %sign3A_2398 = arith.extui %sign3A_2397 : i1 to i32
      %sign3A_2399 = arith.constant 0 : i32
      %sign3A_2400 = arith.cmpi slt, %add3A_2393, %sign3A_2399 : i32
      %sign3A_2401 = arith.extui %sign3A_2400 : i1 to i32
      %sign3A_2402 = arith.subi %sign3A_2398, %sign3A_2401 : i32
      %sign3A_2403 = arith.constant 0 : i32
      %sign3A_2404 = arith.cmpi sgt, %jit3A_2394, %sign3A_2403 : i32
      %sign3A_2405 = arith.extui %sign3A_2404 : i1 to i32
      %sign3A_2406 = arith.constant 0 : i32
      %sign3A_2407 = arith.cmpi slt, %jit3A_2394, %sign3A_2406 : i32
      %sign3A_2408 = arith.extui %sign3A_2407 : i1 to i32
      %sign3A_2409 = arith.subi %sign3A_2405, %sign3A_2408 : i32
      %ne3A_2410 = arith.cmpi ne, %sign3A_2402, %sign3A_2409 : i32
      %rem3A_2411 = arith.remsi %add3A_2393, %jit3A_2394 : i32
      %ne3A_2412 = arith.constant 0 : i32
      %ne3A_2413 = arith.cmpi ne, %rem3A_2411, %ne3A_2412 : i32
      %and3A_2414 = arith.andi %ne3A_2410, %ne3A_2413 : i1
      %sub3A_2415 = arith.constant 1 : i32
      %sub3A_2416 = arith.subi %div3A_2395, %sub3A_2415 : i32
      %select_n3A_2417 = arith.select %and3A_2414, %sub3A_2416, %div3A_2395 : i32
      %lt3A = arith.cmpi slt, %scan3A_2391, %scan3A_2392 : i32
      %get3A_2418 = arith.index_cast %select_n3A_2417 : i32 to index
      %get3A_2419 = memref.load %arg1[%get3A_2418] : memref<8960xi32, #tpu.memory_space<smem>>
      %lt3A_2420 = arith.cmpi slt, %get3A_2419, %get3A_1636 : i32
      %and3A_2421 = arith.andi %lt3A, %lt3A_2420 : i1
      %lt3A_2422 = arith.cmpi slt, %scan3A_2391, %scan3A_2392 : i32
      %not3A = arith.constant true
      %not3A_2423 = arith.xori %and3A_2421, %not3A : i1
      %and3A_2424 = arith.andi %lt3A_2422, %not3A_2423 : i1
      %add3A_2425 = arith.constant 1 : i32
      %add3A_2426 = arith.addi %select_n3A_2417, %add3A_2425 : i32
      %select_n3A_2427 = arith.select %and3A_2421, %add3A_2426, %scan3A_2391 : i32
      %select_n3A_2428 = arith.select %and3A_2424, %select_n3A_2417, %scan3A_2392 : i32
      scf.yield %select_n3A_2427, %select_n3A_2428 : i32, i32
    }
    %add3A_1646 = arith.constant 1 : i32
    %add3A_1647 = arith.addi %get3A_1638, %add3A_1646 : i32
    %scan3A_1648 = arith.constant 0 : i32
    %scan3A_1649 = arith.constant 8960 : i32
    %scan3A_1650 = arith.constant 0 : i32
    %scan3A_1651 = arith.constant 14 : i32
    %scan3A_1652 = arith.addi %scan3A_1650, %scan3A_1651 : i32
    %scan3A_1653 = arith.constant 1 : i32
    %scan3A_1654:2 = scf.for %scan3A_2390 = %scan3A_1650 to %scan3A_1652 step %scan3A_1653 iter_args(%scan3A_2391 = %scan3A_1648, %scan3A_2392 = %scan3A_1649) -> (i32, i32)  : i32 {
      %add3A_2393 = arith.addi %scan3A_2391, %scan3A_2392 : i32
      %jit3A_2394 = arith.constant 2 : i32
      %div3A_2395 = arith.divsi %add3A_2393, %jit3A_2394 : i32
      %sign3A_2396 = arith.constant 0 : i32
      %sign3A_2397 = arith.cmpi sgt, %add3A_2393, %sign3A_2396 : i32
      %sign3A_2398 = arith.extui %sign3A_2397 : i1 to i32
      %sign3A_2399 = arith.constant 0 : i32
      %sign3A_2400 = arith.cmpi slt, %add3A_2393, %sign3A_2399 : i32
      %sign3A_2401 = arith.extui %sign3A_2400 : i1 to i32
      %sign3A_2402 = arith.subi %sign3A_2398, %sign3A_2401 : i32
      %sign3A_2403 = arith.constant 0 : i32
      %sign3A_2404 = arith.cmpi sgt, %jit3A_2394, %sign3A_2403 : i32
      %sign3A_2405 = arith.extui %sign3A_2404 : i1 to i32
      %sign3A_2406 = arith.constant 0 : i32
      %sign3A_2407 = arith.cmpi slt, %jit3A_2394, %sign3A_2406 : i32
      %sign3A_2408 = arith.extui %sign3A_2407 : i1 to i32
      %sign3A_2409 = arith.subi %sign3A_2405, %sign3A_2408 : i32
      %ne3A_2410 = arith.cmpi ne, %sign3A_2402, %sign3A_2409 : i32
      %rem3A_2411 = arith.remsi %add3A_2393, %jit3A_2394 : i32
      %ne3A_2412 = arith.constant 0 : i32
      %ne3A_2413 = arith.cmpi ne, %rem3A_2411, %ne3A_2412 : i32
      %and3A_2414 = arith.andi %ne3A_2410, %ne3A_2413 : i1
      %sub3A_2415 = arith.constant 1 : i32
      %sub3A_2416 = arith.subi %div3A_2395, %sub3A_2415 : i32
      %select_n3A_2417 = arith.select %and3A_2414, %sub3A_2416, %div3A_2395 : i32
      %lt3A = arith.cmpi slt, %scan3A_2391, %scan3A_2392 : i32
      %get3A_2418 = arith.index_cast %select_n3A_2417 : i32 to index
      %get3A_2419 = memref.load %arg1[%get3A_2418] : memref<8960xi32, #tpu.memory_space<smem>>
      %lt3A_2420 = arith.cmpi slt, %get3A_2419, %add3A_1647 : i32
      %and3A_2421 = arith.andi %lt3A, %lt3A_2420 : i1
      %lt3A_2422 = arith.cmpi slt, %scan3A_2391, %scan3A_2392 : i32
      %not3A = arith.constant true
      %not3A_2423 = arith.xori %and3A_2421, %not3A : i1
      %and3A_2424 = arith.andi %lt3A_2422, %not3A_2423 : i1
      %add3A_2425 = arith.constant 1 : i32
      %add3A_2426 = arith.addi %select_n3A_2417, %add3A_2425 : i32
      %select_n3A_2427 = arith.select %and3A_2421, %add3A_2426, %scan3A_2391 : i32
      %select_n3A_2428 = arith.select %and3A_2424, %select_n3A_2417, %scan3A_2392 : i32
      scf.yield %select_n3A_2427, %select_n3A_2428 : i32, i32
    }
    %jit3A_1655 = arith.constant 128 : i32
    %div3A_1656 = arith.divsi %scan3A_1645#0, %jit3A_1655 : i32
    %sign3A_1657 = arith.constant 0 : i32
    %sign3A_1658 = arith.cmpi sgt, %scan3A_1645#0, %sign3A_1657 : i32
    %sign3A_1659 = arith.extui %sign3A_1658 : i1 to i32
    %sign3A_1660 = arith.constant 0 : i32
    %sign3A_1661 = arith.cmpi slt, %scan3A_1645#0, %sign3A_1660 : i32
    %sign3A_1662 = arith.extui %sign3A_1661 : i1 to i32
    %sign3A_1663 = arith.subi %sign3A_1659, %sign3A_1662 : i32
    %sign3A_1664 = arith.constant 0 : i32
    %sign3A_1665 = arith.cmpi sgt, %jit3A_1655, %sign3A_1664 : i32
    %sign3A_1666 = arith.extui %sign3A_1665 : i1 to i32
    %sign3A_1667 = arith.constant 0 : i32
    %sign3A_1668 = arith.cmpi slt, %jit3A_1655, %sign3A_1667 : i32
    %sign3A_1669 = arith.extui %sign3A_1668 : i1 to i32
    %sign3A_1670 = arith.subi %sign3A_1666, %sign3A_1669 : i32
    %ne3A_1671 = arith.cmpi ne, %sign3A_1663, %sign3A_1670 : i32
    %rem3A_1672 = arith.remsi %scan3A_1645#0, %jit3A_1655 : i32
    %ne3A_1673 = arith.constant 0 : i32
    %ne3A_1674 = arith.cmpi ne, %rem3A_1672, %ne3A_1673 : i32
    %and3A_1675 = arith.andi %ne3A_1671, %ne3A_1674 : i1
    %sub3A_1676 = arith.constant 1 : i32
    %sub3A_1677 = arith.subi %div3A_1656, %sub3A_1676 : i32
    %select_n3A_1678 = arith.select %and3A_1675, %sub3A_1677, %div3A_1656 : i32
    %mul3A_1679 = arith.constant 128 : i32
    %mul3A_1680 = arith.muli %select_n3A_1678, %mul3A_1679 : i32
    %sub3A_1681 = arith.subi %scan3A_1654#0, %mul3A_1680 : i32
    %add3A_1682 = arith.constant 768 : i32
    %add3A_1683 = arith.addi %sub3A_1681, %add3A_1682 : i32
    %sub3A_1684 = arith.constant 1 : i32
    %sub3A_1685 = arith.subi %add3A_1683, %sub3A_1684 : i32
    %jit3A_1686 = arith.constant 768 : i32
    %div3A_1687 = arith.divsi %sub3A_1685, %jit3A_1686 : i32
    %sign3A_1688 = arith.constant 0 : i32
    %sign3A_1689 = arith.cmpi sgt, %sub3A_1685, %sign3A_1688 : i32
    %sign3A_1690 = arith.extui %sign3A_1689 : i1 to i32
    %sign3A_1691 = arith.constant 0 : i32
    %sign3A_1692 = arith.cmpi slt, %sub3A_1685, %sign3A_1691 : i32
    %sign3A_1693 = arith.extui %sign3A_1692 : i1 to i32
    %sign3A_1694 = arith.subi %sign3A_1690, %sign3A_1693 : i32
    %sign3A_1695 = arith.constant 0 : i32
    %sign3A_1696 = arith.cmpi sgt, %jit3A_1686, %sign3A_1695 : i32
    %sign3A_1697 = arith.extui %sign3A_1696 : i1 to i32
    %sign3A_1698 = arith.constant 0 : i32
    %sign3A_1699 = arith.cmpi slt, %jit3A_1686, %sign3A_1698 : i32
    %sign3A_1700 = arith.extui %sign3A_1699 : i1 to i32
    %sign3A_1701 = arith.subi %sign3A_1697, %sign3A_1700 : i32
    %ne3A_1702 = arith.cmpi ne, %sign3A_1694, %sign3A_1701 : i32
    %rem3A_1703 = arith.remsi %sub3A_1685, %jit3A_1686 : i32
    %ne3A_1704 = arith.constant 0 : i32
    %ne3A_1705 = arith.cmpi ne, %rem3A_1703, %ne3A_1704 : i32
    %and3A_1706 = arith.andi %ne3A_1702, %ne3A_1705 : i1
    %sub3A_1707 = arith.constant 1 : i32
    %sub3A_1708 = arith.subi %div3A_1687, %sub3A_1707 : i32
    %select_n3A_1709 = arith.select %and3A_1706, %sub3A_1708, %div3A_1687 : i32
    %get3A_1710 = arith.index_cast %mul3A_1680 : i32 to index
    %get3A_1711 = arith.constant 0 : index
    %get3A_1712 = vector.load %arg6[%get3A_1710, %get3A_1711] : memref<8960x64xf32, #tpu.memory_space<vmem>>, vector<768x64xf32>
    %get3A_1713 = arith.constant 0 : index
    %get3A_1714 = arith.index_cast %mul3A_1680 : i32 to index
    %get3A_1715 = vector.load %arg3[%get3A_1713, %get3A_1714] : memref<1x8960xi32, #tpu.memory_space<vmem>>, vector<1x768xi32>
    %dot_general3A_1716 = arith.constant dense<0.000000e+00> : vector<512x768xf32>
    %dot_general3A_1717 = tpu.matmul %get3A_1631, %get3A_1712, %dot_general3A_1716 {dimension_numbers = #tpu.dot_dimension_numbers<[1], [1], [0], [0], [0, 0, 1, 0], [], []>, transpose_lhs_hint = false} : vector<512x64xf32>, vector<768x64xf32>, vector<512x768xf32> -> vector<512x768xf32>
    %transpose3A_1718 = tpu.transpose %get3A_1634, [1, 0] : vector<1x512xi32> -> vector<512x1xi32>
    %eq3A_1719 = vector.broadcast %transpose3A_1718 : vector<512x1xi32> to vector<512x768xi32>
    %eq3A_1720 = vector.broadcast %get3A_1715 : vector<1x768xi32> to vector<512x768xi32>
    %eq3A_1721 = arith.cmpi eq, %eq3A_1719, %eq3A_1720 : vector<512x768xi32>
    %neg3A_1722 = arith.constant 0.000000e+00 : f32
    %neg3A_1723 = vector.broadcast %neg3A_1722 : f32 to vector<512x768xf32>
    %neg3A_1724 = arith.subf %neg3A_1723, %dot_general3A_1717 : vector<512x768xf32>
    %exp3A_1725 = math.exp %neg3A_1724 : vector<512x768xf32>
    %jit3A_1726 = arith.constant 0.000000e+00 : f32
    %broadcast_in_dim3A_1727 = vector.broadcast %jit3A_1726 : f32 to vector<512x768xf32>
    %select_n3A_1728 = arith.select %eq3A_1721, %exp3A_1725, %broadcast_in_dim3A_1727 : vector<512x768xi1>, vector<512x768xf32>
    %jit3A_1729 = arith.constant 1.000000e+00 : f32
    %jit3A_1730 = arith.constant 0.000000e+00 : f32
    %broadcast_in_dim3A_1731 = vector.broadcast %jit3A_1729 : f32 to vector<512x768xf32>
    %broadcast_in_dim3A_1732 = vector.broadcast %jit3A_1730 : f32 to vector<512x768xf32>
    %select_n3A_1733 = arith.select %eq3A_1721, %broadcast_in_dim3A_1731, %broadcast_in_dim3A_1732 : vector<512x768xi1>, vector<512x768xf32>
    %dot_general3A_1734 = arith.constant dense<0.000000e+00> : vector<512x128xf32>
    %dot_general3A_1735 = tpu.matmul %select_n3A_1728, %broadcast_in_dim3A_6, %dot_general3A_1734 {dimension_numbers = #tpu.dot_dimension_numbers<[1], [0], [0], [1], [0, 0, 1, 1], [], []>, transpose_lhs_hint = false} : vector<512x768xf32>, vector<768x128xf32>, vector<512x128xf32> -> vector<512x128xf32>
    %slice3A_1736 = vector.extract_strided_slice %dot_general3A_1735 {offsets = [0, 0], sizes = [512, 1], strides = [1, 1]} : vector<512x128xf32> to vector<512x1xf32>
    %dot_general3A_1737 = arith.constant dense<0.000000e+00> : vector<512x128xf32>
    %dot_general3A_1738 = tpu.matmul %select_n3A_1733, %broadcast_in_dim3A_6, %dot_general3A_1737 {dimension_numbers = #tpu.dot_dimension_numbers<[1], [0], [0], [1], [0, 0, 1, 1], [], []>, transpose_lhs_hint = false} : vector<512x768xf32>, vector<768x128xf32>, vector<512x128xf32> -> vector<512x128xf32>
    %slice3A_1739 = vector.extract_strided_slice %dot_general3A_1738 {offsets = [0, 0], sizes = [512, 1], strides = [1, 1]} : vector<512x128xf32> to vector<512x1xf32>
    %while3A_1740 = arith.constant 1 : i32
    %while3A_1741 = arith.subi %select_n3A_1709, %while3A_1740 : i32
    %while3A_1742 = arith.addi %while3A_1740, %while3A_1741 : i32
    %while3A_1743 = arith.constant 1 : i32
    %while3A_1744 = arith.divsi %while3A_1741, %while3A_1743 : i32
    %while3A_1745 = arith.muli %while3A_1744, %while3A_1743 : i32
    %while3A_1746 = arith.addi %while3A_1740, %while3A_1745 : i32
    %while3A_1747 = arith.constant 1 : i32
    %while3A_1748:2 = scf.for %while3A_2390 = %while3A_1740 to %while3A_1746 step %while3A_1747 iter_args(%while3A_2391 = %slice3A_1736, %while3A_2392 = %slice3A_1739) -> (vector<512x1xf32>, vector<512x1xf32>)  : i32 {
      %mul3A_2393 = arith.constant 768 : i32
      %mul3A_2394 = arith.muli %while3A_2390, %mul3A_2393 : i32
      %add3A_2395 = arith.addi %mul3A_1680, %mul3A_2394 : i32
      %get3A_2396 = arith.index_cast %add3A_2395 : i32 to index
      %get3A_2397 = arith.constant 0 : index
      %get3A_2398 = vector.load %arg6[%get3A_2396, %get3A_2397] : memref<8960x64xf32, #tpu.memory_space<vmem>>, vector<768x64xf32>
      %get3A_2399 = arith.constant 0 : index
      %get3A_2400 = arith.index_cast %add3A_2395 : i32 to index
      %get3A_2401 = vector.load %arg3[%get3A_2399, %get3A_2400] : memref<1x8960xi32, #tpu.memory_space<vmem>>, vector<1x768xi32>
      %dot_general3A_2402 = arith.constant dense<0.000000e+00> : vector<512x768xf32>
      %dot_general3A_2403 = tpu.matmul %get3A_1631, %get3A_2398, %dot_general3A_2402 {dimension_numbers = #tpu.dot_dimension_numbers<[1], [1], [0], [0], [0, 0, 1, 0], [], []>, transpose_lhs_hint = false} : vector<512x64xf32>, vector<768x64xf32>, vector<512x768xf32> -> vector<512x768xf32>
      %transpose3A_2404 = tpu.transpose %get3A_1634, [1, 0] : vector<1x512xi32> -> vector<512x1xi32>
      %eq3A_2405 = vector.broadcast %transpose3A_2404 : vector<512x1xi32> to vector<512x768xi32>
      %eq3A_2406 = vector.broadcast %get3A_2401 : vector<1x768xi32> to vector<512x768xi32>
      %eq3A_2407 = arith.cmpi eq, %eq3A_2405, %eq3A_2406 : vector<512x768xi32>
      %neg3A_2408 = arith.constant 0.000000e+00 : f32
      %neg3A_2409 = vector.broadcast %neg3A_2408 : f32 to vector<512x768xf32>
      %neg3A_2410 = arith.subf %neg3A_2409, %dot_general3A_2403 : vector<512x768xf32>
      %exp3A_2411 = math.exp %neg3A_2410 : vector<512x768xf32>
      %jit3A_2412 = arith.constant 0.000000e+00 : f32
      %broadcast_in_dim3A_2413 = vector.broadcast %jit3A_2412 : f32 to vector<512x768xf32>
      %select_n3A_2414 = arith.select %eq3A_2407, %exp3A_2411, %broadcast_in_dim3A_2413 : vector<512x768xi1>, vector<512x768xf32>
      %jit3A_2415 = arith.constant 1.000000e+00 : f32
      %jit3A_2416 = arith.constant 0.000000e+00 : f32
      %broadcast_in_dim3A_2417 = vector.broadcast %jit3A_2415 : f32 to vector<512x768xf32>
      %broadcast_in_dim3A_2418 = vector.broadcast %jit3A_2416 : f32 to vector<512x768xf32>
      %select_n3A_2419 = arith.select %eq3A_2407, %broadcast_in_dim3A_2417, %broadcast_in_dim3A_2418 : vector<512x768xi1>, vector<512x768xf32>
      %dot_general3A_2420 = arith.constant dense<0.000000e+00> : vector<512x128xf32>
      %dot_general3A_2421 = tpu.matmul %select_n3A_2414, %broadcast_in_dim3A_6, %dot_general3A_2420 {dimension_numbers = #tpu.dot_dimension_numbers<[1], [0], [0], [1], [0, 0, 1, 1], [], []>, transpose_lhs_hint = false} : vector<512x768xf32>, vector<768x128xf32>, vector<512x128xf32> -> vector<512x128xf32>
      %slice3A_2422 = vector.extract_strided_slice %dot_general3A_2421 {offsets = [0, 0], sizes = [512, 1], strides = [1, 1]} : vector<512x128xf32> to vector<512x1xf32>
      %dot_general3A_2423 = arith.constant dense<0.000000e+00> : vector<512x128xf32>
      %dot_general3A_2424 = tpu.matmul %select_n3A_2419, %broadcast_in_dim3A_6, %dot_general3A_2423 {dimension_numbers = #tpu.dot_dimension_numbers<[1], [0], [0], [1], [0, 0, 1, 1], [], []>, transpose_lhs_hint = false} : vector<512x768xf32>, vector<768x128xf32>, vector<512x128xf32> -> vector<512x128xf32>
      %slice3A_2425 = vector.extract_strided_slice %dot_general3A_2424 {offsets = [0, 0], sizes = [512, 1], strides = [1, 1]} : vector<512x128xf32> to vector<512x1xf32>
      %add3A_2426 = arith.addf %while3A_2391, %slice3A_2422 : vector<512x1xf32>
      %add3A_2427 = arith.addf %while3A_2392, %slice3A_2425 : vector<512x1xf32>
      scf.yield %add3A_2426, %add3A_2427 : vector<512x1xf32>, vector<512x1xf32>
    }
    %while3A_1749 = arith.constant 1 : i32
    %while3A_1750:2 = scf.for %while3A_2390 = %while3A_1746 to %while3A_1742 step %while3A_1749 iter_args(%while3A_2391 = %while3A_1748#0, %while3A_2392 = %while3A_1748#1) -> (vector<512x1xf32>, vector<512x1xf32>)  : i32 {
      %mul3A_2393 = arith.constant 768 : i32
      %mul3A_2394 = arith.muli %while3A_2390, %mul3A_2393 : i32
      %add3A_2395 = arith.addi %mul3A_1680, %mul3A_2394 : i32
      %get3A_2396 = arith.index_cast %add3A_2395 : i32 to index
      %get3A_2397 = arith.constant 0 : index
      %get3A_2398 = vector.load %arg6[%get3A_2396, %get3A_2397] : memref<8960x64xf32, #tpu.memory_space<vmem>>, vector<768x64xf32>
      %get3A_2399 = arith.constant 0 : index
      %get3A_2400 = arith.index_cast %add3A_2395 : i32 to index
      %get3A_2401 = vector.load %arg3[%get3A_2399, %get3A_2400] : memref<1x8960xi32, #tpu.memory_space<vmem>>, vector<1x768xi32>
      %dot_general3A_2402 = arith.constant dense<0.000000e+00> : vector<512x768xf32>
      %dot_general3A_2403 = tpu.matmul %get3A_1631, %get3A_2398, %dot_general3A_2402 {dimension_numbers = #tpu.dot_dimension_numbers<[1], [1], [0], [0], [0, 0, 1, 0], [], []>, transpose_lhs_hint = false} : vector<512x64xf32>, vector<768x64xf32>, vector<512x768xf32> -> vector<512x768xf32>
      %transpose3A_2404 = tpu.transpose %get3A_1634, [1, 0] : vector<1x512xi32> -> vector<512x1xi32>
      %eq3A_2405 = vector.broadcast %transpose3A_2404 : vector<512x1xi32> to vector<512x768xi32>
      %eq3A_2406 = vector.broadcast %get3A_2401 : vector<1x768xi32> to vector<512x768xi32>
      %eq3A_2407 = arith.cmpi eq, %eq3A_2405, %eq3A_2406 : vector<512x768xi32>
      %neg3A_2408 = arith.constant 0.000000e+00 : f32
      %neg3A_2409 = vector.broadcast %neg3A_2408 : f32 to vector<512x768xf32>
      %neg3A_2410 = arith.subf %neg3A_2409, %dot_general3A_2403 : vector<512x768xf32>
      %exp3A_2411 = math.exp %neg3A_2410 : vector<512x768xf32>
      %jit3A_2412 = arith.constant 0.000000e+00 : f32
      %broadcast_in_dim3A_2413 = vector.broadcast %jit3A_2412 : f32 to vector<512x768xf32>
      %select_n3A_2414 = arith.select %eq3A_2407, %exp3A_2411, %broadcast_in_dim3A_2413 : vector<512x768xi1>, vector<512x768xf32>
      %jit3A_2415 = arith.constant 1.000000e+00 : f32
      %jit3A_2416 = arith.constant 0.000000e+00 : f32
      %broadcast_in_dim3A_2417 = vector.broadcast %jit3A_2415 : f32 to vector<512x768xf32>
      %broadcast_in_dim3A_2418 = vector.broadcast %jit3A_2416 : f32 to vector<512x768xf32>
      %select_n3A_2419 = arith.select %eq3A_2407, %broadcast_in_dim3A_2417, %broadcast_in_dim3A_2418 : vector<512x768xi1>, vector<512x768xf32>
      %dot_general3A_2420 = arith.constant dense<0.000000e+00> : vector<512x128xf32>
      %dot_general3A_2421 = tpu.matmul %select_n3A_2414, %broadcast_in_dim3A_6, %dot_general3A_2420 {dimension_numbers = #tpu.dot_dimension_numbers<[1], [0], [0], [1], [0, 0, 1, 1], [], []>, transpose_lhs_hint = false} : vector<512x768xf32>, vector<768x128xf32>, vector<512x128xf32> -> vector<512x128xf32>
      %slice3A_2422 = vector.extract_strided_slice %dot_general3A_2421 {offsets = [0, 0], sizes = [512, 1], strides = [1, 1]} : vector<512x128xf32> to vector<512x1xf32>
      %dot_general3A_2423 = arith.constant dense<0.000000e+00> : vector<512x128xf32>
      %dot_general3A_2424 = tpu.matmul %select_n3A_2419, %broadcast_in_dim3A_6, %dot_general3A_2423 {dimension_numbers = #tpu.dot_dimension_numbers<[1], [0], [0], [1], [0, 0, 1, 1], [], []>, transpose_lhs_hint = false} : vector<512x768xf32>, vector<768x128xf32>, vector<512x128xf32> -> vector<512x128xf32>
      %slice3A_2425 = vector.extract_strided_slice %dot_general3A_2424 {offsets = [0, 0], sizes = [512, 1], strides = [1, 1]} : vector<512x128xf32> to vector<512x1xf32>
      %add3A_2426 = arith.addf %while3A_2391, %slice3A_2422 : vector<512x1xf32>
      %add3A_2427 = arith.addf %while3A_2392, %slice3A_2425 : vector<512x1xf32>
      scf.yield %add3A_2426, %add3A_2427 : vector<512x1xf32>, vector<512x1xf32>
    }
    %mul3A_1751 = arith.mulf %get3A_1631, %get3A_1631 : vector<512x64xf32>
    %reduce_sum3A_1752 = arith.constant dense<0.000000e+00> : vector<512xf32>
    %reduce_sum3A_1753 = vector.multi_reduction <add>, %mul3A_1751, %reduce_sum3A_1752 [1] : vector<512x64xf32> to vector<512xf32>
    %broadcast_in_dim3A_1754 = vector.shape_cast %reduce_sum3A_1753 : vector<512xf32> to vector<512x1xf32>
    %neg3A_1755 = arith.constant 0.000000e+00 : f32
    %neg3A_1756 = vector.broadcast %neg3A_1755 : f32 to vector<512x1xf32>
    %neg3A_1757 = arith.subf %neg3A_1756, %broadcast_in_dim3A_1754 : vector<512x1xf32>
    %exp3A_1758 = math.exp %neg3A_1757 : vector<512x1xf32>
    %sub3A_1759 = arith.subf %while3A_1750#0, %exp3A_1758 : vector<512x1xf32>
    %ge3A_1760 = arith.constant 2.000000e+00 : f32
    %ge3A_1761 = vector.broadcast %ge3A_1760 : f32 to vector<512x1xf32>
    %ge3A_1762 = arith.cmpf oge, %while3A_1750#1, %ge3A_1761 : vector<512x1xf32>
    %log3A_1763 = math.log %sub3A_1759 : vector<512x1xf32>
    %neg3A_1764 = arith.constant 0.000000e+00 : f32
    %neg3A_1765 = vector.broadcast %neg3A_1764 : f32 to vector<512x1xf32>
    %neg3A_1766 = arith.subf %neg3A_1765, %log3A_1763 : vector<512x1xf32>
    %jit3A_1767 = arith.constant 0.000000e+00 : f32
    %broadcast_in_dim3A_1768 = vector.broadcast %jit3A_1767 : f32 to vector<512x1xf32>
    %select_n3A_1769 = arith.select %ge3A_1762, %neg3A_1766, %broadcast_in_dim3A_1768 : vector<512x1xi1>, vector<512x1xf32>
    %add3A_1770 = arith.addf %add3A_1621, %select_n3A_1769 : vector<512x1xf32>
    %sub3A_1771 = arith.constant 1.000000e+00 : f32
    %sub3A_1772 = vector.broadcast %sub3A_1771 : f32 to vector<512x1xf32>
    %sub3A_1773 = arith.subf %while3A_1750#1, %sub3A_1772 : vector<512x1xf32>
    %jit3A_1774 = arith.constant 0.000000e+00 : f32
    %broadcast_in_dim3A_1775 = vector.broadcast %jit3A_1774 : f32 to vector<512x1xf32>
    %select_n3A_1776 = arith.select %ge3A_1762, %sub3A_1773, %broadcast_in_dim3A_1775 : vector<512x1xi1>, vector<512x1xf32>
    %add3A_1777 = arith.addf %add3A_1628, %select_n3A_1776 : vector<512x1xf32>
    %get3A_1778 = arith.constant 6144 : index
    %get3A_1779 = arith.constant 0 : index
    %get3A_1780 = vector.load %arg6[%get3A_1778, %get3A_1779] : memref<8960x64xf32, #tpu.memory_space<vmem>>, vector<512x64xf32>
    %get3A_1781 = arith.constant 0 : index
    %get3A_1782 = arith.constant 6144 : index
    %get3A_1783 = vector.load %arg3[%get3A_1781, %get3A_1782] : memref<1x8960xi32, #tpu.memory_space<vmem>>, vector<1x512xi32>
    %get3A_1784 = arith.constant 6144 : index
    %get3A_1785 = memref.load %arg1[%get3A_1784] : memref<8960xi32, #tpu.memory_space<smem>>
    %get3A_1786 = arith.constant 6655 : index
    %get3A_1787 = memref.load %arg1[%get3A_1786] : memref<8960xi32, #tpu.memory_space<smem>>
    %scan3A_1788 = arith.constant 0 : i32
    %scan3A_1789 = arith.constant 8960 : i32
    %scan3A_1790 = arith.constant 0 : i32
    %scan3A_1791 = arith.constant 14 : i32
    %scan3A_1792 = arith.addi %scan3A_1790, %scan3A_1791 : i32
    %scan3A_1793 = arith.constant 1 : i32
    %scan3A_1794:2 = scf.for %scan3A_2390 = %scan3A_1790 to %scan3A_1792 step %scan3A_1793 iter_args(%scan3A_2391 = %scan3A_1788, %scan3A_2392 = %scan3A_1789) -> (i32, i32)  : i32 {
      %add3A_2393 = arith.addi %scan3A_2391, %scan3A_2392 : i32
      %jit3A_2394 = arith.constant 2 : i32
      %div3A_2395 = arith.divsi %add3A_2393, %jit3A_2394 : i32
      %sign3A_2396 = arith.constant 0 : i32
      %sign3A_2397 = arith.cmpi sgt, %add3A_2393, %sign3A_2396 : i32
      %sign3A_2398 = arith.extui %sign3A_2397 : i1 to i32
      %sign3A_2399 = arith.constant 0 : i32
      %sign3A_2400 = arith.cmpi slt, %add3A_2393, %sign3A_2399 : i32
      %sign3A_2401 = arith.extui %sign3A_2400 : i1 to i32
      %sign3A_2402 = arith.subi %sign3A_2398, %sign3A_2401 : i32
      %sign3A_2403 = arith.constant 0 : i32
      %sign3A_2404 = arith.cmpi sgt, %jit3A_2394, %sign3A_2403 : i32
      %sign3A_2405 = arith.extui %sign3A_2404 : i1 to i32
      %sign3A_2406 = arith.constant 0 : i32
      %sign3A_2407 = arith.cmpi slt, %jit3A_2394, %sign3A_2406 : i32
      %sign3A_2408 = arith.extui %sign3A_2407 : i1 to i32
      %sign3A_2409 = arith.subi %sign3A_2405, %sign3A_2408 : i32
      %ne3A_2410 = arith.cmpi ne, %sign3A_2402, %sign3A_2409 : i32
      %rem3A_2411 = arith.remsi %add3A_2393, %jit3A_2394 : i32
      %ne3A_2412 = arith.constant 0 : i32
      %ne3A_2413 = arith.cmpi ne, %rem3A_2411, %ne3A_2412 : i32
      %and3A_2414 = arith.andi %ne3A_2410, %ne3A_2413 : i1
      %sub3A_2415 = arith.constant 1 : i32
      %sub3A_2416 = arith.subi %div3A_2395, %sub3A_2415 : i32
      %select_n3A_2417 = arith.select %and3A_2414, %sub3A_2416, %div3A_2395 : i32
      %lt3A = arith.cmpi slt, %scan3A_2391, %scan3A_2392 : i32
      %get3A_2418 = arith.index_cast %select_n3A_2417 : i32 to index
      %get3A_2419 = memref.load %arg1[%get3A_2418] : memref<8960xi32, #tpu.memory_space<smem>>
      %lt3A_2420 = arith.cmpi slt, %get3A_2419, %get3A_1785 : i32
      %and3A_2421 = arith.andi %lt3A, %lt3A_2420 : i1
      %lt3A_2422 = arith.cmpi slt, %scan3A_2391, %scan3A_2392 : i32
      %not3A = arith.constant true
      %not3A_2423 = arith.xori %and3A_2421, %not3A : i1
      %and3A_2424 = arith.andi %lt3A_2422, %not3A_2423 : i1
      %add3A_2425 = arith.constant 1 : i32
      %add3A_2426 = arith.addi %select_n3A_2417, %add3A_2425 : i32
      %select_n3A_2427 = arith.select %and3A_2421, %add3A_2426, %scan3A_2391 : i32
      %select_n3A_2428 = arith.select %and3A_2424, %select_n3A_2417, %scan3A_2392 : i32
      scf.yield %select_n3A_2427, %select_n3A_2428 : i32, i32
    }
    %add3A_1795 = arith.constant 1 : i32
    %add3A_1796 = arith.addi %get3A_1787, %add3A_1795 : i32
    %scan3A_1797 = arith.constant 0 : i32
    %scan3A_1798 = arith.constant 8960 : i32
    %scan3A_1799 = arith.constant 0 : i32
    %scan3A_1800 = arith.constant 14 : i32
    %scan3A_1801 = arith.addi %scan3A_1799, %scan3A_1800 : i32
    %scan3A_1802 = arith.constant 1 : i32
    %scan3A_1803:2 = scf.for %scan3A_2390 = %scan3A_1799 to %scan3A_1801 step %scan3A_1802 iter_args(%scan3A_2391 = %scan3A_1797, %scan3A_2392 = %scan3A_1798) -> (i32, i32)  : i32 {
      %add3A_2393 = arith.addi %scan3A_2391, %scan3A_2392 : i32
      %jit3A_2394 = arith.constant 2 : i32
      %div3A_2395 = arith.divsi %add3A_2393, %jit3A_2394 : i32
      %sign3A_2396 = arith.constant 0 : i32
      %sign3A_2397 = arith.cmpi sgt, %add3A_2393, %sign3A_2396 : i32
      %sign3A_2398 = arith.extui %sign3A_2397 : i1 to i32
      %sign3A_2399 = arith.constant 0 : i32
      %sign3A_2400 = arith.cmpi slt, %add3A_2393, %sign3A_2399 : i32
      %sign3A_2401 = arith.extui %sign3A_2400 : i1 to i32
      %sign3A_2402 = arith.subi %sign3A_2398, %sign3A_2401 : i32
      %sign3A_2403 = arith.constant 0 : i32
      %sign3A_2404 = arith.cmpi sgt, %jit3A_2394, %sign3A_2403 : i32
      %sign3A_2405 = arith.extui %sign3A_2404 : i1 to i32
      %sign3A_2406 = arith.constant 0 : i32
      %sign3A_2407 = arith.cmpi slt, %jit3A_2394, %sign3A_2406 : i32
      %sign3A_2408 = arith.extui %sign3A_2407 : i1 to i32
      %sign3A_2409 = arith.subi %sign3A_2405, %sign3A_2408 : i32
      %ne3A_2410 = arith.cmpi ne, %sign3A_2402, %sign3A_2409 : i32
      %rem3A_2411 = arith.remsi %add3A_2393, %jit3A_2394 : i32
      %ne3A_2412 = arith.constant 0 : i32
      %ne3A_2413 = arith.cmpi ne, %rem3A_2411, %ne3A_2412 : i32
      %and3A_2414 = arith.andi %ne3A_2410, %ne3A_2413 : i1
      %sub3A_2415 = arith.constant 1 : i32
      %sub3A_2416 = arith.subi %div3A_2395, %sub3A_2415 : i32
      %select_n3A_2417 = arith.select %and3A_2414, %sub3A_2416, %div3A_2395 : i32
      %lt3A = arith.cmpi slt, %scan3A_2391, %scan3A_2392 : i32
      %get3A_2418 = arith.index_cast %select_n3A_2417 : i32 to index
      %get3A_2419 = memref.load %arg1[%get3A_2418] : memref<8960xi32, #tpu.memory_space<smem>>
      %lt3A_2420 = arith.cmpi slt, %get3A_2419, %add3A_1796 : i32
      %and3A_2421 = arith.andi %lt3A, %lt3A_2420 : i1
      %lt3A_2422 = arith.cmpi slt, %scan3A_2391, %scan3A_2392 : i32
      %not3A = arith.constant true
      %not3A_2423 = arith.xori %and3A_2421, %not3A : i1
      %and3A_2424 = arith.andi %lt3A_2422, %not3A_2423 : i1
      %add3A_2425 = arith.constant 1 : i32
      %add3A_2426 = arith.addi %select_n3A_2417, %add3A_2425 : i32
      %select_n3A_2427 = arith.select %and3A_2421, %add3A_2426, %scan3A_2391 : i32
      %select_n3A_2428 = arith.select %and3A_2424, %select_n3A_2417, %scan3A_2392 : i32
      scf.yield %select_n3A_2427, %select_n3A_2428 : i32, i32
    }
    %jit3A_1804 = arith.constant 128 : i32
    %div3A_1805 = arith.divsi %scan3A_1794#0, %jit3A_1804 : i32
    %sign3A_1806 = arith.constant 0 : i32
    %sign3A_1807 = arith.cmpi sgt, %scan3A_1794#0, %sign3A_1806 : i32
    %sign3A_1808 = arith.extui %sign3A_1807 : i1 to i32
    %sign3A_1809 = arith.constant 0 : i32
    %sign3A_1810 = arith.cmpi slt, %scan3A_1794#0, %sign3A_1809 : i32
    %sign3A_1811 = arith.extui %sign3A_1810 : i1 to i32
    %sign3A_1812 = arith.subi %sign3A_1808, %sign3A_1811 : i32
    %sign3A_1813 = arith.constant 0 : i32
    %sign3A_1814 = arith.cmpi sgt, %jit3A_1804, %sign3A_1813 : i32
    %sign3A_1815 = arith.extui %sign3A_1814 : i1 to i32
    %sign3A_1816 = arith.constant 0 : i32
    %sign3A_1817 = arith.cmpi slt, %jit3A_1804, %sign3A_1816 : i32
    %sign3A_1818 = arith.extui %sign3A_1817 : i1 to i32
    %sign3A_1819 = arith.subi %sign3A_1815, %sign3A_1818 : i32
    %ne3A_1820 = arith.cmpi ne, %sign3A_1812, %sign3A_1819 : i32
    %rem3A_1821 = arith.remsi %scan3A_1794#0, %jit3A_1804 : i32
    %ne3A_1822 = arith.constant 0 : i32
    %ne3A_1823 = arith.cmpi ne, %rem3A_1821, %ne3A_1822 : i32
    %and3A_1824 = arith.andi %ne3A_1820, %ne3A_1823 : i1
    %sub3A_1825 = arith.constant 1 : i32
    %sub3A_1826 = arith.subi %div3A_1805, %sub3A_1825 : i32
    %select_n3A_1827 = arith.select %and3A_1824, %sub3A_1826, %div3A_1805 : i32
    %mul3A_1828 = arith.constant 128 : i32
    %mul3A_1829 = arith.muli %select_n3A_1827, %mul3A_1828 : i32
    %sub3A_1830 = arith.subi %scan3A_1803#0, %mul3A_1829 : i32
    %add3A_1831 = arith.constant 768 : i32
    %add3A_1832 = arith.addi %sub3A_1830, %add3A_1831 : i32
    %sub3A_1833 = arith.constant 1 : i32
    %sub3A_1834 = arith.subi %add3A_1832, %sub3A_1833 : i32
    %jit3A_1835 = arith.constant 768 : i32
    %div3A_1836 = arith.divsi %sub3A_1834, %jit3A_1835 : i32
    %sign3A_1837 = arith.constant 0 : i32
    %sign3A_1838 = arith.cmpi sgt, %sub3A_1834, %sign3A_1837 : i32
    %sign3A_1839 = arith.extui %sign3A_1838 : i1 to i32
    %sign3A_1840 = arith.constant 0 : i32
    %sign3A_1841 = arith.cmpi slt, %sub3A_1834, %sign3A_1840 : i32
    %sign3A_1842 = arith.extui %sign3A_1841 : i1 to i32
    %sign3A_1843 = arith.subi %sign3A_1839, %sign3A_1842 : i32
    %sign3A_1844 = arith.constant 0 : i32
    %sign3A_1845 = arith.cmpi sgt, %jit3A_1835, %sign3A_1844 : i32
    %sign3A_1846 = arith.extui %sign3A_1845 : i1 to i32
    %sign3A_1847 = arith.constant 0 : i32
    %sign3A_1848 = arith.cmpi slt, %jit3A_1835, %sign3A_1847 : i32
    %sign3A_1849 = arith.extui %sign3A_1848 : i1 to i32
    %sign3A_1850 = arith.subi %sign3A_1846, %sign3A_1849 : i32
    %ne3A_1851 = arith.cmpi ne, %sign3A_1843, %sign3A_1850 : i32
    %rem3A_1852 = arith.remsi %sub3A_1834, %jit3A_1835 : i32
    %ne3A_1853 = arith.constant 0 : i32
    %ne3A_1854 = arith.cmpi ne, %rem3A_1852, %ne3A_1853 : i32
    %and3A_1855 = arith.andi %ne3A_1851, %ne3A_1854 : i1
    %sub3A_1856 = arith.constant 1 : i32
    %sub3A_1857 = arith.subi %div3A_1836, %sub3A_1856 : i32
    %select_n3A_1858 = arith.select %and3A_1855, %sub3A_1857, %div3A_1836 : i32
    %get3A_1859 = arith.index_cast %mul3A_1829 : i32 to index
    %get3A_1860 = arith.constant 0 : index
    %get3A_1861 = vector.load %arg6[%get3A_1859, %get3A_1860] : memref<8960x64xf32, #tpu.memory_space<vmem>>, vector<768x64xf32>
    %get3A_1862 = arith.constant 0 : index
    %get3A_1863 = arith.index_cast %mul3A_1829 : i32 to index
    %get3A_1864 = vector.load %arg3[%get3A_1862, %get3A_1863] : memref<1x8960xi32, #tpu.memory_space<vmem>>, vector<1x768xi32>
    %dot_general3A_1865 = arith.constant dense<0.000000e+00> : vector<512x768xf32>
    %dot_general3A_1866 = tpu.matmul %get3A_1780, %get3A_1861, %dot_general3A_1865 {dimension_numbers = #tpu.dot_dimension_numbers<[1], [1], [0], [0], [0, 0, 1, 0], [], []>, transpose_lhs_hint = false} : vector<512x64xf32>, vector<768x64xf32>, vector<512x768xf32> -> vector<512x768xf32>
    %transpose3A_1867 = tpu.transpose %get3A_1783, [1, 0] : vector<1x512xi32> -> vector<512x1xi32>
    %eq3A_1868 = vector.broadcast %transpose3A_1867 : vector<512x1xi32> to vector<512x768xi32>
    %eq3A_1869 = vector.broadcast %get3A_1864 : vector<1x768xi32> to vector<512x768xi32>
    %eq3A_1870 = arith.cmpi eq, %eq3A_1868, %eq3A_1869 : vector<512x768xi32>
    %neg3A_1871 = arith.constant 0.000000e+00 : f32
    %neg3A_1872 = vector.broadcast %neg3A_1871 : f32 to vector<512x768xf32>
    %neg3A_1873 = arith.subf %neg3A_1872, %dot_general3A_1866 : vector<512x768xf32>
    %exp3A_1874 = math.exp %neg3A_1873 : vector<512x768xf32>
    %jit3A_1875 = arith.constant 0.000000e+00 : f32
    %broadcast_in_dim3A_1876 = vector.broadcast %jit3A_1875 : f32 to vector<512x768xf32>
    %select_n3A_1877 = arith.select %eq3A_1870, %exp3A_1874, %broadcast_in_dim3A_1876 : vector<512x768xi1>, vector<512x768xf32>
    %jit3A_1878 = arith.constant 1.000000e+00 : f32
    %jit3A_1879 = arith.constant 0.000000e+00 : f32
    %broadcast_in_dim3A_1880 = vector.broadcast %jit3A_1878 : f32 to vector<512x768xf32>
    %broadcast_in_dim3A_1881 = vector.broadcast %jit3A_1879 : f32 to vector<512x768xf32>
    %select_n3A_1882 = arith.select %eq3A_1870, %broadcast_in_dim3A_1880, %broadcast_in_dim3A_1881 : vector<512x768xi1>, vector<512x768xf32>
    %dot_general3A_1883 = arith.constant dense<0.000000e+00> : vector<512x128xf32>
    %dot_general3A_1884 = tpu.matmul %select_n3A_1877, %broadcast_in_dim3A_6, %dot_general3A_1883 {dimension_numbers = #tpu.dot_dimension_numbers<[1], [0], [0], [1], [0, 0, 1, 1], [], []>, transpose_lhs_hint = false} : vector<512x768xf32>, vector<768x128xf32>, vector<512x128xf32> -> vector<512x128xf32>
    %slice3A_1885 = vector.extract_strided_slice %dot_general3A_1884 {offsets = [0, 0], sizes = [512, 1], strides = [1, 1]} : vector<512x128xf32> to vector<512x1xf32>
    %dot_general3A_1886 = arith.constant dense<0.000000e+00> : vector<512x128xf32>
    %dot_general3A_1887 = tpu.matmul %select_n3A_1882, %broadcast_in_dim3A_6, %dot_general3A_1886 {dimension_numbers = #tpu.dot_dimension_numbers<[1], [0], [0], [1], [0, 0, 1, 1], [], []>, transpose_lhs_hint = false} : vector<512x768xf32>, vector<768x128xf32>, vector<512x128xf32> -> vector<512x128xf32>
    %slice3A_1888 = vector.extract_strided_slice %dot_general3A_1887 {offsets = [0, 0], sizes = [512, 1], strides = [1, 1]} : vector<512x128xf32> to vector<512x1xf32>
    %while3A_1889 = arith.constant 1 : i32
    %while3A_1890 = arith.subi %select_n3A_1858, %while3A_1889 : i32
    %while3A_1891 = arith.addi %while3A_1889, %while3A_1890 : i32
    %while3A_1892 = arith.constant 1 : i32
    %while3A_1893 = arith.divsi %while3A_1890, %while3A_1892 : i32
    %while3A_1894 = arith.muli %while3A_1893, %while3A_1892 : i32
    %while3A_1895 = arith.addi %while3A_1889, %while3A_1894 : i32
    %while3A_1896 = arith.constant 1 : i32
    %while3A_1897:2 = scf.for %while3A_2390 = %while3A_1889 to %while3A_1895 step %while3A_1896 iter_args(%while3A_2391 = %slice3A_1885, %while3A_2392 = %slice3A_1888) -> (vector<512x1xf32>, vector<512x1xf32>)  : i32 {
      %mul3A_2393 = arith.constant 768 : i32
      %mul3A_2394 = arith.muli %while3A_2390, %mul3A_2393 : i32
      %add3A_2395 = arith.addi %mul3A_1829, %mul3A_2394 : i32
      %get3A_2396 = arith.index_cast %add3A_2395 : i32 to index
      %get3A_2397 = arith.constant 0 : index
      %get3A_2398 = vector.load %arg6[%get3A_2396, %get3A_2397] : memref<8960x64xf32, #tpu.memory_space<vmem>>, vector<768x64xf32>
      %get3A_2399 = arith.constant 0 : index
      %get3A_2400 = arith.index_cast %add3A_2395 : i32 to index
      %get3A_2401 = vector.load %arg3[%get3A_2399, %get3A_2400] : memref<1x8960xi32, #tpu.memory_space<vmem>>, vector<1x768xi32>
      %dot_general3A_2402 = arith.constant dense<0.000000e+00> : vector<512x768xf32>
      %dot_general3A_2403 = tpu.matmul %get3A_1780, %get3A_2398, %dot_general3A_2402 {dimension_numbers = #tpu.dot_dimension_numbers<[1], [1], [0], [0], [0, 0, 1, 0], [], []>, transpose_lhs_hint = false} : vector<512x64xf32>, vector<768x64xf32>, vector<512x768xf32> -> vector<512x768xf32>
      %transpose3A_2404 = tpu.transpose %get3A_1783, [1, 0] : vector<1x512xi32> -> vector<512x1xi32>
      %eq3A_2405 = vector.broadcast %transpose3A_2404 : vector<512x1xi32> to vector<512x768xi32>
      %eq3A_2406 = vector.broadcast %get3A_2401 : vector<1x768xi32> to vector<512x768xi32>
      %eq3A_2407 = arith.cmpi eq, %eq3A_2405, %eq3A_2406 : vector<512x768xi32>
      %neg3A_2408 = arith.constant 0.000000e+00 : f32
      %neg3A_2409 = vector.broadcast %neg3A_2408 : f32 to vector<512x768xf32>
      %neg3A_2410 = arith.subf %neg3A_2409, %dot_general3A_2403 : vector<512x768xf32>
      %exp3A_2411 = math.exp %neg3A_2410 : vector<512x768xf32>
      %jit3A_2412 = arith.constant 0.000000e+00 : f32
      %broadcast_in_dim3A_2413 = vector.broadcast %jit3A_2412 : f32 to vector<512x768xf32>
      %select_n3A_2414 = arith.select %eq3A_2407, %exp3A_2411, %broadcast_in_dim3A_2413 : vector<512x768xi1>, vector<512x768xf32>
      %jit3A_2415 = arith.constant 1.000000e+00 : f32
      %jit3A_2416 = arith.constant 0.000000e+00 : f32
      %broadcast_in_dim3A_2417 = vector.broadcast %jit3A_2415 : f32 to vector<512x768xf32>
      %broadcast_in_dim3A_2418 = vector.broadcast %jit3A_2416 : f32 to vector<512x768xf32>
      %select_n3A_2419 = arith.select %eq3A_2407, %broadcast_in_dim3A_2417, %broadcast_in_dim3A_2418 : vector<512x768xi1>, vector<512x768xf32>
      %dot_general3A_2420 = arith.constant dense<0.000000e+00> : vector<512x128xf32>
      %dot_general3A_2421 = tpu.matmul %select_n3A_2414, %broadcast_in_dim3A_6, %dot_general3A_2420 {dimension_numbers = #tpu.dot_dimension_numbers<[1], [0], [0], [1], [0, 0, 1, 1], [], []>, transpose_lhs_hint = false} : vector<512x768xf32>, vector<768x128xf32>, vector<512x128xf32> -> vector<512x128xf32>
      %slice3A_2422 = vector.extract_strided_slice %dot_general3A_2421 {offsets = [0, 0], sizes = [512, 1], strides = [1, 1]} : vector<512x128xf32> to vector<512x1xf32>
      %dot_general3A_2423 = arith.constant dense<0.000000e+00> : vector<512x128xf32>
      %dot_general3A_2424 = tpu.matmul %select_n3A_2419, %broadcast_in_dim3A_6, %dot_general3A_2423 {dimension_numbers = #tpu.dot_dimension_numbers<[1], [0], [0], [1], [0, 0, 1, 1], [], []>, transpose_lhs_hint = false} : vector<512x768xf32>, vector<768x128xf32>, vector<512x128xf32> -> vector<512x128xf32>
      %slice3A_2425 = vector.extract_strided_slice %dot_general3A_2424 {offsets = [0, 0], sizes = [512, 1], strides = [1, 1]} : vector<512x128xf32> to vector<512x1xf32>
      %add3A_2426 = arith.addf %while3A_2391, %slice3A_2422 : vector<512x1xf32>
      %add3A_2427 = arith.addf %while3A_2392, %slice3A_2425 : vector<512x1xf32>
      scf.yield %add3A_2426, %add3A_2427 : vector<512x1xf32>, vector<512x1xf32>
    }
    %while3A_1898 = arith.constant 1 : i32
    %while3A_1899:2 = scf.for %while3A_2390 = %while3A_1895 to %while3A_1891 step %while3A_1898 iter_args(%while3A_2391 = %while3A_1897#0, %while3A_2392 = %while3A_1897#1) -> (vector<512x1xf32>, vector<512x1xf32>)  : i32 {
      %mul3A_2393 = arith.constant 768 : i32
      %mul3A_2394 = arith.muli %while3A_2390, %mul3A_2393 : i32
      %add3A_2395 = arith.addi %mul3A_1829, %mul3A_2394 : i32
      %get3A_2396 = arith.index_cast %add3A_2395 : i32 to index
      %get3A_2397 = arith.constant 0 : index
      %get3A_2398 = vector.load %arg6[%get3A_2396, %get3A_2397] : memref<8960x64xf32, #tpu.memory_space<vmem>>, vector<768x64xf32>
      %get3A_2399 = arith.constant 0 : index
      %get3A_2400 = arith.index_cast %add3A_2395 : i32 to index
      %get3A_2401 = vector.load %arg3[%get3A_2399, %get3A_2400] : memref<1x8960xi32, #tpu.memory_space<vmem>>, vector<1x768xi32>
      %dot_general3A_2402 = arith.constant dense<0.000000e+00> : vector<512x768xf32>
      %dot_general3A_2403 = tpu.matmul %get3A_1780, %get3A_2398, %dot_general3A_2402 {dimension_numbers = #tpu.dot_dimension_numbers<[1], [1], [0], [0], [0, 0, 1, 0], [], []>, transpose_lhs_hint = false} : vector<512x64xf32>, vector<768x64xf32>, vector<512x768xf32> -> vector<512x768xf32>
      %transpose3A_2404 = tpu.transpose %get3A_1783, [1, 0] : vector<1x512xi32> -> vector<512x1xi32>
      %eq3A_2405 = vector.broadcast %transpose3A_2404 : vector<512x1xi32> to vector<512x768xi32>
      %eq3A_2406 = vector.broadcast %get3A_2401 : vector<1x768xi32> to vector<512x768xi32>
      %eq3A_2407 = arith.cmpi eq, %eq3A_2405, %eq3A_2406 : vector<512x768xi32>
      %neg3A_2408 = arith.constant 0.000000e+00 : f32
      %neg3A_2409 = vector.broadcast %neg3A_2408 : f32 to vector<512x768xf32>
      %neg3A_2410 = arith.subf %neg3A_2409, %dot_general3A_2403 : vector<512x768xf32>
      %exp3A_2411 = math.exp %neg3A_2410 : vector<512x768xf32>
      %jit3A_2412 = arith.constant 0.000000e+00 : f32
      %broadcast_in_dim3A_2413 = vector.broadcast %jit3A_2412 : f32 to vector<512x768xf32>
      %select_n3A_2414 = arith.select %eq3A_2407, %exp3A_2411, %broadcast_in_dim3A_2413 : vector<512x768xi1>, vector<512x768xf32>
      %jit3A_2415 = arith.constant 1.000000e+00 : f32
      %jit3A_2416 = arith.constant 0.000000e+00 : f32
      %broadcast_in_dim3A_2417 = vector.broadcast %jit3A_2415 : f32 to vector<512x768xf32>
      %broadcast_in_dim3A_2418 = vector.broadcast %jit3A_2416 : f32 to vector<512x768xf32>
      %select_n3A_2419 = arith.select %eq3A_2407, %broadcast_in_dim3A_2417, %broadcast_in_dim3A_2418 : vector<512x768xi1>, vector<512x768xf32>
      %dot_general3A_2420 = arith.constant dense<0.000000e+00> : vector<512x128xf32>
      %dot_general3A_2421 = tpu.matmul %select_n3A_2414, %broadcast_in_dim3A_6, %dot_general3A_2420 {dimension_numbers = #tpu.dot_dimension_numbers<[1], [0], [0], [1], [0, 0, 1, 1], [], []>, transpose_lhs_hint = false} : vector<512x768xf32>, vector<768x128xf32>, vector<512x128xf32> -> vector<512x128xf32>
      %slice3A_2422 = vector.extract_strided_slice %dot_general3A_2421 {offsets = [0, 0], sizes = [512, 1], strides = [1, 1]} : vector<512x128xf32> to vector<512x1xf32>
      %dot_general3A_2423 = arith.constant dense<0.000000e+00> : vector<512x128xf32>
      %dot_general3A_2424 = tpu.matmul %select_n3A_2419, %broadcast_in_dim3A_6, %dot_general3A_2423 {dimension_numbers = #tpu.dot_dimension_numbers<[1], [0], [0], [1], [0, 0, 1, 1], [], []>, transpose_lhs_hint = false} : vector<512x768xf32>, vector<768x128xf32>, vector<512x128xf32> -> vector<512x128xf32>
      %slice3A_2425 = vector.extract_strided_slice %dot_general3A_2424 {offsets = [0, 0], sizes = [512, 1], strides = [1, 1]} : vector<512x128xf32> to vector<512x1xf32>
      %add3A_2426 = arith.addf %while3A_2391, %slice3A_2422 : vector<512x1xf32>
      %add3A_2427 = arith.addf %while3A_2392, %slice3A_2425 : vector<512x1xf32>
      scf.yield %add3A_2426, %add3A_2427 : vector<512x1xf32>, vector<512x1xf32>
    }
    %mul3A_1900 = arith.mulf %get3A_1780, %get3A_1780 : vector<512x64xf32>
    %reduce_sum3A_1901 = arith.constant dense<0.000000e+00> : vector<512xf32>
    %reduce_sum3A_1902 = vector.multi_reduction <add>, %mul3A_1900, %reduce_sum3A_1901 [1] : vector<512x64xf32> to vector<512xf32>
    %broadcast_in_dim3A_1903 = vector.shape_cast %reduce_sum3A_1902 : vector<512xf32> to vector<512x1xf32>
    %neg3A_1904 = arith.constant 0.000000e+00 : f32
    %neg3A_1905 = vector.broadcast %neg3A_1904 : f32 to vector<512x1xf32>
    %neg3A_1906 = arith.subf %neg3A_1905, %broadcast_in_dim3A_1903 : vector<512x1xf32>
    %exp3A_1907 = math.exp %neg3A_1906 : vector<512x1xf32>
    %sub3A_1908 = arith.subf %while3A_1899#0, %exp3A_1907 : vector<512x1xf32>
    %ge3A_1909 = arith.constant 2.000000e+00 : f32
    %ge3A_1910 = vector.broadcast %ge3A_1909 : f32 to vector<512x1xf32>
    %ge3A_1911 = arith.cmpf oge, %while3A_1899#1, %ge3A_1910 : vector<512x1xf32>
    %log3A_1912 = math.log %sub3A_1908 : vector<512x1xf32>
    %neg3A_1913 = arith.constant 0.000000e+00 : f32
    %neg3A_1914 = vector.broadcast %neg3A_1913 : f32 to vector<512x1xf32>
    %neg3A_1915 = arith.subf %neg3A_1914, %log3A_1912 : vector<512x1xf32>
    %jit3A_1916 = arith.constant 0.000000e+00 : f32
    %broadcast_in_dim3A_1917 = vector.broadcast %jit3A_1916 : f32 to vector<512x1xf32>
    %select_n3A_1918 = arith.select %ge3A_1911, %neg3A_1915, %broadcast_in_dim3A_1917 : vector<512x1xi1>, vector<512x1xf32>
    %add3A_1919 = arith.addf %add3A_1770, %select_n3A_1918 : vector<512x1xf32>
    %sub3A_1920 = arith.constant 1.000000e+00 : f32
    %sub3A_1921 = vector.broadcast %sub3A_1920 : f32 to vector<512x1xf32>
    %sub3A_1922 = arith.subf %while3A_1899#1, %sub3A_1921 : vector<512x1xf32>
    %jit3A_1923 = arith.constant 0.000000e+00 : f32
    %broadcast_in_dim3A_1924 = vector.broadcast %jit3A_1923 : f32 to vector<512x1xf32>
    %select_n3A_1925 = arith.select %ge3A_1911, %sub3A_1922, %broadcast_in_dim3A_1924 : vector<512x1xi1>, vector<512x1xf32>
    %add3A_1926 = arith.addf %add3A_1777, %select_n3A_1925 : vector<512x1xf32>
    %get3A_1927 = arith.constant 6656 : index
    %get3A_1928 = arith.constant 0 : index
    %get3A_1929 = vector.load %arg6[%get3A_1927, %get3A_1928] : memref<8960x64xf32, #tpu.memory_space<vmem>>, vector<512x64xf32>
    %get3A_1930 = arith.constant 0 : index
    %get3A_1931 = arith.constant 6656 : index
    %get3A_1932 = vector.load %arg3[%get3A_1930, %get3A_1931] : memref<1x8960xi32, #tpu.memory_space<vmem>>, vector<1x512xi32>
    %get3A_1933 = arith.constant 6656 : index
    %get3A_1934 = memref.load %arg1[%get3A_1933] : memref<8960xi32, #tpu.memory_space<smem>>
    %get3A_1935 = arith.constant 7167 : index
    %get3A_1936 = memref.load %arg1[%get3A_1935] : memref<8960xi32, #tpu.memory_space<smem>>
    %scan3A_1937 = arith.constant 0 : i32
    %scan3A_1938 = arith.constant 8960 : i32
    %scan3A_1939 = arith.constant 0 : i32
    %scan3A_1940 = arith.constant 14 : i32
    %scan3A_1941 = arith.addi %scan3A_1939, %scan3A_1940 : i32
    %scan3A_1942 = arith.constant 1 : i32
    %scan3A_1943:2 = scf.for %scan3A_2390 = %scan3A_1939 to %scan3A_1941 step %scan3A_1942 iter_args(%scan3A_2391 = %scan3A_1937, %scan3A_2392 = %scan3A_1938) -> (i32, i32)  : i32 {
      %add3A_2393 = arith.addi %scan3A_2391, %scan3A_2392 : i32
      %jit3A_2394 = arith.constant 2 : i32
      %div3A_2395 = arith.divsi %add3A_2393, %jit3A_2394 : i32
      %sign3A_2396 = arith.constant 0 : i32
      %sign3A_2397 = arith.cmpi sgt, %add3A_2393, %sign3A_2396 : i32
      %sign3A_2398 = arith.extui %sign3A_2397 : i1 to i32
      %sign3A_2399 = arith.constant 0 : i32
      %sign3A_2400 = arith.cmpi slt, %add3A_2393, %sign3A_2399 : i32
      %sign3A_2401 = arith.extui %sign3A_2400 : i1 to i32
      %sign3A_2402 = arith.subi %sign3A_2398, %sign3A_2401 : i32
      %sign3A_2403 = arith.constant 0 : i32
      %sign3A_2404 = arith.cmpi sgt, %jit3A_2394, %sign3A_2403 : i32
      %sign3A_2405 = arith.extui %sign3A_2404 : i1 to i32
      %sign3A_2406 = arith.constant 0 : i32
      %sign3A_2407 = arith.cmpi slt, %jit3A_2394, %sign3A_2406 : i32
      %sign3A_2408 = arith.extui %sign3A_2407 : i1 to i32
      %sign3A_2409 = arith.subi %sign3A_2405, %sign3A_2408 : i32
      %ne3A_2410 = arith.cmpi ne, %sign3A_2402, %sign3A_2409 : i32
      %rem3A_2411 = arith.remsi %add3A_2393, %jit3A_2394 : i32
      %ne3A_2412 = arith.constant 0 : i32
      %ne3A_2413 = arith.cmpi ne, %rem3A_2411, %ne3A_2412 : i32
      %and3A_2414 = arith.andi %ne3A_2410, %ne3A_2413 : i1
      %sub3A_2415 = arith.constant 1 : i32
      %sub3A_2416 = arith.subi %div3A_2395, %sub3A_2415 : i32
      %select_n3A_2417 = arith.select %and3A_2414, %sub3A_2416, %div3A_2395 : i32
      %lt3A = arith.cmpi slt, %scan3A_2391, %scan3A_2392 : i32
      %get3A_2418 = arith.index_cast %select_n3A_2417 : i32 to index
      %get3A_2419 = memref.load %arg1[%get3A_2418] : memref<8960xi32, #tpu.memory_space<smem>>
      %lt3A_2420 = arith.cmpi slt, %get3A_2419, %get3A_1934 : i32
      %and3A_2421 = arith.andi %lt3A, %lt3A_2420 : i1
      %lt3A_2422 = arith.cmpi slt, %scan3A_2391, %scan3A_2392 : i32
      %not3A = arith.constant true
      %not3A_2423 = arith.xori %and3A_2421, %not3A : i1
      %and3A_2424 = arith.andi %lt3A_2422, %not3A_2423 : i1
      %add3A_2425 = arith.constant 1 : i32
      %add3A_2426 = arith.addi %select_n3A_2417, %add3A_2425 : i32
      %select_n3A_2427 = arith.select %and3A_2421, %add3A_2426, %scan3A_2391 : i32
      %select_n3A_2428 = arith.select %and3A_2424, %select_n3A_2417, %scan3A_2392 : i32
      scf.yield %select_n3A_2427, %select_n3A_2428 : i32, i32
    }
    %add3A_1944 = arith.constant 1 : i32
    %add3A_1945 = arith.addi %get3A_1936, %add3A_1944 : i32
    %scan3A_1946 = arith.constant 0 : i32
    %scan3A_1947 = arith.constant 8960 : i32
    %scan3A_1948 = arith.constant 0 : i32
    %scan3A_1949 = arith.constant 14 : i32
    %scan3A_1950 = arith.addi %scan3A_1948, %scan3A_1949 : i32
    %scan3A_1951 = arith.constant 1 : i32
    %scan3A_1952:2 = scf.for %scan3A_2390 = %scan3A_1948 to %scan3A_1950 step %scan3A_1951 iter_args(%scan3A_2391 = %scan3A_1946, %scan3A_2392 = %scan3A_1947) -> (i32, i32)  : i32 {
      %add3A_2393 = arith.addi %scan3A_2391, %scan3A_2392 : i32
      %jit3A_2394 = arith.constant 2 : i32
      %div3A_2395 = arith.divsi %add3A_2393, %jit3A_2394 : i32
      %sign3A_2396 = arith.constant 0 : i32
      %sign3A_2397 = arith.cmpi sgt, %add3A_2393, %sign3A_2396 : i32
      %sign3A_2398 = arith.extui %sign3A_2397 : i1 to i32
      %sign3A_2399 = arith.constant 0 : i32
      %sign3A_2400 = arith.cmpi slt, %add3A_2393, %sign3A_2399 : i32
      %sign3A_2401 = arith.extui %sign3A_2400 : i1 to i32
      %sign3A_2402 = arith.subi %sign3A_2398, %sign3A_2401 : i32
      %sign3A_2403 = arith.constant 0 : i32
      %sign3A_2404 = arith.cmpi sgt, %jit3A_2394, %sign3A_2403 : i32
      %sign3A_2405 = arith.extui %sign3A_2404 : i1 to i32
      %sign3A_2406 = arith.constant 0 : i32
      %sign3A_2407 = arith.cmpi slt, %jit3A_2394, %sign3A_2406 : i32
      %sign3A_2408 = arith.extui %sign3A_2407 : i1 to i32
      %sign3A_2409 = arith.subi %sign3A_2405, %sign3A_2408 : i32
      %ne3A_2410 = arith.cmpi ne, %sign3A_2402, %sign3A_2409 : i32
      %rem3A_2411 = arith.remsi %add3A_2393, %jit3A_2394 : i32
      %ne3A_2412 = arith.constant 0 : i32
      %ne3A_2413 = arith.cmpi ne, %rem3A_2411, %ne3A_2412 : i32
      %and3A_2414 = arith.andi %ne3A_2410, %ne3A_2413 : i1
      %sub3A_2415 = arith.constant 1 : i32
      %sub3A_2416 = arith.subi %div3A_2395, %sub3A_2415 : i32
      %select_n3A_2417 = arith.select %and3A_2414, %sub3A_2416, %div3A_2395 : i32
      %lt3A = arith.cmpi slt, %scan3A_2391, %scan3A_2392 : i32
      %get3A_2418 = arith.index_cast %select_n3A_2417 : i32 to index
      %get3A_2419 = memref.load %arg1[%get3A_2418] : memref<8960xi32, #tpu.memory_space<smem>>
      %lt3A_2420 = arith.cmpi slt, %get3A_2419, %add3A_1945 : i32
      %and3A_2421 = arith.andi %lt3A, %lt3A_2420 : i1
      %lt3A_2422 = arith.cmpi slt, %scan3A_2391, %scan3A_2392 : i32
      %not3A = arith.constant true
      %not3A_2423 = arith.xori %and3A_2421, %not3A : i1
      %and3A_2424 = arith.andi %lt3A_2422, %not3A_2423 : i1
      %add3A_2425 = arith.constant 1 : i32
      %add3A_2426 = arith.addi %select_n3A_2417, %add3A_2425 : i32
      %select_n3A_2427 = arith.select %and3A_2421, %add3A_2426, %scan3A_2391 : i32
      %select_n3A_2428 = arith.select %and3A_2424, %select_n3A_2417, %scan3A_2392 : i32
      scf.yield %select_n3A_2427, %select_n3A_2428 : i32, i32
    }
    %jit3A_1953 = arith.constant 128 : i32
    %div3A_1954 = arith.divsi %scan3A_1943#0, %jit3A_1953 : i32
    %sign3A_1955 = arith.constant 0 : i32
    %sign3A_1956 = arith.cmpi sgt, %scan3A_1943#0, %sign3A_1955 : i32
    %sign3A_1957 = arith.extui %sign3A_1956 : i1 to i32
    %sign3A_1958 = arith.constant 0 : i32
    %sign3A_1959 = arith.cmpi slt, %scan3A_1943#0, %sign3A_1958 : i32
    %sign3A_1960 = arith.extui %sign3A_1959 : i1 to i32
    %sign3A_1961 = arith.subi %sign3A_1957, %sign3A_1960 : i32
    %sign3A_1962 = arith.constant 0 : i32
    %sign3A_1963 = arith.cmpi sgt, %jit3A_1953, %sign3A_1962 : i32
    %sign3A_1964 = arith.extui %sign3A_1963 : i1 to i32
    %sign3A_1965 = arith.constant 0 : i32
    %sign3A_1966 = arith.cmpi slt, %jit3A_1953, %sign3A_1965 : i32
    %sign3A_1967 = arith.extui %sign3A_1966 : i1 to i32
    %sign3A_1968 = arith.subi %sign3A_1964, %sign3A_1967 : i32
    %ne3A_1969 = arith.cmpi ne, %sign3A_1961, %sign3A_1968 : i32
    %rem3A_1970 = arith.remsi %scan3A_1943#0, %jit3A_1953 : i32
    %ne3A_1971 = arith.constant 0 : i32
    %ne3A_1972 = arith.cmpi ne, %rem3A_1970, %ne3A_1971 : i32
    %and3A_1973 = arith.andi %ne3A_1969, %ne3A_1972 : i1
    %sub3A_1974 = arith.constant 1 : i32
    %sub3A_1975 = arith.subi %div3A_1954, %sub3A_1974 : i32
    %select_n3A_1976 = arith.select %and3A_1973, %sub3A_1975, %div3A_1954 : i32
    %mul3A_1977 = arith.constant 128 : i32
    %mul3A_1978 = arith.muli %select_n3A_1976, %mul3A_1977 : i32
    %sub3A_1979 = arith.subi %scan3A_1952#0, %mul3A_1978 : i32
    %add3A_1980 = arith.constant 768 : i32
    %add3A_1981 = arith.addi %sub3A_1979, %add3A_1980 : i32
    %sub3A_1982 = arith.constant 1 : i32
    %sub3A_1983 = arith.subi %add3A_1981, %sub3A_1982 : i32
    %jit3A_1984 = arith.constant 768 : i32
    %div3A_1985 = arith.divsi %sub3A_1983, %jit3A_1984 : i32
    %sign3A_1986 = arith.constant 0 : i32
    %sign3A_1987 = arith.cmpi sgt, %sub3A_1983, %sign3A_1986 : i32
    %sign3A_1988 = arith.extui %sign3A_1987 : i1 to i32
    %sign3A_1989 = arith.constant 0 : i32
    %sign3A_1990 = arith.cmpi slt, %sub3A_1983, %sign3A_1989 : i32
    %sign3A_1991 = arith.extui %sign3A_1990 : i1 to i32
    %sign3A_1992 = arith.subi %sign3A_1988, %sign3A_1991 : i32
    %sign3A_1993 = arith.constant 0 : i32
    %sign3A_1994 = arith.cmpi sgt, %jit3A_1984, %sign3A_1993 : i32
    %sign3A_1995 = arith.extui %sign3A_1994 : i1 to i32
    %sign3A_1996 = arith.constant 0 : i32
    %sign3A_1997 = arith.cmpi slt, %jit3A_1984, %sign3A_1996 : i32
    %sign3A_1998 = arith.extui %sign3A_1997 : i1 to i32
    %sign3A_1999 = arith.subi %sign3A_1995, %sign3A_1998 : i32
    %ne3A_2000 = arith.cmpi ne, %sign3A_1992, %sign3A_1999 : i32
    %rem3A_2001 = arith.remsi %sub3A_1983, %jit3A_1984 : i32
    %ne3A_2002 = arith.constant 0 : i32
    %ne3A_2003 = arith.cmpi ne, %rem3A_2001, %ne3A_2002 : i32
    %and3A_2004 = arith.andi %ne3A_2000, %ne3A_2003 : i1
    %sub3A_2005 = arith.constant 1 : i32
    %sub3A_2006 = arith.subi %div3A_1985, %sub3A_2005 : i32
    %select_n3A_2007 = arith.select %and3A_2004, %sub3A_2006, %div3A_1985 : i32
    %get3A_2008 = arith.index_cast %mul3A_1978 : i32 to index
    %get3A_2009 = arith.constant 0 : index
    %get3A_2010 = vector.load %arg6[%get3A_2008, %get3A_2009] : memref<8960x64xf32, #tpu.memory_space<vmem>>, vector<768x64xf32>
    %get3A_2011 = arith.constant 0 : index
    %get3A_2012 = arith.index_cast %mul3A_1978 : i32 to index
    %get3A_2013 = vector.load %arg3[%get3A_2011, %get3A_2012] : memref<1x8960xi32, #tpu.memory_space<vmem>>, vector<1x768xi32>
    %dot_general3A_2014 = arith.constant dense<0.000000e+00> : vector<512x768xf32>
    %dot_general3A_2015 = tpu.matmul %get3A_1929, %get3A_2010, %dot_general3A_2014 {dimension_numbers = #tpu.dot_dimension_numbers<[1], [1], [0], [0], [0, 0, 1, 0], [], []>, transpose_lhs_hint = false} : vector<512x64xf32>, vector<768x64xf32>, vector<512x768xf32> -> vector<512x768xf32>
    %transpose3A_2016 = tpu.transpose %get3A_1932, [1, 0] : vector<1x512xi32> -> vector<512x1xi32>
    %eq3A_2017 = vector.broadcast %transpose3A_2016 : vector<512x1xi32> to vector<512x768xi32>
    %eq3A_2018 = vector.broadcast %get3A_2013 : vector<1x768xi32> to vector<512x768xi32>
    %eq3A_2019 = arith.cmpi eq, %eq3A_2017, %eq3A_2018 : vector<512x768xi32>
    %neg3A_2020 = arith.constant 0.000000e+00 : f32
    %neg3A_2021 = vector.broadcast %neg3A_2020 : f32 to vector<512x768xf32>
    %neg3A_2022 = arith.subf %neg3A_2021, %dot_general3A_2015 : vector<512x768xf32>
    %exp3A_2023 = math.exp %neg3A_2022 : vector<512x768xf32>
    %jit3A_2024 = arith.constant 0.000000e+00 : f32
    %broadcast_in_dim3A_2025 = vector.broadcast %jit3A_2024 : f32 to vector<512x768xf32>
    %select_n3A_2026 = arith.select %eq3A_2019, %exp3A_2023, %broadcast_in_dim3A_2025 : vector<512x768xi1>, vector<512x768xf32>
    %jit3A_2027 = arith.constant 1.000000e+00 : f32
    %jit3A_2028 = arith.constant 0.000000e+00 : f32
    %broadcast_in_dim3A_2029 = vector.broadcast %jit3A_2027 : f32 to vector<512x768xf32>
    %broadcast_in_dim3A_2030 = vector.broadcast %jit3A_2028 : f32 to vector<512x768xf32>
    %select_n3A_2031 = arith.select %eq3A_2019, %broadcast_in_dim3A_2029, %broadcast_in_dim3A_2030 : vector<512x768xi1>, vector<512x768xf32>
    %dot_general3A_2032 = arith.constant dense<0.000000e+00> : vector<512x128xf32>
    %dot_general3A_2033 = tpu.matmul %select_n3A_2026, %broadcast_in_dim3A_6, %dot_general3A_2032 {dimension_numbers = #tpu.dot_dimension_numbers<[1], [0], [0], [1], [0, 0, 1, 1], [], []>, transpose_lhs_hint = false} : vector<512x768xf32>, vector<768x128xf32>, vector<512x128xf32> -> vector<512x128xf32>
    %slice3A_2034 = vector.extract_strided_slice %dot_general3A_2033 {offsets = [0, 0], sizes = [512, 1], strides = [1, 1]} : vector<512x128xf32> to vector<512x1xf32>
    %dot_general3A_2035 = arith.constant dense<0.000000e+00> : vector<512x128xf32>
    %dot_general3A_2036 = tpu.matmul %select_n3A_2031, %broadcast_in_dim3A_6, %dot_general3A_2035 {dimension_numbers = #tpu.dot_dimension_numbers<[1], [0], [0], [1], [0, 0, 1, 1], [], []>, transpose_lhs_hint = false} : vector<512x768xf32>, vector<768x128xf32>, vector<512x128xf32> -> vector<512x128xf32>
    %slice3A_2037 = vector.extract_strided_slice %dot_general3A_2036 {offsets = [0, 0], sizes = [512, 1], strides = [1, 1]} : vector<512x128xf32> to vector<512x1xf32>
    %while3A_2038 = arith.constant 1 : i32
    %while3A_2039 = arith.subi %select_n3A_2007, %while3A_2038 : i32
    %while3A_2040 = arith.addi %while3A_2038, %while3A_2039 : i32
    %while3A_2041 = arith.constant 1 : i32
    %while3A_2042 = arith.divsi %while3A_2039, %while3A_2041 : i32
    %while3A_2043 = arith.muli %while3A_2042, %while3A_2041 : i32
    %while3A_2044 = arith.addi %while3A_2038, %while3A_2043 : i32
    %while3A_2045 = arith.constant 1 : i32
    %while3A_2046:2 = scf.for %while3A_2390 = %while3A_2038 to %while3A_2044 step %while3A_2045 iter_args(%while3A_2391 = %slice3A_2034, %while3A_2392 = %slice3A_2037) -> (vector<512x1xf32>, vector<512x1xf32>)  : i32 {
      %mul3A_2393 = arith.constant 768 : i32
      %mul3A_2394 = arith.muli %while3A_2390, %mul3A_2393 : i32
      %add3A_2395 = arith.addi %mul3A_1978, %mul3A_2394 : i32
      %get3A_2396 = arith.index_cast %add3A_2395 : i32 to index
      %get3A_2397 = arith.constant 0 : index
      %get3A_2398 = vector.load %arg6[%get3A_2396, %get3A_2397] : memref<8960x64xf32, #tpu.memory_space<vmem>>, vector<768x64xf32>
      %get3A_2399 = arith.constant 0 : index
      %get3A_2400 = arith.index_cast %add3A_2395 : i32 to index
      %get3A_2401 = vector.load %arg3[%get3A_2399, %get3A_2400] : memref<1x8960xi32, #tpu.memory_space<vmem>>, vector<1x768xi32>
      %dot_general3A_2402 = arith.constant dense<0.000000e+00> : vector<512x768xf32>
      %dot_general3A_2403 = tpu.matmul %get3A_1929, %get3A_2398, %dot_general3A_2402 {dimension_numbers = #tpu.dot_dimension_numbers<[1], [1], [0], [0], [0, 0, 1, 0], [], []>, transpose_lhs_hint = false} : vector<512x64xf32>, vector<768x64xf32>, vector<512x768xf32> -> vector<512x768xf32>
      %transpose3A_2404 = tpu.transpose %get3A_1932, [1, 0] : vector<1x512xi32> -> vector<512x1xi32>
      %eq3A_2405 = vector.broadcast %transpose3A_2404 : vector<512x1xi32> to vector<512x768xi32>
      %eq3A_2406 = vector.broadcast %get3A_2401 : vector<1x768xi32> to vector<512x768xi32>
      %eq3A_2407 = arith.cmpi eq, %eq3A_2405, %eq3A_2406 : vector<512x768xi32>
      %neg3A_2408 = arith.constant 0.000000e+00 : f32
      %neg3A_2409 = vector.broadcast %neg3A_2408 : f32 to vector<512x768xf32>
      %neg3A_2410 = arith.subf %neg3A_2409, %dot_general3A_2403 : vector<512x768xf32>
      %exp3A_2411 = math.exp %neg3A_2410 : vector<512x768xf32>
      %jit3A_2412 = arith.constant 0.000000e+00 : f32
      %broadcast_in_dim3A_2413 = vector.broadcast %jit3A_2412 : f32 to vector<512x768xf32>
      %select_n3A_2414 = arith.select %eq3A_2407, %exp3A_2411, %broadcast_in_dim3A_2413 : vector<512x768xi1>, vector<512x768xf32>
      %jit3A_2415 = arith.constant 1.000000e+00 : f32
      %jit3A_2416 = arith.constant 0.000000e+00 : f32
      %broadcast_in_dim3A_2417 = vector.broadcast %jit3A_2415 : f32 to vector<512x768xf32>
      %broadcast_in_dim3A_2418 = vector.broadcast %jit3A_2416 : f32 to vector<512x768xf32>
      %select_n3A_2419 = arith.select %eq3A_2407, %broadcast_in_dim3A_2417, %broadcast_in_dim3A_2418 : vector<512x768xi1>, vector<512x768xf32>
      %dot_general3A_2420 = arith.constant dense<0.000000e+00> : vector<512x128xf32>
      %dot_general3A_2421 = tpu.matmul %select_n3A_2414, %broadcast_in_dim3A_6, %dot_general3A_2420 {dimension_numbers = #tpu.dot_dimension_numbers<[1], [0], [0], [1], [0, 0, 1, 1], [], []>, transpose_lhs_hint = false} : vector<512x768xf32>, vector<768x128xf32>, vector<512x128xf32> -> vector<512x128xf32>
      %slice3A_2422 = vector.extract_strided_slice %dot_general3A_2421 {offsets = [0, 0], sizes = [512, 1], strides = [1, 1]} : vector<512x128xf32> to vector<512x1xf32>
      %dot_general3A_2423 = arith.constant dense<0.000000e+00> : vector<512x128xf32>
      %dot_general3A_2424 = tpu.matmul %select_n3A_2419, %broadcast_in_dim3A_6, %dot_general3A_2423 {dimension_numbers = #tpu.dot_dimension_numbers<[1], [0], [0], [1], [0, 0, 1, 1], [], []>, transpose_lhs_hint = false} : vector<512x768xf32>, vector<768x128xf32>, vector<512x128xf32> -> vector<512x128xf32>
      %slice3A_2425 = vector.extract_strided_slice %dot_general3A_2424 {offsets = [0, 0], sizes = [512, 1], strides = [1, 1]} : vector<512x128xf32> to vector<512x1xf32>
      %add3A_2426 = arith.addf %while3A_2391, %slice3A_2422 : vector<512x1xf32>
      %add3A_2427 = arith.addf %while3A_2392, %slice3A_2425 : vector<512x1xf32>
      scf.yield %add3A_2426, %add3A_2427 : vector<512x1xf32>, vector<512x1xf32>
    }
    %while3A_2047 = arith.constant 1 : i32
    %while3A_2048:2 = scf.for %while3A_2390 = %while3A_2044 to %while3A_2040 step %while3A_2047 iter_args(%while3A_2391 = %while3A_2046#0, %while3A_2392 = %while3A_2046#1) -> (vector<512x1xf32>, vector<512x1xf32>)  : i32 {
      %mul3A_2393 = arith.constant 768 : i32
      %mul3A_2394 = arith.muli %while3A_2390, %mul3A_2393 : i32
      %add3A_2395 = arith.addi %mul3A_1978, %mul3A_2394 : i32
      %get3A_2396 = arith.index_cast %add3A_2395 : i32 to index
      %get3A_2397 = arith.constant 0 : index
      %get3A_2398 = vector.load %arg6[%get3A_2396, %get3A_2397] : memref<8960x64xf32, #tpu.memory_space<vmem>>, vector<768x64xf32>
      %get3A_2399 = arith.constant 0 : index
      %get3A_2400 = arith.index_cast %add3A_2395 : i32 to index
      %get3A_2401 = vector.load %arg3[%get3A_2399, %get3A_2400] : memref<1x8960xi32, #tpu.memory_space<vmem>>, vector<1x768xi32>
      %dot_general3A_2402 = arith.constant dense<0.000000e+00> : vector<512x768xf32>
      %dot_general3A_2403 = tpu.matmul %get3A_1929, %get3A_2398, %dot_general3A_2402 {dimension_numbers = #tpu.dot_dimension_numbers<[1], [1], [0], [0], [0, 0, 1, 0], [], []>, transpose_lhs_hint = false} : vector<512x64xf32>, vector<768x64xf32>, vector<512x768xf32> -> vector<512x768xf32>
      %transpose3A_2404 = tpu.transpose %get3A_1932, [1, 0] : vector<1x512xi32> -> vector<512x1xi32>
      %eq3A_2405 = vector.broadcast %transpose3A_2404 : vector<512x1xi32> to vector<512x768xi32>
      %eq3A_2406 = vector.broadcast %get3A_2401 : vector<1x768xi32> to vector<512x768xi32>
      %eq3A_2407 = arith.cmpi eq, %eq3A_2405, %eq3A_2406 : vector<512x768xi32>
      %neg3A_2408 = arith.constant 0.000000e+00 : f32
      %neg3A_2409 = vector.broadcast %neg3A_2408 : f32 to vector<512x768xf32>
      %neg3A_2410 = arith.subf %neg3A_2409, %dot_general3A_2403 : vector<512x768xf32>
      %exp3A_2411 = math.exp %neg3A_2410 : vector<512x768xf32>
      %jit3A_2412 = arith.constant 0.000000e+00 : f32
      %broadcast_in_dim3A_2413 = vector.broadcast %jit3A_2412 : f32 to vector<512x768xf32>
      %select_n3A_2414 = arith.select %eq3A_2407, %exp3A_2411, %broadcast_in_dim3A_2413 : vector<512x768xi1>, vector<512x768xf32>
      %jit3A_2415 = arith.constant 1.000000e+00 : f32
      %jit3A_2416 = arith.constant 0.000000e+00 : f32
      %broadcast_in_dim3A_2417 = vector.broadcast %jit3A_2415 : f32 to vector<512x768xf32>
      %broadcast_in_dim3A_2418 = vector.broadcast %jit3A_2416 : f32 to vector<512x768xf32>
      %select_n3A_2419 = arith.select %eq3A_2407, %broadcast_in_dim3A_2417, %broadcast_in_dim3A_2418 : vector<512x768xi1>, vector<512x768xf32>
      %dot_general3A_2420 = arith.constant dense<0.000000e+00> : vector<512x128xf32>
      %dot_general3A_2421 = tpu.matmul %select_n3A_2414, %broadcast_in_dim3A_6, %dot_general3A_2420 {dimension_numbers = #tpu.dot_dimension_numbers<[1], [0], [0], [1], [0, 0, 1, 1], [], []>, transpose_lhs_hint = false} : vector<512x768xf32>, vector<768x128xf32>, vector<512x128xf32> -> vector<512x128xf32>
      %slice3A_2422 = vector.extract_strided_slice %dot_general3A_2421 {offsets = [0, 0], sizes = [512, 1], strides = [1, 1]} : vector<512x128xf32> to vector<512x1xf32>
      %dot_general3A_2423 = arith.constant dense<0.000000e+00> : vector<512x128xf32>
      %dot_general3A_2424 = tpu.matmul %select_n3A_2419, %broadcast_in_dim3A_6, %dot_general3A_2423 {dimension_numbers = #tpu.dot_dimension_numbers<[1], [0], [0], [1], [0, 0, 1, 1], [], []>, transpose_lhs_hint = false} : vector<512x768xf32>, vector<768x128xf32>, vector<512x128xf32> -> vector<512x128xf32>
      %slice3A_2425 = vector.extract_strided_slice %dot_general3A_2424 {offsets = [0, 0], sizes = [512, 1], strides = [1, 1]} : vector<512x128xf32> to vector<512x1xf32>
      %add3A_2426 = arith.addf %while3A_2391, %slice3A_2422 : vector<512x1xf32>
      %add3A_2427 = arith.addf %while3A_2392, %slice3A_2425 : vector<512x1xf32>
      scf.yield %add3A_2426, %add3A_2427 : vector<512x1xf32>, vector<512x1xf32>
    }
    %mul3A_2049 = arith.mulf %get3A_1929, %get3A_1929 : vector<512x64xf32>
    %reduce_sum3A_2050 = arith.constant dense<0.000000e+00> : vector<512xf32>
    %reduce_sum3A_2051 = vector.multi_reduction <add>, %mul3A_2049, %reduce_sum3A_2050 [1] : vector<512x64xf32> to vector<512xf32>
    %broadcast_in_dim3A_2052 = vector.shape_cast %reduce_sum3A_2051 : vector<512xf32> to vector<512x1xf32>
    %neg3A_2053 = arith.constant 0.000000e+00 : f32
    %neg3A_2054 = vector.broadcast %neg3A_2053 : f32 to vector<512x1xf32>
    %neg3A_2055 = arith.subf %neg3A_2054, %broadcast_in_dim3A_2052 : vector<512x1xf32>
    %exp3A_2056 = math.exp %neg3A_2055 : vector<512x1xf32>
    %sub3A_2057 = arith.subf %while3A_2048#0, %exp3A_2056 : vector<512x1xf32>
    %ge3A_2058 = arith.constant 2.000000e+00 : f32
    %ge3A_2059 = vector.broadcast %ge3A_2058 : f32 to vector<512x1xf32>
    %ge3A_2060 = arith.cmpf oge, %while3A_2048#1, %ge3A_2059 : vector<512x1xf32>
    %log3A_2061 = math.log %sub3A_2057 : vector<512x1xf32>
    %neg3A_2062 = arith.constant 0.000000e+00 : f32
    %neg3A_2063 = vector.broadcast %neg3A_2062 : f32 to vector<512x1xf32>
    %neg3A_2064 = arith.subf %neg3A_2063, %log3A_2061 : vector<512x1xf32>
    %jit3A_2065 = arith.constant 0.000000e+00 : f32
    %broadcast_in_dim3A_2066 = vector.broadcast %jit3A_2065 : f32 to vector<512x1xf32>
    %select_n3A_2067 = arith.select %ge3A_2060, %neg3A_2064, %broadcast_in_dim3A_2066 : vector<512x1xi1>, vector<512x1xf32>
    %add3A_2068 = arith.addf %add3A_1919, %select_n3A_2067 : vector<512x1xf32>
    %sub3A_2069 = arith.constant 1.000000e+00 : f32
    %sub3A_2070 = vector.broadcast %sub3A_2069 : f32 to vector<512x1xf32>
    %sub3A_2071 = arith.subf %while3A_2048#1, %sub3A_2070 : vector<512x1xf32>
    %jit3A_2072 = arith.constant 0.000000e+00 : f32
    %broadcast_in_dim3A_2073 = vector.broadcast %jit3A_2072 : f32 to vector<512x1xf32>
    %select_n3A_2074 = arith.select %ge3A_2060, %sub3A_2071, %broadcast_in_dim3A_2073 : vector<512x1xi1>, vector<512x1xf32>
    %add3A_2075 = arith.addf %add3A_1926, %select_n3A_2074 : vector<512x1xf32>
    %get3A_2076 = arith.constant 7168 : index
    %get3A_2077 = arith.constant 0 : index
    %get3A_2078 = vector.load %arg6[%get3A_2076, %get3A_2077] : memref<8960x64xf32, #tpu.memory_space<vmem>>, vector<512x64xf32>
    %get3A_2079 = arith.constant 0 : index
    %get3A_2080 = arith.constant 7168 : index
    %get3A_2081 = vector.load %arg3[%get3A_2079, %get3A_2080] : memref<1x8960xi32, #tpu.memory_space<vmem>>, vector<1x512xi32>
    %get3A_2082 = arith.constant 7168 : index
    %get3A_2083 = memref.load %arg1[%get3A_2082] : memref<8960xi32, #tpu.memory_space<smem>>
    %get3A_2084 = arith.constant 7679 : index
    %get3A_2085 = memref.load %arg1[%get3A_2084] : memref<8960xi32, #tpu.memory_space<smem>>
    %scan3A_2086 = arith.constant 0 : i32
    %scan3A_2087 = arith.constant 8960 : i32
    %scan3A_2088 = arith.constant 0 : i32
    %scan3A_2089 = arith.constant 14 : i32
    %scan3A_2090 = arith.addi %scan3A_2088, %scan3A_2089 : i32
    %scan3A_2091 = arith.constant 1 : i32
    %scan3A_2092:2 = scf.for %scan3A_2390 = %scan3A_2088 to %scan3A_2090 step %scan3A_2091 iter_args(%scan3A_2391 = %scan3A_2086, %scan3A_2392 = %scan3A_2087) -> (i32, i32)  : i32 {
      %add3A_2393 = arith.addi %scan3A_2391, %scan3A_2392 : i32
      %jit3A_2394 = arith.constant 2 : i32
      %div3A_2395 = arith.divsi %add3A_2393, %jit3A_2394 : i32
      %sign3A_2396 = arith.constant 0 : i32
      %sign3A_2397 = arith.cmpi sgt, %add3A_2393, %sign3A_2396 : i32
      %sign3A_2398 = arith.extui %sign3A_2397 : i1 to i32
      %sign3A_2399 = arith.constant 0 : i32
      %sign3A_2400 = arith.cmpi slt, %add3A_2393, %sign3A_2399 : i32
      %sign3A_2401 = arith.extui %sign3A_2400 : i1 to i32
      %sign3A_2402 = arith.subi %sign3A_2398, %sign3A_2401 : i32
      %sign3A_2403 = arith.constant 0 : i32
      %sign3A_2404 = arith.cmpi sgt, %jit3A_2394, %sign3A_2403 : i32
      %sign3A_2405 = arith.extui %sign3A_2404 : i1 to i32
      %sign3A_2406 = arith.constant 0 : i32
      %sign3A_2407 = arith.cmpi slt, %jit3A_2394, %sign3A_2406 : i32
      %sign3A_2408 = arith.extui %sign3A_2407 : i1 to i32
      %sign3A_2409 = arith.subi %sign3A_2405, %sign3A_2408 : i32
      %ne3A_2410 = arith.cmpi ne, %sign3A_2402, %sign3A_2409 : i32
      %rem3A_2411 = arith.remsi %add3A_2393, %jit3A_2394 : i32
      %ne3A_2412 = arith.constant 0 : i32
      %ne3A_2413 = arith.cmpi ne, %rem3A_2411, %ne3A_2412 : i32
      %and3A_2414 = arith.andi %ne3A_2410, %ne3A_2413 : i1
      %sub3A_2415 = arith.constant 1 : i32
      %sub3A_2416 = arith.subi %div3A_2395, %sub3A_2415 : i32
      %select_n3A_2417 = arith.select %and3A_2414, %sub3A_2416, %div3A_2395 : i32
      %lt3A = arith.cmpi slt, %scan3A_2391, %scan3A_2392 : i32
      %get3A_2418 = arith.index_cast %select_n3A_2417 : i32 to index
      %get3A_2419 = memref.load %arg1[%get3A_2418] : memref<8960xi32, #tpu.memory_space<smem>>
      %lt3A_2420 = arith.cmpi slt, %get3A_2419, %get3A_2083 : i32
      %and3A_2421 = arith.andi %lt3A, %lt3A_2420 : i1
      %lt3A_2422 = arith.cmpi slt, %scan3A_2391, %scan3A_2392 : i32
      %not3A = arith.constant true
      %not3A_2423 = arith.xori %and3A_2421, %not3A : i1
      %and3A_2424 = arith.andi %lt3A_2422, %not3A_2423 : i1
      %add3A_2425 = arith.constant 1 : i32
      %add3A_2426 = arith.addi %select_n3A_2417, %add3A_2425 : i32
      %select_n3A_2427 = arith.select %and3A_2421, %add3A_2426, %scan3A_2391 : i32
      %select_n3A_2428 = arith.select %and3A_2424, %select_n3A_2417, %scan3A_2392 : i32
      scf.yield %select_n3A_2427, %select_n3A_2428 : i32, i32
    }
    %add3A_2093 = arith.constant 1 : i32
    %add3A_2094 = arith.addi %get3A_2085, %add3A_2093 : i32
    %scan3A_2095 = arith.constant 0 : i32
    %scan3A_2096 = arith.constant 8960 : i32
    %scan3A_2097 = arith.constant 0 : i32
    %scan3A_2098 = arith.constant 14 : i32
    %scan3A_2099 = arith.addi %scan3A_2097, %scan3A_2098 : i32
    %scan3A_2100 = arith.constant 1 : i32
    %scan3A_2101:2 = scf.for %scan3A_2390 = %scan3A_2097 to %scan3A_2099 step %scan3A_2100 iter_args(%scan3A_2391 = %scan3A_2095, %scan3A_2392 = %scan3A_2096) -> (i32, i32)  : i32 {
      %add3A_2393 = arith.addi %scan3A_2391, %scan3A_2392 : i32
      %jit3A_2394 = arith.constant 2 : i32
      %div3A_2395 = arith.divsi %add3A_2393, %jit3A_2394 : i32
      %sign3A_2396 = arith.constant 0 : i32
      %sign3A_2397 = arith.cmpi sgt, %add3A_2393, %sign3A_2396 : i32
      %sign3A_2398 = arith.extui %sign3A_2397 : i1 to i32
      %sign3A_2399 = arith.constant 0 : i32
      %sign3A_2400 = arith.cmpi slt, %add3A_2393, %sign3A_2399 : i32
      %sign3A_2401 = arith.extui %sign3A_2400 : i1 to i32
      %sign3A_2402 = arith.subi %sign3A_2398, %sign3A_2401 : i32
      %sign3A_2403 = arith.constant 0 : i32
      %sign3A_2404 = arith.cmpi sgt, %jit3A_2394, %sign3A_2403 : i32
      %sign3A_2405 = arith.extui %sign3A_2404 : i1 to i32
      %sign3A_2406 = arith.constant 0 : i32
      %sign3A_2407 = arith.cmpi slt, %jit3A_2394, %sign3A_2406 : i32
      %sign3A_2408 = arith.extui %sign3A_2407 : i1 to i32
      %sign3A_2409 = arith.subi %sign3A_2405, %sign3A_2408 : i32
      %ne3A_2410 = arith.cmpi ne, %sign3A_2402, %sign3A_2409 : i32
      %rem3A_2411 = arith.remsi %add3A_2393, %jit3A_2394 : i32
      %ne3A_2412 = arith.constant 0 : i32
      %ne3A_2413 = arith.cmpi ne, %rem3A_2411, %ne3A_2412 : i32
      %and3A_2414 = arith.andi %ne3A_2410, %ne3A_2413 : i1
      %sub3A_2415 = arith.constant 1 : i32
      %sub3A_2416 = arith.subi %div3A_2395, %sub3A_2415 : i32
      %select_n3A_2417 = arith.select %and3A_2414, %sub3A_2416, %div3A_2395 : i32
      %lt3A = arith.cmpi slt, %scan3A_2391, %scan3A_2392 : i32
      %get3A_2418 = arith.index_cast %select_n3A_2417 : i32 to index
      %get3A_2419 = memref.load %arg1[%get3A_2418] : memref<8960xi32, #tpu.memory_space<smem>>
      %lt3A_2420 = arith.cmpi slt, %get3A_2419, %add3A_2094 : i32
      %and3A_2421 = arith.andi %lt3A, %lt3A_2420 : i1
      %lt3A_2422 = arith.cmpi slt, %scan3A_2391, %scan3A_2392 : i32
      %not3A = arith.constant true
      %not3A_2423 = arith.xori %and3A_2421, %not3A : i1
      %and3A_2424 = arith.andi %lt3A_2422, %not3A_2423 : i1
      %add3A_2425 = arith.constant 1 : i32
      %add3A_2426 = arith.addi %select_n3A_2417, %add3A_2425 : i32
      %select_n3A_2427 = arith.select %and3A_2421, %add3A_2426, %scan3A_2391 : i32
      %select_n3A_2428 = arith.select %and3A_2424, %select_n3A_2417, %scan3A_2392 : i32
      scf.yield %select_n3A_2427, %select_n3A_2428 : i32, i32
    }
    %jit3A_2102 = arith.constant 128 : i32
    %div3A_2103 = arith.divsi %scan3A_2092#0, %jit3A_2102 : i32
    %sign3A_2104 = arith.constant 0 : i32
    %sign3A_2105 = arith.cmpi sgt, %scan3A_2092#0, %sign3A_2104 : i32
    %sign3A_2106 = arith.extui %sign3A_2105 : i1 to i32
    %sign3A_2107 = arith.constant 0 : i32
    %sign3A_2108 = arith.cmpi slt, %scan3A_2092#0, %sign3A_2107 : i32
    %sign3A_2109 = arith.extui %sign3A_2108 : i1 to i32
    %sign3A_2110 = arith.subi %sign3A_2106, %sign3A_2109 : i32
    %sign3A_2111 = arith.constant 0 : i32
    %sign3A_2112 = arith.cmpi sgt, %jit3A_2102, %sign3A_2111 : i32
    %sign3A_2113 = arith.extui %sign3A_2112 : i1 to i32
    %sign3A_2114 = arith.constant 0 : i32
    %sign3A_2115 = arith.cmpi slt, %jit3A_2102, %sign3A_2114 : i32
    %sign3A_2116 = arith.extui %sign3A_2115 : i1 to i32
    %sign3A_2117 = arith.subi %sign3A_2113, %sign3A_2116 : i32
    %ne3A_2118 = arith.cmpi ne, %sign3A_2110, %sign3A_2117 : i32
    %rem3A_2119 = arith.remsi %scan3A_2092#0, %jit3A_2102 : i32
    %ne3A_2120 = arith.constant 0 : i32
    %ne3A_2121 = arith.cmpi ne, %rem3A_2119, %ne3A_2120 : i32
    %and3A_2122 = arith.andi %ne3A_2118, %ne3A_2121 : i1
    %sub3A_2123 = arith.constant 1 : i32
    %sub3A_2124 = arith.subi %div3A_2103, %sub3A_2123 : i32
    %select_n3A_2125 = arith.select %and3A_2122, %sub3A_2124, %div3A_2103 : i32
    %mul3A_2126 = arith.constant 128 : i32
    %mul3A_2127 = arith.muli %select_n3A_2125, %mul3A_2126 : i32
    %sub3A_2128 = arith.subi %scan3A_2101#0, %mul3A_2127 : i32
    %add3A_2129 = arith.constant 768 : i32
    %add3A_2130 = arith.addi %sub3A_2128, %add3A_2129 : i32
    %sub3A_2131 = arith.constant 1 : i32
    %sub3A_2132 = arith.subi %add3A_2130, %sub3A_2131 : i32
    %jit3A_2133 = arith.constant 768 : i32
    %div3A_2134 = arith.divsi %sub3A_2132, %jit3A_2133 : i32
    %sign3A_2135 = arith.constant 0 : i32
    %sign3A_2136 = arith.cmpi sgt, %sub3A_2132, %sign3A_2135 : i32
    %sign3A_2137 = arith.extui %sign3A_2136 : i1 to i32
    %sign3A_2138 = arith.constant 0 : i32
    %sign3A_2139 = arith.cmpi slt, %sub3A_2132, %sign3A_2138 : i32
    %sign3A_2140 = arith.extui %sign3A_2139 : i1 to i32
    %sign3A_2141 = arith.subi %sign3A_2137, %sign3A_2140 : i32
    %sign3A_2142 = arith.constant 0 : i32
    %sign3A_2143 = arith.cmpi sgt, %jit3A_2133, %sign3A_2142 : i32
    %sign3A_2144 = arith.extui %sign3A_2143 : i1 to i32
    %sign3A_2145 = arith.constant 0 : i32
    %sign3A_2146 = arith.cmpi slt, %jit3A_2133, %sign3A_2145 : i32
    %sign3A_2147 = arith.extui %sign3A_2146 : i1 to i32
    %sign3A_2148 = arith.subi %sign3A_2144, %sign3A_2147 : i32
    %ne3A_2149 = arith.cmpi ne, %sign3A_2141, %sign3A_2148 : i32
    %rem3A_2150 = arith.remsi %sub3A_2132, %jit3A_2133 : i32
    %ne3A_2151 = arith.constant 0 : i32
    %ne3A_2152 = arith.cmpi ne, %rem3A_2150, %ne3A_2151 : i32
    %and3A_2153 = arith.andi %ne3A_2149, %ne3A_2152 : i1
    %sub3A_2154 = arith.constant 1 : i32
    %sub3A_2155 = arith.subi %div3A_2134, %sub3A_2154 : i32
    %select_n3A_2156 = arith.select %and3A_2153, %sub3A_2155, %div3A_2134 : i32
    %get3A_2157 = arith.index_cast %mul3A_2127 : i32 to index
    %get3A_2158 = arith.constant 0 : index
    %get3A_2159 = vector.load %arg6[%get3A_2157, %get3A_2158] : memref<8960x64xf32, #tpu.memory_space<vmem>>, vector<768x64xf32>
    %get3A_2160 = arith.constant 0 : index
    %get3A_2161 = arith.index_cast %mul3A_2127 : i32 to index
    %get3A_2162 = vector.load %arg3[%get3A_2160, %get3A_2161] : memref<1x8960xi32, #tpu.memory_space<vmem>>, vector<1x768xi32>
    %dot_general3A_2163 = arith.constant dense<0.000000e+00> : vector<512x768xf32>
    %dot_general3A_2164 = tpu.matmul %get3A_2078, %get3A_2159, %dot_general3A_2163 {dimension_numbers = #tpu.dot_dimension_numbers<[1], [1], [0], [0], [0, 0, 1, 0], [], []>, transpose_lhs_hint = false} : vector<512x64xf32>, vector<768x64xf32>, vector<512x768xf32> -> vector<512x768xf32>
    %transpose3A_2165 = tpu.transpose %get3A_2081, [1, 0] : vector<1x512xi32> -> vector<512x1xi32>
    %eq3A_2166 = vector.broadcast %transpose3A_2165 : vector<512x1xi32> to vector<512x768xi32>
    %eq3A_2167 = vector.broadcast %get3A_2162 : vector<1x768xi32> to vector<512x768xi32>
    %eq3A_2168 = arith.cmpi eq, %eq3A_2166, %eq3A_2167 : vector<512x768xi32>
    %neg3A_2169 = arith.constant 0.000000e+00 : f32
    %neg3A_2170 = vector.broadcast %neg3A_2169 : f32 to vector<512x768xf32>
    %neg3A_2171 = arith.subf %neg3A_2170, %dot_general3A_2164 : vector<512x768xf32>
    %exp3A_2172 = math.exp %neg3A_2171 : vector<512x768xf32>
    %jit3A_2173 = arith.constant 0.000000e+00 : f32
    %broadcast_in_dim3A_2174 = vector.broadcast %jit3A_2173 : f32 to vector<512x768xf32>
    %select_n3A_2175 = arith.select %eq3A_2168, %exp3A_2172, %broadcast_in_dim3A_2174 : vector<512x768xi1>, vector<512x768xf32>
    %jit3A_2176 = arith.constant 1.000000e+00 : f32
    %jit3A_2177 = arith.constant 0.000000e+00 : f32
    %broadcast_in_dim3A_2178 = vector.broadcast %jit3A_2176 : f32 to vector<512x768xf32>
    %broadcast_in_dim3A_2179 = vector.broadcast %jit3A_2177 : f32 to vector<512x768xf32>
    %select_n3A_2180 = arith.select %eq3A_2168, %broadcast_in_dim3A_2178, %broadcast_in_dim3A_2179 : vector<512x768xi1>, vector<512x768xf32>
    %dot_general3A_2181 = arith.constant dense<0.000000e+00> : vector<512x128xf32>
    %dot_general3A_2182 = tpu.matmul %select_n3A_2175, %broadcast_in_dim3A_6, %dot_general3A_2181 {dimension_numbers = #tpu.dot_dimension_numbers<[1], [0], [0], [1], [0, 0, 1, 1], [], []>, transpose_lhs_hint = false} : vector<512x768xf32>, vector<768x128xf32>, vector<512x128xf32> -> vector<512x128xf32>
    %slice3A_2183 = vector.extract_strided_slice %dot_general3A_2182 {offsets = [0, 0], sizes = [512, 1], strides = [1, 1]} : vector<512x128xf32> to vector<512x1xf32>
    %dot_general3A_2184 = arith.constant dense<0.000000e+00> : vector<512x128xf32>
    %dot_general3A_2185 = tpu.matmul %select_n3A_2180, %broadcast_in_dim3A_6, %dot_general3A_2184 {dimension_numbers = #tpu.dot_dimension_numbers<[1], [0], [0], [1], [0, 0, 1, 1], [], []>, transpose_lhs_hint = false} : vector<512x768xf32>, vector<768x128xf32>, vector<512x128xf32> -> vector<512x128xf32>
    %slice3A_2186 = vector.extract_strided_slice %dot_general3A_2185 {offsets = [0, 0], sizes = [512, 1], strides = [1, 1]} : vector<512x128xf32> to vector<512x1xf32>
    %while3A_2187 = arith.constant 1 : i32
    %while3A_2188 = arith.subi %select_n3A_2156, %while3A_2187 : i32
    %while3A_2189 = arith.addi %while3A_2187, %while3A_2188 : i32
    %while3A_2190 = arith.constant 1 : i32
    %while3A_2191 = arith.divsi %while3A_2188, %while3A_2190 : i32
    %while3A_2192 = arith.muli %while3A_2191, %while3A_2190 : i32
    %while3A_2193 = arith.addi %while3A_2187, %while3A_2192 : i32
    %while3A_2194 = arith.constant 1 : i32
    %while3A_2195:2 = scf.for %while3A_2390 = %while3A_2187 to %while3A_2193 step %while3A_2194 iter_args(%while3A_2391 = %slice3A_2183, %while3A_2392 = %slice3A_2186) -> (vector<512x1xf32>, vector<512x1xf32>)  : i32 {
      %mul3A_2393 = arith.constant 768 : i32
      %mul3A_2394 = arith.muli %while3A_2390, %mul3A_2393 : i32
      %add3A_2395 = arith.addi %mul3A_2127, %mul3A_2394 : i32
      %get3A_2396 = arith.index_cast %add3A_2395 : i32 to index
      %get3A_2397 = arith.constant 0 : index
      %get3A_2398 = vector.load %arg6[%get3A_2396, %get3A_2397] : memref<8960x64xf32, #tpu.memory_space<vmem>>, vector<768x64xf32>
      %get3A_2399 = arith.constant 0 : index
      %get3A_2400 = arith.index_cast %add3A_2395 : i32 to index
      %get3A_2401 = vector.load %arg3[%get3A_2399, %get3A_2400] : memref<1x8960xi32, #tpu.memory_space<vmem>>, vector<1x768xi32>
      %dot_general3A_2402 = arith.constant dense<0.000000e+00> : vector<512x768xf32>
      %dot_general3A_2403 = tpu.matmul %get3A_2078, %get3A_2398, %dot_general3A_2402 {dimension_numbers = #tpu.dot_dimension_numbers<[1], [1], [0], [0], [0, 0, 1, 0], [], []>, transpose_lhs_hint = false} : vector<512x64xf32>, vector<768x64xf32>, vector<512x768xf32> -> vector<512x768xf32>
      %transpose3A_2404 = tpu.transpose %get3A_2081, [1, 0] : vector<1x512xi32> -> vector<512x1xi32>
      %eq3A_2405 = vector.broadcast %transpose3A_2404 : vector<512x1xi32> to vector<512x768xi32>
      %eq3A_2406 = vector.broadcast %get3A_2401 : vector<1x768xi32> to vector<512x768xi32>
      %eq3A_2407 = arith.cmpi eq, %eq3A_2405, %eq3A_2406 : vector<512x768xi32>
      %neg3A_2408 = arith.constant 0.000000e+00 : f32
      %neg3A_2409 = vector.broadcast %neg3A_2408 : f32 to vector<512x768xf32>
      %neg3A_2410 = arith.subf %neg3A_2409, %dot_general3A_2403 : vector<512x768xf32>
      %exp3A_2411 = math.exp %neg3A_2410 : vector<512x768xf32>
      %jit3A_2412 = arith.constant 0.000000e+00 : f32
      %broadcast_in_dim3A_2413 = vector.broadcast %jit3A_2412 : f32 to vector<512x768xf32>
      %select_n3A_2414 = arith.select %eq3A_2407, %exp3A_2411, %broadcast_in_dim3A_2413 : vector<512x768xi1>, vector<512x768xf32>
      %jit3A_2415 = arith.constant 1.000000e+00 : f32
      %jit3A_2416 = arith.constant 0.000000e+00 : f32
      %broadcast_in_dim3A_2417 = vector.broadcast %jit3A_2415 : f32 to vector<512x768xf32>
      %broadcast_in_dim3A_2418 = vector.broadcast %jit3A_2416 : f32 to vector<512x768xf32>
      %select_n3A_2419 = arith.select %eq3A_2407, %broadcast_in_dim3A_2417, %broadcast_in_dim3A_2418 : vector<512x768xi1>, vector<512x768xf32>
      %dot_general3A_2420 = arith.constant dense<0.000000e+00> : vector<512x128xf32>
      %dot_general3A_2421 = tpu.matmul %select_n3A_2414, %broadcast_in_dim3A_6, %dot_general3A_2420 {dimension_numbers = #tpu.dot_dimension_numbers<[1], [0], [0], [1], [0, 0, 1, 1], [], []>, transpose_lhs_hint = false} : vector<512x768xf32>, vector<768x128xf32>, vector<512x128xf32> -> vector<512x128xf32>
      %slice3A_2422 = vector.extract_strided_slice %dot_general3A_2421 {offsets = [0, 0], sizes = [512, 1], strides = [1, 1]} : vector<512x128xf32> to vector<512x1xf32>
      %dot_general3A_2423 = arith.constant dense<0.000000e+00> : vector<512x128xf32>
      %dot_general3A_2424 = tpu.matmul %select_n3A_2419, %broadcast_in_dim3A_6, %dot_general3A_2423 {dimension_numbers = #tpu.dot_dimension_numbers<[1], [0], [0], [1], [0, 0, 1, 1], [], []>, transpose_lhs_hint = false} : vector<512x768xf32>, vector<768x128xf32>, vector<512x128xf32> -> vector<512x128xf32>
      %slice3A_2425 = vector.extract_strided_slice %dot_general3A_2424 {offsets = [0, 0], sizes = [512, 1], strides = [1, 1]} : vector<512x128xf32> to vector<512x1xf32>
      %add3A_2426 = arith.addf %while3A_2391, %slice3A_2422 : vector<512x1xf32>
      %add3A_2427 = arith.addf %while3A_2392, %slice3A_2425 : vector<512x1xf32>
      scf.yield %add3A_2426, %add3A_2427 : vector<512x1xf32>, vector<512x1xf32>
    }
    %while3A_2196 = arith.constant 1 : i32
    %while3A_2197:2 = scf.for %while3A_2390 = %while3A_2193 to %while3A_2189 step %while3A_2196 iter_args(%while3A_2391 = %while3A_2195#0, %while3A_2392 = %while3A_2195#1) -> (vector<512x1xf32>, vector<512x1xf32>)  : i32 {
      %mul3A_2393 = arith.constant 768 : i32
      %mul3A_2394 = arith.muli %while3A_2390, %mul3A_2393 : i32
      %add3A_2395 = arith.addi %mul3A_2127, %mul3A_2394 : i32
      %get3A_2396 = arith.index_cast %add3A_2395 : i32 to index
      %get3A_2397 = arith.constant 0 : index
      %get3A_2398 = vector.load %arg6[%get3A_2396, %get3A_2397] : memref<8960x64xf32, #tpu.memory_space<vmem>>, vector<768x64xf32>
      %get3A_2399 = arith.constant 0 : index
      %get3A_2400 = arith.index_cast %add3A_2395 : i32 to index
      %get3A_2401 = vector.load %arg3[%get3A_2399, %get3A_2400] : memref<1x8960xi32, #tpu.memory_space<vmem>>, vector<1x768xi32>
      %dot_general3A_2402 = arith.constant dense<0.000000e+00> : vector<512x768xf32>
      %dot_general3A_2403 = tpu.matmul %get3A_2078, %get3A_2398, %dot_general3A_2402 {dimension_numbers = #tpu.dot_dimension_numbers<[1], [1], [0], [0], [0, 0, 1, 0], [], []>, transpose_lhs_hint = false} : vector<512x64xf32>, vector<768x64xf32>, vector<512x768xf32> -> vector<512x768xf32>
      %transpose3A_2404 = tpu.transpose %get3A_2081, [1, 0] : vector<1x512xi32> -> vector<512x1xi32>
      %eq3A_2405 = vector.broadcast %transpose3A_2404 : vector<512x1xi32> to vector<512x768xi32>
      %eq3A_2406 = vector.broadcast %get3A_2401 : vector<1x768xi32> to vector<512x768xi32>
      %eq3A_2407 = arith.cmpi eq, %eq3A_2405, %eq3A_2406 : vector<512x768xi32>
      %neg3A_2408 = arith.constant 0.000000e+00 : f32
      %neg3A_2409 = vector.broadcast %neg3A_2408 : f32 to vector<512x768xf32>
      %neg3A_2410 = arith.subf %neg3A_2409, %dot_general3A_2403 : vector<512x768xf32>
      %exp3A_2411 = math.exp %neg3A_2410 : vector<512x768xf32>
      %jit3A_2412 = arith.constant 0.000000e+00 : f32
      %broadcast_in_dim3A_2413 = vector.broadcast %jit3A_2412 : f32 to vector<512x768xf32>
      %select_n3A_2414 = arith.select %eq3A_2407, %exp3A_2411, %broadcast_in_dim3A_2413 : vector<512x768xi1>, vector<512x768xf32>
      %jit3A_2415 = arith.constant 1.000000e+00 : f32
      %jit3A_2416 = arith.constant 0.000000e+00 : f32
      %broadcast_in_dim3A_2417 = vector.broadcast %jit3A_2415 : f32 to vector<512x768xf32>
      %broadcast_in_dim3A_2418 = vector.broadcast %jit3A_2416 : f32 to vector<512x768xf32>
      %select_n3A_2419 = arith.select %eq3A_2407, %broadcast_in_dim3A_2417, %broadcast_in_dim3A_2418 : vector<512x768xi1>, vector<512x768xf32>
      %dot_general3A_2420 = arith.constant dense<0.000000e+00> : vector<512x128xf32>
      %dot_general3A_2421 = tpu.matmul %select_n3A_2414, %broadcast_in_dim3A_6, %dot_general3A_2420 {dimension_numbers = #tpu.dot_dimension_numbers<[1], [0], [0], [1], [0, 0, 1, 1], [], []>, transpose_lhs_hint = false} : vector<512x768xf32>, vector<768x128xf32>, vector<512x128xf32> -> vector<512x128xf32>
      %slice3A_2422 = vector.extract_strided_slice %dot_general3A_2421 {offsets = [0, 0], sizes = [512, 1], strides = [1, 1]} : vector<512x128xf32> to vector<512x1xf32>
      %dot_general3A_2423 = arith.constant dense<0.000000e+00> : vector<512x128xf32>
      %dot_general3A_2424 = tpu.matmul %select_n3A_2419, %broadcast_in_dim3A_6, %dot_general3A_2423 {dimension_numbers = #tpu.dot_dimension_numbers<[1], [0], [0], [1], [0, 0, 1, 1], [], []>, transpose_lhs_hint = false} : vector<512x768xf32>, vector<768x128xf32>, vector<512x128xf32> -> vector<512x128xf32>
      %slice3A_2425 = vector.extract_strided_slice %dot_general3A_2424 {offsets = [0, 0], sizes = [512, 1], strides = [1, 1]} : vector<512x128xf32> to vector<512x1xf32>
      %add3A_2426 = arith.addf %while3A_2391, %slice3A_2422 : vector<512x1xf32>
      %add3A_2427 = arith.addf %while3A_2392, %slice3A_2425 : vector<512x1xf32>
      scf.yield %add3A_2426, %add3A_2427 : vector<512x1xf32>, vector<512x1xf32>
    }
    %mul3A_2198 = arith.mulf %get3A_2078, %get3A_2078 : vector<512x64xf32>
    %reduce_sum3A_2199 = arith.constant dense<0.000000e+00> : vector<512xf32>
    %reduce_sum3A_2200 = vector.multi_reduction <add>, %mul3A_2198, %reduce_sum3A_2199 [1] : vector<512x64xf32> to vector<512xf32>
    %broadcast_in_dim3A_2201 = vector.shape_cast %reduce_sum3A_2200 : vector<512xf32> to vector<512x1xf32>
    %neg3A_2202 = arith.constant 0.000000e+00 : f32
    %neg3A_2203 = vector.broadcast %neg3A_2202 : f32 to vector<512x1xf32>
    %neg3A_2204 = arith.subf %neg3A_2203, %broadcast_in_dim3A_2201 : vector<512x1xf32>
    %exp3A_2205 = math.exp %neg3A_2204 : vector<512x1xf32>
    %sub3A_2206 = arith.subf %while3A_2197#0, %exp3A_2205 : vector<512x1xf32>
    %ge3A_2207 = arith.constant 2.000000e+00 : f32
    %ge3A_2208 = vector.broadcast %ge3A_2207 : f32 to vector<512x1xf32>
    %ge3A_2209 = arith.cmpf oge, %while3A_2197#1, %ge3A_2208 : vector<512x1xf32>
    %log3A_2210 = math.log %sub3A_2206 : vector<512x1xf32>
    %neg3A_2211 = arith.constant 0.000000e+00 : f32
    %neg3A_2212 = vector.broadcast %neg3A_2211 : f32 to vector<512x1xf32>
    %neg3A_2213 = arith.subf %neg3A_2212, %log3A_2210 : vector<512x1xf32>
    %jit3A_2214 = arith.constant 0.000000e+00 : f32
    %broadcast_in_dim3A_2215 = vector.broadcast %jit3A_2214 : f32 to vector<512x1xf32>
    %select_n3A_2216 = arith.select %ge3A_2209, %neg3A_2213, %broadcast_in_dim3A_2215 : vector<512x1xi1>, vector<512x1xf32>
    %add3A_2217 = arith.addf %add3A_2068, %select_n3A_2216 : vector<512x1xf32>
    %sub3A_2218 = arith.constant 1.000000e+00 : f32
    %sub3A_2219 = vector.broadcast %sub3A_2218 : f32 to vector<512x1xf32>
    %sub3A_2220 = arith.subf %while3A_2197#1, %sub3A_2219 : vector<512x1xf32>
    %jit3A_2221 = arith.constant 0.000000e+00 : f32
    %broadcast_in_dim3A_2222 = vector.broadcast %jit3A_2221 : f32 to vector<512x1xf32>
    %select_n3A_2223 = arith.select %ge3A_2209, %sub3A_2220, %broadcast_in_dim3A_2222 : vector<512x1xi1>, vector<512x1xf32>
    %add3A_2224 = arith.addf %add3A_2075, %select_n3A_2223 : vector<512x1xf32>
    %get3A_2225 = arith.constant 7680 : index
    %get3A_2226 = arith.constant 0 : index
    %get3A_2227 = vector.load %arg6[%get3A_2225, %get3A_2226] : memref<8960x64xf32, #tpu.memory_space<vmem>>, vector<512x64xf32>
    %get3A_2228 = arith.constant 0 : index
    %get3A_2229 = arith.constant 7680 : index
    %get3A_2230 = vector.load %arg3[%get3A_2228, %get3A_2229] : memref<1x8960xi32, #tpu.memory_space<vmem>>, vector<1x512xi32>
    %get3A_2231 = arith.constant 7680 : index
    %get3A_2232 = memref.load %arg1[%get3A_2231] : memref<8960xi32, #tpu.memory_space<smem>>
    %get3A_2233 = arith.constant 8191 : index
    %get3A_2234 = memref.load %arg1[%get3A_2233] : memref<8960xi32, #tpu.memory_space<smem>>
    %scan3A_2235 = arith.constant 0 : i32
    %scan3A_2236 = arith.constant 8960 : i32
    %scan3A_2237 = arith.constant 0 : i32
    %scan3A_2238 = arith.constant 14 : i32
    %scan3A_2239 = arith.addi %scan3A_2237, %scan3A_2238 : i32
    %scan3A_2240 = arith.constant 1 : i32
    %scan3A_2241:2 = scf.for %scan3A_2390 = %scan3A_2237 to %scan3A_2239 step %scan3A_2240 iter_args(%scan3A_2391 = %scan3A_2235, %scan3A_2392 = %scan3A_2236) -> (i32, i32)  : i32 {
      %add3A_2393 = arith.addi %scan3A_2391, %scan3A_2392 : i32
      %jit3A_2394 = arith.constant 2 : i32
      %div3A_2395 = arith.divsi %add3A_2393, %jit3A_2394 : i32
      %sign3A_2396 = arith.constant 0 : i32
      %sign3A_2397 = arith.cmpi sgt, %add3A_2393, %sign3A_2396 : i32
      %sign3A_2398 = arith.extui %sign3A_2397 : i1 to i32
      %sign3A_2399 = arith.constant 0 : i32
      %sign3A_2400 = arith.cmpi slt, %add3A_2393, %sign3A_2399 : i32
      %sign3A_2401 = arith.extui %sign3A_2400 : i1 to i32
      %sign3A_2402 = arith.subi %sign3A_2398, %sign3A_2401 : i32
      %sign3A_2403 = arith.constant 0 : i32
      %sign3A_2404 = arith.cmpi sgt, %jit3A_2394, %sign3A_2403 : i32
      %sign3A_2405 = arith.extui %sign3A_2404 : i1 to i32
      %sign3A_2406 = arith.constant 0 : i32
      %sign3A_2407 = arith.cmpi slt, %jit3A_2394, %sign3A_2406 : i32
      %sign3A_2408 = arith.extui %sign3A_2407 : i1 to i32
      %sign3A_2409 = arith.subi %sign3A_2405, %sign3A_2408 : i32
      %ne3A_2410 = arith.cmpi ne, %sign3A_2402, %sign3A_2409 : i32
      %rem3A_2411 = arith.remsi %add3A_2393, %jit3A_2394 : i32
      %ne3A_2412 = arith.constant 0 : i32
      %ne3A_2413 = arith.cmpi ne, %rem3A_2411, %ne3A_2412 : i32
      %and3A_2414 = arith.andi %ne3A_2410, %ne3A_2413 : i1
      %sub3A_2415 = arith.constant 1 : i32
      %sub3A_2416 = arith.subi %div3A_2395, %sub3A_2415 : i32
      %select_n3A_2417 = arith.select %and3A_2414, %sub3A_2416, %div3A_2395 : i32
      %lt3A = arith.cmpi slt, %scan3A_2391, %scan3A_2392 : i32
      %get3A_2418 = arith.index_cast %select_n3A_2417 : i32 to index
      %get3A_2419 = memref.load %arg1[%get3A_2418] : memref<8960xi32, #tpu.memory_space<smem>>
      %lt3A_2420 = arith.cmpi slt, %get3A_2419, %get3A_2232 : i32
      %and3A_2421 = arith.andi %lt3A, %lt3A_2420 : i1
      %lt3A_2422 = arith.cmpi slt, %scan3A_2391, %scan3A_2392 : i32
      %not3A = arith.constant true
      %not3A_2423 = arith.xori %and3A_2421, %not3A : i1
      %and3A_2424 = arith.andi %lt3A_2422, %not3A_2423 : i1
      %add3A_2425 = arith.constant 1 : i32
      %add3A_2426 = arith.addi %select_n3A_2417, %add3A_2425 : i32
      %select_n3A_2427 = arith.select %and3A_2421, %add3A_2426, %scan3A_2391 : i32
      %select_n3A_2428 = arith.select %and3A_2424, %select_n3A_2417, %scan3A_2392 : i32
      scf.yield %select_n3A_2427, %select_n3A_2428 : i32, i32
    }
    %add3A_2242 = arith.constant 1 : i32
    %add3A_2243 = arith.addi %get3A_2234, %add3A_2242 : i32
    %scan3A_2244 = arith.constant 0 : i32
    %scan3A_2245 = arith.constant 8960 : i32
    %scan3A_2246 = arith.constant 0 : i32
    %scan3A_2247 = arith.constant 14 : i32
    %scan3A_2248 = arith.addi %scan3A_2246, %scan3A_2247 : i32
    %scan3A_2249 = arith.constant 1 : i32
    %scan3A_2250:2 = scf.for %scan3A_2390 = %scan3A_2246 to %scan3A_2248 step %scan3A_2249 iter_args(%scan3A_2391 = %scan3A_2244, %scan3A_2392 = %scan3A_2245) -> (i32, i32)  : i32 {
      %add3A_2393 = arith.addi %scan3A_2391, %scan3A_2392 : i32
      %jit3A_2394 = arith.constant 2 : i32
      %div3A_2395 = arith.divsi %add3A_2393, %jit3A_2394 : i32
      %sign3A_2396 = arith.constant 0 : i32
      %sign3A_2397 = arith.cmpi sgt, %add3A_2393, %sign3A_2396 : i32
      %sign3A_2398 = arith.extui %sign3A_2397 : i1 to i32
      %sign3A_2399 = arith.constant 0 : i32
      %sign3A_2400 = arith.cmpi slt, %add3A_2393, %sign3A_2399 : i32
      %sign3A_2401 = arith.extui %sign3A_2400 : i1 to i32
      %sign3A_2402 = arith.subi %sign3A_2398, %sign3A_2401 : i32
      %sign3A_2403 = arith.constant 0 : i32
      %sign3A_2404 = arith.cmpi sgt, %jit3A_2394, %sign3A_2403 : i32
      %sign3A_2405 = arith.extui %sign3A_2404 : i1 to i32
      %sign3A_2406 = arith.constant 0 : i32
      %sign3A_2407 = arith.cmpi slt, %jit3A_2394, %sign3A_2406 : i32
      %sign3A_2408 = arith.extui %sign3A_2407 : i1 to i32
      %sign3A_2409 = arith.subi %sign3A_2405, %sign3A_2408 : i32
      %ne3A_2410 = arith.cmpi ne, %sign3A_2402, %sign3A_2409 : i32
      %rem3A_2411 = arith.remsi %add3A_2393, %jit3A_2394 : i32
      %ne3A_2412 = arith.constant 0 : i32
      %ne3A_2413 = arith.cmpi ne, %rem3A_2411, %ne3A_2412 : i32
      %and3A_2414 = arith.andi %ne3A_2410, %ne3A_2413 : i1
      %sub3A_2415 = arith.constant 1 : i32
      %sub3A_2416 = arith.subi %div3A_2395, %sub3A_2415 : i32
      %select_n3A_2417 = arith.select %and3A_2414, %sub3A_2416, %div3A_2395 : i32
      %lt3A = arith.cmpi slt, %scan3A_2391, %scan3A_2392 : i32
      %get3A_2418 = arith.index_cast %select_n3A_2417 : i32 to index
      %get3A_2419 = memref.load %arg1[%get3A_2418] : memref<8960xi32, #tpu.memory_space<smem>>
      %lt3A_2420 = arith.cmpi slt, %get3A_2419, %add3A_2243 : i32
      %and3A_2421 = arith.andi %lt3A, %lt3A_2420 : i1
      %lt3A_2422 = arith.cmpi slt, %scan3A_2391, %scan3A_2392 : i32
      %not3A = arith.constant true
      %not3A_2423 = arith.xori %and3A_2421, %not3A : i1
      %and3A_2424 = arith.andi %lt3A_2422, %not3A_2423 : i1
      %add3A_2425 = arith.constant 1 : i32
      %add3A_2426 = arith.addi %select_n3A_2417, %add3A_2425 : i32
      %select_n3A_2427 = arith.select %and3A_2421, %add3A_2426, %scan3A_2391 : i32
      %select_n3A_2428 = arith.select %and3A_2424, %select_n3A_2417, %scan3A_2392 : i32
      scf.yield %select_n3A_2427, %select_n3A_2428 : i32, i32
    }
    %jit3A_2251 = arith.constant 128 : i32
    %div3A_2252 = arith.divsi %scan3A_2241#0, %jit3A_2251 : i32
    %sign3A_2253 = arith.constant 0 : i32
    %sign3A_2254 = arith.cmpi sgt, %scan3A_2241#0, %sign3A_2253 : i32
    %sign3A_2255 = arith.extui %sign3A_2254 : i1 to i32
    %sign3A_2256 = arith.constant 0 : i32
    %sign3A_2257 = arith.cmpi slt, %scan3A_2241#0, %sign3A_2256 : i32
    %sign3A_2258 = arith.extui %sign3A_2257 : i1 to i32
    %sign3A_2259 = arith.subi %sign3A_2255, %sign3A_2258 : i32
    %sign3A_2260 = arith.constant 0 : i32
    %sign3A_2261 = arith.cmpi sgt, %jit3A_2251, %sign3A_2260 : i32
    %sign3A_2262 = arith.extui %sign3A_2261 : i1 to i32
    %sign3A_2263 = arith.constant 0 : i32
    %sign3A_2264 = arith.cmpi slt, %jit3A_2251, %sign3A_2263 : i32
    %sign3A_2265 = arith.extui %sign3A_2264 : i1 to i32
    %sign3A_2266 = arith.subi %sign3A_2262, %sign3A_2265 : i32
    %ne3A_2267 = arith.cmpi ne, %sign3A_2259, %sign3A_2266 : i32
    %rem3A_2268 = arith.remsi %scan3A_2241#0, %jit3A_2251 : i32
    %ne3A_2269 = arith.constant 0 : i32
    %ne3A_2270 = arith.cmpi ne, %rem3A_2268, %ne3A_2269 : i32
    %and3A_2271 = arith.andi %ne3A_2267, %ne3A_2270 : i1
    %sub3A_2272 = arith.constant 1 : i32
    %sub3A_2273 = arith.subi %div3A_2252, %sub3A_2272 : i32
    %select_n3A_2274 = arith.select %and3A_2271, %sub3A_2273, %div3A_2252 : i32
    %mul3A_2275 = arith.constant 128 : i32
    %mul3A_2276 = arith.muli %select_n3A_2274, %mul3A_2275 : i32
    %sub3A_2277 = arith.subi %scan3A_2250#0, %mul3A_2276 : i32
    %add3A_2278 = arith.constant 768 : i32
    %add3A_2279 = arith.addi %sub3A_2277, %add3A_2278 : i32
    %sub3A_2280 = arith.constant 1 : i32
    %sub3A_2281 = arith.subi %add3A_2279, %sub3A_2280 : i32
    %jit3A_2282 = arith.constant 768 : i32
    %div3A_2283 = arith.divsi %sub3A_2281, %jit3A_2282 : i32
    %sign3A_2284 = arith.constant 0 : i32
    %sign3A_2285 = arith.cmpi sgt, %sub3A_2281, %sign3A_2284 : i32
    %sign3A_2286 = arith.extui %sign3A_2285 : i1 to i32
    %sign3A_2287 = arith.constant 0 : i32
    %sign3A_2288 = arith.cmpi slt, %sub3A_2281, %sign3A_2287 : i32
    %sign3A_2289 = arith.extui %sign3A_2288 : i1 to i32
    %sign3A_2290 = arith.subi %sign3A_2286, %sign3A_2289 : i32
    %sign3A_2291 = arith.constant 0 : i32
    %sign3A_2292 = arith.cmpi sgt, %jit3A_2282, %sign3A_2291 : i32
    %sign3A_2293 = arith.extui %sign3A_2292 : i1 to i32
    %sign3A_2294 = arith.constant 0 : i32
    %sign3A_2295 = arith.cmpi slt, %jit3A_2282, %sign3A_2294 : i32
    %sign3A_2296 = arith.extui %sign3A_2295 : i1 to i32
    %sign3A_2297 = arith.subi %sign3A_2293, %sign3A_2296 : i32
    %ne3A_2298 = arith.cmpi ne, %sign3A_2290, %sign3A_2297 : i32
    %rem3A_2299 = arith.remsi %sub3A_2281, %jit3A_2282 : i32
    %ne3A_2300 = arith.constant 0 : i32
    %ne3A_2301 = arith.cmpi ne, %rem3A_2299, %ne3A_2300 : i32
    %and3A_2302 = arith.andi %ne3A_2298, %ne3A_2301 : i1
    %sub3A_2303 = arith.constant 1 : i32
    %sub3A_2304 = arith.subi %div3A_2283, %sub3A_2303 : i32
    %select_n3A_2305 = arith.select %and3A_2302, %sub3A_2304, %div3A_2283 : i32
    %get3A_2306 = arith.index_cast %mul3A_2276 : i32 to index
    %get3A_2307 = arith.constant 0 : index
    %get3A_2308 = vector.load %arg6[%get3A_2306, %get3A_2307] : memref<8960x64xf32, #tpu.memory_space<vmem>>, vector<768x64xf32>
    %get3A_2309 = arith.constant 0 : index
    %get3A_2310 = arith.index_cast %mul3A_2276 : i32 to index
    %get3A_2311 = vector.load %arg3[%get3A_2309, %get3A_2310] : memref<1x8960xi32, #tpu.memory_space<vmem>>, vector<1x768xi32>
    %dot_general3A_2312 = arith.constant dense<0.000000e+00> : vector<512x768xf32>
    %dot_general3A_2313 = tpu.matmul %get3A_2227, %get3A_2308, %dot_general3A_2312 {dimension_numbers = #tpu.dot_dimension_numbers<[1], [1], [0], [0], [0, 0, 1, 0], [], []>, transpose_lhs_hint = false} : vector<512x64xf32>, vector<768x64xf32>, vector<512x768xf32> -> vector<512x768xf32>
    %transpose3A_2314 = tpu.transpose %get3A_2230, [1, 0] : vector<1x512xi32> -> vector<512x1xi32>
    %eq3A_2315 = vector.broadcast %transpose3A_2314 : vector<512x1xi32> to vector<512x768xi32>
    %eq3A_2316 = vector.broadcast %get3A_2311 : vector<1x768xi32> to vector<512x768xi32>
    %eq3A_2317 = arith.cmpi eq, %eq3A_2315, %eq3A_2316 : vector<512x768xi32>
    %neg3A_2318 = arith.constant 0.000000e+00 : f32
    %neg3A_2319 = vector.broadcast %neg3A_2318 : f32 to vector<512x768xf32>
    %neg3A_2320 = arith.subf %neg3A_2319, %dot_general3A_2313 : vector<512x768xf32>
    %exp3A_2321 = math.exp %neg3A_2320 : vector<512x768xf32>
    %jit3A_2322 = arith.constant 0.000000e+00 : f32
    %broadcast_in_dim3A_2323 = vector.broadcast %jit3A_2322 : f32 to vector<512x768xf32>
    %select_n3A_2324 = arith.select %eq3A_2317, %exp3A_2321, %broadcast_in_dim3A_2323 : vector<512x768xi1>, vector<512x768xf32>
    %jit3A_2325 = arith.constant 1.000000e+00 : f32
    %jit3A_2326 = arith.constant 0.000000e+00 : f32
    %broadcast_in_dim3A_2327 = vector.broadcast %jit3A_2325 : f32 to vector<512x768xf32>
    %broadcast_in_dim3A_2328 = vector.broadcast %jit3A_2326 : f32 to vector<512x768xf32>
    %select_n3A_2329 = arith.select %eq3A_2317, %broadcast_in_dim3A_2327, %broadcast_in_dim3A_2328 : vector<512x768xi1>, vector<512x768xf32>
    %dot_general3A_2330 = arith.constant dense<0.000000e+00> : vector<512x128xf32>
    %dot_general3A_2331 = tpu.matmul %select_n3A_2324, %broadcast_in_dim3A_6, %dot_general3A_2330 {dimension_numbers = #tpu.dot_dimension_numbers<[1], [0], [0], [1], [0, 0, 1, 1], [], []>, transpose_lhs_hint = false} : vector<512x768xf32>, vector<768x128xf32>, vector<512x128xf32> -> vector<512x128xf32>
    %slice3A_2332 = vector.extract_strided_slice %dot_general3A_2331 {offsets = [0, 0], sizes = [512, 1], strides = [1, 1]} : vector<512x128xf32> to vector<512x1xf32>
    %dot_general3A_2333 = arith.constant dense<0.000000e+00> : vector<512x128xf32>
    %dot_general3A_2334 = tpu.matmul %select_n3A_2329, %broadcast_in_dim3A_6, %dot_general3A_2333 {dimension_numbers = #tpu.dot_dimension_numbers<[1], [0], [0], [1], [0, 0, 1, 1], [], []>, transpose_lhs_hint = false} : vector<512x768xf32>, vector<768x128xf32>, vector<512x128xf32> -> vector<512x128xf32>
    %slice3A_2335 = vector.extract_strided_slice %dot_general3A_2334 {offsets = [0, 0], sizes = [512, 1], strides = [1, 1]} : vector<512x128xf32> to vector<512x1xf32>
    %while3A_2336 = arith.constant 1 : i32
    %while3A_2337 = arith.subi %select_n3A_2305, %while3A_2336 : i32
    %while3A_2338 = arith.addi %while3A_2336, %while3A_2337 : i32
    %while3A_2339 = arith.constant 1 : i32
    %while3A_2340 = arith.divsi %while3A_2337, %while3A_2339 : i32
    %while3A_2341 = arith.muli %while3A_2340, %while3A_2339 : i32
    %while3A_2342 = arith.addi %while3A_2336, %while3A_2341 : i32
    %while3A_2343 = arith.constant 1 : i32
    %while3A_2344:2 = scf.for %while3A_2390 = %while3A_2336 to %while3A_2342 step %while3A_2343 iter_args(%while3A_2391 = %slice3A_2332, %while3A_2392 = %slice3A_2335) -> (vector<512x1xf32>, vector<512x1xf32>)  : i32 {
      %mul3A_2393 = arith.constant 768 : i32
      %mul3A_2394 = arith.muli %while3A_2390, %mul3A_2393 : i32
      %add3A_2395 = arith.addi %mul3A_2276, %mul3A_2394 : i32
      %get3A_2396 = arith.index_cast %add3A_2395 : i32 to index
      %get3A_2397 = arith.constant 0 : index
      %get3A_2398 = vector.load %arg6[%get3A_2396, %get3A_2397] : memref<8960x64xf32, #tpu.memory_space<vmem>>, vector<768x64xf32>
      %get3A_2399 = arith.constant 0 : index
      %get3A_2400 = arith.index_cast %add3A_2395 : i32 to index
      %get3A_2401 = vector.load %arg3[%get3A_2399, %get3A_2400] : memref<1x8960xi32, #tpu.memory_space<vmem>>, vector<1x768xi32>
      %dot_general3A_2402 = arith.constant dense<0.000000e+00> : vector<512x768xf32>
      %dot_general3A_2403 = tpu.matmul %get3A_2227, %get3A_2398, %dot_general3A_2402 {dimension_numbers = #tpu.dot_dimension_numbers<[1], [1], [0], [0], [0, 0, 1, 0], [], []>, transpose_lhs_hint = false} : vector<512x64xf32>, vector<768x64xf32>, vector<512x768xf32> -> vector<512x768xf32>
      %transpose3A_2404 = tpu.transpose %get3A_2230, [1, 0] : vector<1x512xi32> -> vector<512x1xi32>
      %eq3A_2405 = vector.broadcast %transpose3A_2404 : vector<512x1xi32> to vector<512x768xi32>
      %eq3A_2406 = vector.broadcast %get3A_2401 : vector<1x768xi32> to vector<512x768xi32>
      %eq3A_2407 = arith.cmpi eq, %eq3A_2405, %eq3A_2406 : vector<512x768xi32>
      %neg3A_2408 = arith.constant 0.000000e+00 : f32
      %neg3A_2409 = vector.broadcast %neg3A_2408 : f32 to vector<512x768xf32>
      %neg3A_2410 = arith.subf %neg3A_2409, %dot_general3A_2403 : vector<512x768xf32>
      %exp3A_2411 = math.exp %neg3A_2410 : vector<512x768xf32>
      %jit3A_2412 = arith.constant 0.000000e+00 : f32
      %broadcast_in_dim3A_2413 = vector.broadcast %jit3A_2412 : f32 to vector<512x768xf32>
      %select_n3A_2414 = arith.select %eq3A_2407, %exp3A_2411, %broadcast_in_dim3A_2413 : vector<512x768xi1>, vector<512x768xf32>
      %jit3A_2415 = arith.constant 1.000000e+00 : f32
      %jit3A_2416 = arith.constant 0.000000e+00 : f32
      %broadcast_in_dim3A_2417 = vector.broadcast %jit3A_2415 : f32 to vector<512x768xf32>
      %broadcast_in_dim3A_2418 = vector.broadcast %jit3A_2416 : f32 to vector<512x768xf32>
      %select_n3A_2419 = arith.select %eq3A_2407, %broadcast_in_dim3A_2417, %broadcast_in_dim3A_2418 : vector<512x768xi1>, vector<512x768xf32>
      %dot_general3A_2420 = arith.constant dense<0.000000e+00> : vector<512x128xf32>
      %dot_general3A_2421 = tpu.matmul %select_n3A_2414, %broadcast_in_dim3A_6, %dot_general3A_2420 {dimension_numbers = #tpu.dot_dimension_numbers<[1], [0], [0], [1], [0, 0, 1, 1], [], []>, transpose_lhs_hint = false} : vector<512x768xf32>, vector<768x128xf32>, vector<512x128xf32> -> vector<512x128xf32>
      %slice3A_2422 = vector.extract_strided_slice %dot_general3A_2421 {offsets = [0, 0], sizes = [512, 1], strides = [1, 1]} : vector<512x128xf32> to vector<512x1xf32>
      %dot_general3A_2423 = arith.constant dense<0.000000e+00> : vector<512x128xf32>
      %dot_general3A_2424 = tpu.matmul %select_n3A_2419, %broadcast_in_dim3A_6, %dot_general3A_2423 {dimension_numbers = #tpu.dot_dimension_numbers<[1], [0], [0], [1], [0, 0, 1, 1], [], []>, transpose_lhs_hint = false} : vector<512x768xf32>, vector<768x128xf32>, vector<512x128xf32> -> vector<512x128xf32>
      %slice3A_2425 = vector.extract_strided_slice %dot_general3A_2424 {offsets = [0, 0], sizes = [512, 1], strides = [1, 1]} : vector<512x128xf32> to vector<512x1xf32>
      %add3A_2426 = arith.addf %while3A_2391, %slice3A_2422 : vector<512x1xf32>
      %add3A_2427 = arith.addf %while3A_2392, %slice3A_2425 : vector<512x1xf32>
      scf.yield %add3A_2426, %add3A_2427 : vector<512x1xf32>, vector<512x1xf32>
    }
    %while3A_2345 = arith.constant 1 : i32
    %while3A_2346:2 = scf.for %while3A_2390 = %while3A_2342 to %while3A_2338 step %while3A_2345 iter_args(%while3A_2391 = %while3A_2344#0, %while3A_2392 = %while3A_2344#1) -> (vector<512x1xf32>, vector<512x1xf32>)  : i32 {
      %mul3A_2393 = arith.constant 768 : i32
      %mul3A_2394 = arith.muli %while3A_2390, %mul3A_2393 : i32
      %add3A_2395 = arith.addi %mul3A_2276, %mul3A_2394 : i32
      %get3A_2396 = arith.index_cast %add3A_2395 : i32 to index
      %get3A_2397 = arith.constant 0 : index
      %get3A_2398 = vector.load %arg6[%get3A_2396, %get3A_2397] : memref<8960x64xf32, #tpu.memory_space<vmem>>, vector<768x64xf32>
      %get3A_2399 = arith.constant 0 : index
      %get3A_2400 = arith.index_cast %add3A_2395 : i32 to index
      %get3A_2401 = vector.load %arg3[%get3A_2399, %get3A_2400] : memref<1x8960xi32, #tpu.memory_space<vmem>>, vector<1x768xi32>
      %dot_general3A_2402 = arith.constant dense<0.000000e+00> : vector<512x768xf32>
      %dot_general3A_2403 = tpu.matmul %get3A_2227, %get3A_2398, %dot_general3A_2402 {dimension_numbers = #tpu.dot_dimension_numbers<[1], [1], [0], [0], [0, 0, 1, 0], [], []>, transpose_lhs_hint = false} : vector<512x64xf32>, vector<768x64xf32>, vector<512x768xf32> -> vector<512x768xf32>
      %transpose3A_2404 = tpu.transpose %get3A_2230, [1, 0] : vector<1x512xi32> -> vector<512x1xi32>
      %eq3A_2405 = vector.broadcast %transpose3A_2404 : vector<512x1xi32> to vector<512x768xi32>
      %eq3A_2406 = vector.broadcast %get3A_2401 : vector<1x768xi32> to vector<512x768xi32>
      %eq3A_2407 = arith.cmpi eq, %eq3A_2405, %eq3A_2406 : vector<512x768xi32>
      %neg3A_2408 = arith.constant 0.000000e+00 : f32
      %neg3A_2409 = vector.broadcast %neg3A_2408 : f32 to vector<512x768xf32>
      %neg3A_2410 = arith.subf %neg3A_2409, %dot_general3A_2403 : vector<512x768xf32>
      %exp3A_2411 = math.exp %neg3A_2410 : vector<512x768xf32>
      %jit3A_2412 = arith.constant 0.000000e+00 : f32
      %broadcast_in_dim3A_2413 = vector.broadcast %jit3A_2412 : f32 to vector<512x768xf32>
      %select_n3A_2414 = arith.select %eq3A_2407, %exp3A_2411, %broadcast_in_dim3A_2413 : vector<512x768xi1>, vector<512x768xf32>
      %jit3A_2415 = arith.constant 1.000000e+00 : f32
      %jit3A_2416 = arith.constant 0.000000e+00 : f32
      %broadcast_in_dim3A_2417 = vector.broadcast %jit3A_2415 : f32 to vector<512x768xf32>
      %broadcast_in_dim3A_2418 = vector.broadcast %jit3A_2416 : f32 to vector<512x768xf32>
      %select_n3A_2419 = arith.select %eq3A_2407, %broadcast_in_dim3A_2417, %broadcast_in_dim3A_2418 : vector<512x768xi1>, vector<512x768xf32>
      %dot_general3A_2420 = arith.constant dense<0.000000e+00> : vector<512x128xf32>
      %dot_general3A_2421 = tpu.matmul %select_n3A_2414, %broadcast_in_dim3A_6, %dot_general3A_2420 {dimension_numbers = #tpu.dot_dimension_numbers<[1], [0], [0], [1], [0, 0, 1, 1], [], []>, transpose_lhs_hint = false} : vector<512x768xf32>, vector<768x128xf32>, vector<512x128xf32> -> vector<512x128xf32>
      %slice3A_2422 = vector.extract_strided_slice %dot_general3A_2421 {offsets = [0, 0], sizes = [512, 1], strides = [1, 1]} : vector<512x128xf32> to vector<512x1xf32>
      %dot_general3A_2423 = arith.constant dense<0.000000e+00> : vector<512x128xf32>
      %dot_general3A_2424 = tpu.matmul %select_n3A_2419, %broadcast_in_dim3A_6, %dot_general3A_2423 {dimension_numbers = #tpu.dot_dimension_numbers<[1], [0], [0], [1], [0, 0, 1, 1], [], []>, transpose_lhs_hint = false} : vector<512x768xf32>, vector<768x128xf32>, vector<512x128xf32> -> vector<512x128xf32>
      %slice3A_2425 = vector.extract_strided_slice %dot_general3A_2424 {offsets = [0, 0], sizes = [512, 1], strides = [1, 1]} : vector<512x128xf32> to vector<512x1xf32>
      %add3A_2426 = arith.addf %while3A_2391, %slice3A_2422 : vector<512x1xf32>
      %add3A_2427 = arith.addf %while3A_2392, %slice3A_2425 : vector<512x1xf32>
      scf.yield %add3A_2426, %add3A_2427 : vector<512x1xf32>, vector<512x1xf32>
    }
    %mul3A_2347 = arith.mulf %get3A_2227, %get3A_2227 : vector<512x64xf32>
    %reduce_sum3A_2348 = arith.constant dense<0.000000e+00> : vector<512xf32>
    %reduce_sum3A_2349 = vector.multi_reduction <add>, %mul3A_2347, %reduce_sum3A_2348 [1] : vector<512x64xf32> to vector<512xf32>
    %broadcast_in_dim3A_2350 = vector.shape_cast %reduce_sum3A_2349 : vector<512xf32> to vector<512x1xf32>
    %neg3A_2351 = arith.constant 0.000000e+00 : f32
    %neg3A_2352 = vector.broadcast %neg3A_2351 : f32 to vector<512x1xf32>
    %neg3A_2353 = arith.subf %neg3A_2352, %broadcast_in_dim3A_2350 : vector<512x1xf32>
    %exp3A_2354 = math.exp %neg3A_2353 : vector<512x1xf32>
    %sub3A_2355 = arith.subf %while3A_2346#0, %exp3A_2354 : vector<512x1xf32>
    %ge3A_2356 = arith.constant 2.000000e+00 : f32
    %ge3A_2357 = vector.broadcast %ge3A_2356 : f32 to vector<512x1xf32>
    %ge3A_2358 = arith.cmpf oge, %while3A_2346#1, %ge3A_2357 : vector<512x1xf32>
    %log3A_2359 = math.log %sub3A_2355 : vector<512x1xf32>
    %neg3A_2360 = arith.constant 0.000000e+00 : f32
    %neg3A_2361 = vector.broadcast %neg3A_2360 : f32 to vector<512x1xf32>
    %neg3A_2362 = arith.subf %neg3A_2361, %log3A_2359 : vector<512x1xf32>
    %jit3A_2363 = arith.constant 0.000000e+00 : f32
    %broadcast_in_dim3A_2364 = vector.broadcast %jit3A_2363 : f32 to vector<512x1xf32>
    %select_n3A_2365 = arith.select %ge3A_2358, %neg3A_2362, %broadcast_in_dim3A_2364 : vector<512x1xi1>, vector<512x1xf32>
    %add3A_2366 = arith.addf %add3A_2217, %select_n3A_2365 : vector<512x1xf32>
    %sub3A_2367 = arith.constant 1.000000e+00 : f32
    %sub3A_2368 = vector.broadcast %sub3A_2367 : f32 to vector<512x1xf32>
    %sub3A_2369 = arith.subf %while3A_2346#1, %sub3A_2368 : vector<512x1xf32>
    %jit3A_2370 = arith.constant 0.000000e+00 : f32
    %broadcast_in_dim3A_2371 = vector.broadcast %jit3A_2370 : f32 to vector<512x1xf32>
    %select_n3A_2372 = arith.select %ge3A_2358, %sub3A_2369, %broadcast_in_dim3A_2371 : vector<512x1xi1>, vector<512x1xf32>
    %add3A_2373 = arith.addf %add3A_2224, %select_n3A_2372 : vector<512x1xf32>
    %reduce_sum3A_2374 = vector.shape_cast %add3A_2366 : vector<512x1xf32> to vector<1x512x1xf32>
    %reduce_sum3A_2375 = arith.constant dense<0.000000e+00> : vector<1xf32>
    %reduce_sum3A_2376 = vector.multi_reduction <add>, %reduce_sum3A_2374, %reduce_sum3A_2375 [1, 2] : vector<1x512x1xf32> to vector<1xf32>
    %reduce_sum3A_2377 = vector.shape_cast %reduce_sum3A_2376 : vector<1xf32> to vector<1x1x1xf32>
    %reduce_sum3A_2378 = vector.extract %reduce_sum3A_2377[0, 0, 0] : f32 from vector<1x1x1xf32>
    %reshape3A = vector.broadcast %reduce_sum3A_2378 : f32 to vector<1x1xf32>
    %swap3A = arith.constant 0 : index
    %swap3A_2379 = arith.constant 0 : index
    %swap3A_2380 = vector.load %arg4[%swap3A, %swap3A_2379] : memref<1x1xf32, #tpu.memory_space<vmem>>, vector<1x1xf32>
    tpu.vector_store %arg4[%swap3A, %swap3A_2379], %reshape3A {strides = array<i32>} : memref<1x1xf32, #tpu.memory_space<vmem>>, vector<1x1xf32>,
    %convert_element_type3A = arith.fptosi %add3A_2373 : vector<512x1xf32> to vector<512x1xi32>
    %reduce_sum3A_2381 = vector.shape_cast %convert_element_type3A : vector<512x1xi32> to vector<1x512x1xi32>
    %reduce_sum3A_2382 = arith.constant dense<0> : vector<1xi32>
    %reduce_sum3A_2383 = vector.multi_reduction <add>, %reduce_sum3A_2381, %reduce_sum3A_2382 [1, 2] : vector<1x512x1xi32> to vector<1xi32>
    %reduce_sum3A_2384 = vector.shape_cast %reduce_sum3A_2383 : vector<1xi32> to vector<1x1x1xi32>
    %reduce_sum3A_2385 = vector.extract %reduce_sum3A_2384[0, 0, 0] : i32 from vector<1x1x1xi32>
    %reshape3A_2386 = vector.broadcast %reduce_sum3A_2385 : i32 to vector<1x1xi32>
    %swap3A_2387 = arith.constant 0 : index
    %swap3A_2388 = arith.constant 0 : index
    %swap3A_2389 = vector.load %arg5[%swap3A_2387, %swap3A_2388] : memref<1x1xi32, #tpu.memory_space<vmem>>, vector<1x1xi32>
    tpu.vector_store %arg5[%swap3A_2387, %swap3A_2388], %reshape3A_2386 {strides = array<i32>} : memref<1x1xi32, #tpu.memory_space<vmem>>, vector<1x1xi32>,
    return
  }
  func.func @transform_0(%arg0: i32, %arg1: memref<8960xi32, #tpu.memory_space<smem>>) -> (i32, i32) {
    %c0_i32 = arith.constant 0 : i32
    %c0_i32_0 = arith.constant 0 : i32
    %c0_i32_1 = arith.constant 0 : i32
    return %c0_i32, %c0_i32_0 : i32, i32
  }
  func.func @transform_1(%arg0: i32, %arg1: memref<8960xi32, #tpu.memory_space<smem>>) -> (i32, i32) {
    %c0_i32 = arith.constant 0 : i32
    %c0_i32_0 = arith.constant 0 : i32
    %c0_i32_1 = arith.constant 0 : i32
    return %c0_i32, %c0_i32_0 : i32, i32
  }
  func.func @transform_2(%arg0: i32, %arg1: memref<8960xi32, #tpu.memory_space<smem>>) -> (i32, i32) {
    %c0_i32 = arith.constant 0 : i32
    %c0_i32_0 = arith.constant 0 : i32
    %c0_i32_1 = arith.constant 0 : i32
    return %c0_i32, %c0_i32_0 : i32, i32
  }
  func.func @transform_3(%arg0: i32, %arg1: memref<8960xi32, #tpu.memory_space<smem>>) -> (i32, i32) {
    %c0_i32 = arith.constant 0 : i32
    %c0_i32_0 = arith.constant 0 : i32
    %c0_i32_1 = arith.constant 0 : i32
    return %c0_i32, %c0_i32_0 : i32, i32
  }
}

</mosaic_0001>

<sc_bundles>
// kernel: kernel.4.cloned.1.call-start
scs
__scs_entry_jumppad:
0x0: {  	(pc) =	sbr.rel $0x88, $3  }
0x1: {  	(tag) =	ssettag $0x0;
	lr =	simm.s32 $0x1  }
0x2: {  	[smem:$0x3F9F] =	sst lr;
	_ =	strace $0xD0000000  }
0x3: {  	_ = 	snop  }
0x4: {  	_ = 	snop  }
0x5: {  	_ = 	snop  }
0x6: {  	_ = 	snop  }
0x7: {  	_ = 	snop  }
__scs_overlays_trampoline_lowered:
0x8: {  	[smem:$0x3FAE] =	sst s0  }
0x9: {  	[smem:$0x3FAF] =	sst s1  }
0xa: {  	[smem:$0x3FB0] =	sst s2  }
0xb: {  	[smem:$0x3FB1] =	sst s3  }
0xc: {  	[smem:$0x3FB2] =	sst s4  }
0xd: {  	[smem:$0x3FB3] =	sst s5  }
0xe: {  	[smem:$0x3FB4] =	sst s6  }
0xf: {  	[smem:$0x3FB5] =	sst s7  }
0x10: {  	[smem:$0x3FB6] =	sst s8  }
0x11: {  	[smem:$0x3FB7] =	sst s9;
	s0 =	simm.s32 @!p0 $0x0  }
0x12: {  	s1 =	sld [smem:$0x3F9D];
	s0 =	simm.s32 @p0 $0x1  }
0x13: {  	[smem:$0x3FB8] =	sst s0;
	s0 =	simm.s32 @!p1 $0x0  }
0x14: {  	s2 =	sld [smem:$0x3F9C];
	s0 =	simm.s32 @p1 $0x1  }
0x15: {  	[smem:$0x3FB9] =	sst s0;
	s0 =	simm.s32 @!p2 $0x0  }
0x16: {  	s3 =	sld [smem:$0x3FDB];
	s0 =	simm.s32 @p2 $0x1  }
0x17: {  	s4 =	simm.s32 $0x1BF5;
	[smem:$0x3FBB] =	sst s0  }
0x18: {  	s0 =	sld [smem:$0x3F9E];
	_ =	swait.ge [sflag:s4], $0x0  }
0x19: {  	s7 =	sld [smem:$0x3F9F]  }
0x1a: {  	s8 =	sadd.s32 $0xFFFFE003, lr  }
0x1b: {  	s9 =	sadd.s32 $0xFFFFFEF7, lr;
	s5 =	simm.s32 $0xFFFFFFFF;
	p2 =	slt.u32 s8, $0xFFFFF086  }
0x1c: {  	p1 =	slt.u32 s9, $0xF7A;
	s5 =	simm.s32 @!p2 $0x0  }
0x1d: {  	s5 =	simm.s32 @p1 $0x1;
	p0 =	seq.s32 s7, s2  }
0x1e: {  	s7 =	smul.u32 @!p0 $0xF7A, s2;
	p2 =	seq.s32 @!p0 s5, $0x0  }
0x1f: {  	s9 =	smul.u32 $0xF7A, s1;
	s8 =	simm.s32 @!p0 $0x1BF5;
	p2 =	por !p2, p0  }
0x20: {  	[sflag:s8] =	ssyncset.s32 @!p0 $0xFFFFF086;
	s6 =	sadd.s32 @!p0 s3, s7;
	s7 =	simm.s32 @!p0 $0x108  }
0x21: {  	s3 =	sadd.s32 s3, s9;
	s6 =	sadd.s32 @!p0 $0x88, s6;
	s7 =	simm.s32 @p2 $0x1082  }
0x22: {  	[simem:s7], [sflag:s8] =	dma.local @!p0 [hbm:s6], $0xF7A  }
0x23: {  	s9 =	sor.u32 $0xD0000000, s2;
	s6 =	simm.s32 $0x108;
	_ =	swait.ge @!p0 [sflag:s8], $0x0  }
0x24: {  	s3 =	sadd.s32 $0x88, s3;
	s6 =	simm.s32 @!p1 $0x1082;
	[sflag:s4] =	ssyncset.s32 $0xFFFFF086  }
0x25: {  	[simem:s6], [sflag:s4] =	dma.local [hbm:s3], $0xF7A  }
0x26: {  	[smem:$0x3F9F] =	sst s1;
	(tag) =	ssettag s2;
	_ =	strace s9  }
0x27: {  	s1 =	sld [smem:$0x3FAF]  }
0x28: {  	s2 =	sld [smem:$0x3FB0]  }
0x29: {  	s4 =	sld [smem:$0x3FB2]  }
0x2a: {  	p0 =	seq.s32 s5, $0x0;
	s5 =	sld [smem:$0x3FB3]  }
0x2b: {  	s6 =	sld [smem:$0x3FB4]  }
0x2c: {  	s7 =	sld [smem:$0x3FB5]  }
0x2d: {  	s3 =	simm.s32 $0x108;
	s8 =	sld [smem:$0x3FB6]  }
0x2e: {  	s3 =	simm.s32 @!p0 $0x1082;
	s9 =	sld [smem:$0x3FB7]  }
0x2f: {  	lr =	sadd.s32 s0, s3;
	s0 =	sld [smem:$0x3FAE]  }
0x30: {  	s3 =	sld [smem:$0x3FB1]  }
0x31: {  	[smem:$0x3FBA] =	sst s10  }
0x32: {  	s10 =	sld [smem:$0x3FB8];
	_ =	sdelay $0x3  }
0x33: {  	p0 =	seq.s32 s10, $0x1;
	s10 =	sld [smem:$0x3FBA];
	_ =	sdelay $0x3  }
0x34: {  	[smem:$0x3FBA] =	sst s10  }
0x35: {  	s10 =	sld [smem:$0x3FB9];
	_ =	sdelay $0x3  }
0x36: {  	p1 =	seq.s32 s10, $0x1;
	s10 =	sld [smem:$0x3FBA];
	_ =	sdelay $0x3  }
0x37: {  	[smem:$0x3FBA] =	sst s10  }
0x38: {  	s10 =	sld [smem:$0x3FBB]  }
0x39: {  	_ = 	snop;
	(pc) =	sbr.ind lr, $3  }
0x3a: {  	_ = 	snop  }
0x3b: {  	_ = 	snop  }
0x3c: {  	p2 =	seq.s32 s10, $0x1;
	s10 =	sld [smem:$0x3FBA]  }
0x3d: {  	_ =	shalt  }
0x3e: {  	_ =	shalt  }
0x3f: {  	_ =	shalt  }
0x40: {  	_ =	shalt  }
0x41: {  	_ =	shalt  }
0x42: {  	_ =	shalt  }
0x43: {  	_ =	shalt  }
0x44: {  	_ =	shalt  }
0x45: {  	_ =	shalt  }
0x46: {  	_ =	shalt  }
0x47: {  	_ =	shalt  }
0x48: {  	_ =	shalt  }
0x49: {  	_ =	shalt  }
0x4a: {  	_ =	shalt  }
0x4b: {  	_ =	shalt  }
0x4c: {  	_ =	shalt  }
0x4d: {  	_ =	shalt  }
0x4e: {  	_ =	shalt  }
0x4f: {  	_ =	shalt  }
0x50: {  	_ =	shalt  }
0x51: {  	_ =	shalt  }
0x52: {  	_ =	shalt  }
0x53: {  	_ =	shalt  }
0x54: {  	_ =	shalt  }
0x55: {  	_ =	shalt  }
0x56: {  	_ =	shalt  }
0x57: {  	_ =	shalt  }
0x58: {  	_ =	shalt  }
0x59: {  	_ =	shalt  }
0x5a: {  	_ =	shalt  }
0x5b: {  	_ =	shalt  }
0x5c: {  	_ =	shalt  }
0x5d: {  	_ =	shalt  }
0x5e: {  	_ =	shalt  }
0x5f: {  	_ =	shalt  }
0x60: {  	_ =	shalt  }
0x61: {  	_ =	shalt  }
0x62: {  	_ =	shalt  }
0x63: {  	_ =	shalt  }
0x64: {  	_ =	shalt  }
0x65: {  	_ =	shalt  }
0x66: {  	_ =	shalt  }
0x67: {  	_ =	shalt  }
0x68: {  	_ =	shalt  }
0x69: {  	_ =	shalt  }
0x6a: {  	_ =	shalt  }
0x6b: {  	_ =	shalt  }
0x6c: {  	_ =	shalt  }
0x6d: {  	_ =	shalt  }
0x6e: {  	_ =	shalt  }
0x6f: {  	_ =	shalt  }
0x70: {  	_ =	shalt  }
0x71: {  	_ =	shalt  }
0x72: {  	_ =	shalt  }
0x73: {  	_ =	shalt  }
0x74: {  	_ =	shalt  }
0x75: {  	_ =	shalt  }
0x76: {  	_ =	shalt  }
0x77: {  	_ =	shalt  }
0x78: {  	_ =	shalt  }
0x79: {  	_ =	shalt  }
0x7a: {  	_ =	shalt  }
0x7b: {  	_ =	shalt  }
0x7c: {  	_ =	shalt  }
0x7d: {  	_ =	shalt  }
0x7e: {  	_ =	shalt  }
0x7f: {  	_ =	shalt  }
0x80: {  	_ =	shalt  }
0x81: {  	_ =	shalt  }
0x82: {  	_ =	shalt  }
0x83: {  	_ =	shalt  }
0x84: {  	_ =	shalt  }
0x85: {  	_ =	shalt  }
0x86: {  	_ =	shalt  }
0x87: {  	_ =	shalt  }
.Lfunc_end0:
.L_simem_size_0:
called_computation_lowered:
.L_overlay_start_0:
0x88: {  	s2 =	sld [smem:$0x3FD9]  }
0x89: {  	s3 =	sld [smem:$0x3FFE];
	_ =	sdelay $0x1  }
0x8a: {  	s1 =	srdreg.scid  }
0x8b: {  	s0 =	sand.u32 $0x1, s1  }
0x8c: {  	s16 =	sshll.u32 s0, $0xA;
	s2 =	sadd.s32 s3, s2  }
0x8d: {  	s2 =	sadd.s32 s2, s16  }
0x8e: {  	[smem:$0x3FC6] =	sst s2  }
0x8f: {  	_ = 	snop  }
0x90: {  	(tm) =	ssettm $0x1  }
0x91: {  	s17 =	sld [smem:$0x3FFB];
	_ =	sdelay $0x3  }
0x92: {  	_ =	strace s17  }
0x93: {  	s2 =	sld [smem:$0x3FFC];
	_ =	sdelay $0x3  }
0x94: {  	_ =	strace s2  }
0x95: {  	s2 =	sld [smem:$0x3FFD];
	_ =	sdelay $0x3  }
0x96: {  	_ =	strace s2  }
0x97: {  	_ =	strace $0x8FFFFFFF  }
0x98: {  	s18 =	sld [smem:$0x3FDB];
	_ =	sdelay $0x1  }
0x99: {  	s19 =	simm.s32 $_scs_section_size  }
0x9a: {  	s4 =	simm.s32 $_size__tile_overlayer_lowered;
	s5 =	simm.s32 $_tile_overlayer_lowered  }
0x9b: {  	s22 =	simm.s32 $0x1BFF;
	s21 =	sshll.u32 s5, $0x1;
	s2 =	sadd.s32 s19, s18  }
0x9c: {  	s6 =	simm.s32 $0x0;
	s20 =	sshll.u32 s4, $0x1;
	s4 =	sadd.s32 s21, s2  }
0x9d: {  	[timem:s6], [sflag:s22] =	dma.local [hbm:s4], s20  }
0x9e: {  	_ =	swait.ge [sflag:s22], s20  }
0x9f: {  	s3 =	ssub.s32 $0x0, s20;
	[sflag:s22] =	ssyncset.done $0x0  }
0xa0: {  	[sflag:s22] =	ssyncadd.s32 s3;
	_ =	sdelay $0x1  }
0xa1: {  	s23 =	simm.s32 $0x1B8B  }
0xa2: {  	_ =	swait.ge [sflag:s23], $0x1  }
0xa3: {  	[sflag:s23] =	ssyncset.done $0x0  }
0xa4: {  	s25 =	simm.s32 $0x1B8E;
	s24 =	sld [smem:$0x3FFE];
	[sflag:s23] =	ssyncadd.s32 $0xFFFFFFFF  }
0xa5: {  	s26 =	simm.s32 $execute0_lowered;
	[smem:$0x3FD2] =	sst s25  }
0xa6: {  	s4 =	sshll.u32 s26, $0x1;
	_ =	strace $0x80000046;
	[dreg:$0x1] =	wrdreg $0xFFFFFFFF  }
0xa7: {  	s28 =	simm.s32 $_size_execute0_lowered;
	s2 =	sadd.s32 s2, s4;
	[dreg:$0x0] =	wrdreg $0x0  }
0xa8: {  	s4 =	sshll.u32 s28, $0x1;
	[dreg:$0x2] =	wrdreg s2  }
0xa9: {  	[dreg:$0x3] =	wrdreg s4  }
0xaa: {  	[dreg:$0x4] =	wrdreg $0xC0  }
0xab: {  	_ =	task [dreg:s6], $0x5FFFF  }
0xac: {  	[dreg:$0x1] =	wrdreg $0xFFFFFFFF  }
0xad: {  	[dreg:$0x0] =	wrdreg $0x60  }
0xae: {  	[dreg:$0x2] =	wrdreg s24  }
0xaf: {  	[dreg:$0x3] =	wrdreg $0x9  }
0xb0: {  	_ =	task.clear_ibuf [dreg:s6], $0x4FFFF;
	_ =	strace $0x90000046  }
0xb1: {  	s29 =	simm.s32 $0x9;
	_ =	strace $0x80000048  }
0xb2: {  	_ =	swait.ge [sflag:s29], $0x1  }
0xb3: {  	[sflag:s29] =	ssyncadd.s32 $0xFFFFFFFF  }
0xb4: {  	_ =	strace $0x90000048  }
0xb5: {  	_ =	sfence  }
0xb6: {  	s30 =	sld [smem:$0x0];
	_ =	sdelay $0x2  }
0xb7: {  	s31 =	sshll.u32 s1, $0xD;
	s1 =	sshrl.u32 s1, $0x2  }
0xb8: {  	s3 =	sand.u32 $0x4000, s31;
	s1 =	sadd.s32 s1, s30  }
0xb9: {  	s0 =	sor.u32 s3, s0;
	s1 =	sshll.u32 s1, $0x11  }
0xba: {  	s0 =	sor.u32 s1, s0  }
0xbb: {  	s0 =	sadd.s32 $0x8F2B, s0  }
0xbc: {  	[sflag:s0] =	ssyncadd.remote.s32 $0x1  }
0xbd: {  	_ =	sfence.sel $0xFFFF  }
0xbe: {  	[dreg:$0x0] =	wrdreg $0xFFFFFFFF;
	(pc) =	sbr.abs _section_cstart, $3  }
0xbf: {  	[dreg:$0x1] =	wrdreg $0xFFFFFFFF  }
0xc0: {  	_ =	task.clear_ibuf [dreg:s6], $0x2FFFF;
	_ =	strace $0x9FFFFFFF  }
0xc1: {  	(tm) =	ssettm $0x7FFFFFFF  }
tec
execute0_lowered:
.L_overlay_start_1:
0x0: {  	(tag) =	ssettag $0x1  }
0x1: {  	s1 =	srdreg.scid  }
0x2: {  	s0 =	stileid.u32;
	s6 =	sand.u32 $0x1, s1  }
0x3: {  	s31 =	sshll.u32 s0, $0x9;
	s3 =	sshll.u32 s6, $0x8  }
0x4: {  	s2 =	rddreg [dreg:$0x0];
	s8 =	sor.u32 s3, s31  }
0x5: {  	s1 =	rddreg [dreg:$0x1];
	s3 =	simm.s32 $0x0;
	s4 =	sshrl.u32 s8, $0x3  }
0x6: {  	s9 =	ssub.s32 $0x2, s6;
	[smem:$0x7FF] =	sst s3;
	s4 =	sadd.s32 s4, s2  }
0x7: {  	_ =	strace $0x80000047;
	s5 =	sadd.s32 $0x10000, s4;
	s4 =	simm.s32 $0x2  }
0x8: {  	[tilespmem:s3], [sflag:$0x2] =	stream.linear.gather [hbm4b:s5+s3], $0x100, $0x38;
	[tilespmem:$0x4100] =	vst v63  }
0x9: {  	s10 =	sshrl.u32 s9, $0x1;
	_ =	swait.ge [sflag:s4], $0x100  }
0xa: {  	s7 =	simm.s32 $0x1;
	s9 =	ssub.s32 s9, s10;
	[sflag:s4] =	ssyncset.done $0x0  }
0xb: {  	s6 =	simm.s32 $0x100;
	s9 =	smax.u32 s9, $0x1;
	[sflag:s4] =	ssyncadd.s32 $0xFFFFFF00  }
0xc: {  	[tilespmem:s6], [sflag:$0x1] =	stream.indirect.gather [hbm4b:s2+s6], $0x40, s3, s6, $0xb8;
	[tilespmem:$0x4100] =	vst v63  }
0xd: {  	s8 =	sshll.u32 s8, $0x3;
	p0 =	sne.s32 s9, $0x1;
	_ =	swait.ge [sflag:s7], $0x4000  }
.Ltmp0:
0xe: {  	s8 =	sadd.s32 s8, s2;
	[sflag:s7] =	ssyncset.done $0x0;
	(pc) =	sbr.rel @!p0 .LBB2_2-.Ltmp0, $4  }
0xf: {  	s8 =	sadd.s32 $0x10400, s8;
	[sflag:s7] =	ssyncadd.s32 $0xFFFFC000  }
0x10: {  	[hbm4b:s8+s3] =	stream.linear.scatter [tilespmem:s6], [sflag:$0x2], $0x4000, $0x38;
	[tilespmem:$0x4100] =	vst v63  }
0x11: {  	_ =	swait.ge [sflag:s4], $0x4000  }
0x12: {  	s9 =	sadd.s32 $0xFFFFFFFF, s9;
	[sflag:s4] =	ssyncset.done $0x0  }
.LBB2_1:
0x13: {  	p0 =	sne.s32 s9, $0x1;
	s9 =	sadd.s32 $0xFFFFFFFF, s9;
	[sflag:s4] =	ssyncadd.s32 $0xFFFFC000  }
0x14: {  	[tilespmem:s3], [sflag:$0x2] =	stream.linear.gather [hbm4b:s5+s3], $0x100, $0x38;
	[tilespmem:$0x4100] =	vst v63  }
0x15: {  	_ =	swait.ge [sflag:s4], $0x100  }
0x16: {  	[sflag:s4] =	ssyncset.done $0x0  }
0x17: {  	[sflag:s4] =	ssyncadd.s32 $0xFFFFFF00  }
0x18: {  	[tilespmem:s6], [sflag:$0x1] =	stream.indirect.gather [hbm4b:s2+s6], $0x40, s3, s6, $0xb8;
	[tilespmem:$0x4100] =	vst v63  }
0x19: {  	_ =	swait.ge [sflag:s7], $0x4000  }
.Ltmp1:
0x1a: {  	[sflag:s7] =	ssyncset.done $0x0;
	(pc) =	sbr.rel @p0 .LBB2_1-.Ltmp1, $4  }
0x1b: {  	[sflag:s7] =	ssyncadd.s32 $0xFFFFC000  }
0x1c: {  	[hbm4b:s8+s3] =	stream.linear.scatter [tilespmem:s6], [sflag:$0x2], $0x4000, $0x38;
	[tilespmem:$0x4100] =	vst v63  }
0x1d: {  	_ =	swait.ge [sflag:s4], $0x4000  }
0x1e: {  	[sflag:s4] =	ssyncset.done $0x0  }
.LBB2_2:
0x1f: {  	[sflag:s4] =	ssyncadd.s32 $0xFFFFC000  }
0x20: {  	_ =	sfence.sel $0x180000  }
0x21: {  	[bflag:$0x0] =	sbarrier.arrive $0xFFFF  }
0x22: {  	p0 =	sne.s32 s0, $0x0;
	_ =	strace $0x90000047  }
0x23: {  	s0 =	sadd.s32 @!p0 $0x100000, s1;
	[bflag:$0x2] =	sbarrier.arrive $0xFFFF  }
0x24: {  	[sflag:s0] =	ssyncadd.tile.s32 @!p0 $0x1;
	_ =	shalt  }
.Lfunc_end2:
_tile_overlayer_lowered:
.L_overlay_start_2:
0x25: {  	(tag) =	ssettag $0x2  }
0x26: {  	s0 =	rddreg [dreg:$0x0];
	s2 =	stileid.u32  }
0x27: {  	s1 =	rddreg [dreg:$0x1];
	p0 =	sne.s32 s2, $0x0  }
0x28: {  	s3 =	rddreg [dreg:$0x2];
	[bflag:$0x3] =	sbarrier.arrive $0xFFFF;
	s2 =	simm.s32 @!p0 $0x1C02  }
0x29: {  	[timem:s3], [sflag:s2] =	dma.local @!p0 [hbm:s0], s1  }
0x2a: {  	s0 =	simm.s32 @!p0 $0x2  }
0x2b: {  	_ =	swait.ge @!p0 [sflag:s0], s1  }
0x2c: {  	s1 =	ssub.s32 @!p0 $0x0, s1;
	[sflag:s0] =	ssyncset.done @!p0 $0x0  }
0x2d: {  	[sflag:s0] =	ssyncadd.s32 @!p0 s1  }
0x2e: {  	[bflag:$0x3] =	sbarrier.arrive $0xFFFF  }
0x2f: {  	_ =	shalt  }

</sc_bundles>
